<compile_context>
chip_gen: v7x
topology: tpu7x:2x2x1
jax: 0.10.2.dev20260603
libtpu: 0.0.44.dev20260713+nightly
codegen_flags: <defaults>
</compile_context>

<pallas_src>
import functools

import jax
import jax.numpy as jnp
from jax import lax
from jax.experimental import pallas as pl
from jax.experimental.pallas import tpu as pltpu
from jax.experimental.pallas import tpu_sc as plsc

_NX, _NY, _NZ, _C, _B, _N = 400, 400, 4, 64, 2, 30000
_NW = 32
_SLICES = (_B * _NX) // _NW
_TILE_W = _SLICES * _NY
_CW = _NZ * _TILE_W
_CH = 2000
_NCHUNK = _N // _CH
_VREGS = _CH // 16
_UNROLL = 5


def _proj_body(w1_ref, f_ref, ct_ref, ne_ref, b1_ref, g1_ref, be1_ref,
               w2_ref, b2_ref, g2_ref, be2_ref,
               p0_ref, p1_ref, p2_ref, p3_ref, gw_ref, hw_ref, prm_ref):
    p = lax.dot_general(
        w1_ref[...], f_ref[...], (((0,), (1,)), ((), ())),
        preferred_element_type=jnp.float32)
    p0_ref[...] = p[0, :]
    p1_ref[...] = p[1, :]
    p2_ref[...] = p[2, :]
    p3_ref[...] = p[3, :]
    b = jnp.minimum(ct_ref[0:1, :], _B - 1)
    z = jnp.minimum(ct_ref[1:2, :], _NZ - 1)
    x = jnp.minimum(ct_ref[2:3, :], _NX - 1)
    y = jnp.minimum(ct_ref[3:4, :], _NY - 1)
    hw = b * _NX * _NY + x * _NY + y
    hw_ref[...] = hw[0, :]
    gw_ref[...] = (z * _TILE_W + hw)[0, :]
    cvec = jnp.sum(ne_ref[...]) * jnp.sum(w1_ref[...], axis=0) + b1_ref[...]
    prm_ref[0:1, :] = cvec.reshape(1, _NZ)
    prm_ref[1:2, :] = g1_ref[...].reshape(1, _NZ)
    prm_ref[2:3, :] = be1_ref[...].reshape(1, _NZ)
    prm_ref[3:4, :] = b2_ref[...].reshape(1, _NZ)
    prm_ref[4:5, :] = g2_ref[...].reshape(1, _NZ)
    prm_ref[5:6, :] = be2_ref[...].reshape(1, _NZ)
    prm_ref[6:10, :] = w2_ref[...]


def _project(voxel_features, W1, coorsT, nz_embed, b1, g1, be1, W2, b2, g2,
             be2):
    vec_f = jax.ShapeDtypeStruct((_N,), jnp.float32)
    vec_i = jax.ShapeDtypeStruct((_N,), jnp.int32)
    return pl.pallas_call(
        _proj_body,
        out_shape=[vec_f, vec_f, vec_f, vec_f, vec_i, vec_i,
                   jax.ShapeDtypeStruct((10, _NZ), jnp.float32)],
    )(W1, voxel_features, coorsT, nz_embed, b1, g1, be1, W2, b2, g2, be2)


def _sc_body(gwh, hwh, p0h, p1h, p2h, p3h, h1_hbm, bin_hbm,
             widx, h1acc, bgw0, bgw1, bhw0, bhw1, bp00, bp01, bp10, bp11,
             bp20, bp21, bp30, bp31, sem0, sem1):
    bgw = [bgw0, bgw1]
    bhw = [bhw0, bhw1]
    bp0 = [bp00, bp01]
    bp1 = [bp10, bp11]
    bp2 = [bp20, bp21]
    bp3 = [bp30, bp31]
    wid = lax.axis_index("s") * 2 + lax.axis_index("c")
    lo4 = wid * _TILE_W
    lanef = jnp.arange(16, dtype=jnp.int32).astype(jnp.float32)

    @plsc.parallel_loop(0, _CW // 160, 1)
    def _zero(i):
        z16 = jnp.zeros((16,), jnp.float32)
        for u in range(10):
            o = pl.multiple_of((i * 10 + u) * 16, 8)
            widx[pl.ds(o, 16)] = z16
            h1acc[pl.ds(o, 16)] = z16

    def _keys(s, j):
        o = pl.multiple_of(j * 16, 8)
        hw = bhw[s][pl.ds(o, 16)]
        msk = (hw >= lo4) & (hw < lo4 + _TILE_W)
        h = jnp.clip(hw - lo4, 0, _TILE_W - 1)
        idx = jnp.clip(bgw[s][pl.ds(o, 16)] - lo4, 0, _CW - 1)
        return o, idx, h, msk

    sems = [sem0, sem1]

    def _issue1(base, s):
        base = pl.multiple_of(base, 8)
        pltpu.async_copy(gwh.at[pl.ds(base, _CH)], bgw[s], sems[s])
        pltpu.async_copy(hwh.at[pl.ds(base, _CH)], bhw[s], sems[s])

    def _wait1(s):
        pltpu.make_async_copy(gwh.at[pl.ds(0, _CH)], bgw[s], sems[s]).wait()
        pltpu.make_async_copy(hwh.at[pl.ds(0, _CH)], bhw[s], sems[s]).wait()

    def _p1_compute(s, base):
        def _p1_vec(jj, c2):
            for u in range(_UNROLL):
                j = jj * _UNROLL + u
                o, idx, h, msk = _keys(s, j)
                pid = lanef + (base + j * 16 + 1).astype(jnp.float32)
                plsc.store_scatter(widx, [idx], pid, mask=msk)
            return c2
        lax.fori_loop(0, _VREGS // _UNROLL, _p1_vec, 0)

    _issue1(0, 0)

    def _p1_pair(ci2, carry):
        base0 = ci2 * (2 * _CH)
        _wait1(0)
        _issue1(base0 + _CH, 1)
        _p1_compute(0, base0)
        _wait1(1)
        _issue1(base0 + 2 * _CH, 0)
        _p1_compute(1, base0 + _CH)
        return carry
    lax.fori_loop(0, (_NCHUNK - 1) // 2, _p1_pair, 0)
    _wait1(0)
    _p1_compute(0, (_NCHUNK - 1) * _CH)

    def _issue2(base, s):
        base = pl.multiple_of(base, 8)
        pltpu.async_copy(gwh.at[pl.ds(base, _CH)], bgw[s], sems[s])
        pltpu.async_copy(hwh.at[pl.ds(base, _CH)], bhw[s], sems[s])
        pltpu.async_copy(p0h.at[pl.ds(base, _CH)], bp0[s], sems[s])
        pltpu.async_copy(p1h.at[pl.ds(base, _CH)], bp1[s], sems[s])
        pltpu.async_copy(p2h.at[pl.ds(base, _CH)], bp2[s], sems[s])
        pltpu.async_copy(p3h.at[pl.ds(base, _CH)], bp3[s], sems[s])

    def _wait2(s):
        _wait1(s)
        pltpu.make_async_copy(p0h.at[pl.ds(0, _CH)], bp0[s], sems[s]).wait()
        pltpu.make_async_copy(p1h.at[pl.ds(0, _CH)], bp1[s], sems[s]).wait()
        pltpu.make_async_copy(p2h.at[pl.ds(0, _CH)], bp2[s], sems[s]).wait()
        pltpu.make_async_copy(p3h.at[pl.ds(0, _CH)], bp3[s], sems[s]).wait()

    def _p2_compute(s, base):
        @plsc.parallel_loop(0, _VREGS // _UNROLL, 1)
        def _p2_vec(jj):
            for u in range(_UNROLL):
                j = jj * _UNROLL + u
                o, idx, h, msk = _keys(s, j)
                pid = lanef + (base + j * 16 + 1).astype(jnp.float32)
                w = plsc.load_gather(widx, [idx], mask=msk)
                keep = msk & (w == pid)
                plsc.addupdate_scatter(h1acc, [h], bp0[s][pl.ds(o, 16)],
                                       mask=keep)
                plsc.addupdate_scatter(h1acc, [h + _TILE_W],
                                       bp1[s][pl.ds(o, 16)], mask=keep)
                plsc.addupdate_scatter(h1acc, [h + 2 * _TILE_W],
                                       bp2[s][pl.ds(o, 16)], mask=keep)
                plsc.addupdate_scatter(h1acc, [h + 3 * _TILE_W],
                                       bp3[s][pl.ds(o, 16)], mask=keep)

    _issue2(0, 0)

    def _p2_pair(ci2, carry):
        base0 = ci2 * (2 * _CH)
        _wait2(0)
        _issue2(base0 + _CH, 1)
        _p2_compute(0, base0)
        _wait2(1)
        _issue2(base0 + 2 * _CH, 0)
        _p2_compute(1, base0 + _CH)
        return carry
    lax.fori_loop(0, (_NCHUNK - 1) // 2, _p2_pair, 0)
    _wait2(0)
    _p2_compute(0, (_NCHUNK - 1) * _CH)

    for c in range(_NZ):
        off = pl.multiple_of(c * (_B * _NX * _NY) + wid * _TILE_W, 8)
        pltpu.async_copy(h1acc.at[pl.ds(c * _TILE_W, _TILE_W)],
                         h1_hbm.at[pl.ds(off, _TILE_W)], sem0)

    @plsc.parallel_loop(0, _CW // 160, 1)
    def _conv(i):
        for u in range(10):
            o = pl.multiple_of((i * 10 + u) * 16, 8)
            w = widx[pl.ds(o, 16)]
            widx[pl.ds(o, 16)] = jnp.where(w > 0.0, 1.0, 0.0)

    bb = wid // (_NX // _SLICES)
    xlo = wid * _SLICES - bb * _NX
    for z in range(_NZ):
        off = pl.multiple_of(((bb * _NZ + z) * _NX + xlo) * _NY, 8)
        pltpu.async_copy(widx.at[pl.ds(z * _TILE_W, _TILE_W)],
                         bin_hbm.at[pl.ds(off, _TILE_W)], sem1)
    for c in range(_NZ):
        off = pl.multiple_of(c * (_B * _NX * _NY) + wid * _TILE_W, 8)
        pltpu.make_async_copy(h1acc.at[pl.ds(c * _TILE_W, _TILE_W)],
                              h1_hbm.at[pl.ds(off, _TILE_W)], sem0).wait()
    for z in range(_NZ):
        off = pl.multiple_of(((bb * _NZ + z) * _NX + xlo) * _NY, 8)
        pltpu.make_async_copy(widx.at[pl.ds(z * _TILE_W, _TILE_W)],
                              bin_hbm.at[pl.ds(off, _TILE_W)], sem1).wait()


def _sc_scatter(gw, hw, p0, p1, p2, p3):
    mesh = plsc.VectorSubcoreMesh(core_axis_name="c", subcore_axis_name="s")
    fn = functools.partial(
        pl.kernel, mesh=mesh,
        compiler_params=pltpu.CompilerParams(needs_layout_passes=False),
        out_type=[
            jax.ShapeDtypeStruct((_NZ * _B * _NX * _NY,), jnp.float32),
            jax.ShapeDtypeStruct((_B * _NZ * _NX * _NY,), jnp.float32),
        ],
        scratch_types=[
            pltpu.VMEM((_CW,), jnp.float32),
            pltpu.VMEM((_CW,), jnp.float32),
            pltpu.VMEM((_CH,), jnp.int32),
            pltpu.VMEM((_CH,), jnp.int32),
            pltpu.VMEM((_CH,), jnp.int32),
            pltpu.VMEM((_CH,), jnp.int32),
            pltpu.VMEM((_CH,), jnp.float32),
            pltpu.VMEM((_CH,), jnp.float32),
            pltpu.VMEM((_CH,), jnp.float32),
            pltpu.VMEM((_CH,), jnp.float32),
            pltpu.VMEM((_CH,), jnp.float32),
            pltpu.VMEM((_CH,), jnp.float32),
            pltpu.VMEM((_CH,), jnp.float32),
            pltpu.VMEM((_CH,), jnp.float32),
            pltpu.SemaphoreType.DMA,
            pltpu.SemaphoreType.DMA,
        ],
    )(_sc_body)
    return fn(gw, hw, p0, p1, p2, p3)


def _head_body(p_ref, h1_ref, o_ref):
    a = [h1_ref[c, 0] + p_ref[0, c] for c in range(4)]
    m = (a[0] + a[1] + a[2] + a[3]) * 0.25
    d = [a[c] - m for c in range(4)]
    var = (d[0] * d[0] + d[1] * d[1] + d[2] * d[2] + d[3] * d[3]) * 0.25
    inv = lax.rsqrt(var + 1e-5)
    r = [jnp.maximum(d[c] * inv * p_ref[1, c] + p_ref[2, c], 0.0)
         for c in range(4)]
    s = [r[0] * p_ref[6, j] + r[1] * p_ref[7, j] + r[2] * p_ref[8, j]
         + r[3] * p_ref[9, j] + p_ref[3, j] for j in range(4)]
    m2 = (s[0] + s[1] + s[2] + s[3]) * 0.25
    d2 = [s[j] - m2 for j in range(4)]
    var2 = (d2[0] * d2[0] + d2[1] * d2[1] + d2[2] * d2[2]
            + d2[3] * d2[3]) * 0.25
    inv2 = lax.rsqrt(var2 + 1e-5)
    for j in range(4):
        o_ref[0, j] = d2[j] * inv2 * p_ref[4, j] + p_ref[5, j]


def _head(P, H1):
    bx = 40
    return pl.pallas_call(
        _head_body,
        grid=(_B, _NX // bx),
        in_specs=[
            pl.BlockSpec(memory_space=pltpu.SMEM),
            pl.BlockSpec((_NZ, 1, bx, _NY), lambda b, i: (0, b, i, 0)),
        ],
        out_specs=pl.BlockSpec((1, _NZ, bx, _NY), lambda b, i: (b, 0, i, 0)),
        out_shape=jax.ShapeDtypeStruct((_B, _NZ, _NX, _NY), jnp.float32),
    )(P, H1)


def kernel(voxel_features, coors, nz_embed, W1, b1, g1, be1, W2, b2, g2, be2,
           batch_size):
    p0, p1, p2, p3, gw, hw, P = _project(
        voxel_features, W1, coors.T, nz_embed, b1, g1, be1, W2, b2, g2, be2)
    h1_flat, bin_flat = _sc_scatter(gw, hw, p0, p1, p2, p3)
    H1 = h1_flat.reshape(_NZ, _B, _NX, _NY)
    out = _head(P, H1)
    binary = bin_flat.reshape(_B, _NZ, _NX, _NY)
    return out, binary

# --- scband reference (transcript-rebuilt; emitter-appended) ---
"""Pipeline reference for scband-pillars-scatter-34634616275490 (READ-ONLY COPY).

The authoritative reference and input builder live on the scoring server;
editing this copy changes nothing except your own understanding.
"""

import jax, jax.numpy as jnp
import numpy as np

NX, NY, NZ, C, B, N = 400, 400, 4, 64, 2, 30000

def _layer_norm(x, g, b, eps=1e-5):
    m = jnp.mean(x, axis=-1, keepdims=True)
    v = jnp.mean((x - m) ** 2, axis=-1, keepdims=True)
    return (x - m) / jnp.sqrt(v + eps) * g + b

def setup_inputs(seed: int = 0):
    key = jax.random.key(seed)
    ks = jax.random.split(key, 10)
    voxel_features = jax.random.normal(ks[0], (N, C), dtype=jnp.float32)
    bcol = jax.random.randint(ks[1], (N, 1), 0, B)
    zcol = jax.random.randint(ks[2], (N, 1), 0, NZ)
    xcol = jax.random.randint(ks[3], (N, 1), 0, NX)
    ycol = jax.random.randint(ks[4], (N, 1), 0, NY)
    coors = jnp.concatenate([bcol, zcol, xcol, ycol], axis=1).astype(jnp.int32)
    nz_embed = jax.random.normal(ks[5], (1, NZ), dtype=jnp.float32) * 0.02
    W1 = jax.random.normal(ks[6], (C, NZ), dtype=jnp.float32) * (1.0 / np.sqrt(C))
    b1 = jnp.zeros((NZ,), jnp.float32)
    g1 = jnp.ones((NZ,), jnp.float32)
    be1 = jnp.zeros((NZ,), jnp.float32)
    W2 = jax.random.normal(ks[7], (NZ, NZ), dtype=jnp.float32) * (1.0 / np.sqrt(NZ))
    b2 = jnp.zeros((NZ,), jnp.float32)
    g2 = jnp.ones((NZ,), jnp.float32)
    be2 = jnp.zeros((NZ,), jnp.float32)
    return {"voxel_features": voxel_features, "coors": coors, "nz_embed": nz_embed,
            "W1": W1, "b1": b1, "g1": g1, "be1": be1,
            "W2": W2, "b2": b2, "g2": g2, "be2": be2,
            "batch_size": B}

def reference(voxel_features, coors, nz_embed, W1, b1, g1, be1, W2, b2, g2, be2, batch_size):
    bidx = jnp.minimum(coors[:, 0], batch_size - 1)
    zz = jnp.minimum(coors[:, 1], NZ - 1)
    xx = jnp.minimum(coors[:, 2], NX - 1)
    yy = jnp.minimum(coors[:, 3], NY - 1)
    # scatter-overwrite voxel features into dense canvas (batch routing via bidx)
    canvas = jnp.zeros((B, C, NZ, NX, NY), voxel_features.dtype)
    canvas = canvas.at[bidx, :, zz, xx, yy].set(voxel_features)
    binary = jnp.zeros((B, NZ, NX, NY), voxel_features.dtype)
    binary = binary.at[bidx, zz, xx, yy].set(1.0)
    bc = jnp.transpose(canvas, (0, 1, 3, 4, 2))  # (B, C, NX, NY, NZ)
    fv = (bc + nz_embed.reshape(1, 1, 1, 1, -1)).sum(-1)  # (B, C, NX, NY)
    fv = jnp.transpose(fv, (0, 2, 3, 1))  # (B, NX, NY, C)
    h = fv @ W1 + b1
    h = _layer_norm(h, g1, be1)
    h = jax.nn.relu(h)
    h = h @ W2 + b2
    h = _layer_norm(h, g2, be2)
    out = jnp.transpose(h, (0, 3, 1, 2))  # (B, NZ, NX, NY)
    return (out, binary)

if __name__ == "__main__":
    import jax
    _d = setup_inputs()
    print(jax.jit(kernel)(*tuple(_d.values())))

</pallas_src>

<mosaic_0001>
#map = affine_map<(d0, d1) -> (0)>
module attributes {stable_mosaic.version = 14 : i64} {
  func.func @_sc_body(%arg0: i32, %arg1: i32, %arg2: memref<30000xi32, #tpu.memory_space<hbm>>, %arg3: memref<30000xi32, #tpu.memory_space<hbm>>, %arg4: memref<30000xf32, #tpu.memory_space<hbm>>, %arg5: memref<30000xf32, #tpu.memory_space<hbm>>, %arg6: memref<30000xf32, #tpu.memory_space<hbm>>, %arg7: memref<30000xf32, #tpu.memory_space<hbm>>, %arg8: memref<1280000xf32, #tpu.memory_space<hbm>>, %arg9: memref<1280000xf32, #tpu.memory_space<hbm>>, %arg10: memref<40000xf32, #tpu.memory_space<vmem>>, %arg11: memref<40000xf32, #tpu.memory_space<vmem>>, %arg12: memref<2000xi32, #tpu.memory_space<vmem>>, %arg13: memref<2000xi32, #tpu.memory_space<vmem>>, %arg14: memref<2000xi32, #tpu.memory_space<vmem>>, %arg15: memref<2000xi32, #tpu.memory_space<vmem>>, %arg16: memref<2000xf32, #tpu.memory_space<vmem>>, %arg17: memref<2000xf32, #tpu.memory_space<vmem>>, %arg18: memref<2000xf32, #tpu.memory_space<vmem>>, %arg19: memref<2000xf32, #tpu.memory_space<vmem>>, %arg20: memref<2000xf32, #tpu.memory_space<vmem>>, %arg21: memref<2000xf32, #tpu.memory_space<vmem>>, %arg22: memref<2000xf32, #tpu.memory_space<vmem>>, %arg23: memref<2000xf32, #tpu.memory_space<vmem>>, %arg24: memref<!tpu.dma_semaphore, #tpu.memory_space<semaphore_mem>>, %arg25: memref<!tpu.dma_semaphore, #tpu.memory_space<semaphore_mem>>) attributes {dimension_semantics = [#tpu.dimension_semantics<core_parallel>, #tpu.dimension_semantics<subcore_parallel>], iteration_bounds = array<i64: 2, 16>, scalar_prefetch = 0 : i64, scratch_operands = 16 : i64, tpu.core_type = #tpu.core_type<sc_vector_subcore>, window_params = [{transform_indices = #map}, {transform_indices = #map}, {transform_indices = #map}, {transform_indices = #map}, {transform_indices = #map}, {transform_indices = #map}, {transform_indices = #map}, {transform_indices = #map}]} {
    %mul3A = arith.constant 2 : i32
    %mul3A_0 = arith.muli %arg1, %mul3A : i32
    %add3A = arith.addi %mul3A_0, %arg0 : i32
    %mul3A_1 = arith.constant 10000 : i32
    %mul3A_2 = arith.muli %add3A, %mul3A_1 : i32
    %iota3A = tpu.iota {dimensions = array<i32: 0>} : vector<16xi32>
    %convert_element_type3A = arith.sitofp %iota3A : vector<16xi32> to vector<16xf32>
    %parallel_loop3A = arith.constant 0 : i32
    %parallel_loop3A_3 = arith.constant 250 : i32
    %parallel_loop3A_4 = arith.constant 1 : i32
    scf.for %parallel_loop3A_314 = %parallel_loop3A to %parallel_loop3A_3 step %parallel_loop3A_4  : i32 {
      %parallel_loop3A_315 = arith.constant 0.000000e+00 : f32
      %parallel_loop3A_316 = vector.broadcast %parallel_loop3A_315 : f32 to vector<16xf32>
      %parallel_loop3A_317 = arith.constant 10 : i32
      %parallel_loop3A_318 = arith.muli %parallel_loop3A_314, %parallel_loop3A_317 : i32
      %parallel_loop3A_319 = arith.constant 0 : i32
      %parallel_loop3A_320 = arith.addi %parallel_loop3A_318, %parallel_loop3A_319 : i32
      %parallel_loop3A_321 = arith.constant 16 : i32
      %parallel_loop3A_322 = arith.muli %parallel_loop3A_320, %parallel_loop3A_321 : i32
      %parallel_loop3A_323 = tpu.assume_multiple %parallel_loop3A_322, 8 : i32
      %parallel_loop3A_324 = arith.index_cast %parallel_loop3A_323 : i32 to index
      %parallel_loop3A_325 = tpu.vector_load %arg10[%parallel_loop3A_324] {strides = array<i32>} : memref<40000xf32, #tpu.memory_space<vmem>>, vector<16xf32>,
      tpu.vector_store %arg10[%parallel_loop3A_324], %parallel_loop3A_316 {strides = array<i32>} : memref<40000xf32, #tpu.memory_space<vmem>>, vector<16xf32>,
      %parallel_loop3A_326 = arith.index_cast %parallel_loop3A_323 : i32 to index
      %parallel_loop3A_327 = tpu.vector_load %arg11[%parallel_loop3A_326] {strides = array<i32>} : memref<40000xf32, #tpu.memory_space<vmem>>, vector<16xf32>,
      tpu.vector_store %arg11[%parallel_loop3A_326], %parallel_loop3A_316 {strides = array<i32>} : memref<40000xf32, #tpu.memory_space<vmem>>, vector<16xf32>,
      %parallel_loop3A_328 = arith.constant 10 : i32
      %parallel_loop3A_329 = arith.muli %parallel_loop3A_314, %parallel_loop3A_328 : i32
      %parallel_loop3A_330 = arith.constant 1 : i32
      %parallel_loop3A_331 = arith.addi %parallel_loop3A_329, %parallel_loop3A_330 : i32
      %parallel_loop3A_332 = arith.constant 16 : i32
      %parallel_loop3A_333 = arith.muli %parallel_loop3A_331, %parallel_loop3A_332 : i32
      %parallel_loop3A_334 = tpu.assume_multiple %parallel_loop3A_333, 8 : i32
      %parallel_loop3A_335 = arith.index_cast %parallel_loop3A_334 : i32 to index
      %parallel_loop3A_336 = tpu.vector_load %arg10[%parallel_loop3A_335] {strides = array<i32>} : memref<40000xf32, #tpu.memory_space<vmem>>, vector<16xf32>,
      tpu.vector_store %arg10[%parallel_loop3A_335], %parallel_loop3A_316 {strides = array<i32>} : memref<40000xf32, #tpu.memory_space<vmem>>, vector<16xf32>,
      %parallel_loop3A_337 = arith.index_cast %parallel_loop3A_334 : i32 to index
      %parallel_loop3A_338 = tpu.vector_load %arg11[%parallel_loop3A_337] {strides = array<i32>} : memref<40000xf32, #tpu.memory_space<vmem>>, vector<16xf32>,
      tpu.vector_store %arg11[%parallel_loop3A_337], %parallel_loop3A_316 {strides = array<i32>} : memref<40000xf32, #tpu.memory_space<vmem>>, vector<16xf32>,
      %parallel_loop3A_339 = arith.constant 10 : i32
      %parallel_loop3A_340 = arith.muli %parallel_loop3A_314, %parallel_loop3A_339 : i32
      %parallel_loop3A_341 = arith.constant 2 : i32
      %parallel_loop3A_342 = arith.addi %parallel_loop3A_340, %parallel_loop3A_341 : i32
      %parallel_loop3A_343 = arith.constant 16 : i32
      %parallel_loop3A_344 = arith.muli %parallel_loop3A_342, %parallel_loop3A_343 : i32
      %parallel_loop3A_345 = tpu.assume_multiple %parallel_loop3A_344, 8 : i32
      %parallel_loop3A_346 = arith.index_cast %parallel_loop3A_345 : i32 to index
      %parallel_loop3A_347 = tpu.vector_load %arg10[%parallel_loop3A_346] {strides = array<i32>} : memref<40000xf32, #tpu.memory_space<vmem>>, vector<16xf32>,
      tpu.vector_store %arg10[%parallel_loop3A_346], %parallel_loop3A_316 {strides = array<i32>} : memref<40000xf32, #tpu.memory_space<vmem>>, vector<16xf32>,
      %parallel_loop3A_348 = arith.index_cast %parallel_loop3A_345 : i32 to index
      %parallel_loop3A_349 = tpu.vector_load %arg11[%parallel_loop3A_348] {strides = array<i32>} : memref<40000xf32, #tpu.memory_space<vmem>>, vector<16xf32>,
      tpu.vector_store %arg11[%parallel_loop3A_348], %parallel_loop3A_316 {strides = array<i32>} : memref<40000xf32, #tpu.memory_space<vmem>>, vector<16xf32>,
      %parallel_loop3A_350 = arith.constant 10 : i32
      %parallel_loop3A_351 = arith.muli %parallel_loop3A_314, %parallel_loop3A_350 : i32
      %parallel_loop3A_352 = arith.constant 3 : i32
      %parallel_loop3A_353 = arith.addi %parallel_loop3A_351, %parallel_loop3A_352 : i32
      %parallel_loop3A_354 = arith.constant 16 : i32
      %parallel_loop3A_355 = arith.muli %parallel_loop3A_353, %parallel_loop3A_354 : i32
      %parallel_loop3A_356 = tpu.assume_multiple %parallel_loop3A_355, 8 : i32
      %parallel_loop3A_357 = arith.index_cast %parallel_loop3A_356 : i32 to index
      %parallel_loop3A_358 = tpu.vector_load %arg10[%parallel_loop3A_357] {strides = array<i32>} : memref<40000xf32, #tpu.memory_space<vmem>>, vector<16xf32>,
      tpu.vector_store %arg10[%parallel_loop3A_357], %parallel_loop3A_316 {strides = array<i32>} : memref<40000xf32, #tpu.memory_space<vmem>>, vector<16xf32>,
      %parallel_loop3A_359 = arith.index_cast %parallel_loop3A_356 : i32 to index
      %parallel_loop3A_360 = tpu.vector_load %arg11[%parallel_loop3A_359] {strides = array<i32>} : memref<40000xf32, #tpu.memory_space<vmem>>, vector<16xf32>,
      tpu.vector_store %arg11[%parallel_loop3A_359], %parallel_loop3A_316 {strides = array<i32>} : memref<40000xf32, #tpu.memory_space<vmem>>, vector<16xf32>,
      %parallel_loop3A_361 = arith.constant 10 : i32
      %parallel_loop3A_362 = arith.muli %parallel_loop3A_314, %parallel_loop3A_361 : i32
      %parallel_loop3A_363 = arith.constant 4 : i32
      %parallel_loop3A_364 = arith.addi %parallel_loop3A_362, %parallel_loop3A_363 : i32
      %parallel_loop3A_365 = arith.constant 16 : i32
      %parallel_loop3A_366 = arith.muli %parallel_loop3A_364, %parallel_loop3A_365 : i32
      %parallel_loop3A_367 = tpu.assume_multiple %parallel_loop3A_366, 8 : i32
      %parallel_loop3A_368 = arith.index_cast %parallel_loop3A_367 : i32 to index
      %parallel_loop3A_369 = tpu.vector_load %arg10[%parallel_loop3A_368] {strides = array<i32>} : memref<40000xf32, #tpu.memory_space<vmem>>, vector<16xf32>,
      tpu.vector_store %arg10[%parallel_loop3A_368], %parallel_loop3A_316 {strides = array<i32>} : memref<40000xf32, #tpu.memory_space<vmem>>, vector<16xf32>,
      %parallel_loop3A_370 = arith.index_cast %parallel_loop3A_367 : i32 to index
      %parallel_loop3A_371 = tpu.vector_load %arg11[%parallel_loop3A_370] {strides = array<i32>} : memref<40000xf32, #tpu.memory_space<vmem>>, vector<16xf32>,
      tpu.vector_store %arg11[%parallel_loop3A_370], %parallel_loop3A_316 {strides = array<i32>} : memref<40000xf32, #tpu.memory_space<vmem>>, vector<16xf32>,
      %parallel_loop3A_372 = arith.constant 10 : i32
      %parallel_loop3A_373 = arith.muli %parallel_loop3A_314, %parallel_loop3A_372 : i32
      %parallel_loop3A_374 = arith.constant 5 : i32
      %parallel_loop3A_375 = arith.addi %parallel_loop3A_373, %parallel_loop3A_374 : i32
      %parallel_loop3A_376 = arith.constant 16 : i32
      %parallel_loop3A_377 = arith.muli %parallel_loop3A_375, %parallel_loop3A_376 : i32
      %parallel_loop3A_378 = tpu.assume_multiple %parallel_loop3A_377, 8 : i32
      %parallel_loop3A_379 = arith.index_cast %parallel_loop3A_378 : i32 to index
      %parallel_loop3A_380 = tpu.vector_load %arg10[%parallel_loop3A_379] {strides = array<i32>} : memref<40000xf32, #tpu.memory_space<vmem>>, vector<16xf32>,
      tpu.vector_store %arg10[%parallel_loop3A_379], %parallel_loop3A_316 {strides = array<i32>} : memref<40000xf32, #tpu.memory_space<vmem>>, vector<16xf32>,
      %parallel_loop3A_381 = arith.index_cast %parallel_loop3A_378 : i32 to index
      %parallel_loop3A_382 = tpu.vector_load %arg11[%parallel_loop3A_381] {strides = array<i32>} : memref<40000xf32, #tpu.memory_space<vmem>>, vector<16xf32>,
      tpu.vector_store %arg11[%parallel_loop3A_381], %parallel_loop3A_316 {strides = array<i32>} : memref<40000xf32, #tpu.memory_space<vmem>>, vector<16xf32>,
      %parallel_loop3A_383 = arith.constant 10 : i32
      %parallel_loop3A_384 = arith.muli %parallel_loop3A_314, %parallel_loop3A_383 : i32
      %parallel_loop3A_385 = arith.constant 6 : i32
      %parallel_loop3A_386 = arith.addi %parallel_loop3A_384, %parallel_loop3A_385 : i32
      %parallel_loop3A_387 = arith.constant 16 : i32
      %parallel_loop3A_388 = arith.muli %parallel_loop3A_386, %parallel_loop3A_387 : i32
      %parallel_loop3A_389 = tpu.assume_multiple %parallel_loop3A_388, 8 : i32
      %parallel_loop3A_390 = arith.index_cast %parallel_loop3A_389 : i32 to index
      %parallel_loop3A_391 = tpu.vector_load %arg10[%parallel_loop3A_390] {strides = array<i32>} : memref<40000xf32, #tpu.memory_space<vmem>>, vector<16xf32>,
      tpu.vector_store %arg10[%parallel_loop3A_390], %parallel_loop3A_316 {strides = array<i32>} : memref<40000xf32, #tpu.memory_space<vmem>>, vector<16xf32>,
      %parallel_loop3A_392 = arith.index_cast %parallel_loop3A_389 : i32 to index
      %parallel_loop3A_393 = tpu.vector_load %arg11[%parallel_loop3A_392] {strides = array<i32>} : memref<40000xf32, #tpu.memory_space<vmem>>, vector<16xf32>,
      tpu.vector_store %arg11[%parallel_loop3A_392], %parallel_loop3A_316 {strides = array<i32>} : memref<40000xf32, #tpu.memory_space<vmem>>, vector<16xf32>,
      %parallel_loop3A_394 = arith.constant 10 : i32
      %parallel_loop3A_395 = arith.muli %parallel_loop3A_314, %parallel_loop3A_394 : i32
      %parallel_loop3A_396 = arith.constant 7 : i32
      %parallel_loop3A_397 = arith.addi %parallel_loop3A_395, %parallel_loop3A_396 : i32
      %parallel_loop3A_398 = arith.constant 16 : i32
      %parallel_loop3A_399 = arith.muli %parallel_loop3A_397, %parallel_loop3A_398 : i32
      %parallel_loop3A_400 = tpu.assume_multiple %parallel_loop3A_399, 8 : i32
      %parallel_loop3A_401 = arith.index_cast %parallel_loop3A_400 : i32 to index
      %parallel_loop3A_402 = tpu.vector_load %arg10[%parallel_loop3A_401] {strides = array<i32>} : memref<40000xf32, #tpu.memory_space<vmem>>, vector<16xf32>,
      tpu.vector_store %arg10[%parallel_loop3A_401], %parallel_loop3A_316 {strides = array<i32>} : memref<40000xf32, #tpu.memory_space<vmem>>, vector<16xf32>,
      %parallel_loop3A_403 = arith.index_cast %parallel_loop3A_400 : i32 to index
      %parallel_loop3A_404 = tpu.vector_load %arg11[%parallel_loop3A_403] {strides = array<i32>} : memref<40000xf32, #tpu.memory_space<vmem>>, vector<16xf32>,
      tpu.vector_store %arg11[%parallel_loop3A_403], %parallel_loop3A_316 {strides = array<i32>} : memref<40000xf32, #tpu.memory_space<vmem>>, vector<16xf32>,
      %parallel_loop3A_405 = arith.constant 10 : i32
      %parallel_loop3A_406 = arith.muli %parallel_loop3A_314, %parallel_loop3A_405 : i32
      %parallel_loop3A_407 = arith.constant 8 : i32
      %parallel_loop3A_408 = arith.addi %parallel_loop3A_406, %parallel_loop3A_407 : i32
      %parallel_loop3A_409 = arith.constant 16 : i32
      %parallel_loop3A_410 = arith.muli %parallel_loop3A_408, %parallel_loop3A_409 : i32
      %parallel_loop3A_411 = tpu.assume_multiple %parallel_loop3A_410, 8 : i32
      %parallel_loop3A_412 = arith.index_cast %parallel_loop3A_411 : i32 to index
      %parallel_loop3A_413 = tpu.vector_load %arg10[%parallel_loop3A_412] {strides = array<i32>} : memref<40000xf32, #tpu.memory_space<vmem>>, vector<16xf32>,
      tpu.vector_store %arg10[%parallel_loop3A_412], %parallel_loop3A_316 {strides = array<i32>} : memref<40000xf32, #tpu.memory_space<vmem>>, vector<16xf32>,
      %parallel_loop3A_414 = arith.index_cast %parallel_loop3A_411 : i32 to index
      %parallel_loop3A_415 = tpu.vector_load %arg11[%parallel_loop3A_414] {strides = array<i32>} : memref<40000xf32, #tpu.memory_space<vmem>>, vector<16xf32>,
      tpu.vector_store %arg11[%parallel_loop3A_414], %parallel_loop3A_316 {strides = array<i32>} : memref<40000xf32, #tpu.memory_space<vmem>>, vector<16xf32>,
      %parallel_loop3A_416 = arith.constant 10 : i32
      %parallel_loop3A_417 = arith.muli %parallel_loop3A_314, %parallel_loop3A_416 : i32
      %parallel_loop3A_418 = arith.constant 9 : i32
      %parallel_loop3A_419 = arith.addi %parallel_loop3A_417, %parallel_loop3A_418 : i32
      %parallel_loop3A_420 = arith.constant 16 : i32
      %parallel_loop3A_421 = arith.muli %parallel_loop3A_419, %parallel_loop3A_420 : i32
      %parallel_loop3A_422 = tpu.assume_multiple %parallel_loop3A_421, 8 : i32
      %parallel_loop3A_423 = arith.index_cast %parallel_loop3A_422 : i32 to index
      %parallel_loop3A_424 = tpu.vector_load %arg10[%parallel_loop3A_423] {strides = array<i32>} : memref<40000xf32, #tpu.memory_space<vmem>>, vector<16xf32>,
      tpu.vector_store %arg10[%parallel_loop3A_423], %parallel_loop3A_316 {strides = array<i32>} : memref<40000xf32, #tpu.memory_space<vmem>>, vector<16xf32>,
      %parallel_loop3A_425 = arith.index_cast %parallel_loop3A_422 : i32 to index
      %parallel_loop3A_426 = tpu.vector_load %arg11[%parallel_loop3A_425] {strides = array<i32>} : memref<40000xf32, #tpu.memory_space<vmem>>, vector<16xf32>,
      tpu.vector_store %arg11[%parallel_loop3A_425], %parallel_loop3A_316 {strides = array<i32>} : memref<40000xf32, #tpu.memory_space<vmem>>, vector<16xf32>,
    } {sc.loop_unroll_factor = 1 : i64, sc.parallel_access}
    %multiple_of3A = arith.constant 0 : i32
    %multiple_of3A_5 = tpu.assume_multiple %multiple_of3A, 8 : i32
    %dma_start3A = tpu.memref_slice %arg2[%multiple_of3A_5] : memref<30000xi32, #tpu.memory_space<hbm>> -> memref<2000xi32, #tpu.memory_space<hbm>>
    %dma_start3A_6 = tpu.memref_slice %arg2[%multiple_of3A_5] : memref<30000xi32, #tpu.memory_space<hbm>> -> memref<2000xi32, #tpu.memory_space<hbm>>
    tpu.enqueue_dma source(%dma_start3A_6 : memref<2000xi32, #tpu.memory_space<hbm>>) target(%arg12 : memref<2000xi32, #tpu.memory_space<vmem>>) target_semaphore(%arg24 : memref<!tpu.dma_semaphore, #tpu.memory_space<semaphore_mem>>)
    %dma_start3A_7 = tpu.memref_slice %arg3[%multiple_of3A_5] : memref<30000xi32, #tpu.memory_space<hbm>> -> memref<2000xi32, #tpu.memory_space<hbm>>
    %dma_start3A_8 = tpu.memref_slice %arg3[%multiple_of3A_5] : memref<30000xi32, #tpu.memory_space<hbm>> -> memref<2000xi32, #tpu.memory_space<hbm>>
    tpu.enqueue_dma source(%dma_start3A_8 : memref<2000xi32, #tpu.memory_space<hbm>>) target(%arg14 : memref<2000xi32, #tpu.memory_space<vmem>>) target_semaphore(%arg24 : memref<!tpu.dma_semaphore, #tpu.memory_space<semaphore_mem>>)
    %scan3A = arith.constant 0 : i32
    %scan3A_9 = arith.constant 0 : i32
    %scan3A_10 = arith.constant 7 : i32
    %scan3A_11 = arith.addi %scan3A_9, %scan3A_10 : i32
    %scan3A_12 = arith.constant 1 : i32
    scf.for %scan3A_314 = %scan3A_9 to %scan3A_11 step %scan3A_12  : i32 {
      %mul3A_315 = arith.constant 4000 : i32
      %mul3A_316 = arith.muli %scan3A_314, %mul3A_315 : i32
      %dma_wait3A_317 = arith.constant 0 : i32
      %dma_wait3A_318 = tpu.memref_slice %arg2[%dma_wait3A_317] : memref<30000xi32, #tpu.memory_space<hbm>> -> memref<2000xi32, #tpu.memory_space<hbm>>
      %dma_wait3A_319 = arith.constant 0 : i32
      %dma_wait3A_320 = tpu.memref_slice %arg2[%dma_wait3A_319] : memref<30000xi32, #tpu.memory_space<hbm>> -> memref<2000xi32, #tpu.memory_space<hbm>>
      tpu.wait_dma2 semaphore(%arg24 : memref<!tpu.dma_semaphore, #tpu.memory_space<semaphore_mem>>) src(%dma_wait3A_320 : memref<2000xi32, #tpu.memory_space<hbm>>) dst(%arg12 : memref<2000xi32, #tpu.memory_space<vmem>>)
      %dma_wait3A_321 = arith.constant 0 : i32
      %dma_wait3A_322 = tpu.memref_slice %arg3[%dma_wait3A_321] : memref<30000xi32, #tpu.memory_space<hbm>> -> memref<2000xi32, #tpu.memory_space<hbm>>
      %dma_wait3A_323 = arith.constant 0 : i32
      %dma_wait3A_324 = tpu.memref_slice %arg3[%dma_wait3A_323] : memref<30000xi32, #tpu.memory_space<hbm>> -> memref<2000xi32, #tpu.memory_space<hbm>>
      tpu.wait_dma2 semaphore(%arg24 : memref<!tpu.dma_semaphore, #tpu.memory_space<semaphore_mem>>) src(%dma_wait3A_324 : memref<2000xi32, #tpu.memory_space<hbm>>) dst(%arg14 : memref<2000xi32, #tpu.memory_space<vmem>>)
      %add3A_325 = arith.constant 2000 : i32
      %add3A_326 = arith.addi %mul3A_316, %add3A_325 : i32
      %multiple_of3A_327 = tpu.assume_multiple %add3A_326, 8 : i32
      %dma_start3A_328 = tpu.memref_slice %arg2[%multiple_of3A_327] : memref<30000xi32, #tpu.memory_space<hbm>> -> memref<2000xi32, #tpu.memory_space<hbm>>
      %dma_start3A_329 = tpu.memref_slice %arg2[%multiple_of3A_327] : memref<30000xi32, #tpu.memory_space<hbm>> -> memref<2000xi32, #tpu.memory_space<hbm>>
      tpu.enqueue_dma source(%dma_start3A_329 : memref<2000xi32, #tpu.memory_space<hbm>>) target(%arg13 : memref<2000xi32, #tpu.memory_space<vmem>>) target_semaphore(%arg25 : memref<!tpu.dma_semaphore, #tpu.memory_space<semaphore_mem>>)
      %dma_start3A_330 = tpu.memref_slice %arg3[%multiple_of3A_327] : memref<30000xi32, #tpu.memory_space<hbm>> -> memref<2000xi32, #tpu.memory_space<hbm>>
      %dma_start3A_331 = tpu.memref_slice %arg3[%multiple_of3A_327] : memref<30000xi32, #tpu.memory_space<hbm>> -> memref<2000xi32, #tpu.memory_space<hbm>>
      tpu.enqueue_dma source(%dma_start3A_331 : memref<2000xi32, #tpu.memory_space<hbm>>) target(%arg15 : memref<2000xi32, #tpu.memory_space<vmem>>) target_semaphore(%arg25 : memref<!tpu.dma_semaphore, #tpu.memory_space<semaphore_mem>>)
      %scan3A_332 = arith.constant 0 : i32
      %scan3A_333 = arith.constant 0 : i32
      %scan3A_334 = arith.constant 25 : i32
      %scan3A_335 = arith.addi %scan3A_333, %scan3A_334 : i32
      %scan3A_336 = arith.constant 1 : i32
      scf.for %scan3A_361 = %scan3A_333 to %scan3A_335 step %scan3A_336  : i32 {
        %mul3A_362 = arith.constant 5 : i32
        %mul3A_363 = arith.muli %scan3A_361, %mul3A_362 : i32
        %add3A_364 = arith.constant 0 : i32
        %add3A_365 = arith.addi %mul3A_363, %add3A_364 : i32
        %mul3A_366 = arith.constant 16 : i32
        %mul3A_367 = arith.muli %add3A_365, %mul3A_366 : i32
        %multiple_of3A_368 = tpu.assume_multiple %mul3A_367, 8 : i32
        %get3A = arith.index_cast %multiple_of3A_368 : i32 to index
        %get3A_369 = tpu.vector_load %arg14[%get3A] {strides = array<i32>} : memref<2000xi32, #tpu.memory_space<vmem>>, vector<16xi32>,
        %ge3A = vector.broadcast %mul3A_2 : i32 to vector<16xi32>
        %ge3A_370 = arith.cmpi sge, %get3A_369, %ge3A : vector<16xi32>
        %add3A_371 = arith.constant 10000 : i32
        %add3A_372 = arith.addi %mul3A_2, %add3A_371 : i32
        %lt3A = vector.broadcast %add3A_372 : i32 to vector<16xi32>
        %lt3A_373 = arith.cmpi slt, %get3A_369, %lt3A : vector<16xi32>
        %and3A_374 = arith.andi %ge3A_370, %lt3A_373 : vector<16xi1>
        %sub3A_375 = vector.broadcast %mul3A_2 : i32 to vector<16xi32>
        %sub3A_376 = arith.subi %get3A_369, %sub3A_375 : vector<16xi32>
        %jit3A_377 = arith.constant 0 : i32
        %jit3A_378 = arith.constant 9999 : i32
        %max3A = vector.broadcast %jit3A_377 : i32 to vector<16xi32>
        %max3A_379 = arith.maxsi %max3A, %sub3A_376 : vector<16xi32>
        %min3A = vector.broadcast %jit3A_378 : i32 to vector<16xi32>
        %min3A_380 = arith.minsi %min3A, %max3A_379 : vector<16xi32>
        %get3A_381 = arith.index_cast %multiple_of3A_368 : i32 to index
        %get3A_382 = tpu.vector_load %arg12[%get3A_381] {strides = array<i32>} : memref<2000xi32, #tpu.memory_space<vmem>>, vector<16xi32>,
        %sub3A_383 = vector.broadcast %mul3A_2 : i32 to vector<16xi32>
        %sub3A_384 = arith.subi %get3A_382, %sub3A_383 : vector<16xi32>
        %jit3A_385 = arith.constant 0 : i32
        %jit3A_386 = arith.constant 39999 : i32
        %max3A_387 = vector.broadcast %jit3A_385 : i32 to vector<16xi32>
        %max3A_388 = arith.maxsi %max3A_387, %sub3A_384 : vector<16xi32>
        %min3A_389 = vector.broadcast %jit3A_386 : i32 to vector<16xi32>
        %min3A_390 = arith.minsi %min3A_389, %max3A_388 : vector<16xi32>
        %mul3A_391 = arith.constant 16 : i32
        %mul3A_392 = arith.muli %add3A_365, %mul3A_391 : i32
        %add3A_393 = arith.addi %mul3A_316, %mul3A_392 : i32
        %add3A_394 = arith.constant 1 : i32
        %add3A_395 = arith.addi %add3A_393, %add3A_394 : i32
        %convert_element_type3A_396 = arith.sitofp %add3A_395 : i32 to f32
        %add3A_397 = vector.broadcast %convert_element_type3A_396 : f32 to vector<16xf32>
        %add3A_398 = arith.addf %convert_element_type3A, %add3A_397 : vector<16xf32>
        tpu.vector_store_idx %arg10[%min3A_390], %add3A_398 masked %and3A_374 : memref<40000xf32, #tpu.memory_space<vmem>>[vector<16xi32>], vector<16xf32>, vector<16xi1>
        %mul3A_399 = arith.constant 5 : i32
        %mul3A_400 = arith.muli %scan3A_361, %mul3A_399 : i32
        %add3A_401 = arith.constant 1 : i32
        %add3A_402 = arith.addi %mul3A_400, %add3A_401 : i32
        %mul3A_403 = arith.constant 16 : i32
        %mul3A_404 = arith.muli %add3A_402, %mul3A_403 : i32
        %multiple_of3A_405 = tpu.assume_multiple %mul3A_404, 8 : i32
        %get3A_406 = arith.index_cast %multiple_of3A_405 : i32 to index
        %get3A_407 = tpu.vector_load %arg14[%get3A_406] {strides = array<i32>} : memref<2000xi32, #tpu.memory_space<vmem>>, vector<16xi32>,
        %ge3A_408 = vector.broadcast %mul3A_2 : i32 to vector<16xi32>
        %ge3A_409 = arith.cmpi sge, %get3A_407, %ge3A_408 : vector<16xi32>
        %add3A_410 = arith.constant 10000 : i32
        %add3A_411 = arith.addi %mul3A_2, %add3A_410 : i32
        %lt3A_412 = vector.broadcast %add3A_411 : i32 to vector<16xi32>
        %lt3A_413 = arith.cmpi slt, %get3A_407, %lt3A_412 : vector<16xi32>
        %and3A_414 = arith.andi %ge3A_409, %lt3A_413 : vector<16xi1>
        %sub3A_415 = vector.broadcast %mul3A_2 : i32 to vector<16xi32>
        %sub3A_416 = arith.subi %get3A_407, %sub3A_415 : vector<16xi32>
        %jit3A_417 = arith.constant 0 : i32
        %jit3A_418 = arith.constant 9999 : i32
        %max3A_419 = vector.broadcast %jit3A_417 : i32 to vector<16xi32>
        %max3A_420 = arith.maxsi %max3A_419, %sub3A_416 : vector<16xi32>
        %min3A_421 = vector.broadcast %jit3A_418 : i32 to vector<16xi32>
        %min3A_422 = arith.minsi %min3A_421, %max3A_420 : vector<16xi32>
        %get3A_423 = arith.index_cast %multiple_of3A_405 : i32 to index
        %get3A_424 = tpu.vector_load %arg12[%get3A_423] {strides = array<i32>} : memref<2000xi32, #tpu.memory_space<vmem>>, vector<16xi32>,
        %sub3A_425 = vector.broadcast %mul3A_2 : i32 to vector<16xi32>
        %sub3A_426 = arith.subi %get3A_424, %sub3A_425 : vector<16xi32>
        %jit3A_427 = arith.constant 0 : i32
        %jit3A_428 = arith.constant 39999 : i32
        %max3A_429 = vector.broadcast %jit3A_427 : i32 to vector<16xi32>
        %max3A_430 = arith.maxsi %max3A_429, %sub3A_426 : vector<16xi32>
        %min3A_431 = vector.broadcast %jit3A_428 : i32 to vector<16xi32>
        %min3A_432 = arith.minsi %min3A_431, %max3A_430 : vector<16xi32>
        %mul3A_433 = arith.constant 16 : i32
        %mul3A_434 = arith.muli %add3A_402, %mul3A_433 : i32
        %add3A_435 = arith.addi %mul3A_316, %mul3A_434 : i32
        %add3A_436 = arith.constant 1 : i32
        %add3A_437 = arith.addi %add3A_435, %add3A_436 : i32
        %convert_element_type3A_438 = arith.sitofp %add3A_437 : i32 to f32
        %add3A_439 = vector.broadcast %convert_element_type3A_438 : f32 to vector<16xf32>
        %add3A_440 = arith.addf %convert_element_type3A, %add3A_439 : vector<16xf32>
        tpu.vector_store_idx %arg10[%min3A_432], %add3A_440 masked %and3A_414 : memref<40000xf32, #tpu.memory_space<vmem>>[vector<16xi32>], vector<16xf32>, vector<16xi1>
        %mul3A_441 = arith.constant 5 : i32
        %mul3A_442 = arith.muli %scan3A_361, %mul3A_441 : i32
        %add3A_443 = arith.constant 2 : i32
        %add3A_444 = arith.addi %mul3A_442, %add3A_443 : i32
        %mul3A_445 = arith.constant 16 : i32
        %mul3A_446 = arith.muli %add3A_444, %mul3A_445 : i32
        %multiple_of3A_447 = tpu.assume_multiple %mul3A_446, 8 : i32
        %get3A_448 = arith.index_cast %multiple_of3A_447 : i32 to index
        %get3A_449 = tpu.vector_load %arg14[%get3A_448] {strides = array<i32>} : memref<2000xi32, #tpu.memory_space<vmem>>, vector<16xi32>,
        %ge3A_450 = vector.broadcast %mul3A_2 : i32 to vector<16xi32>
        %ge3A_451 = arith.cmpi sge, %get3A_449, %ge3A_450 : vector<16xi32>
        %add3A_452 = arith.constant 10000 : i32
        %add3A_453 = arith.addi %mul3A_2, %add3A_452 : i32
        %lt3A_454 = vector.broadcast %add3A_453 : i32 to vector<16xi32>
        %lt3A_455 = arith.cmpi slt, %get3A_449, %lt3A_454 : vector<16xi32>
        %and3A_456 = arith.andi %ge3A_451, %lt3A_455 : vector<16xi1>
        %sub3A_457 = vector.broadcast %mul3A_2 : i32 to vector<16xi32>
        %sub3A_458 = arith.subi %get3A_449, %sub3A_457 : vector<16xi32>
        %jit3A_459 = arith.constant 0 : i32
        %jit3A_460 = arith.constant 9999 : i32
        %max3A_461 = vector.broadcast %jit3A_459 : i32 to vector<16xi32>
        %max3A_462 = arith.maxsi %max3A_461, %sub3A_458 : vector<16xi32>
        %min3A_463 = vector.broadcast %jit3A_460 : i32 to vector<16xi32>
        %min3A_464 = arith.minsi %min3A_463, %max3A_462 : vector<16xi32>
        %get3A_465 = arith.index_cast %multiple_of3A_447 : i32 to index
        %get3A_466 = tpu.vector_load %arg12[%get3A_465] {strides = array<i32>} : memref<2000xi32, #tpu.memory_space<vmem>>, vector<16xi32>,
        %sub3A_467 = vector.broadcast %mul3A_2 : i32 to vector<16xi32>
        %sub3A_468 = arith.subi %get3A_466, %sub3A_467 : vector<16xi32>
        %jit3A_469 = arith.constant 0 : i32
        %jit3A_470 = arith.constant 39999 : i32
        %max3A_471 = vector.broadcast %jit3A_469 : i32 to vector<16xi32>
        %max3A_472 = arith.maxsi %max3A_471, %sub3A_468 : vector<16xi32>
        %min3A_473 = vector.broadcast %jit3A_470 : i32 to vector<16xi32>
        %min3A_474 = arith.minsi %min3A_473, %max3A_472 : vector<16xi32>
        %mul3A_475 = arith.constant 16 : i32
        %mul3A_476 = arith.muli %add3A_444, %mul3A_475 : i32
        %add3A_477 = arith.addi %mul3A_316, %mul3A_476 : i32
        %add3A_478 = arith.constant 1 : i32
        %add3A_479 = arith.addi %add3A_477, %add3A_478 : i32
        %convert_element_type3A_480 = arith.sitofp %add3A_479 : i32 to f32
        %add3A_481 = vector.broadcast %convert_element_type3A_480 : f32 to vector<16xf32>
        %add3A_482 = arith.addf %convert_element_type3A, %add3A_481 : vector<16xf32>
        tpu.vector_store_idx %arg10[%min3A_474], %add3A_482 masked %and3A_456 : memref<40000xf32, #tpu.memory_space<vmem>>[vector<16xi32>], vector<16xf32>, vector<16xi1>
        %mul3A_483 = arith.constant 5 : i32
        %mul3A_484 = arith.muli %scan3A_361, %mul3A_483 : i32
        %add3A_485 = arith.constant 3 : i32
        %add3A_486 = arith.addi %mul3A_484, %add3A_485 : i32
        %mul3A_487 = arith.constant 16 : i32
        %mul3A_488 = arith.muli %add3A_486, %mul3A_487 : i32
        %multiple_of3A_489 = tpu.assume_multiple %mul3A_488, 8 : i32
        %get3A_490 = arith.index_cast %multiple_of3A_489 : i32 to index
        %get3A_491 = tpu.vector_load %arg14[%get3A_490] {strides = array<i32>} : memref<2000xi32, #tpu.memory_space<vmem>>, vector<16xi32>,
        %ge3A_492 = vector.broadcast %mul3A_2 : i32 to vector<16xi32>
        %ge3A_493 = arith.cmpi sge, %get3A_491, %ge3A_492 : vector<16xi32>
        %add3A_494 = arith.constant 10000 : i32
        %add3A_495 = arith.addi %mul3A_2, %add3A_494 : i32
        %lt3A_496 = vector.broadcast %add3A_495 : i32 to vector<16xi32>
        %lt3A_497 = arith.cmpi slt, %get3A_491, %lt3A_496 : vector<16xi32>
        %and3A_498 = arith.andi %ge3A_493, %lt3A_497 : vector<16xi1>
        %sub3A_499 = vector.broadcast %mul3A_2 : i32 to vector<16xi32>
        %sub3A_500 = arith.subi %get3A_491, %sub3A_499 : vector<16xi32>
        %jit3A_501 = arith.constant 0 : i32
        %jit3A_502 = arith.constant 9999 : i32
        %max3A_503 = vector.broadcast %jit3A_501 : i32 to vector<16xi32>
        %max3A_504 = arith.maxsi %max3A_503, %sub3A_500 : vector<16xi32>
        %min3A_505 = vector.broadcast %jit3A_502 : i32 to vector<16xi32>
        %min3A_506 = arith.minsi %min3A_505, %max3A_504 : vector<16xi32>
        %get3A_507 = arith.index_cast %multiple_of3A_489 : i32 to index
        %get3A_508 = tpu.vector_load %arg12[%get3A_507] {strides = array<i32>} : memref<2000xi32, #tpu.memory_space<vmem>>, vector<16xi32>,
        %sub3A_509 = vector.broadcast %mul3A_2 : i32 to vector<16xi32>
        %sub3A_510 = arith.subi %get3A_508, %sub3A_509 : vector<16xi32>
        %jit3A_511 = arith.constant 0 : i32
        %jit3A_512 = arith.constant 39999 : i32
        %max3A_513 = vector.broadcast %jit3A_511 : i32 to vector<16xi32>
        %max3A_514 = arith.maxsi %max3A_513, %sub3A_510 : vector<16xi32>
        %min3A_515 = vector.broadcast %jit3A_512 : i32 to vector<16xi32>
        %min3A_516 = arith.minsi %min3A_515, %max3A_514 : vector<16xi32>
        %mul3A_517 = arith.constant 16 : i32
        %mul3A_518 = arith.muli %add3A_486, %mul3A_517 : i32
        %add3A_519 = arith.addi %mul3A_316, %mul3A_518 : i32
        %add3A_520 = arith.constant 1 : i32
        %add3A_521 = arith.addi %add3A_519, %add3A_520 : i32
        %convert_element_type3A_522 = arith.sitofp %add3A_521 : i32 to f32
        %add3A_523 = vector.broadcast %convert_element_type3A_522 : f32 to vector<16xf32>
        %add3A_524 = arith.addf %convert_element_type3A, %add3A_523 : vector<16xf32>
        tpu.vector_store_idx %arg10[%min3A_516], %add3A_524 masked %and3A_498 : memref<40000xf32, #tpu.memory_space<vmem>>[vector<16xi32>], vector<16xf32>, vector<16xi1>
        %mul3A_525 = arith.constant 5 : i32
        %mul3A_526 = arith.muli %scan3A_361, %mul3A_525 : i32
        %add3A_527 = arith.constant 4 : i32
        %add3A_528 = arith.addi %mul3A_526, %add3A_527 : i32
        %mul3A_529 = arith.constant 16 : i32
        %mul3A_530 = arith.muli %add3A_528, %mul3A_529 : i32
        %multiple_of3A_531 = tpu.assume_multiple %mul3A_530, 8 : i32
        %get3A_532 = arith.index_cast %multiple_of3A_531 : i32 to index
        %get3A_533 = tpu.vector_load %arg14[%get3A_532] {strides = array<i32>} : memref<2000xi32, #tpu.memory_space<vmem>>, vector<16xi32>,
        %ge3A_534 = vector.broadcast %mul3A_2 : i32 to vector<16xi32>
        %ge3A_535 = arith.cmpi sge, %get3A_533, %ge3A_534 : vector<16xi32>
        %add3A_536 = arith.constant 10000 : i32
        %add3A_537 = arith.addi %mul3A_2, %add3A_536 : i32
        %lt3A_538 = vector.broadcast %add3A_537 : i32 to vector<16xi32>
        %lt3A_539 = arith.cmpi slt, %get3A_533, %lt3A_538 : vector<16xi32>
        %and3A_540 = arith.andi %ge3A_535, %lt3A_539 : vector<16xi1>
        %sub3A_541 = vector.broadcast %mul3A_2 : i32 to vector<16xi32>
        %sub3A_542 = arith.subi %get3A_533, %sub3A_541 : vector<16xi32>
        %jit3A_543 = arith.constant 0 : i32
        %jit3A_544 = arith.constant 9999 : i32
        %max3A_545 = vector.broadcast %jit3A_543 : i32 to vector<16xi32>
        %max3A_546 = arith.maxsi %max3A_545, %sub3A_542 : vector<16xi32>
        %min3A_547 = vector.broadcast %jit3A_544 : i32 to vector<16xi32>
        %min3A_548 = arith.minsi %min3A_547, %max3A_546 : vector<16xi32>
        %get3A_549 = arith.index_cast %multiple_of3A_531 : i32 to index
        %get3A_550 = tpu.vector_load %arg12[%get3A_549] {strides = array<i32>} : memref<2000xi32, #tpu.memory_space<vmem>>, vector<16xi32>,
        %sub3A_551 = vector.broadcast %mul3A_2 : i32 to vector<16xi32>
        %sub3A_552 = arith.subi %get3A_550, %sub3A_551 : vector<16xi32>
        %jit3A_553 = arith.constant 0 : i32
        %jit3A_554 = arith.constant 39999 : i32
        %max3A_555 = vector.broadcast %jit3A_553 : i32 to vector<16xi32>
        %max3A_556 = arith.maxsi %max3A_555, %sub3A_552 : vector<16xi32>
        %min3A_557 = vector.broadcast %jit3A_554 : i32 to vector<16xi32>
        %min3A_558 = arith.minsi %min3A_557, %max3A_556 : vector<16xi32>
        %mul3A_559 = arith.constant 16 : i32
        %mul3A_560 = arith.muli %add3A_528, %mul3A_559 : i32
        %add3A_561 = arith.addi %mul3A_316, %mul3A_560 : i32
        %add3A_562 = arith.constant 1 : i32
        %add3A_563 = arith.addi %add3A_561, %add3A_562 : i32
        %convert_element_type3A_564 = arith.sitofp %add3A_563 : i32 to f32
        %add3A_565 = vector.broadcast %convert_element_type3A_564 : f32 to vector<16xf32>
        %add3A_566 = arith.addf %convert_element_type3A, %add3A_565 : vector<16xf32>
        tpu.vector_store_idx %arg10[%min3A_558], %add3A_566 masked %and3A_540 : memref<40000xf32, #tpu.memory_space<vmem>>[vector<16xi32>], vector<16xf32>, vector<16xi1>
      }
      %scan3A_337 = arith.constant 25 : i32
      %dma_wait3A_338 = arith.constant 0 : i32
      %dma_wait3A_339 = tpu.memref_slice %arg2[%dma_wait3A_338] : memref<30000xi32, #tpu.memory_space<hbm>> -> memref<2000xi32, #tpu.memory_space<hbm>>
      %dma_wait3A_340 = arith.constant 0 : i32
      %dma_wait3A_341 = tpu.memref_slice %arg2[%dma_wait3A_340] : memref<30000xi32, #tpu.memory_space<hbm>> -> memref<2000xi32, #tpu.memory_space<hbm>>
      tpu.wait_dma2 semaphore(%arg25 : memref<!tpu.dma_semaphore, #tpu.memory_space<semaphore_mem>>) src(%dma_wait3A_341 : memref<2000xi32, #tpu.memory_space<hbm>>) dst(%arg13 : memref<2000xi32, #tpu.memory_space<vmem>>)
      %dma_wait3A_342 = arith.constant 0 : i32
      %dma_wait3A_343 = tpu.memref_slice %arg3[%dma_wait3A_342] : memref<30000xi32, #tpu.memory_space<hbm>> -> memref<2000xi32, #tpu.memory_space<hbm>>
      %dma_wait3A_344 = arith.constant 0 : i32
      %dma_wait3A_345 = tpu.memref_slice %arg3[%dma_wait3A_344] : memref<30000xi32, #tpu.memory_space<hbm>> -> memref<2000xi32, #tpu.memory_space<hbm>>
      tpu.wait_dma2 semaphore(%arg25 : memref<!tpu.dma_semaphore, #tpu.memory_space<semaphore_mem>>) src(%dma_wait3A_345 : memref<2000xi32, #tpu.memory_space<hbm>>) dst(%arg15 : memref<2000xi32, #tpu.memory_space<vmem>>)
      %add3A_346 = arith.constant 4000 : i32
      %add3A_347 = arith.addi %mul3A_316, %add3A_346 : i32
      %multiple_of3A_348 = tpu.assume_multiple %add3A_347, 8 : i32
      %dma_start3A_349 = tpu.memref_slice %arg2[%multiple_of3A_348] : memref<30000xi32, #tpu.memory_space<hbm>> -> memref<2000xi32, #tpu.memory_space<hbm>>
      %dma_start3A_350 = tpu.memref_slice %arg2[%multiple_of3A_348] : memref<30000xi32, #tpu.memory_space<hbm>> -> memref<2000xi32, #tpu.memory_space<hbm>>
      tpu.enqueue_dma source(%dma_start3A_350 : memref<2000xi32, #tpu.memory_space<hbm>>) target(%arg12 : memref<2000xi32, #tpu.memory_space<vmem>>) target_semaphore(%arg24 : memref<!tpu.dma_semaphore, #tpu.memory_space<semaphore_mem>>)
      %dma_start3A_351 = tpu.memref_slice %arg3[%multiple_of3A_348] : memref<30000xi32, #tpu.memory_space<hbm>> -> memref<2000xi32, #tpu.memory_space<hbm>>
      %dma_start3A_352 = tpu.memref_slice %arg3[%multiple_of3A_348] : memref<30000xi32, #tpu.memory_space<hbm>> -> memref<2000xi32, #tpu.memory_space<hbm>>
      tpu.enqueue_dma source(%dma_start3A_352 : memref<2000xi32, #tpu.memory_space<hbm>>) target(%arg14 : memref<2000xi32, #tpu.memory_space<vmem>>) target_semaphore(%arg24 : memref<!tpu.dma_semaphore, #tpu.memory_space<semaphore_mem>>)
      %add3A_353 = arith.constant 2000 : i32
      %add3A_354 = arith.addi %mul3A_316, %add3A_353 : i32
      %scan3A_355 = arith.constant 0 : i32
      %scan3A_356 = arith.constant 0 : i32
      %scan3A_357 = arith.constant 25 : i32
      %scan3A_358 = arith.addi %scan3A_356, %scan3A_357 : i32
      %scan3A_359 = arith.constant 1 : i32
      scf.for %scan3A_361 = %scan3A_356 to %scan3A_358 step %scan3A_359  : i32 {
        %mul3A_362 = arith.constant 5 : i32
        %mul3A_363 = arith.muli %scan3A_361, %mul3A_362 : i32
        %add3A_364 = arith.constant 0 : i32
        %add3A_365 = arith.addi %mul3A_363, %add3A_364 : i32
        %mul3A_366 = arith.constant 16 : i32
        %mul3A_367 = arith.muli %add3A_365, %mul3A_366 : i32
        %multiple_of3A_368 = tpu.assume_multiple %mul3A_367, 8 : i32
        %get3A = arith.index_cast %multiple_of3A_368 : i32 to index
        %get3A_369 = tpu.vector_load %arg15[%get3A] {strides = array<i32>} : memref<2000xi32, #tpu.memory_space<vmem>>, vector<16xi32>,
        %ge3A = vector.broadcast %mul3A_2 : i32 to vector<16xi32>
        %ge3A_370 = arith.cmpi sge, %get3A_369, %ge3A : vector<16xi32>
        %add3A_371 = arith.constant 10000 : i32
        %add3A_372 = arith.addi %mul3A_2, %add3A_371 : i32
        %lt3A = vector.broadcast %add3A_372 : i32 to vector<16xi32>
        %lt3A_373 = arith.cmpi slt, %get3A_369, %lt3A : vector<16xi32>
        %and3A_374 = arith.andi %ge3A_370, %lt3A_373 : vector<16xi1>
        %sub3A_375 = vector.broadcast %mul3A_2 : i32 to vector<16xi32>
        %sub3A_376 = arith.subi %get3A_369, %sub3A_375 : vector<16xi32>
        %jit3A_377 = arith.constant 0 : i32
        %jit3A_378 = arith.constant 9999 : i32
        %max3A = vector.broadcast %jit3A_377 : i32 to vector<16xi32>
        %max3A_379 = arith.maxsi %max3A, %sub3A_376 : vector<16xi32>
        %min3A = vector.broadcast %jit3A_378 : i32 to vector<16xi32>
        %min3A_380 = arith.minsi %min3A, %max3A_379 : vector<16xi32>
        %get3A_381 = arith.index_cast %multiple_of3A_368 : i32 to index
        %get3A_382 = tpu.vector_load %arg13[%get3A_381] {strides = array<i32>} : memref<2000xi32, #tpu.memory_space<vmem>>, vector<16xi32>,
        %sub3A_383 = vector.broadcast %mul3A_2 : i32 to vector<16xi32>
        %sub3A_384 = arith.subi %get3A_382, %sub3A_383 : vector<16xi32>
        %jit3A_385 = arith.constant 0 : i32
        %jit3A_386 = arith.constant 39999 : i32
        %max3A_387 = vector.broadcast %jit3A_385 : i32 to vector<16xi32>
        %max3A_388 = arith.maxsi %max3A_387, %sub3A_384 : vector<16xi32>
        %min3A_389 = vector.broadcast %jit3A_386 : i32 to vector<16xi32>
        %min3A_390 = arith.minsi %min3A_389, %max3A_388 : vector<16xi32>
        %mul3A_391 = arith.constant 16 : i32
        %mul3A_392 = arith.muli %add3A_365, %mul3A_391 : i32
        %add3A_393 = arith.addi %add3A_354, %mul3A_392 : i32
        %add3A_394 = arith.constant 1 : i32
        %add3A_395 = arith.addi %add3A_393, %add3A_394 : i32
        %convert_element_type3A_396 = arith.sitofp %add3A_395 : i32 to f32
        %add3A_397 = vector.broadcast %convert_element_type3A_396 : f32 to vector<16xf32>
        %add3A_398 = arith.addf %convert_element_type3A, %add3A_397 : vector<16xf32>
        tpu.vector_store_idx %arg10[%min3A_390], %add3A_398 masked %and3A_374 : memref<40000xf32, #tpu.memory_space<vmem>>[vector<16xi32>], vector<16xf32>, vector<16xi1>
        %mul3A_399 = arith.constant 5 : i32
        %mul3A_400 = arith.muli %scan3A_361, %mul3A_399 : i32
        %add3A_401 = arith.constant 1 : i32
        %add3A_402 = arith.addi %mul3A_400, %add3A_401 : i32
        %mul3A_403 = arith.constant 16 : i32
        %mul3A_404 = arith.muli %add3A_402, %mul3A_403 : i32
        %multiple_of3A_405 = tpu.assume_multiple %mul3A_404, 8 : i32
        %get3A_406 = arith.index_cast %multiple_of3A_405 : i32 to index
        %get3A_407 = tpu.vector_load %arg15[%get3A_406] {strides = array<i32>} : memref<2000xi32, #tpu.memory_space<vmem>>, vector<16xi32>,
        %ge3A_408 = vector.broadcast %mul3A_2 : i32 to vector<16xi32>
        %ge3A_409 = arith.cmpi sge, %get3A_407, %ge3A_408 : vector<16xi32>
        %add3A_410 = arith.constant 10000 : i32
        %add3A_411 = arith.addi %mul3A_2, %add3A_410 : i32
        %lt3A_412 = vector.broadcast %add3A_411 : i32 to vector<16xi32>
        %lt3A_413 = arith.cmpi slt, %get3A_407, %lt3A_412 : vector<16xi32>
        %and3A_414 = arith.andi %ge3A_409, %lt3A_413 : vector<16xi1>
        %sub3A_415 = vector.broadcast %mul3A_2 : i32 to vector<16xi32>
        %sub3A_416 = arith.subi %get3A_407, %sub3A_415 : vector<16xi32>
        %jit3A_417 = arith.constant 0 : i32
        %jit3A_418 = arith.constant 9999 : i32
        %max3A_419 = vector.broadcast %jit3A_417 : i32 to vector<16xi32>
        %max3A_420 = arith.maxsi %max3A_419, %sub3A_416 : vector<16xi32>
        %min3A_421 = vector.broadcast %jit3A_418 : i32 to vector<16xi32>
        %min3A_422 = arith.minsi %min3A_421, %max3A_420 : vector<16xi32>
        %get3A_423 = arith.index_cast %multiple_of3A_405 : i32 to index
        %get3A_424 = tpu.vector_load %arg13[%get3A_423] {strides = array<i32>} : memref<2000xi32, #tpu.memory_space<vmem>>, vector<16xi32>,
        %sub3A_425 = vector.broadcast %mul3A_2 : i32 to vector<16xi32>
        %sub3A_426 = arith.subi %get3A_424, %sub3A_425 : vector<16xi32>
        %jit3A_427 = arith.constant 0 : i32
        %jit3A_428 = arith.constant 39999 : i32
        %max3A_429 = vector.broadcast %jit3A_427 : i32 to vector<16xi32>
        %max3A_430 = arith.maxsi %max3A_429, %sub3A_426 : vector<16xi32>
        %min3A_431 = vector.broadcast %jit3A_428 : i32 to vector<16xi32>
        %min3A_432 = arith.minsi %min3A_431, %max3A_430 : vector<16xi32>
        %mul3A_433 = arith.constant 16 : i32
        %mul3A_434 = arith.muli %add3A_402, %mul3A_433 : i32
        %add3A_435 = arith.addi %add3A_354, %mul3A_434 : i32
        %add3A_436 = arith.constant 1 : i32
        %add3A_437 = arith.addi %add3A_435, %add3A_436 : i32
        %convert_element_type3A_438 = arith.sitofp %add3A_437 : i32 to f32
        %add3A_439 = vector.broadcast %convert_element_type3A_438 : f32 to vector<16xf32>
        %add3A_440 = arith.addf %convert_element_type3A, %add3A_439 : vector<16xf32>
        tpu.vector_store_idx %arg10[%min3A_432], %add3A_440 masked %and3A_414 : memref<40000xf32, #tpu.memory_space<vmem>>[vector<16xi32>], vector<16xf32>, vector<16xi1>
        %mul3A_441 = arith.constant 5 : i32
        %mul3A_442 = arith.muli %scan3A_361, %mul3A_441 : i32
        %add3A_443 = arith.constant 2 : i32
        %add3A_444 = arith.addi %mul3A_442, %add3A_443 : i32
        %mul3A_445 = arith.constant 16 : i32
        %mul3A_446 = arith.muli %add3A_444, %mul3A_445 : i32
        %multiple_of3A_447 = tpu.assume_multiple %mul3A_446, 8 : i32
        %get3A_448 = arith.index_cast %multiple_of3A_447 : i32 to index
        %get3A_449 = tpu.vector_load %arg15[%get3A_448] {strides = array<i32>} : memref<2000xi32, #tpu.memory_space<vmem>>, vector<16xi32>,
        %ge3A_450 = vector.broadcast %mul3A_2 : i32 to vector<16xi32>
        %ge3A_451 = arith.cmpi sge, %get3A_449, %ge3A_450 : vector<16xi32>
        %add3A_452 = arith.constant 10000 : i32
        %add3A_453 = arith.addi %mul3A_2, %add3A_452 : i32
        %lt3A_454 = vector.broadcast %add3A_453 : i32 to vector<16xi32>
        %lt3A_455 = arith.cmpi slt, %get3A_449, %lt3A_454 : vector<16xi32>
        %and3A_456 = arith.andi %ge3A_451, %lt3A_455 : vector<16xi1>
        %sub3A_457 = vector.broadcast %mul3A_2 : i32 to vector<16xi32>
        %sub3A_458 = arith.subi %get3A_449, %sub3A_457 : vector<16xi32>
        %jit3A_459 = arith.constant 0 : i32
        %jit3A_460 = arith.constant 9999 : i32
        %max3A_461 = vector.broadcast %jit3A_459 : i32 to vector<16xi32>
        %max3A_462 = arith.maxsi %max3A_461, %sub3A_458 : vector<16xi32>
        %min3A_463 = vector.broadcast %jit3A_460 : i32 to vector<16xi32>
        %min3A_464 = arith.minsi %min3A_463, %max3A_462 : vector<16xi32>
        %get3A_465 = arith.index_cast %multiple_of3A_447 : i32 to index
        %get3A_466 = tpu.vector_load %arg13[%get3A_465] {strides = array<i32>} : memref<2000xi32, #tpu.memory_space<vmem>>, vector<16xi32>,
        %sub3A_467 = vector.broadcast %mul3A_2 : i32 to vector<16xi32>
        %sub3A_468 = arith.subi %get3A_466, %sub3A_467 : vector<16xi32>
        %jit3A_469 = arith.constant 0 : i32
        %jit3A_470 = arith.constant 39999 : i32
        %max3A_471 = vector.broadcast %jit3A_469 : i32 to vector<16xi32>
        %max3A_472 = arith.maxsi %max3A_471, %sub3A_468 : vector<16xi32>
        %min3A_473 = vector.broadcast %jit3A_470 : i32 to vector<16xi32>
        %min3A_474 = arith.minsi %min3A_473, %max3A_472 : vector<16xi32>
        %mul3A_475 = arith.constant 16 : i32
        %mul3A_476 = arith.muli %add3A_444, %mul3A_475 : i32
        %add3A_477 = arith.addi %add3A_354, %mul3A_476 : i32
        %add3A_478 = arith.constant 1 : i32
        %add3A_479 = arith.addi %add3A_477, %add3A_478 : i32
        %convert_element_type3A_480 = arith.sitofp %add3A_479 : i32 to f32
        %add3A_481 = vector.broadcast %convert_element_type3A_480 : f32 to vector<16xf32>
        %add3A_482 = arith.addf %convert_element_type3A, %add3A_481 : vector<16xf32>
        tpu.vector_store_idx %arg10[%min3A_474], %add3A_482 masked %and3A_456 : memref<40000xf32, #tpu.memory_space<vmem>>[vector<16xi32>], vector<16xf32>, vector<16xi1>
        %mul3A_483 = arith.constant 5 : i32
        %mul3A_484 = arith.muli %scan3A_361, %mul3A_483 : i32
        %add3A_485 = arith.constant 3 : i32
        %add3A_486 = arith.addi %mul3A_484, %add3A_485 : i32
        %mul3A_487 = arith.constant 16 : i32
        %mul3A_488 = arith.muli %add3A_486, %mul3A_487 : i32
        %multiple_of3A_489 = tpu.assume_multiple %mul3A_488, 8 : i32
        %get3A_490 = arith.index_cast %multiple_of3A_489 : i32 to index
        %get3A_491 = tpu.vector_load %arg15[%get3A_490] {strides = array<i32>} : memref<2000xi32, #tpu.memory_space<vmem>>, vector<16xi32>,
        %ge3A_492 = vector.broadcast %mul3A_2 : i32 to vector<16xi32>
        %ge3A_493 = arith.cmpi sge, %get3A_491, %ge3A_492 : vector<16xi32>
        %add3A_494 = arith.constant 10000 : i32
        %add3A_495 = arith.addi %mul3A_2, %add3A_494 : i32
        %lt3A_496 = vector.broadcast %add3A_495 : i32 to vector<16xi32>
        %lt3A_497 = arith.cmpi slt, %get3A_491, %lt3A_496 : vector<16xi32>
        %and3A_498 = arith.andi %ge3A_493, %lt3A_497 : vector<16xi1>
        %sub3A_499 = vector.broadcast %mul3A_2 : i32 to vector<16xi32>
        %sub3A_500 = arith.subi %get3A_491, %sub3A_499 : vector<16xi32>
        %jit3A_501 = arith.constant 0 : i32
        %jit3A_502 = arith.constant 9999 : i32
        %max3A_503 = vector.broadcast %jit3A_501 : i32 to vector<16xi32>
        %max3A_504 = arith.maxsi %max3A_503, %sub3A_500 : vector<16xi32>
        %min3A_505 = vector.broadcast %jit3A_502 : i32 to vector<16xi32>
        %min3A_506 = arith.minsi %min3A_505, %max3A_504 : vector<16xi32>
        %get3A_507 = arith.index_cast %multiple_of3A_489 : i32 to index
        %get3A_508 = tpu.vector_load %arg13[%get3A_507] {strides = array<i32>} : memref<2000xi32, #tpu.memory_space<vmem>>, vector<16xi32>,
        %sub3A_509 = vector.broadcast %mul3A_2 : i32 to vector<16xi32>
        %sub3A_510 = arith.subi %get3A_508, %sub3A_509 : vector<16xi32>
        %jit3A_511 = arith.constant 0 : i32
        %jit3A_512 = arith.constant 39999 : i32
        %max3A_513 = vector.broadcast %jit3A_511 : i32 to vector<16xi32>
        %max3A_514 = arith.maxsi %max3A_513, %sub3A_510 : vector<16xi32>
        %min3A_515 = vector.broadcast %jit3A_512 : i32 to vector<16xi32>
        %min3A_516 = arith.minsi %min3A_515, %max3A_514 : vector<16xi32>
        %mul3A_517 = arith.constant 16 : i32
        %mul3A_518 = arith.muli %add3A_486, %mul3A_517 : i32
        %add3A_519 = arith.addi %add3A_354, %mul3A_518 : i32
        %add3A_520 = arith.constant 1 : i32
        %add3A_521 = arith.addi %add3A_519, %add3A_520 : i32
        %convert_element_type3A_522 = arith.sitofp %add3A_521 : i32 to f32
        %add3A_523 = vector.broadcast %convert_element_type3A_522 : f32 to vector<16xf32>
        %add3A_524 = arith.addf %convert_element_type3A, %add3A_523 : vector<16xf32>
        tpu.vector_store_idx %arg10[%min3A_516], %add3A_524 masked %and3A_498 : memref<40000xf32, #tpu.memory_space<vmem>>[vector<16xi32>], vector<16xf32>, vector<16xi1>
        %mul3A_525 = arith.constant 5 : i32
        %mul3A_526 = arith.muli %scan3A_361, %mul3A_525 : i32
        %add3A_527 = arith.constant 4 : i32
        %add3A_528 = arith.addi %mul3A_526, %add3A_527 : i32
        %mul3A_529 = arith.constant 16 : i32
        %mul3A_530 = arith.muli %add3A_528, %mul3A_529 : i32
        %multiple_of3A_531 = tpu.assume_multiple %mul3A_530, 8 : i32
        %get3A_532 = arith.index_cast %multiple_of3A_531 : i32 to index
        %get3A_533 = tpu.vector_load %arg15[%get3A_532] {strides = array<i32>} : memref<2000xi32, #tpu.memory_space<vmem>>, vector<16xi32>,
        %ge3A_534 = vector.broadcast %mul3A_2 : i32 to vector<16xi32>
        %ge3A_535 = arith.cmpi sge, %get3A_533, %ge3A_534 : vector<16xi32>
        %add3A_536 = arith.constant 10000 : i32
        %add3A_537 = arith.addi %mul3A_2, %add3A_536 : i32
        %lt3A_538 = vector.broadcast %add3A_537 : i32 to vector<16xi32>
        %lt3A_539 = arith.cmpi slt, %get3A_533, %lt3A_538 : vector<16xi32>
        %and3A_540 = arith.andi %ge3A_535, %lt3A_539 : vector<16xi1>
        %sub3A_541 = vector.broadcast %mul3A_2 : i32 to vector<16xi32>
        %sub3A_542 = arith.subi %get3A_533, %sub3A_541 : vector<16xi32>
        %jit3A_543 = arith.constant 0 : i32
        %jit3A_544 = arith.constant 9999 : i32
        %max3A_545 = vector.broadcast %jit3A_543 : i32 to vector<16xi32>
        %max3A_546 = arith.maxsi %max3A_545, %sub3A_542 : vector<16xi32>
        %min3A_547 = vector.broadcast %jit3A_544 : i32 to vector<16xi32>
        %min3A_548 = arith.minsi %min3A_547, %max3A_546 : vector<16xi32>
        %get3A_549 = arith.index_cast %multiple_of3A_531 : i32 to index
        %get3A_550 = tpu.vector_load %arg13[%get3A_549] {strides = array<i32>} : memref<2000xi32, #tpu.memory_space<vmem>>, vector<16xi32>,
        %sub3A_551 = vector.broadcast %mul3A_2 : i32 to vector<16xi32>
        %sub3A_552 = arith.subi %get3A_550, %sub3A_551 : vector<16xi32>
        %jit3A_553 = arith.constant 0 : i32
        %jit3A_554 = arith.constant 39999 : i32
        %max3A_555 = vector.broadcast %jit3A_553 : i32 to vector<16xi32>
        %max3A_556 = arith.maxsi %max3A_555, %sub3A_552 : vector<16xi32>
        %min3A_557 = vector.broadcast %jit3A_554 : i32 to vector<16xi32>
        %min3A_558 = arith.minsi %min3A_557, %max3A_556 : vector<16xi32>
        %mul3A_559 = arith.constant 16 : i32
        %mul3A_560 = arith.muli %add3A_528, %mul3A_559 : i32
        %add3A_561 = arith.addi %add3A_354, %mul3A_560 : i32
        %add3A_562 = arith.constant 1 : i32
        %add3A_563 = arith.addi %add3A_561, %add3A_562 : i32
        %convert_element_type3A_564 = arith.sitofp %add3A_563 : i32 to f32
        %add3A_565 = vector.broadcast %convert_element_type3A_564 : f32 to vector<16xf32>
        %add3A_566 = arith.addf %convert_element_type3A, %add3A_565 : vector<16xf32>
        tpu.vector_store_idx %arg10[%min3A_558], %add3A_566 masked %and3A_540 : memref<40000xf32, #tpu.memory_space<vmem>>[vector<16xi32>], vector<16xf32>, vector<16xi1>
      }
      %scan3A_360 = arith.constant 25 : i32
    }
    %scan3A_13 = arith.constant 7 : i32
    %dma_wait3A = arith.constant 0 : i32
    %dma_wait3A_14 = tpu.memref_slice %arg2[%dma_wait3A] : memref<30000xi32, #tpu.memory_space<hbm>> -> memref<2000xi32, #tpu.memory_space<hbm>>
    %dma_wait3A_15 = arith.constant 0 : i32
    %dma_wait3A_16 = tpu.memref_slice %arg2[%dma_wait3A_15] : memref<30000xi32, #tpu.memory_space<hbm>> -> memref<2000xi32, #tpu.memory_space<hbm>>
    tpu.wait_dma2 semaphore(%arg24 : memref<!tpu.dma_semaphore, #tpu.memory_space<semaphore_mem>>) src(%dma_wait3A_16 : memref<2000xi32, #tpu.memory_space<hbm>>) dst(%arg12 : memref<2000xi32, #tpu.memory_space<vmem>>)
    %dma_wait3A_17 = arith.constant 0 : i32
    %dma_wait3A_18 = tpu.memref_slice %arg3[%dma_wait3A_17] : memref<30000xi32, #tpu.memory_space<hbm>> -> memref<2000xi32, #tpu.memory_space<hbm>>
    %dma_wait3A_19 = arith.constant 0 : i32
    %dma_wait3A_20 = tpu.memref_slice %arg3[%dma_wait3A_19] : memref<30000xi32, #tpu.memory_space<hbm>> -> memref<2000xi32, #tpu.memory_space<hbm>>
    tpu.wait_dma2 semaphore(%arg24 : memref<!tpu.dma_semaphore, #tpu.memory_space<semaphore_mem>>) src(%dma_wait3A_20 : memref<2000xi32, #tpu.memory_space<hbm>>) dst(%arg14 : memref<2000xi32, #tpu.memory_space<vmem>>)
    %scan3A_21 = arith.constant 0 : i32
    %scan3A_22 = arith.constant 0 : i32
    %scan3A_23 = arith.constant 25 : i32
    %scan3A_24 = arith.addi %scan3A_22, %scan3A_23 : i32
    %scan3A_25 = arith.constant 1 : i32
    scf.for %scan3A_314 = %scan3A_22 to %scan3A_24 step %scan3A_25  : i32 {
      %mul3A_315 = arith.constant 5 : i32
      %mul3A_316 = arith.muli %scan3A_314, %mul3A_315 : i32
      %add3A_317 = arith.constant 0 : i32
      %add3A_318 = arith.addi %mul3A_316, %add3A_317 : i32
      %mul3A_319 = arith.constant 16 : i32
      %mul3A_320 = arith.muli %add3A_318, %mul3A_319 : i32
      %multiple_of3A_321 = tpu.assume_multiple %mul3A_320, 8 : i32
      %get3A = arith.index_cast %multiple_of3A_321 : i32 to index
      %get3A_322 = tpu.vector_load %arg14[%get3A] {strides = array<i32>} : memref<2000xi32, #tpu.memory_space<vmem>>, vector<16xi32>,
      %ge3A = vector.broadcast %mul3A_2 : i32 to vector<16xi32>
      %ge3A_323 = arith.cmpi sge, %get3A_322, %ge3A : vector<16xi32>
      %add3A_324 = arith.constant 10000 : i32
      %add3A_325 = arith.addi %mul3A_2, %add3A_324 : i32
      %lt3A = vector.broadcast %add3A_325 : i32 to vector<16xi32>
      %lt3A_326 = arith.cmpi slt, %get3A_322, %lt3A : vector<16xi32>
      %and3A_327 = arith.andi %ge3A_323, %lt3A_326 : vector<16xi1>
      %sub3A_328 = vector.broadcast %mul3A_2 : i32 to vector<16xi32>
      %sub3A_329 = arith.subi %get3A_322, %sub3A_328 : vector<16xi32>
      %jit3A_330 = arith.constant 0 : i32
      %jit3A_331 = arith.constant 9999 : i32
      %max3A = vector.broadcast %jit3A_330 : i32 to vector<16xi32>
      %max3A_332 = arith.maxsi %max3A, %sub3A_329 : vector<16xi32>
      %min3A = vector.broadcast %jit3A_331 : i32 to vector<16xi32>
      %min3A_333 = arith.minsi %min3A, %max3A_332 : vector<16xi32>
      %get3A_334 = arith.index_cast %multiple_of3A_321 : i32 to index
      %get3A_335 = tpu.vector_load %arg12[%get3A_334] {strides = array<i32>} : memref<2000xi32, #tpu.memory_space<vmem>>, vector<16xi32>,
      %sub3A_336 = vector.broadcast %mul3A_2 : i32 to vector<16xi32>
      %sub3A_337 = arith.subi %get3A_335, %sub3A_336 : vector<16xi32>
      %jit3A_338 = arith.constant 0 : i32
      %jit3A_339 = arith.constant 39999 : i32
      %max3A_340 = vector.broadcast %jit3A_338 : i32 to vector<16xi32>
      %max3A_341 = arith.maxsi %max3A_340, %sub3A_337 : vector<16xi32>
      %min3A_342 = vector.broadcast %jit3A_339 : i32 to vector<16xi32>
      %min3A_343 = arith.minsi %min3A_342, %max3A_341 : vector<16xi32>
      %mul3A_344 = arith.constant 16 : i32
      %mul3A_345 = arith.muli %add3A_318, %mul3A_344 : i32
      %add3A_346 = arith.constant 28000 : i32
      %add3A_347 = arith.addi %add3A_346, %mul3A_345 : i32
      %add3A_348 = arith.constant 1 : i32
      %add3A_349 = arith.addi %add3A_347, %add3A_348 : i32
      %convert_element_type3A_350 = arith.sitofp %add3A_349 : i32 to f32
      %add3A_351 = vector.broadcast %convert_element_type3A_350 : f32 to vector<16xf32>
      %add3A_352 = arith.addf %convert_element_type3A, %add3A_351 : vector<16xf32>
      tpu.vector_store_idx %arg10[%min3A_343], %add3A_352 masked %and3A_327 : memref<40000xf32, #tpu.memory_space<vmem>>[vector<16xi32>], vector<16xf32>, vector<16xi1>
      %mul3A_353 = arith.constant 5 : i32
      %mul3A_354 = arith.muli %scan3A_314, %mul3A_353 : i32
      %add3A_355 = arith.constant 1 : i32
      %add3A_356 = arith.addi %mul3A_354, %add3A_355 : i32
      %mul3A_357 = arith.constant 16 : i32
      %mul3A_358 = arith.muli %add3A_356, %mul3A_357 : i32
      %multiple_of3A_359 = tpu.assume_multiple %mul3A_358, 8 : i32
      %get3A_360 = arith.index_cast %multiple_of3A_359 : i32 to index
      %get3A_361 = tpu.vector_load %arg14[%get3A_360] {strides = array<i32>} : memref<2000xi32, #tpu.memory_space<vmem>>, vector<16xi32>,
      %ge3A_362 = vector.broadcast %mul3A_2 : i32 to vector<16xi32>
      %ge3A_363 = arith.cmpi sge, %get3A_361, %ge3A_362 : vector<16xi32>
      %add3A_364 = arith.constant 10000 : i32
      %add3A_365 = arith.addi %mul3A_2, %add3A_364 : i32
      %lt3A_366 = vector.broadcast %add3A_365 : i32 to vector<16xi32>
      %lt3A_367 = arith.cmpi slt, %get3A_361, %lt3A_366 : vector<16xi32>
      %and3A_368 = arith.andi %ge3A_363, %lt3A_367 : vector<16xi1>
      %sub3A_369 = vector.broadcast %mul3A_2 : i32 to vector<16xi32>
      %sub3A_370 = arith.subi %get3A_361, %sub3A_369 : vector<16xi32>
      %jit3A_371 = arith.constant 0 : i32
      %jit3A_372 = arith.constant 9999 : i32
      %max3A_373 = vector.broadcast %jit3A_371 : i32 to vector<16xi32>
      %max3A_374 = arith.maxsi %max3A_373, %sub3A_370 : vector<16xi32>
      %min3A_375 = vector.broadcast %jit3A_372 : i32 to vector<16xi32>
      %min3A_376 = arith.minsi %min3A_375, %max3A_374 : vector<16xi32>
      %get3A_377 = arith.index_cast %multiple_of3A_359 : i32 to index
      %get3A_378 = tpu.vector_load %arg12[%get3A_377] {strides = array<i32>} : memref<2000xi32, #tpu.memory_space<vmem>>, vector<16xi32>,
      %sub3A_379 = vector.broadcast %mul3A_2 : i32 to vector<16xi32>
      %sub3A_380 = arith.subi %get3A_378, %sub3A_379 : vector<16xi32>
      %jit3A_381 = arith.constant 0 : i32
      %jit3A_382 = arith.constant 39999 : i32
      %max3A_383 = vector.broadcast %jit3A_381 : i32 to vector<16xi32>
      %max3A_384 = arith.maxsi %max3A_383, %sub3A_380 : vector<16xi32>
      %min3A_385 = vector.broadcast %jit3A_382 : i32 to vector<16xi32>
      %min3A_386 = arith.minsi %min3A_385, %max3A_384 : vector<16xi32>
      %mul3A_387 = arith.constant 16 : i32
      %mul3A_388 = arith.muli %add3A_356, %mul3A_387 : i32
      %add3A_389 = arith.constant 28000 : i32
      %add3A_390 = arith.addi %add3A_389, %mul3A_388 : i32
      %add3A_391 = arith.constant 1 : i32
      %add3A_392 = arith.addi %add3A_390, %add3A_391 : i32
      %convert_element_type3A_393 = arith.sitofp %add3A_392 : i32 to f32
      %add3A_394 = vector.broadcast %convert_element_type3A_393 : f32 to vector<16xf32>
      %add3A_395 = arith.addf %convert_element_type3A, %add3A_394 : vector<16xf32>
      tpu.vector_store_idx %arg10[%min3A_386], %add3A_395 masked %and3A_368 : memref<40000xf32, #tpu.memory_space<vmem>>[vector<16xi32>], vector<16xf32>, vector<16xi1>
      %mul3A_396 = arith.constant 5 : i32
      %mul3A_397 = arith.muli %scan3A_314, %mul3A_396 : i32
      %add3A_398 = arith.constant 2 : i32
      %add3A_399 = arith.addi %mul3A_397, %add3A_398 : i32
      %mul3A_400 = arith.constant 16 : i32
      %mul3A_401 = arith.muli %add3A_399, %mul3A_400 : i32
      %multiple_of3A_402 = tpu.assume_multiple %mul3A_401, 8 : i32
      %get3A_403 = arith.index_cast %multiple_of3A_402 : i32 to index
      %get3A_404 = tpu.vector_load %arg14[%get3A_403] {strides = array<i32>} : memref<2000xi32, #tpu.memory_space<vmem>>, vector<16xi32>,
      %ge3A_405 = vector.broadcast %mul3A_2 : i32 to vector<16xi32>
      %ge3A_406 = arith.cmpi sge, %get3A_404, %ge3A_405 : vector<16xi32>
      %add3A_407 = arith.constant 10000 : i32
      %add3A_408 = arith.addi %mul3A_2, %add3A_407 : i32
      %lt3A_409 = vector.broadcast %add3A_408 : i32 to vector<16xi32>
      %lt3A_410 = arith.cmpi slt, %get3A_404, %lt3A_409 : vector<16xi32>
      %and3A_411 = arith.andi %ge3A_406, %lt3A_410 : vector<16xi1>
      %sub3A_412 = vector.broadcast %mul3A_2 : i32 to vector<16xi32>
      %sub3A_413 = arith.subi %get3A_404, %sub3A_412 : vector<16xi32>
      %jit3A_414 = arith.constant 0 : i32
      %jit3A_415 = arith.constant 9999 : i32
      %max3A_416 = vector.broadcast %jit3A_414 : i32 to vector<16xi32>
      %max3A_417 = arith.maxsi %max3A_416, %sub3A_413 : vector<16xi32>
      %min3A_418 = vector.broadcast %jit3A_415 : i32 to vector<16xi32>
      %min3A_419 = arith.minsi %min3A_418, %max3A_417 : vector<16xi32>
      %get3A_420 = arith.index_cast %multiple_of3A_402 : i32 to index
      %get3A_421 = tpu.vector_load %arg12[%get3A_420] {strides = array<i32>} : memref<2000xi32, #tpu.memory_space<vmem>>, vector<16xi32>,
      %sub3A_422 = vector.broadcast %mul3A_2 : i32 to vector<16xi32>
      %sub3A_423 = arith.subi %get3A_421, %sub3A_422 : vector<16xi32>
      %jit3A_424 = arith.constant 0 : i32
      %jit3A_425 = arith.constant 39999 : i32
      %max3A_426 = vector.broadcast %jit3A_424 : i32 to vector<16xi32>
      %max3A_427 = arith.maxsi %max3A_426, %sub3A_423 : vector<16xi32>
      %min3A_428 = vector.broadcast %jit3A_425 : i32 to vector<16xi32>
      %min3A_429 = arith.minsi %min3A_428, %max3A_427 : vector<16xi32>
      %mul3A_430 = arith.constant 16 : i32
      %mul3A_431 = arith.muli %add3A_399, %mul3A_430 : i32
      %add3A_432 = arith.constant 28000 : i32
      %add3A_433 = arith.addi %add3A_432, %mul3A_431 : i32
      %add3A_434 = arith.constant 1 : i32
      %add3A_435 = arith.addi %add3A_433, %add3A_434 : i32
      %convert_element_type3A_436 = arith.sitofp %add3A_435 : i32 to f32
      %add3A_437 = vector.broadcast %convert_element_type3A_436 : f32 to vector<16xf32>
      %add3A_438 = arith.addf %convert_element_type3A, %add3A_437 : vector<16xf32>
      tpu.vector_store_idx %arg10[%min3A_429], %add3A_438 masked %and3A_411 : memref<40000xf32, #tpu.memory_space<vmem>>[vector<16xi32>], vector<16xf32>, vector<16xi1>
      %mul3A_439 = arith.constant 5 : i32
      %mul3A_440 = arith.muli %scan3A_314, %mul3A_439 : i32
      %add3A_441 = arith.constant 3 : i32
      %add3A_442 = arith.addi %mul3A_440, %add3A_441 : i32
      %mul3A_443 = arith.constant 16 : i32
      %mul3A_444 = arith.muli %add3A_442, %mul3A_443 : i32
      %multiple_of3A_445 = tpu.assume_multiple %mul3A_444, 8 : i32
      %get3A_446 = arith.index_cast %multiple_of3A_445 : i32 to index
      %get3A_447 = tpu.vector_load %arg14[%get3A_446] {strides = array<i32>} : memref<2000xi32, #tpu.memory_space<vmem>>, vector<16xi32>,
      %ge3A_448 = vector.broadcast %mul3A_2 : i32 to vector<16xi32>
      %ge3A_449 = arith.cmpi sge, %get3A_447, %ge3A_448 : vector<16xi32>
      %add3A_450 = arith.constant 10000 : i32
      %add3A_451 = arith.addi %mul3A_2, %add3A_450 : i32
      %lt3A_452 = vector.broadcast %add3A_451 : i32 to vector<16xi32>
      %lt3A_453 = arith.cmpi slt, %get3A_447, %lt3A_452 : vector<16xi32>
      %and3A_454 = arith.andi %ge3A_449, %lt3A_453 : vector<16xi1>
      %sub3A_455 = vector.broadcast %mul3A_2 : i32 to vector<16xi32>
      %sub3A_456 = arith.subi %get3A_447, %sub3A_455 : vector<16xi32>
      %jit3A_457 = arith.constant 0 : i32
      %jit3A_458 = arith.constant 9999 : i32
      %max3A_459 = vector.broadcast %jit3A_457 : i32 to vector<16xi32>
      %max3A_460 = arith.maxsi %max3A_459, %sub3A_456 : vector<16xi32>
      %min3A_461 = vector.broadcast %jit3A_458 : i32 to vector<16xi32>
      %min3A_462 = arith.minsi %min3A_461, %max3A_460 : vector<16xi32>
      %get3A_463 = arith.index_cast %multiple_of3A_445 : i32 to index
      %get3A_464 = tpu.vector_load %arg12[%get3A_463] {strides = array<i32>} : memref<2000xi32, #tpu.memory_space<vmem>>, vector<16xi32>,
      %sub3A_465 = vector.broadcast %mul3A_2 : i32 to vector<16xi32>
      %sub3A_466 = arith.subi %get3A_464, %sub3A_465 : vector<16xi32>
      %jit3A_467 = arith.constant 0 : i32
      %jit3A_468 = arith.constant 39999 : i32
      %max3A_469 = vector.broadcast %jit3A_467 : i32 to vector<16xi32>
      %max3A_470 = arith.maxsi %max3A_469, %sub3A_466 : vector<16xi32>
      %min3A_471 = vector.broadcast %jit3A_468 : i32 to vector<16xi32>
      %min3A_472 = arith.minsi %min3A_471, %max3A_470 : vector<16xi32>
      %mul3A_473 = arith.constant 16 : i32
      %mul3A_474 = arith.muli %add3A_442, %mul3A_473 : i32
      %add3A_475 = arith.constant 28000 : i32
      %add3A_476 = arith.addi %add3A_475, %mul3A_474 : i32
      %add3A_477 = arith.constant 1 : i32
      %add3A_478 = arith.addi %add3A_476, %add3A_477 : i32
      %convert_element_type3A_479 = arith.sitofp %add3A_478 : i32 to f32
      %add3A_480 = vector.broadcast %convert_element_type3A_479 : f32 to vector<16xf32>
      %add3A_481 = arith.addf %convert_element_type3A, %add3A_480 : vector<16xf32>
      tpu.vector_store_idx %arg10[%min3A_472], %add3A_481 masked %and3A_454 : memref<40000xf32, #tpu.memory_space<vmem>>[vector<16xi32>], vector<16xf32>, vector<16xi1>
      %mul3A_482 = arith.constant 5 : i32
      %mul3A_483 = arith.muli %scan3A_314, %mul3A_482 : i32
      %add3A_484 = arith.constant 4 : i32
      %add3A_485 = arith.addi %mul3A_483, %add3A_484 : i32
      %mul3A_486 = arith.constant 16 : i32
      %mul3A_487 = arith.muli %add3A_485, %mul3A_486 : i32
      %multiple_of3A_488 = tpu.assume_multiple %mul3A_487, 8 : i32
      %get3A_489 = arith.index_cast %multiple_of3A_488 : i32 to index
      %get3A_490 = tpu.vector_load %arg14[%get3A_489] {strides = array<i32>} : memref<2000xi32, #tpu.memory_space<vmem>>, vector<16xi32>,
      %ge3A_491 = vector.broadcast %mul3A_2 : i32 to vector<16xi32>
      %ge3A_492 = arith.cmpi sge, %get3A_490, %ge3A_491 : vector<16xi32>
      %add3A_493 = arith.constant 10000 : i32
      %add3A_494 = arith.addi %mul3A_2, %add3A_493 : i32
      %lt3A_495 = vector.broadcast %add3A_494 : i32 to vector<16xi32>
      %lt3A_496 = arith.cmpi slt, %get3A_490, %lt3A_495 : vector<16xi32>
      %and3A_497 = arith.andi %ge3A_492, %lt3A_496 : vector<16xi1>
      %sub3A_498 = vector.broadcast %mul3A_2 : i32 to vector<16xi32>
      %sub3A_499 = arith.subi %get3A_490, %sub3A_498 : vector<16xi32>
      %jit3A_500 = arith.constant 0 : i32
      %jit3A_501 = arith.constant 9999 : i32
      %max3A_502 = vector.broadcast %jit3A_500 : i32 to vector<16xi32>
      %max3A_503 = arith.maxsi %max3A_502, %sub3A_499 : vector<16xi32>
      %min3A_504 = vector.broadcast %jit3A_501 : i32 to vector<16xi32>
      %min3A_505 = arith.minsi %min3A_504, %max3A_503 : vector<16xi32>
      %get3A_506 = arith.index_cast %multiple_of3A_488 : i32 to index
      %get3A_507 = tpu.vector_load %arg12[%get3A_506] {strides = array<i32>} : memref<2000xi32, #tpu.memory_space<vmem>>, vector<16xi32>,
      %sub3A_508 = vector.broadcast %mul3A_2 : i32 to vector<16xi32>
      %sub3A_509 = arith.subi %get3A_507, %sub3A_508 : vector<16xi32>
      %jit3A_510 = arith.constant 0 : i32
      %jit3A_511 = arith.constant 39999 : i32
      %max3A_512 = vector.broadcast %jit3A_510 : i32 to vector<16xi32>
      %max3A_513 = arith.maxsi %max3A_512, %sub3A_509 : vector<16xi32>
      %min3A_514 = vector.broadcast %jit3A_511 : i32 to vector<16xi32>
      %min3A_515 = arith.minsi %min3A_514, %max3A_513 : vector<16xi32>
      %mul3A_516 = arith.constant 16 : i32
      %mul3A_517 = arith.muli %add3A_485, %mul3A_516 : i32
      %add3A_518 = arith.constant 28000 : i32
      %add3A_519 = arith.addi %add3A_518, %mul3A_517 : i32
      %add3A_520 = arith.constant 1 : i32
      %add3A_521 = arith.addi %add3A_519, %add3A_520 : i32
      %convert_element_type3A_522 = arith.sitofp %add3A_521 : i32 to f32
      %add3A_523 = vector.broadcast %convert_element_type3A_522 : f32 to vector<16xf32>
      %add3A_524 = arith.addf %convert_element_type3A, %add3A_523 : vector<16xf32>
      tpu.vector_store_idx %arg10[%min3A_515], %add3A_524 masked %and3A_497 : memref<40000xf32, #tpu.memory_space<vmem>>[vector<16xi32>], vector<16xf32>, vector<16xi1>
    }
    %scan3A_26 = arith.constant 25 : i32
    %multiple_of3A_27 = arith.constant 0 : i32
    %multiple_of3A_28 = tpu.assume_multiple %multiple_of3A_27, 8 : i32
    %dma_start3A_29 = tpu.memref_slice %arg2[%multiple_of3A_28] : memref<30000xi32, #tpu.memory_space<hbm>> -> memref<2000xi32, #tpu.memory_space<hbm>>
    %dma_start3A_30 = tpu.memref_slice %arg2[%multiple_of3A_28] : memref<30000xi32, #tpu.memory_space<hbm>> -> memref<2000xi32, #tpu.memory_space<hbm>>
    tpu.enqueue_dma source(%dma_start3A_30 : memref<2000xi32, #tpu.memory_space<hbm>>) target(%arg12 : memref<2000xi32, #tpu.memory_space<vmem>>) target_semaphore(%arg24 : memref<!tpu.dma_semaphore, #tpu.memory_space<semaphore_mem>>)
    %dma_start3A_31 = tpu.memref_slice %arg3[%multiple_of3A_28] : memref<30000xi32, #tpu.memory_space<hbm>> -> memref<2000xi32, #tpu.memory_space<hbm>>
    %dma_start3A_32 = tpu.memref_slice %arg3[%multiple_of3A_28] : memref<30000xi32, #tpu.memory_space<hbm>> -> memref<2000xi32, #tpu.memory_space<hbm>>
    tpu.enqueue_dma source(%dma_start3A_32 : memref<2000xi32, #tpu.memory_space<hbm>>) target(%arg14 : memref<2000xi32, #tpu.memory_space<vmem>>) target_semaphore(%arg24 : memref<!tpu.dma_semaphore, #tpu.memory_space<semaphore_mem>>)
    %dma_start3A_33 = tpu.memref_slice %arg4[%multiple_of3A_28] : memref<30000xf32, #tpu.memory_space<hbm>> -> memref<2000xf32, #tpu.memory_space<hbm>>
    %dma_start3A_34 = tpu.memref_slice %arg4[%multiple_of3A_28] : memref<30000xf32, #tpu.memory_space<hbm>> -> memref<2000xf32, #tpu.memory_space<hbm>>
    tpu.enqueue_dma source(%dma_start3A_34 : memref<2000xf32, #tpu.memory_space<hbm>>) target(%arg16 : memref<2000xf32, #tpu.memory_space<vmem>>) target_semaphore(%arg24 : memref<!tpu.dma_semaphore, #tpu.memory_space<semaphore_mem>>)
    %dma_start3A_35 = tpu.memref_slice %arg5[%multiple_of3A_28] : memref<30000xf32, #tpu.memory_space<hbm>> -> memref<2000xf32, #tpu.memory_space<hbm>>
    %dma_start3A_36 = tpu.memref_slice %arg5[%multiple_of3A_28] : memref<30000xf32, #tpu.memory_space<hbm>> -> memref<2000xf32, #tpu.memory_space<hbm>>
    tpu.enqueue_dma source(%dma_start3A_36 : memref<2000xf32, #tpu.memory_space<hbm>>) target(%arg18 : memref<2000xf32, #tpu.memory_space<vmem>>) target_semaphore(%arg24 : memref<!tpu.dma_semaphore, #tpu.memory_space<semaphore_mem>>)
    %dma_start3A_37 = tpu.memref_slice %arg6[%multiple_of3A_28] : memref<30000xf32, #tpu.memory_space<hbm>> -> memref<2000xf32, #tpu.memory_space<hbm>>
    %dma_start3A_38 = tpu.memref_slice %arg6[%multiple_of3A_28] : memref<30000xf32, #tpu.memory_space<hbm>> -> memref<2000xf32, #tpu.memory_space<hbm>>
    tpu.enqueue_dma source(%dma_start3A_38 : memref<2000xf32, #tpu.memory_space<hbm>>) target(%arg20 : memref<2000xf32, #tpu.memory_space<vmem>>) target_semaphore(%arg24 : memref<!tpu.dma_semaphore, #tpu.memory_space<semaphore_mem>>)
    %dma_start3A_39 = tpu.memref_slice %arg7[%multiple_of3A_28] : memref<30000xf32, #tpu.memory_space<hbm>> -> memref<2000xf32, #tpu.memory_space<hbm>>
    %dma_start3A_40 = tpu.memref_slice %arg7[%multiple_of3A_28] : memref<30000xf32, #tpu.memory_space<hbm>> -> memref<2000xf32, #tpu.memory_space<hbm>>
    tpu.enqueue_dma source(%dma_start3A_40 : memref<2000xf32, #tpu.memory_space<hbm>>) target(%arg22 : memref<2000xf32, #tpu.memory_space<vmem>>) target_semaphore(%arg24 : memref<!tpu.dma_semaphore, #tpu.memory_space<semaphore_mem>>)
    %scan3A_41 = arith.constant 0 : i32
    %scan3A_42 = arith.constant 0 : i32
    %scan3A_43 = arith.constant 7 : i32
    %scan3A_44 = arith.addi %scan3A_42, %scan3A_43 : i32
    %scan3A_45 = arith.constant 1 : i32
    scf.for %scan3A_314 = %scan3A_42 to %scan3A_44 step %scan3A_45  : i32 {
      %mul3A_315 = arith.constant 4000 : i32
      %mul3A_316 = arith.muli %scan3A_314, %mul3A_315 : i32
      %dma_wait3A_317 = arith.constant 0 : i32
      %dma_wait3A_318 = tpu.memref_slice %arg2[%dma_wait3A_317] : memref<30000xi32, #tpu.memory_space<hbm>> -> memref<2000xi32, #tpu.memory_space<hbm>>
      %dma_wait3A_319 = arith.constant 0 : i32
      %dma_wait3A_320 = tpu.memref_slice %arg2[%dma_wait3A_319] : memref<30000xi32, #tpu.memory_space<hbm>> -> memref<2000xi32, #tpu.memory_space<hbm>>
      tpu.wait_dma2 semaphore(%arg24 : memref<!tpu.dma_semaphore, #tpu.memory_space<semaphore_mem>>) src(%dma_wait3A_320 : memref<2000xi32, #tpu.memory_space<hbm>>) dst(%arg12 : memref<2000xi32, #tpu.memory_space<vmem>>)
      %dma_wait3A_321 = arith.constant 0 : i32
      %dma_wait3A_322 = tpu.memref_slice %arg3[%dma_wait3A_321] : memref<30000xi32, #tpu.memory_space<hbm>> -> memref<2000xi32, #tpu.memory_space<hbm>>
      %dma_wait3A_323 = arith.constant 0 : i32
      %dma_wait3A_324 = tpu.memref_slice %arg3[%dma_wait3A_323] : memref<30000xi32, #tpu.memory_space<hbm>> -> memref<2000xi32, #tpu.memory_space<hbm>>
      tpu.wait_dma2 semaphore(%arg24 : memref<!tpu.dma_semaphore, #tpu.memory_space<semaphore_mem>>) src(%dma_wait3A_324 : memref<2000xi32, #tpu.memory_space<hbm>>) dst(%arg14 : memref<2000xi32, #tpu.memory_space<vmem>>)
      %dma_wait3A_325 = arith.constant 0 : i32
      %dma_wait3A_326 = tpu.memref_slice %arg4[%dma_wait3A_325] : memref<30000xf32, #tpu.memory_space<hbm>> -> memref<2000xf32, #tpu.memory_space<hbm>>
      %dma_wait3A_327 = arith.constant 0 : i32
      %dma_wait3A_328 = tpu.memref_slice %arg4[%dma_wait3A_327] : memref<30000xf32, #tpu.memory_space<hbm>> -> memref<2000xf32, #tpu.memory_space<hbm>>
      tpu.wait_dma2 semaphore(%arg24 : memref<!tpu.dma_semaphore, #tpu.memory_space<semaphore_mem>>) src(%dma_wait3A_328 : memref<2000xf32, #tpu.memory_space<hbm>>) dst(%arg16 : memref<2000xf32, #tpu.memory_space<vmem>>)
      %dma_wait3A_329 = arith.constant 0 : i32
      %dma_wait3A_330 = tpu.memref_slice %arg5[%dma_wait3A_329] : memref<30000xf32, #tpu.memory_space<hbm>> -> memref<2000xf32, #tpu.memory_space<hbm>>
      %dma_wait3A_331 = arith.constant 0 : i32
      %dma_wait3A_332 = tpu.memref_slice %arg5[%dma_wait3A_331] : memref<30000xf32, #tpu.memory_space<hbm>> -> memref<2000xf32, #tpu.memory_space<hbm>>
      tpu.wait_dma2 semaphore(%arg24 : memref<!tpu.dma_semaphore, #tpu.memory_space<semaphore_mem>>) src(%dma_wait3A_332 : memref<2000xf32, #tpu.memory_space<hbm>>) dst(%arg18 : memref<2000xf32, #tpu.memory_space<vmem>>)
      %dma_wait3A_333 = arith.constant 0 : i32
      %dma_wait3A_334 = tpu.memref_slice %arg6[%dma_wait3A_333] : memref<30000xf32, #tpu.memory_space<hbm>> -> memref<2000xf32, #tpu.memory_space<hbm>>
      %dma_wait3A_335 = arith.constant 0 : i32
      %dma_wait3A_336 = tpu.memref_slice %arg6[%dma_wait3A_335] : memref<30000xf32, #tpu.memory_space<hbm>> -> memref<2000xf32, #tpu.memory_space<hbm>>
      tpu.wait_dma2 semaphore(%arg24 : memref<!tpu.dma_semaphore, #tpu.memory_space<semaphore_mem>>) src(%dma_wait3A_336 : memref<2000xf32, #tpu.memory_space<hbm>>) dst(%arg20 : memref<2000xf32, #tpu.memory_space<vmem>>)
      %dma_wait3A_337 = arith.constant 0 : i32
      %dma_wait3A_338 = tpu.memref_slice %arg7[%dma_wait3A_337] : memref<30000xf32, #tpu.memory_space<hbm>> -> memref<2000xf32, #tpu.memory_space<hbm>>
      %dma_wait3A_339 = arith.constant 0 : i32
      %dma_wait3A_340 = tpu.memref_slice %arg7[%dma_wait3A_339] : memref<30000xf32, #tpu.memory_space<hbm>> -> memref<2000xf32, #tpu.memory_space<hbm>>
      tpu.wait_dma2 semaphore(%arg24 : memref<!tpu.dma_semaphore, #tpu.memory_space<semaphore_mem>>) src(%dma_wait3A_340 : memref<2000xf32, #tpu.memory_space<hbm>>) dst(%arg22 : memref<2000xf32, #tpu.memory_space<vmem>>)
      %add3A_341 = arith.constant 2000 : i32
      %add3A_342 = arith.addi %mul3A_316, %add3A_341 : i32
      %multiple_of3A_343 = tpu.assume_multiple %add3A_342, 8 : i32
      %dma_start3A_344 = tpu.memref_slice %arg2[%multiple_of3A_343] : memref<30000xi32, #tpu.memory_space<hbm>> -> memref<2000xi32, #tpu.memory_space<hbm>>
      %dma_start3A_345 = tpu.memref_slice %arg2[%multiple_of3A_343] : memref<30000xi32, #tpu.memory_space<hbm>> -> memref<2000xi32, #tpu.memory_space<hbm>>
      tpu.enqueue_dma source(%dma_start3A_345 : memref<2000xi32, #tpu.memory_space<hbm>>) target(%arg13 : memref<2000xi32, #tpu.memory_space<vmem>>) target_semaphore(%arg25 : memref<!tpu.dma_semaphore, #tpu.memory_space<semaphore_mem>>)
      %dma_start3A_346 = tpu.memref_slice %arg3[%multiple_of3A_343] : memref<30000xi32, #tpu.memory_space<hbm>> -> memref<2000xi32, #tpu.memory_space<hbm>>
      %dma_start3A_347 = tpu.memref_slice %arg3[%multiple_of3A_343] : memref<30000xi32, #tpu.memory_space<hbm>> -> memref<2000xi32, #tpu.memory_space<hbm>>
      tpu.enqueue_dma source(%dma_start3A_347 : memref<2000xi32, #tpu.memory_space<hbm>>) target(%arg15 : memref<2000xi32, #tpu.memory_space<vmem>>) target_semaphore(%arg25 : memref<!tpu.dma_semaphore, #tpu.memory_space<semaphore_mem>>)
      %dma_start3A_348 = tpu.memref_slice %arg4[%multiple_of3A_343] : memref<30000xf32, #tpu.memory_space<hbm>> -> memref<2000xf32, #tpu.memory_space<hbm>>
      %dma_start3A_349 = tpu.memref_slice %arg4[%multiple_of3A_343] : memref<30000xf32, #tpu.memory_space<hbm>> -> memref<2000xf32, #tpu.memory_space<hbm>>
      tpu.enqueue_dma source(%dma_start3A_349 : memref<2000xf32, #tpu.memory_space<hbm>>) target(%arg17 : memref<2000xf32, #tpu.memory_space<vmem>>) target_semaphore(%arg25 : memref<!tpu.dma_semaphore, #tpu.memory_space<semaphore_mem>>)
      %dma_start3A_350 = tpu.memref_slice %arg5[%multiple_of3A_343] : memref<30000xf32, #tpu.memory_space<hbm>> -> memref<2000xf32, #tpu.memory_space<hbm>>
      %dma_start3A_351 = tpu.memref_slice %arg5[%multiple_of3A_343] : memref<30000xf32, #tpu.memory_space<hbm>> -> memref<2000xf32, #tpu.memory_space<hbm>>
      tpu.enqueue_dma source(%dma_start3A_351 : memref<2000xf32, #tpu.memory_space<hbm>>) target(%arg19 : memref<2000xf32, #tpu.memory_space<vmem>>) target_semaphore(%arg25 : memref<!tpu.dma_semaphore, #tpu.memory_space<semaphore_mem>>)
      %dma_start3A_352 = tpu.memref_slice %arg6[%multiple_of3A_343] : memref<30000xf32, #tpu.memory_space<hbm>> -> memref<2000xf32, #tpu.memory_space<hbm>>
      %dma_start3A_353 = tpu.memref_slice %arg6[%multiple_of3A_343] : memref<30000xf32, #tpu.memory_space<hbm>> -> memref<2000xf32, #tpu.memory_space<hbm>>
      tpu.enqueue_dma source(%dma_start3A_353 : memref<2000xf32, #tpu.memory_space<hbm>>) target(%arg21 : memref<2000xf32, #tpu.memory_space<vmem>>) target_semaphore(%arg25 : memref<!tpu.dma_semaphore, #tpu.memory_space<semaphore_mem>>)
      %dma_start3A_354 = tpu.memref_slice %arg7[%multiple_of3A_343] : memref<30000xf32, #tpu.memory_space<hbm>> -> memref<2000xf32, #tpu.memory_space<hbm>>
      %dma_start3A_355 = tpu.memref_slice %arg7[%multiple_of3A_343] : memref<30000xf32, #tpu.memory_space<hbm>> -> memref<2000xf32, #tpu.memory_space<hbm>>
      tpu.enqueue_dma source(%dma_start3A_355 : memref<2000xf32, #tpu.memory_space<hbm>>) target(%arg23 : memref<2000xf32, #tpu.memory_space<vmem>>) target_semaphore(%arg25 : memref<!tpu.dma_semaphore, #tpu.memory_space<semaphore_mem>>)
      %parallel_loop3A_356 = arith.constant 0 : i32
      %parallel_loop3A_357 = arith.constant 25 : i32
      %parallel_loop3A_358 = arith.constant 1 : i32
      scf.for %parallel_loop3A_403 = %parallel_loop3A_356 to %parallel_loop3A_357 step %parallel_loop3A_358  : i32 {
        %parallel_loop3A_404 = arith.constant 5 : i32
        %parallel_loop3A_405 = arith.muli %parallel_loop3A_403, %parallel_loop3A_404 : i32
        %parallel_loop3A_406 = arith.constant 0 : i32
        %parallel_loop3A_407 = arith.addi %parallel_loop3A_405, %parallel_loop3A_406 : i32
        %parallel_loop3A_408 = arith.constant 16 : i32
        %parallel_loop3A_409 = arith.muli %parallel_loop3A_407, %parallel_loop3A_408 : i32
        %parallel_loop3A_410 = tpu.assume_multiple %parallel_loop3A_409, 8 : i32
        %parallel_loop3A_411 = arith.index_cast %parallel_loop3A_410 : i32 to index
        %parallel_loop3A_412 = tpu.vector_load %arg14[%parallel_loop3A_411] {strides = array<i32>} : memref<2000xi32, #tpu.memory_space<vmem>>, vector<16xi32>,
        %parallel_loop3A_413 = vector.broadcast %mul3A_2 : i32 to vector<16xi32>
        %parallel_loop3A_414 = arith.cmpi sge, %parallel_loop3A_412, %parallel_loop3A_413 : vector<16xi32>
        %parallel_loop3A_415 = arith.constant 10000 : i32
        %parallel_loop3A_416 = arith.addi %mul3A_2, %parallel_loop3A_415 : i32
        %parallel_loop3A_417 = vector.broadcast %parallel_loop3A_416 : i32 to vector<16xi32>
        %parallel_loop3A_418 = arith.cmpi slt, %parallel_loop3A_412, %parallel_loop3A_417 : vector<16xi32>
        %parallel_loop3A_419 = arith.andi %parallel_loop3A_414, %parallel_loop3A_418 : vector<16xi1>
        %parallel_loop3A_420 = vector.broadcast %mul3A_2 : i32 to vector<16xi32>
        %parallel_loop3A_421 = arith.subi %parallel_loop3A_412, %parallel_loop3A_420 : vector<16xi32>
        %parallel_loop3A_422 = arith.constant 0 : i32
        %parallel_loop3A_423 = arith.constant 9999 : i32
        %parallel_loop3A_424 = vector.broadcast %parallel_loop3A_422 : i32 to vector<16xi32>
        %parallel_loop3A_425 = arith.maxsi %parallel_loop3A_424, %parallel_loop3A_421 : vector<16xi32>
        %parallel_loop3A_426 = vector.broadcast %parallel_loop3A_423 : i32 to vector<16xi32>
        %parallel_loop3A_427 = arith.minsi %parallel_loop3A_426, %parallel_loop3A_425 : vector<16xi32>
        %parallel_loop3A_428 = arith.index_cast %parallel_loop3A_410 : i32 to index
        %parallel_loop3A_429 = tpu.vector_load %arg12[%parallel_loop3A_428] {strides = array<i32>} : memref<2000xi32, #tpu.memory_space<vmem>>, vector<16xi32>,
        %parallel_loop3A_430 = vector.broadcast %mul3A_2 : i32 to vector<16xi32>
        %parallel_loop3A_431 = arith.subi %parallel_loop3A_429, %parallel_loop3A_430 : vector<16xi32>
        %parallel_loop3A_432 = arith.constant 0 : i32
        %parallel_loop3A_433 = arith.constant 39999 : i32
        %parallel_loop3A_434 = vector.broadcast %parallel_loop3A_432 : i32 to vector<16xi32>
        %parallel_loop3A_435 = arith.maxsi %parallel_loop3A_434, %parallel_loop3A_431 : vector<16xi32>
        %parallel_loop3A_436 = vector.broadcast %parallel_loop3A_433 : i32 to vector<16xi32>
        %parallel_loop3A_437 = arith.minsi %parallel_loop3A_436, %parallel_loop3A_435 : vector<16xi32>
        %parallel_loop3A_438 = arith.constant 16 : i32
        %parallel_loop3A_439 = arith.muli %parallel_loop3A_407, %parallel_loop3A_438 : i32
        %parallel_loop3A_440 = arith.addi %mul3A_316, %parallel_loop3A_439 : i32
        %parallel_loop3A_441 = arith.constant 1 : i32
        %parallel_loop3A_442 = arith.addi %parallel_loop3A_440, %parallel_loop3A_441 : i32
        %parallel_loop3A_443 = arith.sitofp %parallel_loop3A_442 : i32 to f32
        %parallel_loop3A_444 = vector.broadcast %parallel_loop3A_443 : f32 to vector<16xf32>
        %parallel_loop3A_445 = arith.addf %convert_element_type3A, %parallel_loop3A_444 : vector<16xf32>
        %parallel_loop3A_446 = tpu.vector_load_idx %arg10[%parallel_loop3A_437] masked %parallel_loop3A_419 : memref<40000xf32, #tpu.memory_space<vmem>>[vector<16xi32>], vector<16xf32>, vector<16xi1>
        %parallel_loop3A_447 = arith.cmpf oeq, %parallel_loop3A_446, %parallel_loop3A_445 : vector<16xf32>
        %parallel_loop3A_448 = arith.andi %parallel_loop3A_419, %parallel_loop3A_447 : vector<16xi1>
        %parallel_loop3A_449 = arith.index_cast %parallel_loop3A_410 : i32 to index
        %parallel_loop3A_450 = tpu.vector_load %arg16[%parallel_loop3A_449] {strides = array<i32>} : memref<2000xf32, #tpu.memory_space<vmem>>, vector<16xf32>,
        tpu.vector_store_idx %arg11[%parallel_loop3A_427], %parallel_loop3A_450 masked %parallel_loop3A_448 {add = true} : memref<40000xf32, #tpu.memory_space<vmem>>[vector<16xi32>], vector<16xf32>, vector<16xi1>
        %parallel_loop3A_451 = arith.constant 10000 : i32
        %parallel_loop3A_452 = vector.broadcast %parallel_loop3A_451 : i32 to vector<16xi32>
        %parallel_loop3A_453 = arith.addi %parallel_loop3A_427, %parallel_loop3A_452 : vector<16xi32>
        %parallel_loop3A_454 = arith.index_cast %parallel_loop3A_410 : i32 to index
        %parallel_loop3A_455 = tpu.vector_load %arg18[%parallel_loop3A_454] {strides = array<i32>} : memref<2000xf32, #tpu.memory_space<vmem>>, vector<16xf32>,
        tpu.vector_store_idx %arg11[%parallel_loop3A_453], %parallel_loop3A_455 masked %parallel_loop3A_448 {add = true} : memref<40000xf32, #tpu.memory_space<vmem>>[vector<16xi32>], vector<16xf32>, vector<16xi1>
        %parallel_loop3A_456 = arith.constant 20000 : i32
        %parallel_loop3A_457 = vector.broadcast %parallel_loop3A_456 : i32 to vector<16xi32>
        %parallel_loop3A_458 = arith.addi %parallel_loop3A_427, %parallel_loop3A_457 : vector<16xi32>
        %parallel_loop3A_459 = arith.index_cast %parallel_loop3A_410 : i32 to index
        %parallel_loop3A_460 = tpu.vector_load %arg20[%parallel_loop3A_459] {strides = array<i32>} : memref<2000xf32, #tpu.memory_space<vmem>>, vector<16xf32>,
        tpu.vector_store_idx %arg11[%parallel_loop3A_458], %parallel_loop3A_460 masked %parallel_loop3A_448 {add = true} : memref<40000xf32, #tpu.memory_space<vmem>>[vector<16xi32>], vector<16xf32>, vector<16xi1>
        %parallel_loop3A_461 = arith.constant 30000 : i32
        %parallel_loop3A_462 = vector.broadcast %parallel_loop3A_461 : i32 to vector<16xi32>
        %parallel_loop3A_463 = arith.addi %parallel_loop3A_427, %parallel_loop3A_462 : vector<16xi32>
        %parallel_loop3A_464 = arith.index_cast %parallel_loop3A_410 : i32 to index
        %parallel_loop3A_465 = tpu.vector_load %arg22[%parallel_loop3A_464] {strides = array<i32>} : memref<2000xf32, #tpu.memory_space<vmem>>, vector<16xf32>,
        tpu.vector_store_idx %arg11[%parallel_loop3A_463], %parallel_loop3A_465 masked %parallel_loop3A_448 {add = true} : memref<40000xf32, #tpu.memory_space<vmem>>[vector<16xi32>], vector<16xf32>, vector<16xi1>
        %parallel_loop3A_466 = arith.constant 5 : i32
        %parallel_loop3A_467 = arith.muli %parallel_loop3A_403, %parallel_loop3A_466 : i32
        %parallel_loop3A_468 = arith.constant 1 : i32
        %parallel_loop3A_469 = arith.addi %parallel_loop3A_467, %parallel_loop3A_468 : i32
        %parallel_loop3A_470 = arith.constant 16 : i32
        %parallel_loop3A_471 = arith.muli %parallel_loop3A_469, %parallel_loop3A_470 : i32
        %parallel_loop3A_472 = tpu.assume_multiple %parallel_loop3A_471, 8 : i32
        %parallel_loop3A_473 = arith.index_cast %parallel_loop3A_472 : i32 to index
        %parallel_loop3A_474 = tpu.vector_load %arg14[%parallel_loop3A_473] {strides = array<i32>} : memref<2000xi32, #tpu.memory_space<vmem>>, vector<16xi32>,
        %parallel_loop3A_475 = vector.broadcast %mul3A_2 : i32 to vector<16xi32>
        %parallel_loop3A_476 = arith.cmpi sge, %parallel_loop3A_474, %parallel_loop3A_475 : vector<16xi32>
        %parallel_loop3A_477 = arith.constant 10000 : i32
        %parallel_loop3A_478 = arith.addi %mul3A_2, %parallel_loop3A_477 : i32
        %parallel_loop3A_479 = vector.broadcast %parallel_loop3A_478 : i32 to vector<16xi32>
        %parallel_loop3A_480 = arith.cmpi slt, %parallel_loop3A_474, %parallel_loop3A_479 : vector<16xi32>
        %parallel_loop3A_481 = arith.andi %parallel_loop3A_476, %parallel_loop3A_480 : vector<16xi1>
        %parallel_loop3A_482 = vector.broadcast %mul3A_2 : i32 to vector<16xi32>
        %parallel_loop3A_483 = arith.subi %parallel_loop3A_474, %parallel_loop3A_482 : vector<16xi32>
        %parallel_loop3A_484 = arith.constant 0 : i32
        %parallel_loop3A_485 = arith.constant 9999 : i32
        %parallel_loop3A_486 = vector.broadcast %parallel_loop3A_484 : i32 to vector<16xi32>
        %parallel_loop3A_487 = arith.maxsi %parallel_loop3A_486, %parallel_loop3A_483 : vector<16xi32>
        %parallel_loop3A_488 = vector.broadcast %parallel_loop3A_485 : i32 to vector<16xi32>
        %parallel_loop3A_489 = arith.minsi %parallel_loop3A_488, %parallel_loop3A_487 : vector<16xi32>
        %parallel_loop3A_490 = arith.index_cast %parallel_loop3A_472 : i32 to index
        %parallel_loop3A_491 = tpu.vector_load %arg12[%parallel_loop3A_490] {strides = array<i32>} : memref<2000xi32, #tpu.memory_space<vmem>>, vector<16xi32>,
        %parallel_loop3A_492 = vector.broadcast %mul3A_2 : i32 to vector<16xi32>
        %parallel_loop3A_493 = arith.subi %parallel_loop3A_491, %parallel_loop3A_492 : vector<16xi32>
        %parallel_loop3A_494 = arith.constant 0 : i32
        %parallel_loop3A_495 = arith.constant 39999 : i32
        %parallel_loop3A_496 = vector.broadcast %parallel_loop3A_494 : i32 to vector<16xi32>
        %parallel_loop3A_497 = arith.maxsi %parallel_loop3A_496, %parallel_loop3A_493 : vector<16xi32>
        %parallel_loop3A_498 = vector.broadcast %parallel_loop3A_495 : i32 to vector<16xi32>
        %parallel_loop3A_499 = arith.minsi %parallel_loop3A_498, %parallel_loop3A_497 : vector<16xi32>
        %parallel_loop3A_500 = arith.constant 16 : i32
        %parallel_loop3A_501 = arith.muli %parallel_loop3A_469, %parallel_loop3A_500 : i32
        %parallel_loop3A_502 = arith.addi %mul3A_316, %parallel_loop3A_501 : i32
        %parallel_loop3A_503 = arith.constant 1 : i32
        %parallel_loop3A_504 = arith.addi %parallel_loop3A_502, %parallel_loop3A_503 : i32
        %parallel_loop3A_505 = arith.sitofp %parallel_loop3A_504 : i32 to f32
        %parallel_loop3A_506 = vector.broadcast %parallel_loop3A_505 : f32 to vector<16xf32>
        %parallel_loop3A_507 = arith.addf %convert_element_type3A, %parallel_loop3A_506 : vector<16xf32>
        %parallel_loop3A_508 = tpu.vector_load_idx %arg10[%parallel_loop3A_499] masked %parallel_loop3A_481 : memref<40000xf32, #tpu.memory_space<vmem>>[vector<16xi32>], vector<16xf32>, vector<16xi1>
        %parallel_loop3A_509 = arith.cmpf oeq, %parallel_loop3A_508, %parallel_loop3A_507 : vector<16xf32>
        %parallel_loop3A_510 = arith.andi %parallel_loop3A_481, %parallel_loop3A_509 : vector<16xi1>
        %parallel_loop3A_511 = arith.index_cast %parallel_loop3A_472 : i32 to index
        %parallel_loop3A_512 = tpu.vector_load %arg16[%parallel_loop3A_511] {strides = array<i32>} : memref<2000xf32, #tpu.memory_space<vmem>>, vector<16xf32>,
        tpu.vector_store_idx %arg11[%parallel_loop3A_489], %parallel_loop3A_512 masked %parallel_loop3A_510 {add = true} : memref<40000xf32, #tpu.memory_space<vmem>>[vector<16xi32>], vector<16xf32>, vector<16xi1>
        %parallel_loop3A_513 = arith.constant 10000 : i32
        %parallel_loop3A_514 = vector.broadcast %parallel_loop3A_513 : i32 to vector<16xi32>
        %parallel_loop3A_515 = arith.addi %parallel_loop3A_489, %parallel_loop3A_514 : vector<16xi32>
        %parallel_loop3A_516 = arith.index_cast %parallel_loop3A_472 : i32 to index
        %parallel_loop3A_517 = tpu.vector_load %arg18[%parallel_loop3A_516] {strides = array<i32>} : memref<2000xf32, #tpu.memory_space<vmem>>, vector<16xf32>,
        tpu.vector_store_idx %arg11[%parallel_loop3A_515], %parallel_loop3A_517 masked %parallel_loop3A_510 {add = true} : memref<40000xf32, #tpu.memory_space<vmem>>[vector<16xi32>], vector<16xf32>, vector<16xi1>
        %parallel_loop3A_518 = arith.constant 20000 : i32
        %parallel_loop3A_519 = vector.broadcast %parallel_loop3A_518 : i32 to vector<16xi32>
        %parallel_loop3A_520 = arith.addi %parallel_loop3A_489, %parallel_loop3A_519 : vector<16xi32>
        %parallel_loop3A_521 = arith.index_cast %parallel_loop3A_472 : i32 to index
        %parallel_loop3A_522 = tpu.vector_load %arg20[%parallel_loop3A_521] {strides = array<i32>} : memref<2000xf32, #tpu.memory_space<vmem>>, vector<16xf32>,
        tpu.vector_store_idx %arg11[%parallel_loop3A_520], %parallel_loop3A_522 masked %parallel_loop3A_510 {add = true} : memref<40000xf32, #tpu.memory_space<vmem>>[vector<16xi32>], vector<16xf32>, vector<16xi1>
        %parallel_loop3A_523 = arith.constant 30000 : i32
        %parallel_loop3A_524 = vector.broadcast %parallel_loop3A_523 : i32 to vector<16xi32>
        %parallel_loop3A_525 = arith.addi %parallel_loop3A_489, %parallel_loop3A_524 : vector<16xi32>
        %parallel_loop3A_526 = arith.index_cast %parallel_loop3A_472 : i32 to index
        %parallel_loop3A_527 = tpu.vector_load %arg22[%parallel_loop3A_526] {strides = array<i32>} : memref<2000xf32, #tpu.memory_space<vmem>>, vector<16xf32>,
        tpu.vector_store_idx %arg11[%parallel_loop3A_525], %parallel_loop3A_527 masked %parallel_loop3A_510 {add = true} : memref<40000xf32, #tpu.memory_space<vmem>>[vector<16xi32>], vector<16xf32>, vector<16xi1>
        %parallel_loop3A_528 = arith.constant 5 : i32
        %parallel_loop3A_529 = arith.muli %parallel_loop3A_403, %parallel_loop3A_528 : i32
        %parallel_loop3A_530 = arith.constant 2 : i32
        %parallel_loop3A_531 = arith.addi %parallel_loop3A_529, %parallel_loop3A_530 : i32
        %parallel_loop3A_532 = arith.constant 16 : i32
        %parallel_loop3A_533 = arith.muli %parallel_loop3A_531, %parallel_loop3A_532 : i32
        %parallel_loop3A_534 = tpu.assume_multiple %parallel_loop3A_533, 8 : i32
        %parallel_loop3A_535 = arith.index_cast %parallel_loop3A_534 : i32 to index
        %parallel_loop3A_536 = tpu.vector_load %arg14[%parallel_loop3A_535] {strides = array<i32>} : memref<2000xi32, #tpu.memory_space<vmem>>, vector<16xi32>,
        %parallel_loop3A_537 = vector.broadcast %mul3A_2 : i32 to vector<16xi32>
        %parallel_loop3A_538 = arith.cmpi sge, %parallel_loop3A_536, %parallel_loop3A_537 : vector<16xi32>
        %parallel_loop3A_539 = arith.constant 10000 : i32
        %parallel_loop3A_540 = arith.addi %mul3A_2, %parallel_loop3A_539 : i32
        %parallel_loop3A_541 = vector.broadcast %parallel_loop3A_540 : i32 to vector<16xi32>
        %parallel_loop3A_542 = arith.cmpi slt, %parallel_loop3A_536, %parallel_loop3A_541 : vector<16xi32>
        %parallel_loop3A_543 = arith.andi %parallel_loop3A_538, %parallel_loop3A_542 : vector<16xi1>
        %parallel_loop3A_544 = vector.broadcast %mul3A_2 : i32 to vector<16xi32>
        %parallel_loop3A_545 = arith.subi %parallel_loop3A_536, %parallel_loop3A_544 : vector<16xi32>
        %parallel_loop3A_546 = arith.constant 0 : i32
        %parallel_loop3A_547 = arith.constant 9999 : i32
        %parallel_loop3A_548 = vector.broadcast %parallel_loop3A_546 : i32 to vector<16xi32>
        %parallel_loop3A_549 = arith.maxsi %parallel_loop3A_548, %parallel_loop3A_545 : vector<16xi32>
        %parallel_loop3A_550 = vector.broadcast %parallel_loop3A_547 : i32 to vector<16xi32>
        %parallel_loop3A_551 = arith.minsi %parallel_loop3A_550, %parallel_loop3A_549 : vector<16xi32>
        %parallel_loop3A_552 = arith.index_cast %parallel_loop3A_534 : i32 to index
        %parallel_loop3A_553 = tpu.vector_load %arg12[%parallel_loop3A_552] {strides = array<i32>} : memref<2000xi32, #tpu.memory_space<vmem>>, vector<16xi32>,
        %parallel_loop3A_554 = vector.broadcast %mul3A_2 : i32 to vector<16xi32>
        %parallel_loop3A_555 = arith.subi %parallel_loop3A_553, %parallel_loop3A_554 : vector<16xi32>
        %parallel_loop3A_556 = arith.constant 0 : i32
        %parallel_loop3A_557 = arith.constant 39999 : i32
        %parallel_loop3A_558 = vector.broadcast %parallel_loop3A_556 : i32 to vector<16xi32>
        %parallel_loop3A_559 = arith.maxsi %parallel_loop3A_558, %parallel_loop3A_555 : vector<16xi32>
        %parallel_loop3A_560 = vector.broadcast %parallel_loop3A_557 : i32 to vector<16xi32>
        %parallel_loop3A_561 = arith.minsi %parallel_loop3A_560, %parallel_loop3A_559 : vector<16xi32>
        %parallel_loop3A_562 = arith.constant 16 : i32
        %parallel_loop3A_563 = arith.muli %parallel_loop3A_531, %parallel_loop3A_562 : i32
        %parallel_loop3A_564 = arith.addi %mul3A_316, %parallel_loop3A_563 : i32
        %parallel_loop3A_565 = arith.constant 1 : i32
        %parallel_loop3A_566 = arith.addi %parallel_loop3A_564, %parallel_loop3A_565 : i32
        %parallel_loop3A_567 = arith.sitofp %parallel_loop3A_566 : i32 to f32
        %parallel_loop3A_568 = vector.broadcast %parallel_loop3A_567 : f32 to vector<16xf32>
        %parallel_loop3A_569 = arith.addf %convert_element_type3A, %parallel_loop3A_568 : vector<16xf32>
        %parallel_loop3A_570 = tpu.vector_load_idx %arg10[%parallel_loop3A_561] masked %parallel_loop3A_543 : memref<40000xf32, #tpu.memory_space<vmem>>[vector<16xi32>], vector<16xf32>, vector<16xi1>
        %parallel_loop3A_571 = arith.cmpf oeq, %parallel_loop3A_570, %parallel_loop3A_569 : vector<16xf32>
        %parallel_loop3A_572 = arith.andi %parallel_loop3A_543, %parallel_loop3A_571 : vector<16xi1>
        %parallel_loop3A_573 = arith.index_cast %parallel_loop3A_534 : i32 to index
        %parallel_loop3A_574 = tpu.vector_load %arg16[%parallel_loop3A_573] {strides = array<i32>} : memref<2000xf32, #tpu.memory_space<vmem>>, vector<16xf32>,
        tpu.vector_store_idx %arg11[%parallel_loop3A_551], %parallel_loop3A_574 masked %parallel_loop3A_572 {add = true} : memref<40000xf32, #tpu.memory_space<vmem>>[vector<16xi32>], vector<16xf32>, vector<16xi1>
        %parallel_loop3A_575 = arith.constant 10000 : i32
        %parallel_loop3A_576 = vector.broadcast %parallel_loop3A_575 : i32 to vector<16xi32>
        %parallel_loop3A_577 = arith.addi %parallel_loop3A_551, %parallel_loop3A_576 : vector<16xi32>
        %parallel_loop3A_578 = arith.index_cast %parallel_loop3A_534 : i32 to index
        %parallel_loop3A_579 = tpu.vector_load %arg18[%parallel_loop3A_578] {strides = array<i32>} : memref<2000xf32, #tpu.memory_space<vmem>>, vector<16xf32>,
        tpu.vector_store_idx %arg11[%parallel_loop3A_577], %parallel_loop3A_579 masked %parallel_loop3A_572 {add = true} : memref<40000xf32, #tpu.memory_space<vmem>>[vector<16xi32>], vector<16xf32>, vector<16xi1>
        %parallel_loop3A_580 = arith.constant 20000 : i32
        %parallel_loop3A_581 = vector.broadcast %parallel_loop3A_580 : i32 to vector<16xi32>
        %parallel_loop3A_582 = arith.addi %parallel_loop3A_551, %parallel_loop3A_581 : vector<16xi32>
        %parallel_loop3A_583 = arith.index_cast %parallel_loop3A_534 : i32 to index
        %parallel_loop3A_584 = tpu.vector_load %arg20[%parallel_loop3A_583] {strides = array<i32>} : memref<2000xf32, #tpu.memory_space<vmem>>, vector<16xf32>,
        tpu.vector_store_idx %arg11[%parallel_loop3A_582], %parallel_loop3A_584 masked %parallel_loop3A_572 {add = true} : memref<40000xf32, #tpu.memory_space<vmem>>[vector<16xi32>], vector<16xf32>, vector<16xi1>
        %parallel_loop3A_585 = arith.constant 30000 : i32
        %parallel_loop3A_586 = vector.broadcast %parallel_loop3A_585 : i32 to vector<16xi32>
        %parallel_loop3A_587 = arith.addi %parallel_loop3A_551, %parallel_loop3A_586 : vector<16xi32>
        %parallel_loop3A_588 = arith.index_cast %parallel_loop3A_534 : i32 to index
        %parallel_loop3A_589 = tpu.vector_load %arg22[%parallel_loop3A_588] {strides = array<i32>} : memref<2000xf32, #tpu.memory_space<vmem>>, vector<16xf32>,
        tpu.vector_store_idx %arg11[%parallel_loop3A_587], %parallel_loop3A_589 masked %parallel_loop3A_572 {add = true} : memref<40000xf32, #tpu.memory_space<vmem>>[vector<16xi32>], vector<16xf32>, vector<16xi1>
        %parallel_loop3A_590 = arith.constant 5 : i32
        %parallel_loop3A_591 = arith.muli %parallel_loop3A_403, %parallel_loop3A_590 : i32
        %parallel_loop3A_592 = arith.constant 3 : i32
        %parallel_loop3A_593 = arith.addi %parallel_loop3A_591, %parallel_loop3A_592 : i32
        %parallel_loop3A_594 = arith.constant 16 : i32
        %parallel_loop3A_595 = arith.muli %parallel_loop3A_593, %parallel_loop3A_594 : i32
        %parallel_loop3A_596 = tpu.assume_multiple %parallel_loop3A_595, 8 : i32
        %parallel_loop3A_597 = arith.index_cast %parallel_loop3A_596 : i32 to index
        %parallel_loop3A_598 = tpu.vector_load %arg14[%parallel_loop3A_597] {strides = array<i32>} : memref<2000xi32, #tpu.memory_space<vmem>>, vector<16xi32>,
        %parallel_loop3A_599 = vector.broadcast %mul3A_2 : i32 to vector<16xi32>
        %parallel_loop3A_600 = arith.cmpi sge, %parallel_loop3A_598, %parallel_loop3A_599 : vector<16xi32>
        %parallel_loop3A_601 = arith.constant 10000 : i32
        %parallel_loop3A_602 = arith.addi %mul3A_2, %parallel_loop3A_601 : i32
        %parallel_loop3A_603 = vector.broadcast %parallel_loop3A_602 : i32 to vector<16xi32>
        %parallel_loop3A_604 = arith.cmpi slt, %parallel_loop3A_598, %parallel_loop3A_603 : vector<16xi32>
        %parallel_loop3A_605 = arith.andi %parallel_loop3A_600, %parallel_loop3A_604 : vector<16xi1>
        %parallel_loop3A_606 = vector.broadcast %mul3A_2 : i32 to vector<16xi32>
        %parallel_loop3A_607 = arith.subi %parallel_loop3A_598, %parallel_loop3A_606 : vector<16xi32>
        %parallel_loop3A_608 = arith.constant 0 : i32
        %parallel_loop3A_609 = arith.constant 9999 : i32
        %parallel_loop3A_610 = vector.broadcast %parallel_loop3A_608 : i32 to vector<16xi32>
        %parallel_loop3A_611 = arith.maxsi %parallel_loop3A_610, %parallel_loop3A_607 : vector<16xi32>
        %parallel_loop3A_612 = vector.broadcast %parallel_loop3A_609 : i32 to vector<16xi32>
        %parallel_loop3A_613 = arith.minsi %parallel_loop3A_612, %parallel_loop3A_611 : vector<16xi32>
        %parallel_loop3A_614 = arith.index_cast %parallel_loop3A_596 : i32 to index
        %parallel_loop3A_615 = tpu.vector_load %arg12[%parallel_loop3A_614] {strides = array<i32>} : memref<2000xi32, #tpu.memory_space<vmem>>, vector<16xi32>,
        %parallel_loop3A_616 = vector.broadcast %mul3A_2 : i32 to vector<16xi32>
        %parallel_loop3A_617 = arith.subi %parallel_loop3A_615, %parallel_loop3A_616 : vector<16xi32>
        %parallel_loop3A_618 = arith.constant 0 : i32
        %parallel_loop3A_619 = arith.constant 39999 : i32
        %parallel_loop3A_620 = vector.broadcast %parallel_loop3A_618 : i32 to vector<16xi32>
        %parallel_loop3A_621 = arith.maxsi %parallel_loop3A_620, %parallel_loop3A_617 : vector<16xi32>
        %parallel_loop3A_622 = vector.broadcast %parallel_loop3A_619 : i32 to vector<16xi32>
        %parallel_loop3A_623 = arith.minsi %parallel_loop3A_622, %parallel_loop3A_621 : vector<16xi32>
        %parallel_loop3A_624 = arith.constant 16 : i32
        %parallel_loop3A_625 = arith.muli %parallel_loop3A_593, %parallel_loop3A_624 : i32
        %parallel_loop3A_626 = arith.addi %mul3A_316, %parallel_loop3A_625 : i32
        %parallel_loop3A_627 = arith.constant 1 : i32
        %parallel_loop3A_628 = arith.addi %parallel_loop3A_626, %parallel_loop3A_627 : i32
        %parallel_loop3A_629 = arith.sitofp %parallel_loop3A_628 : i32 to f32
        %parallel_loop3A_630 = vector.broadcast %parallel_loop3A_629 : f32 to vector<16xf32>
        %parallel_loop3A_631 = arith.addf %convert_element_type3A, %parallel_loop3A_630 : vector<16xf32>
        %parallel_loop3A_632 = tpu.vector_load_idx %arg10[%parallel_loop3A_623] masked %parallel_loop3A_605 : memref<40000xf32, #tpu.memory_space<vmem>>[vector<16xi32>], vector<16xf32>, vector<16xi1>
        %parallel_loop3A_633 = arith.cmpf oeq, %parallel_loop3A_632, %parallel_loop3A_631 : vector<16xf32>
        %parallel_loop3A_634 = arith.andi %parallel_loop3A_605, %parallel_loop3A_633 : vector<16xi1>
        %parallel_loop3A_635 = arith.index_cast %parallel_loop3A_596 : i32 to index
        %parallel_loop3A_636 = tpu.vector_load %arg16[%parallel_loop3A_635] {strides = array<i32>} : memref<2000xf32, #tpu.memory_space<vmem>>, vector<16xf32>,
        tpu.vector_store_idx %arg11[%parallel_loop3A_613], %parallel_loop3A_636 masked %parallel_loop3A_634 {add = true} : memref<40000xf32, #tpu.memory_space<vmem>>[vector<16xi32>], vector<16xf32>, vector<16xi1>
        %parallel_loop3A_637 = arith.constant 10000 : i32
        %parallel_loop3A_638 = vector.broadcast %parallel_loop3A_637 : i32 to vector<16xi32>
        %parallel_loop3A_639 = arith.addi %parallel_loop3A_613, %parallel_loop3A_638 : vector<16xi32>
        %parallel_loop3A_640 = arith.index_cast %parallel_loop3A_596 : i32 to index
        %parallel_loop3A_641 = tpu.vector_load %arg18[%parallel_loop3A_640] {strides = array<i32>} : memref<2000xf32, #tpu.memory_space<vmem>>, vector<16xf32>,
        tpu.vector_store_idx %arg11[%parallel_loop3A_639], %parallel_loop3A_641 masked %parallel_loop3A_634 {add = true} : memref<40000xf32, #tpu.memory_space<vmem>>[vector<16xi32>], vector<16xf32>, vector<16xi1>
        %parallel_loop3A_642 = arith.constant 20000 : i32
        %parallel_loop3A_643 = vector.broadcast %parallel_loop3A_642 : i32 to vector<16xi32>
        %parallel_loop3A_644 = arith.addi %parallel_loop3A_613, %parallel_loop3A_643 : vector<16xi32>
        %parallel_loop3A_645 = arith.index_cast %parallel_loop3A_596 : i32 to index
        %parallel_loop3A_646 = tpu.vector_load %arg20[%parallel_loop3A_645] {strides = array<i32>} : memref<2000xf32, #tpu.memory_space<vmem>>, vector<16xf32>,
        tpu.vector_store_idx %arg11[%parallel_loop3A_644], %parallel_loop3A_646 masked %parallel_loop3A_634 {add = true} : memref<40000xf32, #tpu.memory_space<vmem>>[vector<16xi32>], vector<16xf32>, vector<16xi1>
        %parallel_loop3A_647 = arith.constant 30000 : i32
        %parallel_loop3A_648 = vector.broadcast %parallel_loop3A_647 : i32 to vector<16xi32>
        %parallel_loop3A_649 = arith.addi %parallel_loop3A_613, %parallel_loop3A_648 : vector<16xi32>
        %parallel_loop3A_650 = arith.index_cast %parallel_loop3A_596 : i32 to index
        %parallel_loop3A_651 = tpu.vector_load %arg22[%parallel_loop3A_650] {strides = array<i32>} : memref<2000xf32, #tpu.memory_space<vmem>>, vector<16xf32>,
        tpu.vector_store_idx %arg11[%parallel_loop3A_649], %parallel_loop3A_651 masked %parallel_loop3A_634 {add = true} : memref<40000xf32, #tpu.memory_space<vmem>>[vector<16xi32>], vector<16xf32>, vector<16xi1>
        %parallel_loop3A_652 = arith.constant 5 : i32
        %parallel_loop3A_653 = arith.muli %parallel_loop3A_403, %parallel_loop3A_652 : i32
        %parallel_loop3A_654 = arith.constant 4 : i32
        %parallel_loop3A_655 = arith.addi %parallel_loop3A_653, %parallel_loop3A_654 : i32
        %parallel_loop3A_656 = arith.constant 16 : i32
        %parallel_loop3A_657 = arith.muli %parallel_loop3A_655, %parallel_loop3A_656 : i32
        %parallel_loop3A_658 = tpu.assume_multiple %parallel_loop3A_657, 8 : i32
        %parallel_loop3A_659 = arith.index_cast %parallel_loop3A_658 : i32 to index
        %parallel_loop3A_660 = tpu.vector_load %arg14[%parallel_loop3A_659] {strides = array<i32>} : memref<2000xi32, #tpu.memory_space<vmem>>, vector<16xi32>,
        %parallel_loop3A_661 = vector.broadcast %mul3A_2 : i32 to vector<16xi32>
        %parallel_loop3A_662 = arith.cmpi sge, %parallel_loop3A_660, %parallel_loop3A_661 : vector<16xi32>
        %parallel_loop3A_663 = arith.constant 10000 : i32
        %parallel_loop3A_664 = arith.addi %mul3A_2, %parallel_loop3A_663 : i32
        %parallel_loop3A_665 = vector.broadcast %parallel_loop3A_664 : i32 to vector<16xi32>
        %parallel_loop3A_666 = arith.cmpi slt, %parallel_loop3A_660, %parallel_loop3A_665 : vector<16xi32>
        %parallel_loop3A_667 = arith.andi %parallel_loop3A_662, %parallel_loop3A_666 : vector<16xi1>
        %parallel_loop3A_668 = vector.broadcast %mul3A_2 : i32 to vector<16xi32>
        %parallel_loop3A_669 = arith.subi %parallel_loop3A_660, %parallel_loop3A_668 : vector<16xi32>
        %parallel_loop3A_670 = arith.constant 0 : i32
        %parallel_loop3A_671 = arith.constant 9999 : i32
        %parallel_loop3A_672 = vector.broadcast %parallel_loop3A_670 : i32 to vector<16xi32>
        %parallel_loop3A_673 = arith.maxsi %parallel_loop3A_672, %parallel_loop3A_669 : vector<16xi32>
        %parallel_loop3A_674 = vector.broadcast %parallel_loop3A_671 : i32 to vector<16xi32>
        %parallel_loop3A_675 = arith.minsi %parallel_loop3A_674, %parallel_loop3A_673 : vector<16xi32>
        %parallel_loop3A_676 = arith.index_cast %parallel_loop3A_658 : i32 to index
        %parallel_loop3A_677 = tpu.vector_load %arg12[%parallel_loop3A_676] {strides = array<i32>} : memref<2000xi32, #tpu.memory_space<vmem>>, vector<16xi32>,
        %parallel_loop3A_678 = vector.broadcast %mul3A_2 : i32 to vector<16xi32>
        %parallel_loop3A_679 = arith.subi %parallel_loop3A_677, %parallel_loop3A_678 : vector<16xi32>
        %parallel_loop3A_680 = arith.constant 0 : i32
        %parallel_loop3A_681 = arith.constant 39999 : i32
        %parallel_loop3A_682 = vector.broadcast %parallel_loop3A_680 : i32 to vector<16xi32>
        %parallel_loop3A_683 = arith.maxsi %parallel_loop3A_682, %parallel_loop3A_679 : vector<16xi32>
        %parallel_loop3A_684 = vector.broadcast %parallel_loop3A_681 : i32 to vector<16xi32>
        %parallel_loop3A_685 = arith.minsi %parallel_loop3A_684, %parallel_loop3A_683 : vector<16xi32>
        %parallel_loop3A_686 = arith.constant 16 : i32
        %parallel_loop3A_687 = arith.muli %parallel_loop3A_655, %parallel_loop3A_686 : i32
        %parallel_loop3A_688 = arith.addi %mul3A_316, %parallel_loop3A_687 : i32
        %parallel_loop3A_689 = arith.constant 1 : i32
        %parallel_loop3A_690 = arith.addi %parallel_loop3A_688, %parallel_loop3A_689 : i32
        %parallel_loop3A_691 = arith.sitofp %parallel_loop3A_690 : i32 to f32
        %parallel_loop3A_692 = vector.broadcast %parallel_loop3A_691 : f32 to vector<16xf32>
        %parallel_loop3A_693 = arith.addf %convert_element_type3A, %parallel_loop3A_692 : vector<16xf32>
        %parallel_loop3A_694 = tpu.vector_load_idx %arg10[%parallel_loop3A_685] masked %parallel_loop3A_667 : memref<40000xf32, #tpu.memory_space<vmem>>[vector<16xi32>], vector<16xf32>, vector<16xi1>
        %parallel_loop3A_695 = arith.cmpf oeq, %parallel_loop3A_694, %parallel_loop3A_693 : vector<16xf32>
        %parallel_loop3A_696 = arith.andi %parallel_loop3A_667, %parallel_loop3A_695 : vector<16xi1>
        %parallel_loop3A_697 = arith.index_cast %parallel_loop3A_658 : i32 to index
        %parallel_loop3A_698 = tpu.vector_load %arg16[%parallel_loop3A_697] {strides = array<i32>} : memref<2000xf32, #tpu.memory_space<vmem>>, vector<16xf32>,
        tpu.vector_store_idx %arg11[%parallel_loop3A_675], %parallel_loop3A_698 masked %parallel_loop3A_696 {add = true} : memref<40000xf32, #tpu.memory_space<vmem>>[vector<16xi32>], vector<16xf32>, vector<16xi1>
        %parallel_loop3A_699 = arith.constant 10000 : i32
        %parallel_loop3A_700 = vector.broadcast %parallel_loop3A_699 : i32 to vector<16xi32>
        %parallel_loop3A_701 = arith.addi %parallel_loop3A_675, %parallel_loop3A_700 : vector<16xi32>
        %parallel_loop3A_702 = arith.index_cast %parallel_loop3A_658 : i32 to index
        %parallel_loop3A_703 = tpu.vector_load %arg18[%parallel_loop3A_702] {strides = array<i32>} : memref<2000xf32, #tpu.memory_space<vmem>>, vector<16xf32>,
        tpu.vector_store_idx %arg11[%parallel_loop3A_701], %parallel_loop3A_703 masked %parallel_loop3A_696 {add = true} : memref<40000xf32, #tpu.memory_space<vmem>>[vector<16xi32>], vector<16xf32>, vector<16xi1>
        %parallel_loop3A_704 = arith.constant 20000 : i32
        %parallel_loop3A_705 = vector.broadcast %parallel_loop3A_704 : i32 to vector<16xi32>
        %parallel_loop3A_706 = arith.addi %parallel_loop3A_675, %parallel_loop3A_705 : vector<16xi32>
        %parallel_loop3A_707 = arith.index_cast %parallel_loop3A_658 : i32 to index
        %parallel_loop3A_708 = tpu.vector_load %arg20[%parallel_loop3A_707] {strides = array<i32>} : memref<2000xf32, #tpu.memory_space<vmem>>, vector<16xf32>,
        tpu.vector_store_idx %arg11[%parallel_loop3A_706], %parallel_loop3A_708 masked %parallel_loop3A_696 {add = true} : memref<40000xf32, #tpu.memory_space<vmem>>[vector<16xi32>], vector<16xf32>, vector<16xi1>
        %parallel_loop3A_709 = arith.constant 30000 : i32
        %parallel_loop3A_710 = vector.broadcast %parallel_loop3A_709 : i32 to vector<16xi32>
        %parallel_loop3A_711 = arith.addi %parallel_loop3A_675, %parallel_loop3A_710 : vector<16xi32>
        %parallel_loop3A_712 = arith.index_cast %parallel_loop3A_658 : i32 to index
        %parallel_loop3A_713 = tpu.vector_load %arg22[%parallel_loop3A_712] {strides = array<i32>} : memref<2000xf32, #tpu.memory_space<vmem>>, vector<16xf32>,
        tpu.vector_store_idx %arg11[%parallel_loop3A_711], %parallel_loop3A_713 masked %parallel_loop3A_696 {add = true} : memref<40000xf32, #tpu.memory_space<vmem>>[vector<16xi32>], vector<16xf32>, vector<16xi1>
      } {sc.loop_unroll_factor = 1 : i64, sc.parallel_access}
      %dma_wait3A_359 = arith.constant 0 : i32
      %dma_wait3A_360 = tpu.memref_slice %arg2[%dma_wait3A_359] : memref<30000xi32, #tpu.memory_space<hbm>> -> memref<2000xi32, #tpu.memory_space<hbm>>
      %dma_wait3A_361 = arith.constant 0 : i32
      %dma_wait3A_362 = tpu.memref_slice %arg2[%dma_wait3A_361] : memref<30000xi32, #tpu.memory_space<hbm>> -> memref<2000xi32, #tpu.memory_space<hbm>>
      tpu.wait_dma2 semaphore(%arg25 : memref<!tpu.dma_semaphore, #tpu.memory_space<semaphore_mem>>) src(%dma_wait3A_362 : memref<2000xi32, #tpu.memory_space<hbm>>) dst(%arg13 : memref<2000xi32, #tpu.memory_space<vmem>>)
      %dma_wait3A_363 = arith.constant 0 : i32
      %dma_wait3A_364 = tpu.memref_slice %arg3[%dma_wait3A_363] : memref<30000xi32, #tpu.memory_space<hbm>> -> memref<2000xi32, #tpu.memory_space<hbm>>
      %dma_wait3A_365 = arith.constant 0 : i32
      %dma_wait3A_366 = tpu.memref_slice %arg3[%dma_wait3A_365] : memref<30000xi32, #tpu.memory_space<hbm>> -> memref<2000xi32, #tpu.memory_space<hbm>>
      tpu.wait_dma2 semaphore(%arg25 : memref<!tpu.dma_semaphore, #tpu.memory_space<semaphore_mem>>) src(%dma_wait3A_366 : memref<2000xi32, #tpu.memory_space<hbm>>) dst(%arg15 : memref<2000xi32, #tpu.memory_space<vmem>>)
      %dma_wait3A_367 = arith.constant 0 : i32
      %dma_wait3A_368 = tpu.memref_slice %arg4[%dma_wait3A_367] : memref<30000xf32, #tpu.memory_space<hbm>> -> memref<2000xf32, #tpu.memory_space<hbm>>
      %dma_wait3A_369 = arith.constant 0 : i32
      %dma_wait3A_370 = tpu.memref_slice %arg4[%dma_wait3A_369] : memref<30000xf32, #tpu.memory_space<hbm>> -> memref<2000xf32, #tpu.memory_space<hbm>>
      tpu.wait_dma2 semaphore(%arg25 : memref<!tpu.dma_semaphore, #tpu.memory_space<semaphore_mem>>) src(%dma_wait3A_370 : memref<2000xf32, #tpu.memory_space<hbm>>) dst(%arg17 : memref<2000xf32, #tpu.memory_space<vmem>>)
      %dma_wait3A_371 = arith.constant 0 : i32
      %dma_wait3A_372 = tpu.memref_slice %arg5[%dma_wait3A_371] : memref<30000xf32, #tpu.memory_space<hbm>> -> memref<2000xf32, #tpu.memory_space<hbm>>
      %dma_wait3A_373 = arith.constant 0 : i32
      %dma_wait3A_374 = tpu.memref_slice %arg5[%dma_wait3A_373] : memref<30000xf32, #tpu.memory_space<hbm>> -> memref<2000xf32, #tpu.memory_space<hbm>>
      tpu.wait_dma2 semaphore(%arg25 : memref<!tpu.dma_semaphore, #tpu.memory_space<semaphore_mem>>) src(%dma_wait3A_374 : memref<2000xf32, #tpu.memory_space<hbm>>) dst(%arg19 : memref<2000xf32, #tpu.memory_space<vmem>>)
      %dma_wait3A_375 = arith.constant 0 : i32
      %dma_wait3A_376 = tpu.memref_slice %arg6[%dma_wait3A_375] : memref<30000xf32, #tpu.memory_space<hbm>> -> memref<2000xf32, #tpu.memory_space<hbm>>
      %dma_wait3A_377 = arith.constant 0 : i32
      %dma_wait3A_378 = tpu.memref_slice %arg6[%dma_wait3A_377] : memref<30000xf32, #tpu.memory_space<hbm>> -> memref<2000xf32, #tpu.memory_space<hbm>>
      tpu.wait_dma2 semaphore(%arg25 : memref<!tpu.dma_semaphore, #tpu.memory_space<semaphore_mem>>) src(%dma_wait3A_378 : memref<2000xf32, #tpu.memory_space<hbm>>) dst(%arg21 : memref<2000xf32, #tpu.memory_space<vmem>>)
      %dma_wait3A_379 = arith.constant 0 : i32
      %dma_wait3A_380 = tpu.memref_slice %arg7[%dma_wait3A_379] : memref<30000xf32, #tpu.memory_space<hbm>> -> memref<2000xf32, #tpu.memory_space<hbm>>
      %dma_wait3A_381 = arith.constant 0 : i32
      %dma_wait3A_382 = tpu.memref_slice %arg7[%dma_wait3A_381] : memref<30000xf32, #tpu.memory_space<hbm>> -> memref<2000xf32, #tpu.memory_space<hbm>>
      tpu.wait_dma2 semaphore(%arg25 : memref<!tpu.dma_semaphore, #tpu.memory_space<semaphore_mem>>) src(%dma_wait3A_382 : memref<2000xf32, #tpu.memory_space<hbm>>) dst(%arg23 : memref<2000xf32, #tpu.memory_space<vmem>>)
      %add3A_383 = arith.constant 4000 : i32
      %add3A_384 = arith.addi %mul3A_316, %add3A_383 : i32
      %multiple_of3A_385 = tpu.assume_multiple %add3A_384, 8 : i32
      %dma_start3A_386 = tpu.memref_slice %arg2[%multiple_of3A_385] : memref<30000xi32, #tpu.memory_space<hbm>> -> memref<2000xi32, #tpu.memory_space<hbm>>
      %dma_start3A_387 = tpu.memref_slice %arg2[%multiple_of3A_385] : memref<30000xi32, #tpu.memory_space<hbm>> -> memref<2000xi32, #tpu.memory_space<hbm>>
      tpu.enqueue_dma source(%dma_start3A_387 : memref<2000xi32, #tpu.memory_space<hbm>>) target(%arg12 : memref<2000xi32, #tpu.memory_space<vmem>>) target_semaphore(%arg24 : memref<!tpu.dma_semaphore, #tpu.memory_space<semaphore_mem>>)
      %dma_start3A_388 = tpu.memref_slice %arg3[%multiple_of3A_385] : memref<30000xi32, #tpu.memory_space<hbm>> -> memref<2000xi32, #tpu.memory_space<hbm>>
      %dma_start3A_389 = tpu.memref_slice %arg3[%multiple_of3A_385] : memref<30000xi32, #tpu.memory_space<hbm>> -> memref<2000xi32, #tpu.memory_space<hbm>>
      tpu.enqueue_dma source(%dma_start3A_389 : memref<2000xi32, #tpu.memory_space<hbm>>) target(%arg14 : memref<2000xi32, #tpu.memory_space<vmem>>) target_semaphore(%arg24 : memref<!tpu.dma_semaphore, #tpu.memory_space<semaphore_mem>>)
      %dma_start3A_390 = tpu.memref_slice %arg4[%multiple_of3A_385] : memref<30000xf32, #tpu.memory_space<hbm>> -> memref<2000xf32, #tpu.memory_space<hbm>>
      %dma_start3A_391 = tpu.memref_slice %arg4[%multiple_of3A_385] : memref<30000xf32, #tpu.memory_space<hbm>> -> memref<2000xf32, #tpu.memory_space<hbm>>
      tpu.enqueue_dma source(%dma_start3A_391 : memref<2000xf32, #tpu.memory_space<hbm>>) target(%arg16 : memref<2000xf32, #tpu.memory_space<vmem>>) target_semaphore(%arg24 : memref<!tpu.dma_semaphore, #tpu.memory_space<semaphore_mem>>)
      %dma_start3A_392 = tpu.memref_slice %arg5[%multiple_of3A_385] : memref<30000xf32, #tpu.memory_space<hbm>> -> memref<2000xf32, #tpu.memory_space<hbm>>
      %dma_start3A_393 = tpu.memref_slice %arg5[%multiple_of3A_385] : memref<30000xf32, #tpu.memory_space<hbm>> -> memref<2000xf32, #tpu.memory_space<hbm>>
      tpu.enqueue_dma source(%dma_start3A_393 : memref<2000xf32, #tpu.memory_space<hbm>>) target(%arg18 : memref<2000xf32, #tpu.memory_space<vmem>>) target_semaphore(%arg24 : memref<!tpu.dma_semaphore, #tpu.memory_space<semaphore_mem>>)
      %dma_start3A_394 = tpu.memref_slice %arg6[%multiple_of3A_385] : memref<30000xf32, #tpu.memory_space<hbm>> -> memref<2000xf32, #tpu.memory_space<hbm>>
      %dma_start3A_395 = tpu.memref_slice %arg6[%multiple_of3A_385] : memref<30000xf32, #tpu.memory_space<hbm>> -> memref<2000xf32, #tpu.memory_space<hbm>>
      tpu.enqueue_dma source(%dma_start3A_395 : memref<2000xf32, #tpu.memory_space<hbm>>) target(%arg20 : memref<2000xf32, #tpu.memory_space<vmem>>) target_semaphore(%arg24 : memref<!tpu.dma_semaphore, #tpu.memory_space<semaphore_mem>>)
      %dma_start3A_396 = tpu.memref_slice %arg7[%multiple_of3A_385] : memref<30000xf32, #tpu.memory_space<hbm>> -> memref<2000xf32, #tpu.memory_space<hbm>>
      %dma_start3A_397 = tpu.memref_slice %arg7[%multiple_of3A_385] : memref<30000xf32, #tpu.memory_space<hbm>> -> memref<2000xf32, #tpu.memory_space<hbm>>
      tpu.enqueue_dma source(%dma_start3A_397 : memref<2000xf32, #tpu.memory_space<hbm>>) target(%arg22 : memref<2000xf32, #tpu.memory_space<vmem>>) target_semaphore(%arg24 : memref<!tpu.dma_semaphore, #tpu.memory_space<semaphore_mem>>)
      %add3A_398 = arith.constant 2000 : i32
      %add3A_399 = arith.addi %mul3A_316, %add3A_398 : i32
      %parallel_loop3A_400 = arith.constant 0 : i32
      %parallel_loop3A_401 = arith.constant 25 : i32
      %parallel_loop3A_402 = arith.constant 1 : i32
      scf.for %parallel_loop3A_403 = %parallel_loop3A_400 to %parallel_loop3A_401 step %parallel_loop3A_402  : i32 {
        %parallel_loop3A_404 = arith.constant 5 : i32
        %parallel_loop3A_405 = arith.muli %parallel_loop3A_403, %parallel_loop3A_404 : i32
        %parallel_loop3A_406 = arith.constant 0 : i32
        %parallel_loop3A_407 = arith.addi %parallel_loop3A_405, %parallel_loop3A_406 : i32
        %parallel_loop3A_408 = arith.constant 16 : i32
        %parallel_loop3A_409 = arith.muli %parallel_loop3A_407, %parallel_loop3A_408 : i32
        %parallel_loop3A_410 = tpu.assume_multiple %parallel_loop3A_409, 8 : i32
        %parallel_loop3A_411 = arith.index_cast %parallel_loop3A_410 : i32 to index
        %parallel_loop3A_412 = tpu.vector_load %arg15[%parallel_loop3A_411] {strides = array<i32>} : memref<2000xi32, #tpu.memory_space<vmem>>, vector<16xi32>,
        %parallel_loop3A_413 = vector.broadcast %mul3A_2 : i32 to vector<16xi32>
        %parallel_loop3A_414 = arith.cmpi sge, %parallel_loop3A_412, %parallel_loop3A_413 : vector<16xi32>
        %parallel_loop3A_415 = arith.constant 10000 : i32
        %parallel_loop3A_416 = arith.addi %mul3A_2, %parallel_loop3A_415 : i32
        %parallel_loop3A_417 = vector.broadcast %parallel_loop3A_416 : i32 to vector<16xi32>
        %parallel_loop3A_418 = arith.cmpi slt, %parallel_loop3A_412, %parallel_loop3A_417 : vector<16xi32>
        %parallel_loop3A_419 = arith.andi %parallel_loop3A_414, %parallel_loop3A_418 : vector<16xi1>
        %parallel_loop3A_420 = vector.broadcast %mul3A_2 : i32 to vector<16xi32>
        %parallel_loop3A_421 = arith.subi %parallel_loop3A_412, %parallel_loop3A_420 : vector<16xi32>
        %parallel_loop3A_422 = arith.constant 0 : i32
        %parallel_loop3A_423 = arith.constant 9999 : i32
        %parallel_loop3A_424 = vector.broadcast %parallel_loop3A_422 : i32 to vector<16xi32>
        %parallel_loop3A_425 = arith.maxsi %parallel_loop3A_424, %parallel_loop3A_421 : vector<16xi32>
        %parallel_loop3A_426 = vector.broadcast %parallel_loop3A_423 : i32 to vector<16xi32>
        %parallel_loop3A_427 = arith.minsi %parallel_loop3A_426, %parallel_loop3A_425 : vector<16xi32>
        %parallel_loop3A_428 = arith.index_cast %parallel_loop3A_410 : i32 to index
        %parallel_loop3A_429 = tpu.vector_load %arg13[%parallel_loop3A_428] {strides = array<i32>} : memref<2000xi32, #tpu.memory_space<vmem>>, vector<16xi32>,
        %parallel_loop3A_430 = vector.broadcast %mul3A_2 : i32 to vector<16xi32>
        %parallel_loop3A_431 = arith.subi %parallel_loop3A_429, %parallel_loop3A_430 : vector<16xi32>
        %parallel_loop3A_432 = arith.constant 0 : i32
        %parallel_loop3A_433 = arith.constant 39999 : i32
        %parallel_loop3A_434 = vector.broadcast %parallel_loop3A_432 : i32 to vector<16xi32>
        %parallel_loop3A_435 = arith.maxsi %parallel_loop3A_434, %parallel_loop3A_431 : vector<16xi32>
        %parallel_loop3A_436 = vector.broadcast %parallel_loop3A_433 : i32 to vector<16xi32>
        %parallel_loop3A_437 = arith.minsi %parallel_loop3A_436, %parallel_loop3A_435 : vector<16xi32>
        %parallel_loop3A_438 = arith.constant 16 : i32
        %parallel_loop3A_439 = arith.muli %parallel_loop3A_407, %parallel_loop3A_438 : i32
        %parallel_loop3A_440 = arith.addi %add3A_399, %parallel_loop3A_439 : i32
        %parallel_loop3A_441 = arith.constant 1 : i32
        %parallel_loop3A_442 = arith.addi %parallel_loop3A_440, %parallel_loop3A_441 : i32
        %parallel_loop3A_443 = arith.sitofp %parallel_loop3A_442 : i32 to f32
        %parallel_loop3A_444 = vector.broadcast %parallel_loop3A_443 : f32 to vector<16xf32>
        %parallel_loop3A_445 = arith.addf %convert_element_type3A, %parallel_loop3A_444 : vector<16xf32>
        %parallel_loop3A_446 = tpu.vector_load_idx %arg10[%parallel_loop3A_437] masked %parallel_loop3A_419 : memref<40000xf32, #tpu.memory_space<vmem>>[vector<16xi32>], vector<16xf32>, vector<16xi1>
        %parallel_loop3A_447 = arith.cmpf oeq, %parallel_loop3A_446, %parallel_loop3A_445 : vector<16xf32>
        %parallel_loop3A_448 = arith.andi %parallel_loop3A_419, %parallel_loop3A_447 : vector<16xi1>
        %parallel_loop3A_449 = arith.index_cast %parallel_loop3A_410 : i32 to index
        %parallel_loop3A_450 = tpu.vector_load %arg17[%parallel_loop3A_449] {strides = array<i32>} : memref<2000xf32, #tpu.memory_space<vmem>>, vector<16xf32>,
        tpu.vector_store_idx %arg11[%parallel_loop3A_427], %parallel_loop3A_450 masked %parallel_loop3A_448 {add = true} : memref<40000xf32, #tpu.memory_space<vmem>>[vector<16xi32>], vector<16xf32>, vector<16xi1>
        %parallel_loop3A_451 = arith.constant 10000 : i32
        %parallel_loop3A_452 = vector.broadcast %parallel_loop3A_451 : i32 to vector<16xi32>
        %parallel_loop3A_453 = arith.addi %parallel_loop3A_427, %parallel_loop3A_452 : vector<16xi32>
        %parallel_loop3A_454 = arith.index_cast %parallel_loop3A_410 : i32 to index
        %parallel_loop3A_455 = tpu.vector_load %arg19[%parallel_loop3A_454] {strides = array<i32>} : memref<2000xf32, #tpu.memory_space<vmem>>, vector<16xf32>,
        tpu.vector_store_idx %arg11[%parallel_loop3A_453], %parallel_loop3A_455 masked %parallel_loop3A_448 {add = true} : memref<40000xf32, #tpu.memory_space<vmem>>[vector<16xi32>], vector<16xf32>, vector<16xi1>
        %parallel_loop3A_456 = arith.constant 20000 : i32
        %parallel_loop3A_457 = vector.broadcast %parallel_loop3A_456 : i32 to vector<16xi32>
        %parallel_loop3A_458 = arith.addi %parallel_loop3A_427, %parallel_loop3A_457 : vector<16xi32>
        %parallel_loop3A_459 = arith.index_cast %parallel_loop3A_410 : i32 to index
        %parallel_loop3A_460 = tpu.vector_load %arg21[%parallel_loop3A_459] {strides = array<i32>} : memref<2000xf32, #tpu.memory_space<vmem>>, vector<16xf32>,
        tpu.vector_store_idx %arg11[%parallel_loop3A_458], %parallel_loop3A_460 masked %parallel_loop3A_448 {add = true} : memref<40000xf32, #tpu.memory_space<vmem>>[vector<16xi32>], vector<16xf32>, vector<16xi1>
        %parallel_loop3A_461 = arith.constant 30000 : i32
        %parallel_loop3A_462 = vector.broadcast %parallel_loop3A_461 : i32 to vector<16xi32>
        %parallel_loop3A_463 = arith.addi %parallel_loop3A_427, %parallel_loop3A_462 : vector<16xi32>
        %parallel_loop3A_464 = arith.index_cast %parallel_loop3A_410 : i32 to index
        %parallel_loop3A_465 = tpu.vector_load %arg23[%parallel_loop3A_464] {strides = array<i32>} : memref<2000xf32, #tpu.memory_space<vmem>>, vector<16xf32>,
        tpu.vector_store_idx %arg11[%parallel_loop3A_463], %parallel_loop3A_465 masked %parallel_loop3A_448 {add = true} : memref<40000xf32, #tpu.memory_space<vmem>>[vector<16xi32>], vector<16xf32>, vector<16xi1>
        %parallel_loop3A_466 = arith.constant 5 : i32
        %parallel_loop3A_467 = arith.muli %parallel_loop3A_403, %parallel_loop3A_466 : i32
        %parallel_loop3A_468 = arith.constant 1 : i32
        %parallel_loop3A_469 = arith.addi %parallel_loop3A_467, %parallel_loop3A_468 : i32
        %parallel_loop3A_470 = arith.constant 16 : i32
        %parallel_loop3A_471 = arith.muli %parallel_loop3A_469, %parallel_loop3A_470 : i32
        %parallel_loop3A_472 = tpu.assume_multiple %parallel_loop3A_471, 8 : i32
        %parallel_loop3A_473 = arith.index_cast %parallel_loop3A_472 : i32 to index
        %parallel_loop3A_474 = tpu.vector_load %arg15[%parallel_loop3A_473] {strides = array<i32>} : memref<2000xi32, #tpu.memory_space<vmem>>, vector<16xi32>,
        %parallel_loop3A_475 = vector.broadcast %mul3A_2 : i32 to vector<16xi32>
        %parallel_loop3A_476 = arith.cmpi sge, %parallel_loop3A_474, %parallel_loop3A_475 : vector<16xi32>
        %parallel_loop3A_477 = arith.constant 10000 : i32
        %parallel_loop3A_478 = arith.addi %mul3A_2, %parallel_loop3A_477 : i32
        %parallel_loop3A_479 = vector.broadcast %parallel_loop3A_478 : i32 to vector<16xi32>
        %parallel_loop3A_480 = arith.cmpi slt, %parallel_loop3A_474, %parallel_loop3A_479 : vector<16xi32>
        %parallel_loop3A_481 = arith.andi %parallel_loop3A_476, %parallel_loop3A_480 : vector<16xi1>
        %parallel_loop3A_482 = vector.broadcast %mul3A_2 : i32 to vector<16xi32>
        %parallel_loop3A_483 = arith.subi %parallel_loop3A_474, %parallel_loop3A_482 : vector<16xi32>
        %parallel_loop3A_484 = arith.constant 0 : i32
        %parallel_loop3A_485 = arith.constant 9999 : i32
        %parallel_loop3A_486 = vector.broadcast %parallel_loop3A_484 : i32 to vector<16xi32>
        %parallel_loop3A_487 = arith.maxsi %parallel_loop3A_486, %parallel_loop3A_483 : vector<16xi32>
        %parallel_loop3A_488 = vector.broadcast %parallel_loop3A_485 : i32 to vector<16xi32>
        %parallel_loop3A_489 = arith.minsi %parallel_loop3A_488, %parallel_loop3A_487 : vector<16xi32>
        %parallel_loop3A_490 = arith.index_cast %parallel_loop3A_472 : i32 to index
        %parallel_loop3A_491 = tpu.vector_load %arg13[%parallel_loop3A_490] {strides = array<i32>} : memref<2000xi32, #tpu.memory_space<vmem>>, vector<16xi32>,
        %parallel_loop3A_492 = vector.broadcast %mul3A_2 : i32 to vector<16xi32>
        %parallel_loop3A_493 = arith.subi %parallel_loop3A_491, %parallel_loop3A_492 : vector<16xi32>
        %parallel_loop3A_494 = arith.constant 0 : i32
        %parallel_loop3A_495 = arith.constant 39999 : i32
        %parallel_loop3A_496 = vector.broadcast %parallel_loop3A_494 : i32 to vector<16xi32>
        %parallel_loop3A_497 = arith.maxsi %parallel_loop3A_496, %parallel_loop3A_493 : vector<16xi32>
        %parallel_loop3A_498 = vector.broadcast %parallel_loop3A_495 : i32 to vector<16xi32>
        %parallel_loop3A_499 = arith.minsi %parallel_loop3A_498, %parallel_loop3A_497 : vector<16xi32>
        %parallel_loop3A_500 = arith.constant 16 : i32
        %parallel_loop3A_501 = arith.muli %parallel_loop3A_469, %parallel_loop3A_500 : i32
        %parallel_loop3A_502 = arith.addi %add3A_399, %parallel_loop3A_501 : i32
        %parallel_loop3A_503 = arith.constant 1 : i32
        %parallel_loop3A_504 = arith.addi %parallel_loop3A_502, %parallel_loop3A_503 : i32
        %parallel_loop3A_505 = arith.sitofp %parallel_loop3A_504 : i32 to f32
        %parallel_loop3A_506 = vector.broadcast %parallel_loop3A_505 : f32 to vector<16xf32>
        %parallel_loop3A_507 = arith.addf %convert_element_type3A, %parallel_loop3A_506 : vector<16xf32>
        %parallel_loop3A_508 = tpu.vector_load_idx %arg10[%parallel_loop3A_499] masked %parallel_loop3A_481 : memref<40000xf32, #tpu.memory_space<vmem>>[vector<16xi32>], vector<16xf32>, vector<16xi1>
        %parallel_loop3A_509 = arith.cmpf oeq, %parallel_loop3A_508, %parallel_loop3A_507 : vector<16xf32>
        %parallel_loop3A_510 = arith.andi %parallel_loop3A_481, %parallel_loop3A_509 : vector<16xi1>
        %parallel_loop3A_511 = arith.index_cast %parallel_loop3A_472 : i32 to index
        %parallel_loop3A_512 = tpu.vector_load %arg17[%parallel_loop3A_511] {strides = array<i32>} : memref<2000xf32, #tpu.memory_space<vmem>>, vector<16xf32>,
        tpu.vector_store_idx %arg11[%parallel_loop3A_489], %parallel_loop3A_512 masked %parallel_loop3A_510 {add = true} : memref<40000xf32, #tpu.memory_space<vmem>>[vector<16xi32>], vector<16xf32>, vector<16xi1>
        %parallel_loop3A_513 = arith.constant 10000 : i32
        %parallel_loop3A_514 = vector.broadcast %parallel_loop3A_513 : i32 to vector<16xi32>
        %parallel_loop3A_515 = arith.addi %parallel_loop3A_489, %parallel_loop3A_514 : vector<16xi32>
        %parallel_loop3A_516 = arith.index_cast %parallel_loop3A_472 : i32 to index
        %parallel_loop3A_517 = tpu.vector_load %arg19[%parallel_loop3A_516] {strides = array<i32>} : memref<2000xf32, #tpu.memory_space<vmem>>, vector<16xf32>,
        tpu.vector_store_idx %arg11[%parallel_loop3A_515], %parallel_loop3A_517 masked %parallel_loop3A_510 {add = true} : memref<40000xf32, #tpu.memory_space<vmem>>[vector<16xi32>], vector<16xf32>, vector<16xi1>
        %parallel_loop3A_518 = arith.constant 20000 : i32
        %parallel_loop3A_519 = vector.broadcast %parallel_loop3A_518 : i32 to vector<16xi32>
        %parallel_loop3A_520 = arith.addi %parallel_loop3A_489, %parallel_loop3A_519 : vector<16xi32>
        %parallel_loop3A_521 = arith.index_cast %parallel_loop3A_472 : i32 to index
        %parallel_loop3A_522 = tpu.vector_load %arg21[%parallel_loop3A_521] {strides = array<i32>} : memref<2000xf32, #tpu.memory_space<vmem>>, vector<16xf32>,
        tpu.vector_store_idx %arg11[%parallel_loop3A_520], %parallel_loop3A_522 masked %parallel_loop3A_510 {add = true} : memref<40000xf32, #tpu.memory_space<vmem>>[vector<16xi32>], vector<16xf32>, vector<16xi1>
        %parallel_loop3A_523 = arith.constant 30000 : i32
        %parallel_loop3A_524 = vector.broadcast %parallel_loop3A_523 : i32 to vector<16xi32>
        %parallel_loop3A_525 = arith.addi %parallel_loop3A_489, %parallel_loop3A_524 : vector<16xi32>
        %parallel_loop3A_526 = arith.index_cast %parallel_loop3A_472 : i32 to index
        %parallel_loop3A_527 = tpu.vector_load %arg23[%parallel_loop3A_526] {strides = array<i32>} : memref<2000xf32, #tpu.memory_space<vmem>>, vector<16xf32>,
        tpu.vector_store_idx %arg11[%parallel_loop3A_525], %parallel_loop3A_527 masked %parallel_loop3A_510 {add = true} : memref<40000xf32, #tpu.memory_space<vmem>>[vector<16xi32>], vector<16xf32>, vector<16xi1>
        %parallel_loop3A_528 = arith.constant 5 : i32
        %parallel_loop3A_529 = arith.muli %parallel_loop3A_403, %parallel_loop3A_528 : i32
        %parallel_loop3A_530 = arith.constant 2 : i32
        %parallel_loop3A_531 = arith.addi %parallel_loop3A_529, %parallel_loop3A_530 : i32
        %parallel_loop3A_532 = arith.constant 16 : i32
        %parallel_loop3A_533 = arith.muli %parallel_loop3A_531, %parallel_loop3A_532 : i32
        %parallel_loop3A_534 = tpu.assume_multiple %parallel_loop3A_533, 8 : i32
        %parallel_loop3A_535 = arith.index_cast %parallel_loop3A_534 : i32 to index
        %parallel_loop3A_536 = tpu.vector_load %arg15[%parallel_loop3A_535] {strides = array<i32>} : memref<2000xi32, #tpu.memory_space<vmem>>, vector<16xi32>,
        %parallel_loop3A_537 = vector.broadcast %mul3A_2 : i32 to vector<16xi32>
        %parallel_loop3A_538 = arith.cmpi sge, %parallel_loop3A_536, %parallel_loop3A_537 : vector<16xi32>
        %parallel_loop3A_539 = arith.constant 10000 : i32
        %parallel_loop3A_540 = arith.addi %mul3A_2, %parallel_loop3A_539 : i32
        %parallel_loop3A_541 = vector.broadcast %parallel_loop3A_540 : i32 to vector<16xi32>
        %parallel_loop3A_542 = arith.cmpi slt, %parallel_loop3A_536, %parallel_loop3A_541 : vector<16xi32>
        %parallel_loop3A_543 = arith.andi %parallel_loop3A_538, %parallel_loop3A_542 : vector<16xi1>
        %parallel_loop3A_544 = vector.broadcast %mul3A_2 : i32 to vector<16xi32>
        %parallel_loop3A_545 = arith.subi %parallel_loop3A_536, %parallel_loop3A_544 : vector<16xi32>
        %parallel_loop3A_546 = arith.constant 0 : i32
        %parallel_loop3A_547 = arith.constant 9999 : i32
        %parallel_loop3A_548 = vector.broadcast %parallel_loop3A_546 : i32 to vector<16xi32>
        %parallel_loop3A_549 = arith.maxsi %parallel_loop3A_548, %parallel_loop3A_545 : vector<16xi32>
        %parallel_loop3A_550 = vector.broadcast %parallel_loop3A_547 : i32 to vector<16xi32>
        %parallel_loop3A_551 = arith.minsi %parallel_loop3A_550, %parallel_loop3A_549 : vector<16xi32>
        %parallel_loop3A_552 = arith.index_cast %parallel_loop3A_534 : i32 to index
        %parallel_loop3A_553 = tpu.vector_load %arg13[%parallel_loop3A_552] {strides = array<i32>} : memref<2000xi32, #tpu.memory_space<vmem>>, vector<16xi32>,
        %parallel_loop3A_554 = vector.broadcast %mul3A_2 : i32 to vector<16xi32>
        %parallel_loop3A_555 = arith.subi %parallel_loop3A_553, %parallel_loop3A_554 : vector<16xi32>
        %parallel_loop3A_556 = arith.constant 0 : i32
        %parallel_loop3A_557 = arith.constant 39999 : i32
        %parallel_loop3A_558 = vector.broadcast %parallel_loop3A_556 : i32 to vector<16xi32>
        %parallel_loop3A_559 = arith.maxsi %parallel_loop3A_558, %parallel_loop3A_555 : vector<16xi32>
        %parallel_loop3A_560 = vector.broadcast %parallel_loop3A_557 : i32 to vector<16xi32>
        %parallel_loop3A_561 = arith.minsi %parallel_loop3A_560, %parallel_loop3A_559 : vector<16xi32>
        %parallel_loop3A_562 = arith.constant 16 : i32
        %parallel_loop3A_563 = arith.muli %parallel_loop3A_531, %parallel_loop3A_562 : i32
        %parallel_loop3A_564 = arith.addi %add3A_399, %parallel_loop3A_563 : i32
        %parallel_loop3A_565 = arith.constant 1 : i32
        %parallel_loop3A_566 = arith.addi %parallel_loop3A_564, %parallel_loop3A_565 : i32
        %parallel_loop3A_567 = arith.sitofp %parallel_loop3A_566 : i32 to f32
        %parallel_loop3A_568 = vector.broadcast %parallel_loop3A_567 : f32 to vector<16xf32>
        %parallel_loop3A_569 = arith.addf %convert_element_type3A, %parallel_loop3A_568 : vector<16xf32>
        %parallel_loop3A_570 = tpu.vector_load_idx %arg10[%parallel_loop3A_561] masked %parallel_loop3A_543 : memref<40000xf32, #tpu.memory_space<vmem>>[vector<16xi32>], vector<16xf32>, vector<16xi1>
        %parallel_loop3A_571 = arith.cmpf oeq, %parallel_loop3A_570, %parallel_loop3A_569 : vector<16xf32>
        %parallel_loop3A_572 = arith.andi %parallel_loop3A_543, %parallel_loop3A_571 : vector<16xi1>
        %parallel_loop3A_573 = arith.index_cast %parallel_loop3A_534 : i32 to index
        %parallel_loop3A_574 = tpu.vector_load %arg17[%parallel_loop3A_573] {strides = array<i32>} : memref<2000xf32, #tpu.memory_space<vmem>>, vector<16xf32>,
        tpu.vector_store_idx %arg11[%parallel_loop3A_551], %parallel_loop3A_574 masked %parallel_loop3A_572 {add = true} : memref<40000xf32, #tpu.memory_space<vmem>>[vector<16xi32>], vector<16xf32>, vector<16xi1>
        %parallel_loop3A_575 = arith.constant 10000 : i32
        %parallel_loop3A_576 = vector.broadcast %parallel_loop3A_575 : i32 to vector<16xi32>
        %parallel_loop3A_577 = arith.addi %parallel_loop3A_551, %parallel_loop3A_576 : vector<16xi32>
        %parallel_loop3A_578 = arith.index_cast %parallel_loop3A_534 : i32 to index
        %parallel_loop3A_579 = tpu.vector_load %arg19[%parallel_loop3A_578] {strides = array<i32>} : memref<2000xf32, #tpu.memory_space<vmem>>, vector<16xf32>,
        tpu.vector_store_idx %arg11[%parallel_loop3A_577], %parallel_loop3A_579 masked %parallel_loop3A_572 {add = true} : memref<40000xf32, #tpu.memory_space<vmem>>[vector<16xi32>], vector<16xf32>, vector<16xi1>
        %parallel_loop3A_580 = arith.constant 20000 : i32
        %parallel_loop3A_581 = vector.broadcast %parallel_loop3A_580 : i32 to vector<16xi32>
        %parallel_loop3A_582 = arith.addi %parallel_loop3A_551, %parallel_loop3A_581 : vector<16xi32>
        %parallel_loop3A_583 = arith.index_cast %parallel_loop3A_534 : i32 to index
        %parallel_loop3A_584 = tpu.vector_load %arg21[%parallel_loop3A_583] {strides = array<i32>} : memref<2000xf32, #tpu.memory_space<vmem>>, vector<16xf32>,
        tpu.vector_store_idx %arg11[%parallel_loop3A_582], %parallel_loop3A_584 masked %parallel_loop3A_572 {add = true} : memref<40000xf32, #tpu.memory_space<vmem>>[vector<16xi32>], vector<16xf32>, vector<16xi1>
        %parallel_loop3A_585 = arith.constant 30000 : i32
        %parallel_loop3A_586 = vector.broadcast %parallel_loop3A_585 : i32 to vector<16xi32>
        %parallel_loop3A_587 = arith.addi %parallel_loop3A_551, %parallel_loop3A_586 : vector<16xi32>
        %parallel_loop3A_588 = arith.index_cast %parallel_loop3A_534 : i32 to index
        %parallel_loop3A_589 = tpu.vector_load %arg23[%parallel_loop3A_588] {strides = array<i32>} : memref<2000xf32, #tpu.memory_space<vmem>>, vector<16xf32>,
        tpu.vector_store_idx %arg11[%parallel_loop3A_587], %parallel_loop3A_589 masked %parallel_loop3A_572 {add = true} : memref<40000xf32, #tpu.memory_space<vmem>>[vector<16xi32>], vector<16xf32>, vector<16xi1>
        %parallel_loop3A_590 = arith.constant 5 : i32
        %parallel_loop3A_591 = arith.muli %parallel_loop3A_403, %parallel_loop3A_590 : i32
        %parallel_loop3A_592 = arith.constant 3 : i32
        %parallel_loop3A_593 = arith.addi %parallel_loop3A_591, %parallel_loop3A_592 : i32
        %parallel_loop3A_594 = arith.constant 16 : i32
        %parallel_loop3A_595 = arith.muli %parallel_loop3A_593, %parallel_loop3A_594 : i32
        %parallel_loop3A_596 = tpu.assume_multiple %parallel_loop3A_595, 8 : i32
        %parallel_loop3A_597 = arith.index_cast %parallel_loop3A_596 : i32 to index
        %parallel_loop3A_598 = tpu.vector_load %arg15[%parallel_loop3A_597] {strides = array<i32>} : memref<2000xi32, #tpu.memory_space<vmem>>, vector<16xi32>,
        %parallel_loop3A_599 = vector.broadcast %mul3A_2 : i32 to vector<16xi32>
        %parallel_loop3A_600 = arith.cmpi sge, %parallel_loop3A_598, %parallel_loop3A_599 : vector<16xi32>
        %parallel_loop3A_601 = arith.constant 10000 : i32
        %parallel_loop3A_602 = arith.addi %mul3A_2, %parallel_loop3A_601 : i32
        %parallel_loop3A_603 = vector.broadcast %parallel_loop3A_602 : i32 to vector<16xi32>
        %parallel_loop3A_604 = arith.cmpi slt, %parallel_loop3A_598, %parallel_loop3A_603 : vector<16xi32>
        %parallel_loop3A_605 = arith.andi %parallel_loop3A_600, %parallel_loop3A_604 : vector<16xi1>
        %parallel_loop3A_606 = vector.broadcast %mul3A_2 : i32 to vector<16xi32>
        %parallel_loop3A_607 = arith.subi %parallel_loop3A_598, %parallel_loop3A_606 : vector<16xi32>
        %parallel_loop3A_608 = arith.constant 0 : i32
        %parallel_loop3A_609 = arith.constant 9999 : i32
        %parallel_loop3A_610 = vector.broadcast %parallel_loop3A_608 : i32 to vector<16xi32>
        %parallel_loop3A_611 = arith.maxsi %parallel_loop3A_610, %parallel_loop3A_607 : vector<16xi32>
        %parallel_loop3A_612 = vector.broadcast %parallel_loop3A_609 : i32 to vector<16xi32>
        %parallel_loop3A_613 = arith.minsi %parallel_loop3A_612, %parallel_loop3A_611 : vector<16xi32>
        %parallel_loop3A_614 = arith.index_cast %parallel_loop3A_596 : i32 to index
        %parallel_loop3A_615 = tpu.vector_load %arg13[%parallel_loop3A_614] {strides = array<i32>} : memref<2000xi32, #tpu.memory_space<vmem>>, vector<16xi32>,
        %parallel_loop3A_616 = vector.broadcast %mul3A_2 : i32 to vector<16xi32>
        %parallel_loop3A_617 = arith.subi %parallel_loop3A_615, %parallel_loop3A_616 : vector<16xi32>
        %parallel_loop3A_618 = arith.constant 0 : i32
        %parallel_loop3A_619 = arith.constant 39999 : i32
        %parallel_loop3A_620 = vector.broadcast %parallel_loop3A_618 : i32 to vector<16xi32>
        %parallel_loop3A_621 = arith.maxsi %parallel_loop3A_620, %parallel_loop3A_617 : vector<16xi32>
        %parallel_loop3A_622 = vector.broadcast %parallel_loop3A_619 : i32 to vector<16xi32>
        %parallel_loop3A_623 = arith.minsi %parallel_loop3A_622, %parallel_loop3A_621 : vector<16xi32>
        %parallel_loop3A_624 = arith.constant 16 : i32
        %parallel_loop3A_625 = arith.muli %parallel_loop3A_593, %parallel_loop3A_624 : i32
        %parallel_loop3A_626 = arith.addi %add3A_399, %parallel_loop3A_625 : i32
        %parallel_loop3A_627 = arith.constant 1 : i32
        %parallel_loop3A_628 = arith.addi %parallel_loop3A_626, %parallel_loop3A_627 : i32
        %parallel_loop3A_629 = arith.sitofp %parallel_loop3A_628 : i32 to f32
        %parallel_loop3A_630 = vector.broadcast %parallel_loop3A_629 : f32 to vector<16xf32>
        %parallel_loop3A_631 = arith.addf %convert_element_type3A, %parallel_loop3A_630 : vector<16xf32>
        %parallel_loop3A_632 = tpu.vector_load_idx %arg10[%parallel_loop3A_623] masked %parallel_loop3A_605 : memref<40000xf32, #tpu.memory_space<vmem>>[vector<16xi32>], vector<16xf32>, vector<16xi1>
        %parallel_loop3A_633 = arith.cmpf oeq, %parallel_loop3A_632, %parallel_loop3A_631 : vector<16xf32>
        %parallel_loop3A_634 = arith.andi %parallel_loop3A_605, %parallel_loop3A_633 : vector<16xi1>
        %parallel_loop3A_635 = arith.index_cast %parallel_loop3A_596 : i32 to index
        %parallel_loop3A_636 = tpu.vector_load %arg17[%parallel_loop3A_635] {strides = array<i32>} : memref<2000xf32, #tpu.memory_space<vmem>>, vector<16xf32>,
        tpu.vector_store_idx %arg11[%parallel_loop3A_613], %parallel_loop3A_636 masked %parallel_loop3A_634 {add = true} : memref<40000xf32, #tpu.memory_space<vmem>>[vector<16xi32>], vector<16xf32>, vector<16xi1>
        %parallel_loop3A_637 = arith.constant 10000 : i32
        %parallel_loop3A_638 = vector.broadcast %parallel_loop3A_637 : i32 to vector<16xi32>
        %parallel_loop3A_639 = arith.addi %parallel_loop3A_613, %parallel_loop3A_638 : vector<16xi32>
        %parallel_loop3A_640 = arith.index_cast %parallel_loop3A_596 : i32 to index
        %parallel_loop3A_641 = tpu.vector_load %arg19[%parallel_loop3A_640] {strides = array<i32>} : memref<2000xf32, #tpu.memory_space<vmem>>, vector<16xf32>,
        tpu.vector_store_idx %arg11[%parallel_loop3A_639], %parallel_loop3A_641 masked %parallel_loop3A_634 {add = true} : memref<40000xf32, #tpu.memory_space<vmem>>[vector<16xi32>], vector<16xf32>, vector<16xi1>
        %parallel_loop3A_642 = arith.constant 20000 : i32
        %parallel_loop3A_643 = vector.broadcast %parallel_loop3A_642 : i32 to vector<16xi32>
        %parallel_loop3A_644 = arith.addi %parallel_loop3A_613, %parallel_loop3A_643 : vector<16xi32>
        %parallel_loop3A_645 = arith.index_cast %parallel_loop3A_596 : i32 to index
        %parallel_loop3A_646 = tpu.vector_load %arg21[%parallel_loop3A_645] {strides = array<i32>} : memref<2000xf32, #tpu.memory_space<vmem>>, vector<16xf32>,
        tpu.vector_store_idx %arg11[%parallel_loop3A_644], %parallel_loop3A_646 masked %parallel_loop3A_634 {add = true} : memref<40000xf32, #tpu.memory_space<vmem>>[vector<16xi32>], vector<16xf32>, vector<16xi1>
        %parallel_loop3A_647 = arith.constant 30000 : i32
        %parallel_loop3A_648 = vector.broadcast %parallel_loop3A_647 : i32 to vector<16xi32>
        %parallel_loop3A_649 = arith.addi %parallel_loop3A_613, %parallel_loop3A_648 : vector<16xi32>
        %parallel_loop3A_650 = arith.index_cast %parallel_loop3A_596 : i32 to index
        %parallel_loop3A_651 = tpu.vector_load %arg23[%parallel_loop3A_650] {strides = array<i32>} : memref<2000xf32, #tpu.memory_space<vmem>>, vector<16xf32>,
        tpu.vector_store_idx %arg11[%parallel_loop3A_649], %parallel_loop3A_651 masked %parallel_loop3A_634 {add = true} : memref<40000xf32, #tpu.memory_space<vmem>>[vector<16xi32>], vector<16xf32>, vector<16xi1>
        %parallel_loop3A_652 = arith.constant 5 : i32
        %parallel_loop3A_653 = arith.muli %parallel_loop3A_403, %parallel_loop3A_652 : i32
        %parallel_loop3A_654 = arith.constant 4 : i32
        %parallel_loop3A_655 = arith.addi %parallel_loop3A_653, %parallel_loop3A_654 : i32
        %parallel_loop3A_656 = arith.constant 16 : i32
        %parallel_loop3A_657 = arith.muli %parallel_loop3A_655, %parallel_loop3A_656 : i32
        %parallel_loop3A_658 = tpu.assume_multiple %parallel_loop3A_657, 8 : i32
        %parallel_loop3A_659 = arith.index_cast %parallel_loop3A_658 : i32 to index
        %parallel_loop3A_660 = tpu.vector_load %arg15[%parallel_loop3A_659] {strides = array<i32>} : memref<2000xi32, #tpu.memory_space<vmem>>, vector<16xi32>,
        %parallel_loop3A_661 = vector.broadcast %mul3A_2 : i32 to vector<16xi32>
        %parallel_loop3A_662 = arith.cmpi sge, %parallel_loop3A_660, %parallel_loop3A_661 : vector<16xi32>
        %parallel_loop3A_663 = arith.constant 10000 : i32
        %parallel_loop3A_664 = arith.addi %mul3A_2, %parallel_loop3A_663 : i32
        %parallel_loop3A_665 = vector.broadcast %parallel_loop3A_664 : i32 to vector<16xi32>
        %parallel_loop3A_666 = arith.cmpi slt, %parallel_loop3A_660, %parallel_loop3A_665 : vector<16xi32>
        %parallel_loop3A_667 = arith.andi %parallel_loop3A_662, %parallel_loop3A_666 : vector<16xi1>
        %parallel_loop3A_668 = vector.broadcast %mul3A_2 : i32 to vector<16xi32>
        %parallel_loop3A_669 = arith.subi %parallel_loop3A_660, %parallel_loop3A_668 : vector<16xi32>
        %parallel_loop3A_670 = arith.constant 0 : i32
        %parallel_loop3A_671 = arith.constant 9999 : i32
        %parallel_loop3A_672 = vector.broadcast %parallel_loop3A_670 : i32 to vector<16xi32>
        %parallel_loop3A_673 = arith.maxsi %parallel_loop3A_672, %parallel_loop3A_669 : vector<16xi32>
        %parallel_loop3A_674 = vector.broadcast %parallel_loop3A_671 : i32 to vector<16xi32>
        %parallel_loop3A_675 = arith.minsi %parallel_loop3A_674, %parallel_loop3A_673 : vector<16xi32>
        %parallel_loop3A_676 = arith.index_cast %parallel_loop3A_658 : i32 to index
        %parallel_loop3A_677 = tpu.vector_load %arg13[%parallel_loop3A_676] {strides = array<i32>} : memref<2000xi32, #tpu.memory_space<vmem>>, vector<16xi32>,
        %parallel_loop3A_678 = vector.broadcast %mul3A_2 : i32 to vector<16xi32>
        %parallel_loop3A_679 = arith.subi %parallel_loop3A_677, %parallel_loop3A_678 : vector<16xi32>
        %parallel_loop3A_680 = arith.constant 0 : i32
        %parallel_loop3A_681 = arith.constant 39999 : i32
        %parallel_loop3A_682 = vector.broadcast %parallel_loop3A_680 : i32 to vector<16xi32>
        %parallel_loop3A_683 = arith.maxsi %parallel_loop3A_682, %parallel_loop3A_679 : vector<16xi32>
        %parallel_loop3A_684 = vector.broadcast %parallel_loop3A_681 : i32 to vector<16xi32>
        %parallel_loop3A_685 = arith.minsi %parallel_loop3A_684, %parallel_loop3A_683 : vector<16xi32>
        %parallel_loop3A_686 = arith.constant 16 : i32
        %parallel_loop3A_687 = arith.muli %parallel_loop3A_655, %parallel_loop3A_686 : i32
        %parallel_loop3A_688 = arith.addi %add3A_399, %parallel_loop3A_687 : i32
        %parallel_loop3A_689 = arith.constant 1 : i32
        %parallel_loop3A_690 = arith.addi %parallel_loop3A_688, %parallel_loop3A_689 : i32
        %parallel_loop3A_691 = arith.sitofp %parallel_loop3A_690 : i32 to f32
        %parallel_loop3A_692 = vector.broadcast %parallel_loop3A_691 : f32 to vector<16xf32>
        %parallel_loop3A_693 = arith.addf %convert_element_type3A, %parallel_loop3A_692 : vector<16xf32>
        %parallel_loop3A_694 = tpu.vector_load_idx %arg10[%parallel_loop3A_685] masked %parallel_loop3A_667 : memref<40000xf32, #tpu.memory_space<vmem>>[vector<16xi32>], vector<16xf32>, vector<16xi1>
        %parallel_loop3A_695 = arith.cmpf oeq, %parallel_loop3A_694, %parallel_loop3A_693 : vector<16xf32>
        %parallel_loop3A_696 = arith.andi %parallel_loop3A_667, %parallel_loop3A_695 : vector<16xi1>
        %parallel_loop3A_697 = arith.index_cast %parallel_loop3A_658 : i32 to index
        %parallel_loop3A_698 = tpu.vector_load %arg17[%parallel_loop3A_697] {strides = array<i32>} : memref<2000xf32, #tpu.memory_space<vmem>>, vector<16xf32>,
        tpu.vector_store_idx %arg11[%parallel_loop3A_675], %parallel_loop3A_698 masked %parallel_loop3A_696 {add = true} : memref<40000xf32, #tpu.memory_space<vmem>>[vector<16xi32>], vector<16xf32>, vector<16xi1>
        %parallel_loop3A_699 = arith.constant 10000 : i32
        %parallel_loop3A_700 = vector.broadcast %parallel_loop3A_699 : i32 to vector<16xi32>
        %parallel_loop3A_701 = arith.addi %parallel_loop3A_675, %parallel_loop3A_700 : vector<16xi32>
        %parallel_loop3A_702 = arith.index_cast %parallel_loop3A_658 : i32 to index
        %parallel_loop3A_703 = tpu.vector_load %arg19[%parallel_loop3A_702] {strides = array<i32>} : memref<2000xf32, #tpu.memory_space<vmem>>, vector<16xf32>,
        tpu.vector_store_idx %arg11[%parallel_loop3A_701], %parallel_loop3A_703 masked %parallel_loop3A_696 {add = true} : memref<40000xf32, #tpu.memory_space<vmem>>[vector<16xi32>], vector<16xf32>, vector<16xi1>
        %parallel_loop3A_704 = arith.constant 20000 : i32
        %parallel_loop3A_705 = vector.broadcast %parallel_loop3A_704 : i32 to vector<16xi32>
        %parallel_loop3A_706 = arith.addi %parallel_loop3A_675, %parallel_loop3A_705 : vector<16xi32>
        %parallel_loop3A_707 = arith.index_cast %parallel_loop3A_658 : i32 to index
        %parallel_loop3A_708 = tpu.vector_load %arg21[%parallel_loop3A_707] {strides = array<i32>} : memref<2000xf32, #tpu.memory_space<vmem>>, vector<16xf32>,
        tpu.vector_store_idx %arg11[%parallel_loop3A_706], %parallel_loop3A_708 masked %parallel_loop3A_696 {add = true} : memref<40000xf32, #tpu.memory_space<vmem>>[vector<16xi32>], vector<16xf32>, vector<16xi1>
        %parallel_loop3A_709 = arith.constant 30000 : i32
        %parallel_loop3A_710 = vector.broadcast %parallel_loop3A_709 : i32 to vector<16xi32>
        %parallel_loop3A_711 = arith.addi %parallel_loop3A_675, %parallel_loop3A_710 : vector<16xi32>
        %parallel_loop3A_712 = arith.index_cast %parallel_loop3A_658 : i32 to index
        %parallel_loop3A_713 = tpu.vector_load %arg23[%parallel_loop3A_712] {strides = array<i32>} : memref<2000xf32, #tpu.memory_space<vmem>>, vector<16xf32>,
        tpu.vector_store_idx %arg11[%parallel_loop3A_711], %parallel_loop3A_713 masked %parallel_loop3A_696 {add = true} : memref<40000xf32, #tpu.memory_space<vmem>>[vector<16xi32>], vector<16xf32>, vector<16xi1>
      } {sc.loop_unroll_factor = 1 : i64, sc.parallel_access}
    }
    %scan3A_46 = arith.constant 7 : i32
    %dma_wait3A_47 = arith.constant 0 : i32
    %dma_wait3A_48 = tpu.memref_slice %arg2[%dma_wait3A_47] : memref<30000xi32, #tpu.memory_space<hbm>> -> memref<2000xi32, #tpu.memory_space<hbm>>
    %dma_wait3A_49 = arith.constant 0 : i32
    %dma_wait3A_50 = tpu.memref_slice %arg2[%dma_wait3A_49] : memref<30000xi32, #tpu.memory_space<hbm>> -> memref<2000xi32, #tpu.memory_space<hbm>>
    tpu.wait_dma2 semaphore(%arg24 : memref<!tpu.dma_semaphore, #tpu.memory_space<semaphore_mem>>) src(%dma_wait3A_50 : memref<2000xi32, #tpu.memory_space<hbm>>) dst(%arg12 : memref<2000xi32, #tpu.memory_space<vmem>>)
    %dma_wait3A_51 = arith.constant 0 : i32
    %dma_wait3A_52 = tpu.memref_slice %arg3[%dma_wait3A_51] : memref<30000xi32, #tpu.memory_space<hbm>> -> memref<2000xi32, #tpu.memory_space<hbm>>
    %dma_wait3A_53 = arith.constant 0 : i32
    %dma_wait3A_54 = tpu.memref_slice %arg3[%dma_wait3A_53] : memref<30000xi32, #tpu.memory_space<hbm>> -> memref<2000xi32, #tpu.memory_space<hbm>>
    tpu.wait_dma2 semaphore(%arg24 : memref<!tpu.dma_semaphore, #tpu.memory_space<semaphore_mem>>) src(%dma_wait3A_54 : memref<2000xi32, #tpu.memory_space<hbm>>) dst(%arg14 : memref<2000xi32, #tpu.memory_space<vmem>>)
    %dma_wait3A_55 = arith.constant 0 : i32
    %dma_wait3A_56 = tpu.memref_slice %arg4[%dma_wait3A_55] : memref<30000xf32, #tpu.memory_space<hbm>> -> memref<2000xf32, #tpu.memory_space<hbm>>
    %dma_wait3A_57 = arith.constant 0 : i32
    %dma_wait3A_58 = tpu.memref_slice %arg4[%dma_wait3A_57] : memref<30000xf32, #tpu.memory_space<hbm>> -> memref<2000xf32, #tpu.memory_space<hbm>>
    tpu.wait_dma2 semaphore(%arg24 : memref<!tpu.dma_semaphore, #tpu.memory_space<semaphore_mem>>) src(%dma_wait3A_58 : memref<2000xf32, #tpu.memory_space<hbm>>) dst(%arg16 : memref<2000xf32, #tpu.memory_space<vmem>>)
    %dma_wait3A_59 = arith.constant 0 : i32
    %dma_wait3A_60 = tpu.memref_slice %arg5[%dma_wait3A_59] : memref<30000xf32, #tpu.memory_space<hbm>> -> memref<2000xf32, #tpu.memory_space<hbm>>
    %dma_wait3A_61 = arith.constant 0 : i32
    %dma_wait3A_62 = tpu.memref_slice %arg5[%dma_wait3A_61] : memref<30000xf32, #tpu.memory_space<hbm>> -> memref<2000xf32, #tpu.memory_space<hbm>>
    tpu.wait_dma2 semaphore(%arg24 : memref<!tpu.dma_semaphore, #tpu.memory_space<semaphore_mem>>) src(%dma_wait3A_62 : memref<2000xf32, #tpu.memory_space<hbm>>) dst(%arg18 : memref<2000xf32, #tpu.memory_space<vmem>>)
    %dma_wait3A_63 = arith.constant 0 : i32
    %dma_wait3A_64 = tpu.memref_slice %arg6[%dma_wait3A_63] : memref<30000xf32, #tpu.memory_space<hbm>> -> memref<2000xf32, #tpu.memory_space<hbm>>
    %dma_wait3A_65 = arith.constant 0 : i32
    %dma_wait3A_66 = tpu.memref_slice %arg6[%dma_wait3A_65] : memref<30000xf32, #tpu.memory_space<hbm>> -> memref<2000xf32, #tpu.memory_space<hbm>>
    tpu.wait_dma2 semaphore(%arg24 : memref<!tpu.dma_semaphore, #tpu.memory_space<semaphore_mem>>) src(%dma_wait3A_66 : memref<2000xf32, #tpu.memory_space<hbm>>) dst(%arg20 : memref<2000xf32, #tpu.memory_space<vmem>>)
    %dma_wait3A_67 = arith.constant 0 : i32
    %dma_wait3A_68 = tpu.memref_slice %arg7[%dma_wait3A_67] : memref<30000xf32, #tpu.memory_space<hbm>> -> memref<2000xf32, #tpu.memory_space<hbm>>
    %dma_wait3A_69 = arith.constant 0 : i32
    %dma_wait3A_70 = tpu.memref_slice %arg7[%dma_wait3A_69] : memref<30000xf32, #tpu.memory_space<hbm>> -> memref<2000xf32, #tpu.memory_space<hbm>>
    tpu.wait_dma2 semaphore(%arg24 : memref<!tpu.dma_semaphore, #tpu.memory_space<semaphore_mem>>) src(%dma_wait3A_70 : memref<2000xf32, #tpu.memory_space<hbm>>) dst(%arg22 : memref<2000xf32, #tpu.memory_space<vmem>>)
    %parallel_loop3A_71 = arith.constant 0 : i32
    %parallel_loop3A_72 = arith.constant 25 : i32
    %parallel_loop3A_73 = arith.constant 1 : i32
    scf.for %parallel_loop3A_314 = %parallel_loop3A_71 to %parallel_loop3A_72 step %parallel_loop3A_73  : i32 {
      %parallel_loop3A_315 = arith.constant 5 : i32
      %parallel_loop3A_316 = arith.muli %parallel_loop3A_314, %parallel_loop3A_315 : i32
      %parallel_loop3A_317 = arith.constant 0 : i32
      %parallel_loop3A_318 = arith.addi %parallel_loop3A_316, %parallel_loop3A_317 : i32
      %parallel_loop3A_319 = arith.constant 16 : i32
      %parallel_loop3A_320 = arith.muli %parallel_loop3A_318, %parallel_loop3A_319 : i32
      %parallel_loop3A_321 = tpu.assume_multiple %parallel_loop3A_320, 8 : i32
      %parallel_loop3A_322 = arith.index_cast %parallel_loop3A_321 : i32 to index
      %parallel_loop3A_323 = tpu.vector_load %arg14[%parallel_loop3A_322] {strides = array<i32>} : memref<2000xi32, #tpu.memory_space<vmem>>, vector<16xi32>,
      %parallel_loop3A_324 = vector.broadcast %mul3A_2 : i32 to vector<16xi32>
      %parallel_loop3A_325 = arith.cmpi sge, %parallel_loop3A_323, %parallel_loop3A_324 : vector<16xi32>
      %parallel_loop3A_326 = arith.constant 10000 : i32
      %parallel_loop3A_327 = arith.addi %mul3A_2, %parallel_loop3A_326 : i32
      %parallel_loop3A_328 = vector.broadcast %parallel_loop3A_327 : i32 to vector<16xi32>
      %parallel_loop3A_329 = arith.cmpi slt, %parallel_loop3A_323, %parallel_loop3A_328 : vector<16xi32>
      %parallel_loop3A_330 = arith.andi %parallel_loop3A_325, %parallel_loop3A_329 : vector<16xi1>
      %parallel_loop3A_331 = vector.broadcast %mul3A_2 : i32 to vector<16xi32>
      %parallel_loop3A_332 = arith.subi %parallel_loop3A_323, %parallel_loop3A_331 : vector<16xi32>
      %parallel_loop3A_333 = arith.constant 0 : i32
      %parallel_loop3A_334 = arith.constant 9999 : i32
      %parallel_loop3A_335 = vector.broadcast %parallel_loop3A_333 : i32 to vector<16xi32>
      %parallel_loop3A_336 = arith.maxsi %parallel_loop3A_335, %parallel_loop3A_332 : vector<16xi32>
      %parallel_loop3A_337 = vector.broadcast %parallel_loop3A_334 : i32 to vector<16xi32>
      %parallel_loop3A_338 = arith.minsi %parallel_loop3A_337, %parallel_loop3A_336 : vector<16xi32>
      %parallel_loop3A_339 = arith.index_cast %parallel_loop3A_321 : i32 to index
      %parallel_loop3A_340 = tpu.vector_load %arg12[%parallel_loop3A_339] {strides = array<i32>} : memref<2000xi32, #tpu.memory_space<vmem>>, vector<16xi32>,
      %parallel_loop3A_341 = vector.broadcast %mul3A_2 : i32 to vector<16xi32>
      %parallel_loop3A_342 = arith.subi %parallel_loop3A_340, %parallel_loop3A_341 : vector<16xi32>
      %parallel_loop3A_343 = arith.constant 0 : i32
      %parallel_loop3A_344 = arith.constant 39999 : i32
      %parallel_loop3A_345 = vector.broadcast %parallel_loop3A_343 : i32 to vector<16xi32>
      %parallel_loop3A_346 = arith.maxsi %parallel_loop3A_345, %parallel_loop3A_342 : vector<16xi32>
      %parallel_loop3A_347 = vector.broadcast %parallel_loop3A_344 : i32 to vector<16xi32>
      %parallel_loop3A_348 = arith.minsi %parallel_loop3A_347, %parallel_loop3A_346 : vector<16xi32>
      %parallel_loop3A_349 = arith.constant 16 : i32
      %parallel_loop3A_350 = arith.muli %parallel_loop3A_318, %parallel_loop3A_349 : i32
      %parallel_loop3A_351 = arith.constant 28000 : i32
      %parallel_loop3A_352 = arith.addi %parallel_loop3A_351, %parallel_loop3A_350 : i32
      %parallel_loop3A_353 = arith.constant 1 : i32
      %parallel_loop3A_354 = arith.addi %parallel_loop3A_352, %parallel_loop3A_353 : i32
      %parallel_loop3A_355 = arith.sitofp %parallel_loop3A_354 : i32 to f32
      %parallel_loop3A_356 = vector.broadcast %parallel_loop3A_355 : f32 to vector<16xf32>
      %parallel_loop3A_357 = arith.addf %convert_element_type3A, %parallel_loop3A_356 : vector<16xf32>
      %parallel_loop3A_358 = tpu.vector_load_idx %arg10[%parallel_loop3A_348] masked %parallel_loop3A_330 : memref<40000xf32, #tpu.memory_space<vmem>>[vector<16xi32>], vector<16xf32>, vector<16xi1>
      %parallel_loop3A_359 = arith.cmpf oeq, %parallel_loop3A_358, %parallel_loop3A_357 : vector<16xf32>
      %parallel_loop3A_360 = arith.andi %parallel_loop3A_330, %parallel_loop3A_359 : vector<16xi1>
      %parallel_loop3A_361 = arith.index_cast %parallel_loop3A_321 : i32 to index
      %parallel_loop3A_362 = tpu.vector_load %arg16[%parallel_loop3A_361] {strides = array<i32>} : memref<2000xf32, #tpu.memory_space<vmem>>, vector<16xf32>,
      tpu.vector_store_idx %arg11[%parallel_loop3A_338], %parallel_loop3A_362 masked %parallel_loop3A_360 {add = true} : memref<40000xf32, #tpu.memory_space<vmem>>[vector<16xi32>], vector<16xf32>, vector<16xi1>
      %parallel_loop3A_363 = arith.constant 10000 : i32
      %parallel_loop3A_364 = vector.broadcast %parallel_loop3A_363 : i32 to vector<16xi32>
      %parallel_loop3A_365 = arith.addi %parallel_loop3A_338, %parallel_loop3A_364 : vector<16xi32>
      %parallel_loop3A_366 = arith.index_cast %parallel_loop3A_321 : i32 to index
      %parallel_loop3A_367 = tpu.vector_load %arg18[%parallel_loop3A_366] {strides = array<i32>} : memref<2000xf32, #tpu.memory_space<vmem>>, vector<16xf32>,
      tpu.vector_store_idx %arg11[%parallel_loop3A_365], %parallel_loop3A_367 masked %parallel_loop3A_360 {add = true} : memref<40000xf32, #tpu.memory_space<vmem>>[vector<16xi32>], vector<16xf32>, vector<16xi1>
      %parallel_loop3A_368 = arith.constant 20000 : i32
      %parallel_loop3A_369 = vector.broadcast %parallel_loop3A_368 : i32 to vector<16xi32>
      %parallel_loop3A_370 = arith.addi %parallel_loop3A_338, %parallel_loop3A_369 : vector<16xi32>
      %parallel_loop3A_371 = arith.index_cast %parallel_loop3A_321 : i32 to index
      %parallel_loop3A_372 = tpu.vector_load %arg20[%parallel_loop3A_371] {strides = array<i32>} : memref<2000xf32, #tpu.memory_space<vmem>>, vector<16xf32>,
      tpu.vector_store_idx %arg11[%parallel_loop3A_370], %parallel_loop3A_372 masked %parallel_loop3A_360 {add = true} : memref<40000xf32, #tpu.memory_space<vmem>>[vector<16xi32>], vector<16xf32>, vector<16xi1>
      %parallel_loop3A_373 = arith.constant 30000 : i32
      %parallel_loop3A_374 = vector.broadcast %parallel_loop3A_373 : i32 to vector<16xi32>
      %parallel_loop3A_375 = arith.addi %parallel_loop3A_338, %parallel_loop3A_374 : vector<16xi32>
      %parallel_loop3A_376 = arith.index_cast %parallel_loop3A_321 : i32 to index
      %parallel_loop3A_377 = tpu.vector_load %arg22[%parallel_loop3A_376] {strides = array<i32>} : memref<2000xf32, #tpu.memory_space<vmem>>, vector<16xf32>,
      tpu.vector_store_idx %arg11[%parallel_loop3A_375], %parallel_loop3A_377 masked %parallel_loop3A_360 {add = true} : memref<40000xf32, #tpu.memory_space<vmem>>[vector<16xi32>], vector<16xf32>, vector<16xi1>
      %parallel_loop3A_378 = arith.constant 5 : i32
      %parallel_loop3A_379 = arith.muli %parallel_loop3A_314, %parallel_loop3A_378 : i32
      %parallel_loop3A_380 = arith.constant 1 : i32
      %parallel_loop3A_381 = arith.addi %parallel_loop3A_379, %parallel_loop3A_380 : i32
      %parallel_loop3A_382 = arith.constant 16 : i32
      %parallel_loop3A_383 = arith.muli %parallel_loop3A_381, %parallel_loop3A_382 : i32
      %parallel_loop3A_384 = tpu.assume_multiple %parallel_loop3A_383, 8 : i32
      %parallel_loop3A_385 = arith.index_cast %parallel_loop3A_384 : i32 to index
      %parallel_loop3A_386 = tpu.vector_load %arg14[%parallel_loop3A_385] {strides = array<i32>} : memref<2000xi32, #tpu.memory_space<vmem>>, vector<16xi32>,
      %parallel_loop3A_387 = vector.broadcast %mul3A_2 : i32 to vector<16xi32>
      %parallel_loop3A_388 = arith.cmpi sge, %parallel_loop3A_386, %parallel_loop3A_387 : vector<16xi32>
      %parallel_loop3A_389 = arith.constant 10000 : i32
      %parallel_loop3A_390 = arith.addi %mul3A_2, %parallel_loop3A_389 : i32
      %parallel_loop3A_391 = vector.broadcast %parallel_loop3A_390 : i32 to vector<16xi32>
      %parallel_loop3A_392 = arith.cmpi slt, %parallel_loop3A_386, %parallel_loop3A_391 : vector<16xi32>
      %parallel_loop3A_393 = arith.andi %parallel_loop3A_388, %parallel_loop3A_392 : vector<16xi1>
      %parallel_loop3A_394 = vector.broadcast %mul3A_2 : i32 to vector<16xi32>
      %parallel_loop3A_395 = arith.subi %parallel_loop3A_386, %parallel_loop3A_394 : vector<16xi32>
      %parallel_loop3A_396 = arith.constant 0 : i32
      %parallel_loop3A_397 = arith.constant 9999 : i32
      %parallel_loop3A_398 = vector.broadcast %parallel_loop3A_396 : i32 to vector<16xi32>
      %parallel_loop3A_399 = arith.maxsi %parallel_loop3A_398, %parallel_loop3A_395 : vector<16xi32>
      %parallel_loop3A_400 = vector.broadcast %parallel_loop3A_397 : i32 to vector<16xi32>
      %parallel_loop3A_401 = arith.minsi %parallel_loop3A_400, %parallel_loop3A_399 : vector<16xi32>
      %parallel_loop3A_402 = arith.index_cast %parallel_loop3A_384 : i32 to index
      %parallel_loop3A_403 = tpu.vector_load %arg12[%parallel_loop3A_402] {strides = array<i32>} : memref<2000xi32, #tpu.memory_space<vmem>>, vector<16xi32>,
      %parallel_loop3A_404 = vector.broadcast %mul3A_2 : i32 to vector<16xi32>
      %parallel_loop3A_405 = arith.subi %parallel_loop3A_403, %parallel_loop3A_404 : vector<16xi32>
      %parallel_loop3A_406 = arith.constant 0 : i32
      %parallel_loop3A_407 = arith.constant 39999 : i32
      %parallel_loop3A_408 = vector.broadcast %parallel_loop3A_406 : i32 to vector<16xi32>
      %parallel_loop3A_409 = arith.maxsi %parallel_loop3A_408, %parallel_loop3A_405 : vector<16xi32>
      %parallel_loop3A_410 = vector.broadcast %parallel_loop3A_407 : i32 to vector<16xi32>
      %parallel_loop3A_411 = arith.minsi %parallel_loop3A_410, %parallel_loop3A_409 : vector<16xi32>
      %parallel_loop3A_412 = arith.constant 16 : i32
      %parallel_loop3A_413 = arith.muli %parallel_loop3A_381, %parallel_loop3A_412 : i32
      %parallel_loop3A_414 = arith.constant 28000 : i32
      %parallel_loop3A_415 = arith.addi %parallel_loop3A_414, %parallel_loop3A_413 : i32
      %parallel_loop3A_416 = arith.constant 1 : i32
      %parallel_loop3A_417 = arith.addi %parallel_loop3A_415, %parallel_loop3A_416 : i32
      %parallel_loop3A_418 = arith.sitofp %parallel_loop3A_417 : i32 to f32
      %parallel_loop3A_419 = vector.broadcast %parallel_loop3A_418 : f32 to vector<16xf32>
      %parallel_loop3A_420 = arith.addf %convert_element_type3A, %parallel_loop3A_419 : vector<16xf32>
      %parallel_loop3A_421 = tpu.vector_load_idx %arg10[%parallel_loop3A_411] masked %parallel_loop3A_393 : memref<40000xf32, #tpu.memory_space<vmem>>[vector<16xi32>], vector<16xf32>, vector<16xi1>
      %parallel_loop3A_422 = arith.cmpf oeq, %parallel_loop3A_421, %parallel_loop3A_420 : vector<16xf32>
      %parallel_loop3A_423 = arith.andi %parallel_loop3A_393, %parallel_loop3A_422 : vector<16xi1>
      %parallel_loop3A_424 = arith.index_cast %parallel_loop3A_384 : i32 to index
      %parallel_loop3A_425 = tpu.vector_load %arg16[%parallel_loop3A_424] {strides = array<i32>} : memref<2000xf32, #tpu.memory_space<vmem>>, vector<16xf32>,
      tpu.vector_store_idx %arg11[%parallel_loop3A_401], %parallel_loop3A_425 masked %parallel_loop3A_423 {add = true} : memref<40000xf32, #tpu.memory_space<vmem>>[vector<16xi32>], vector<16xf32>, vector<16xi1>
      %parallel_loop3A_426 = arith.constant 10000 : i32
      %parallel_loop3A_427 = vector.broadcast %parallel_loop3A_426 : i32 to vector<16xi32>
      %parallel_loop3A_428 = arith.addi %parallel_loop3A_401, %parallel_loop3A_427 : vector<16xi32>
      %parallel_loop3A_429 = arith.index_cast %parallel_loop3A_384 : i32 to index
      %parallel_loop3A_430 = tpu.vector_load %arg18[%parallel_loop3A_429] {strides = array<i32>} : memref<2000xf32, #tpu.memory_space<vmem>>, vector<16xf32>,
      tpu.vector_store_idx %arg11[%parallel_loop3A_428], %parallel_loop3A_430 masked %parallel_loop3A_423 {add = true} : memref<40000xf32, #tpu.memory_space<vmem>>[vector<16xi32>], vector<16xf32>, vector<16xi1>
      %parallel_loop3A_431 = arith.constant 20000 : i32
      %parallel_loop3A_432 = vector.broadcast %parallel_loop3A_431 : i32 to vector<16xi32>
      %parallel_loop3A_433 = arith.addi %parallel_loop3A_401, %parallel_loop3A_432 : vector<16xi32>
      %parallel_loop3A_434 = arith.index_cast %parallel_loop3A_384 : i32 to index
      %parallel_loop3A_435 = tpu.vector_load %arg20[%parallel_loop3A_434] {strides = array<i32>} : memref<2000xf32, #tpu.memory_space<vmem>>, vector<16xf32>,
      tpu.vector_store_idx %arg11[%parallel_loop3A_433], %parallel_loop3A_435 masked %parallel_loop3A_423 {add = true} : memref<40000xf32, #tpu.memory_space<vmem>>[vector<16xi32>], vector<16xf32>, vector<16xi1>
      %parallel_loop3A_436 = arith.constant 30000 : i32
      %parallel_loop3A_437 = vector.broadcast %parallel_loop3A_436 : i32 to vector<16xi32>
      %parallel_loop3A_438 = arith.addi %parallel_loop3A_401, %parallel_loop3A_437 : vector<16xi32>
      %parallel_loop3A_439 = arith.index_cast %parallel_loop3A_384 : i32 to index
      %parallel_loop3A_440 = tpu.vector_load %arg22[%parallel_loop3A_439] {strides = array<i32>} : memref<2000xf32, #tpu.memory_space<vmem>>, vector<16xf32>,
      tpu.vector_store_idx %arg11[%parallel_loop3A_438], %parallel_loop3A_440 masked %parallel_loop3A_423 {add = true} : memref<40000xf32, #tpu.memory_space<vmem>>[vector<16xi32>], vector<16xf32>, vector<16xi1>
      %parallel_loop3A_441 = arith.constant 5 : i32
      %parallel_loop3A_442 = arith.muli %parallel_loop3A_314, %parallel_loop3A_441 : i32
      %parallel_loop3A_443 = arith.constant 2 : i32
      %parallel_loop3A_444 = arith.addi %parallel_loop3A_442, %parallel_loop3A_443 : i32
      %parallel_loop3A_445 = arith.constant 16 : i32
      %parallel_loop3A_446 = arith.muli %parallel_loop3A_444, %parallel_loop3A_445 : i32
      %parallel_loop3A_447 = tpu.assume_multiple %parallel_loop3A_446, 8 : i32
      %parallel_loop3A_448 = arith.index_cast %parallel_loop3A_447 : i32 to index
      %parallel_loop3A_449 = tpu.vector_load %arg14[%parallel_loop3A_448] {strides = array<i32>} : memref<2000xi32, #tpu.memory_space<vmem>>, vector<16xi32>,
      %parallel_loop3A_450 = vector.broadcast %mul3A_2 : i32 to vector<16xi32>
      %parallel_loop3A_451 = arith.cmpi sge, %parallel_loop3A_449, %parallel_loop3A_450 : vector<16xi32>
      %parallel_loop3A_452 = arith.constant 10000 : i32
      %parallel_loop3A_453 = arith.addi %mul3A_2, %parallel_loop3A_452 : i32
      %parallel_loop3A_454 = vector.broadcast %parallel_loop3A_453 : i32 to vector<16xi32>
      %parallel_loop3A_455 = arith.cmpi slt, %parallel_loop3A_449, %parallel_loop3A_454 : vector<16xi32>
      %parallel_loop3A_456 = arith.andi %parallel_loop3A_451, %parallel_loop3A_455 : vector<16xi1>
      %parallel_loop3A_457 = vector.broadcast %mul3A_2 : i32 to vector<16xi32>
      %parallel_loop3A_458 = arith.subi %parallel_loop3A_449, %parallel_loop3A_457 : vector<16xi32>
      %parallel_loop3A_459 = arith.constant 0 : i32
      %parallel_loop3A_460 = arith.constant 9999 : i32
      %parallel_loop3A_461 = vector.broadcast %parallel_loop3A_459 : i32 to vector<16xi32>
      %parallel_loop3A_462 = arith.maxsi %parallel_loop3A_461, %parallel_loop3A_458 : vector<16xi32>
      %parallel_loop3A_463 = vector.broadcast %parallel_loop3A_460 : i32 to vector<16xi32>
      %parallel_loop3A_464 = arith.minsi %parallel_loop3A_463, %parallel_loop3A_462 : vector<16xi32>
      %parallel_loop3A_465 = arith.index_cast %parallel_loop3A_447 : i32 to index
      %parallel_loop3A_466 = tpu.vector_load %arg12[%parallel_loop3A_465] {strides = array<i32>} : memref<2000xi32, #tpu.memory_space<vmem>>, vector<16xi32>,
      %parallel_loop3A_467 = vector.broadcast %mul3A_2 : i32 to vector<16xi32>
      %parallel_loop3A_468 = arith.subi %parallel_loop3A_466, %parallel_loop3A_467 : vector<16xi32>
      %parallel_loop3A_469 = arith.constant 0 : i32
      %parallel_loop3A_470 = arith.constant 39999 : i32
      %parallel_loop3A_471 = vector.broadcast %parallel_loop3A_469 : i32 to vector<16xi32>
      %parallel_loop3A_472 = arith.maxsi %parallel_loop3A_471, %parallel_loop3A_468 : vector<16xi32>
      %parallel_loop3A_473 = vector.broadcast %parallel_loop3A_470 : i32 to vector<16xi32>
      %parallel_loop3A_474 = arith.minsi %parallel_loop3A_473, %parallel_loop3A_472 : vector<16xi32>
      %parallel_loop3A_475 = arith.constant 16 : i32
      %parallel_loop3A_476 = arith.muli %parallel_loop3A_444, %parallel_loop3A_475 : i32
      %parallel_loop3A_477 = arith.constant 28000 : i32
      %parallel_loop3A_478 = arith.addi %parallel_loop3A_477, %parallel_loop3A_476 : i32
      %parallel_loop3A_479 = arith.constant 1 : i32
      %parallel_loop3A_480 = arith.addi %parallel_loop3A_478, %parallel_loop3A_479 : i32
      %parallel_loop3A_481 = arith.sitofp %parallel_loop3A_480 : i32 to f32
      %parallel_loop3A_482 = vector.broadcast %parallel_loop3A_481 : f32 to vector<16xf32>
      %parallel_loop3A_483 = arith.addf %convert_element_type3A, %parallel_loop3A_482 : vector<16xf32>
      %parallel_loop3A_484 = tpu.vector_load_idx %arg10[%parallel_loop3A_474] masked %parallel_loop3A_456 : memref<40000xf32, #tpu.memory_space<vmem>>[vector<16xi32>], vector<16xf32>, vector<16xi1>
      %parallel_loop3A_485 = arith.cmpf oeq, %parallel_loop3A_484, %parallel_loop3A_483 : vector<16xf32>
      %parallel_loop3A_486 = arith.andi %parallel_loop3A_456, %parallel_loop3A_485 : vector<16xi1>
      %parallel_loop3A_487 = arith.index_cast %parallel_loop3A_447 : i32 to index
      %parallel_loop3A_488 = tpu.vector_load %arg16[%parallel_loop3A_487] {strides = array<i32>} : memref<2000xf32, #tpu.memory_space<vmem>>, vector<16xf32>,
      tpu.vector_store_idx %arg11[%parallel_loop3A_464], %parallel_loop3A_488 masked %parallel_loop3A_486 {add = true} : memref<40000xf32, #tpu.memory_space<vmem>>[vector<16xi32>], vector<16xf32>, vector<16xi1>
      %parallel_loop3A_489 = arith.constant 10000 : i32
      %parallel_loop3A_490 = vector.broadcast %parallel_loop3A_489 : i32 to vector<16xi32>
      %parallel_loop3A_491 = arith.addi %parallel_loop3A_464, %parallel_loop3A_490 : vector<16xi32>
      %parallel_loop3A_492 = arith.index_cast %parallel_loop3A_447 : i32 to index
      %parallel_loop3A_493 = tpu.vector_load %arg18[%parallel_loop3A_492] {strides = array<i32>} : memref<2000xf32, #tpu.memory_space<vmem>>, vector<16xf32>,
      tpu.vector_store_idx %arg11[%parallel_loop3A_491], %parallel_loop3A_493 masked %parallel_loop3A_486 {add = true} : memref<40000xf32, #tpu.memory_space<vmem>>[vector<16xi32>], vector<16xf32>, vector<16xi1>
      %parallel_loop3A_494 = arith.constant 20000 : i32
      %parallel_loop3A_495 = vector.broadcast %parallel_loop3A_494 : i32 to vector<16xi32>
      %parallel_loop3A_496 = arith.addi %parallel_loop3A_464, %parallel_loop3A_495 : vector<16xi32>
      %parallel_loop3A_497 = arith.index_cast %parallel_loop3A_447 : i32 to index
      %parallel_loop3A_498 = tpu.vector_load %arg20[%parallel_loop3A_497] {strides = array<i32>} : memref<2000xf32, #tpu.memory_space<vmem>>, vector<16xf32>,
      tpu.vector_store_idx %arg11[%parallel_loop3A_496], %parallel_loop3A_498 masked %parallel_loop3A_486 {add = true} : memref<40000xf32, #tpu.memory_space<vmem>>[vector<16xi32>], vector<16xf32>, vector<16xi1>
      %parallel_loop3A_499 = arith.constant 30000 : i32
      %parallel_loop3A_500 = vector.broadcast %parallel_loop3A_499 : i32 to vector<16xi32>
      %parallel_loop3A_501 = arith.addi %parallel_loop3A_464, %parallel_loop3A_500 : vector<16xi32>
      %parallel_loop3A_502 = arith.index_cast %parallel_loop3A_447 : i32 to index
      %parallel_loop3A_503 = tpu.vector_load %arg22[%parallel_loop3A_502] {strides = array<i32>} : memref<2000xf32, #tpu.memory_space<vmem>>, vector<16xf32>,
      tpu.vector_store_idx %arg11[%parallel_loop3A_501], %parallel_loop3A_503 masked %parallel_loop3A_486 {add = true} : memref<40000xf32, #tpu.memory_space<vmem>>[vector<16xi32>], vector<16xf32>, vector<16xi1>
      %parallel_loop3A_504 = arith.constant 5 : i32
      %parallel_loop3A_505 = arith.muli %parallel_loop3A_314, %parallel_loop3A_504 : i32
      %parallel_loop3A_506 = arith.constant 3 : i32
      %parallel_loop3A_507 = arith.addi %parallel_loop3A_505, %parallel_loop3A_506 : i32
      %parallel_loop3A_508 = arith.constant 16 : i32
      %parallel_loop3A_509 = arith.muli %parallel_loop3A_507, %parallel_loop3A_508 : i32
      %parallel_loop3A_510 = tpu.assume_multiple %parallel_loop3A_509, 8 : i32
      %parallel_loop3A_511 = arith.index_cast %parallel_loop3A_510 : i32 to index
      %parallel_loop3A_512 = tpu.vector_load %arg14[%parallel_loop3A_511] {strides = array<i32>} : memref<2000xi32, #tpu.memory_space<vmem>>, vector<16xi32>,
      %parallel_loop3A_513 = vector.broadcast %mul3A_2 : i32 to vector<16xi32>
      %parallel_loop3A_514 = arith.cmpi sge, %parallel_loop3A_512, %parallel_loop3A_513 : vector<16xi32>
      %parallel_loop3A_515 = arith.constant 10000 : i32
      %parallel_loop3A_516 = arith.addi %mul3A_2, %parallel_loop3A_515 : i32
      %parallel_loop3A_517 = vector.broadcast %parallel_loop3A_516 : i32 to vector<16xi32>
      %parallel_loop3A_518 = arith.cmpi slt, %parallel_loop3A_512, %parallel_loop3A_517 : vector<16xi32>
      %parallel_loop3A_519 = arith.andi %parallel_loop3A_514, %parallel_loop3A_518 : vector<16xi1>
      %parallel_loop3A_520 = vector.broadcast %mul3A_2 : i32 to vector<16xi32>
      %parallel_loop3A_521 = arith.subi %parallel_loop3A_512, %parallel_loop3A_520 : vector<16xi32>
      %parallel_loop3A_522 = arith.constant 0 : i32
      %parallel_loop3A_523 = arith.constant 9999 : i32
      %parallel_loop3A_524 = vector.broadcast %parallel_loop3A_522 : i32 to vector<16xi32>
      %parallel_loop3A_525 = arith.maxsi %parallel_loop3A_524, %parallel_loop3A_521 : vector<16xi32>
      %parallel_loop3A_526 = vector.broadcast %parallel_loop3A_523 : i32 to vector<16xi32>
      %parallel_loop3A_527 = arith.minsi %parallel_loop3A_526, %parallel_loop3A_525 : vector<16xi32>
      %parallel_loop3A_528 = arith.index_cast %parallel_loop3A_510 : i32 to index
      %parallel_loop3A_529 = tpu.vector_load %arg12[%parallel_loop3A_528] {strides = array<i32>} : memref<2000xi32, #tpu.memory_space<vmem>>, vector<16xi32>,
      %parallel_loop3A_530 = vector.broadcast %mul3A_2 : i32 to vector<16xi32>
      %parallel_loop3A_531 = arith.subi %parallel_loop3A_529, %parallel_loop3A_530 : vector<16xi32>
      %parallel_loop3A_532 = arith.constant 0 : i32
      %parallel_loop3A_533 = arith.constant 39999 : i32
      %parallel_loop3A_534 = vector.broadcast %parallel_loop3A_532 : i32 to vector<16xi32>
      %parallel_loop3A_535 = arith.maxsi %parallel_loop3A_534, %parallel_loop3A_531 : vector<16xi32>
      %parallel_loop3A_536 = vector.broadcast %parallel_loop3A_533 : i32 to vector<16xi32>
      %parallel_loop3A_537 = arith.minsi %parallel_loop3A_536, %parallel_loop3A_535 : vector<16xi32>
      %parallel_loop3A_538 = arith.constant 16 : i32
      %parallel_loop3A_539 = arith.muli %parallel_loop3A_507, %parallel_loop3A_538 : i32
      %parallel_loop3A_540 = arith.constant 28000 : i32
      %parallel_loop3A_541 = arith.addi %parallel_loop3A_540, %parallel_loop3A_539 : i32
      %parallel_loop3A_542 = arith.constant 1 : i32
      %parallel_loop3A_543 = arith.addi %parallel_loop3A_541, %parallel_loop3A_542 : i32
      %parallel_loop3A_544 = arith.sitofp %parallel_loop3A_543 : i32 to f32
      %parallel_loop3A_545 = vector.broadcast %parallel_loop3A_544 : f32 to vector<16xf32>
      %parallel_loop3A_546 = arith.addf %convert_element_type3A, %parallel_loop3A_545 : vector<16xf32>
      %parallel_loop3A_547 = tpu.vector_load_idx %arg10[%parallel_loop3A_537] masked %parallel_loop3A_519 : memref<40000xf32, #tpu.memory_space<vmem>>[vector<16xi32>], vector<16xf32>, vector<16xi1>
      %parallel_loop3A_548 = arith.cmpf oeq, %parallel_loop3A_547, %parallel_loop3A_546 : vector<16xf32>
      %parallel_loop3A_549 = arith.andi %parallel_loop3A_519, %parallel_loop3A_548 : vector<16xi1>
      %parallel_loop3A_550 = arith.index_cast %parallel_loop3A_510 : i32 to index
      %parallel_loop3A_551 = tpu.vector_load %arg16[%parallel_loop3A_550] {strides = array<i32>} : memref<2000xf32, #tpu.memory_space<vmem>>, vector<16xf32>,
      tpu.vector_store_idx %arg11[%parallel_loop3A_527], %parallel_loop3A_551 masked %parallel_loop3A_549 {add = true} : memref<40000xf32, #tpu.memory_space<vmem>>[vector<16xi32>], vector<16xf32>, vector<16xi1>
      %parallel_loop3A_552 = arith.constant 10000 : i32
      %parallel_loop3A_553 = vector.broadcast %parallel_loop3A_552 : i32 to vector<16xi32>
      %parallel_loop3A_554 = arith.addi %parallel_loop3A_527, %parallel_loop3A_553 : vector<16xi32>
      %parallel_loop3A_555 = arith.index_cast %parallel_loop3A_510 : i32 to index
      %parallel_loop3A_556 = tpu.vector_load %arg18[%parallel_loop3A_555] {strides = array<i32>} : memref<2000xf32, #tpu.memory_space<vmem>>, vector<16xf32>,
      tpu.vector_store_idx %arg11[%parallel_loop3A_554], %parallel_loop3A_556 masked %parallel_loop3A_549 {add = true} : memref<40000xf32, #tpu.memory_space<vmem>>[vector<16xi32>], vector<16xf32>, vector<16xi1>
      %parallel_loop3A_557 = arith.constant 20000 : i32
      %parallel_loop3A_558 = vector.broadcast %parallel_loop3A_557 : i32 to vector<16xi32>
      %parallel_loop3A_559 = arith.addi %parallel_loop3A_527, %parallel_loop3A_558 : vector<16xi32>
      %parallel_loop3A_560 = arith.index_cast %parallel_loop3A_510 : i32 to index
      %parallel_loop3A_561 = tpu.vector_load %arg20[%parallel_loop3A_560] {strides = array<i32>} : memref<2000xf32, #tpu.memory_space<vmem>>, vector<16xf32>,
      tpu.vector_store_idx %arg11[%parallel_loop3A_559], %parallel_loop3A_561 masked %parallel_loop3A_549 {add = true} : memref<40000xf32, #tpu.memory_space<vmem>>[vector<16xi32>], vector<16xf32>, vector<16xi1>
      %parallel_loop3A_562 = arith.constant 30000 : i32
      %parallel_loop3A_563 = vector.broadcast %parallel_loop3A_562 : i32 to vector<16xi32>
      %parallel_loop3A_564 = arith.addi %parallel_loop3A_527, %parallel_loop3A_563 : vector<16xi32>
      %parallel_loop3A_565 = arith.index_cast %parallel_loop3A_510 : i32 to index
      %parallel_loop3A_566 = tpu.vector_load %arg22[%parallel_loop3A_565] {strides = array<i32>} : memref<2000xf32, #tpu.memory_space<vmem>>, vector<16xf32>,
      tpu.vector_store_idx %arg11[%parallel_loop3A_564], %parallel_loop3A_566 masked %parallel_loop3A_549 {add = true} : memref<40000xf32, #tpu.memory_space<vmem>>[vector<16xi32>], vector<16xf32>, vector<16xi1>
      %parallel_loop3A_567 = arith.constant 5 : i32
      %parallel_loop3A_568 = arith.muli %parallel_loop3A_314, %parallel_loop3A_567 : i32
      %parallel_loop3A_569 = arith.constant 4 : i32
      %parallel_loop3A_570 = arith.addi %parallel_loop3A_568, %parallel_loop3A_569 : i32
      %parallel_loop3A_571 = arith.constant 16 : i32
      %parallel_loop3A_572 = arith.muli %parallel_loop3A_570, %parallel_loop3A_571 : i32
      %parallel_loop3A_573 = tpu.assume_multiple %parallel_loop3A_572, 8 : i32
      %parallel_loop3A_574 = arith.index_cast %parallel_loop3A_573 : i32 to index
      %parallel_loop3A_575 = tpu.vector_load %arg14[%parallel_loop3A_574] {strides = array<i32>} : memref<2000xi32, #tpu.memory_space<vmem>>, vector<16xi32>,
      %parallel_loop3A_576 = vector.broadcast %mul3A_2 : i32 to vector<16xi32>
      %parallel_loop3A_577 = arith.cmpi sge, %parallel_loop3A_575, %parallel_loop3A_576 : vector<16xi32>
      %parallel_loop3A_578 = arith.constant 10000 : i32
      %parallel_loop3A_579 = arith.addi %mul3A_2, %parallel_loop3A_578 : i32
      %parallel_loop3A_580 = vector.broadcast %parallel_loop3A_579 : i32 to vector<16xi32>
      %parallel_loop3A_581 = arith.cmpi slt, %parallel_loop3A_575, %parallel_loop3A_580 : vector<16xi32>
      %parallel_loop3A_582 = arith.andi %parallel_loop3A_577, %parallel_loop3A_581 : vector<16xi1>
      %parallel_loop3A_583 = vector.broadcast %mul3A_2 : i32 to vector<16xi32>
      %parallel_loop3A_584 = arith.subi %parallel_loop3A_575, %parallel_loop3A_583 : vector<16xi32>
      %parallel_loop3A_585 = arith.constant 0 : i32
      %parallel_loop3A_586 = arith.constant 9999 : i32
      %parallel_loop3A_587 = vector.broadcast %parallel_loop3A_585 : i32 to vector<16xi32>
      %parallel_loop3A_588 = arith.maxsi %parallel_loop3A_587, %parallel_loop3A_584 : vector<16xi32>
      %parallel_loop3A_589 = vector.broadcast %parallel_loop3A_586 : i32 to vector<16xi32>
      %parallel_loop3A_590 = arith.minsi %parallel_loop3A_589, %parallel_loop3A_588 : vector<16xi32>
      %parallel_loop3A_591 = arith.index_cast %parallel_loop3A_573 : i32 to index
      %parallel_loop3A_592 = tpu.vector_load %arg12[%parallel_loop3A_591] {strides = array<i32>} : memref<2000xi32, #tpu.memory_space<vmem>>, vector<16xi32>,
      %parallel_loop3A_593 = vector.broadcast %mul3A_2 : i32 to vector<16xi32>
      %parallel_loop3A_594 = arith.subi %parallel_loop3A_592, %parallel_loop3A_593 : vector<16xi32>
      %parallel_loop3A_595 = arith.constant 0 : i32
      %parallel_loop3A_596 = arith.constant 39999 : i32
      %parallel_loop3A_597 = vector.broadcast %parallel_loop3A_595 : i32 to vector<16xi32>
      %parallel_loop3A_598 = arith.maxsi %parallel_loop3A_597, %parallel_loop3A_594 : vector<16xi32>
      %parallel_loop3A_599 = vector.broadcast %parallel_loop3A_596 : i32 to vector<16xi32>
      %parallel_loop3A_600 = arith.minsi %parallel_loop3A_599, %parallel_loop3A_598 : vector<16xi32>
      %parallel_loop3A_601 = arith.constant 16 : i32
      %parallel_loop3A_602 = arith.muli %parallel_loop3A_570, %parallel_loop3A_601 : i32
      %parallel_loop3A_603 = arith.constant 28000 : i32
      %parallel_loop3A_604 = arith.addi %parallel_loop3A_603, %parallel_loop3A_602 : i32
      %parallel_loop3A_605 = arith.constant 1 : i32
      %parallel_loop3A_606 = arith.addi %parallel_loop3A_604, %parallel_loop3A_605 : i32
      %parallel_loop3A_607 = arith.sitofp %parallel_loop3A_606 : i32 to f32
      %parallel_loop3A_608 = vector.broadcast %parallel_loop3A_607 : f32 to vector<16xf32>
      %parallel_loop3A_609 = arith.addf %convert_element_type3A, %parallel_loop3A_608 : vector<16xf32>
      %parallel_loop3A_610 = tpu.vector_load_idx %arg10[%parallel_loop3A_600] masked %parallel_loop3A_582 : memref<40000xf32, #tpu.memory_space<vmem>>[vector<16xi32>], vector<16xf32>, vector<16xi1>
      %parallel_loop3A_611 = arith.cmpf oeq, %parallel_loop3A_610, %parallel_loop3A_609 : vector<16xf32>
      %parallel_loop3A_612 = arith.andi %parallel_loop3A_582, %parallel_loop3A_611 : vector<16xi1>
      %parallel_loop3A_613 = arith.index_cast %parallel_loop3A_573 : i32 to index
      %parallel_loop3A_614 = tpu.vector_load %arg16[%parallel_loop3A_613] {strides = array<i32>} : memref<2000xf32, #tpu.memory_space<vmem>>, vector<16xf32>,
      tpu.vector_store_idx %arg11[%parallel_loop3A_590], %parallel_loop3A_614 masked %parallel_loop3A_612 {add = true} : memref<40000xf32, #tpu.memory_space<vmem>>[vector<16xi32>], vector<16xf32>, vector<16xi1>
      %parallel_loop3A_615 = arith.constant 10000 : i32
      %parallel_loop3A_616 = vector.broadcast %parallel_loop3A_615 : i32 to vector<16xi32>
      %parallel_loop3A_617 = arith.addi %parallel_loop3A_590, %parallel_loop3A_616 : vector<16xi32>
      %parallel_loop3A_618 = arith.index_cast %parallel_loop3A_573 : i32 to index
      %parallel_loop3A_619 = tpu.vector_load %arg18[%parallel_loop3A_618] {strides = array<i32>} : memref<2000xf32, #tpu.memory_space<vmem>>, vector<16xf32>,
      tpu.vector_store_idx %arg11[%parallel_loop3A_617], %parallel_loop3A_619 masked %parallel_loop3A_612 {add = true} : memref<40000xf32, #tpu.memory_space<vmem>>[vector<16xi32>], vector<16xf32>, vector<16xi1>
      %parallel_loop3A_620 = arith.constant 20000 : i32
      %parallel_loop3A_621 = vector.broadcast %parallel_loop3A_620 : i32 to vector<16xi32>
      %parallel_loop3A_622 = arith.addi %parallel_loop3A_590, %parallel_loop3A_621 : vector<16xi32>
      %parallel_loop3A_623 = arith.index_cast %parallel_loop3A_573 : i32 to index
      %parallel_loop3A_624 = tpu.vector_load %arg20[%parallel_loop3A_623] {strides = array<i32>} : memref<2000xf32, #tpu.memory_space<vmem>>, vector<16xf32>,
      tpu.vector_store_idx %arg11[%parallel_loop3A_622], %parallel_loop3A_624 masked %parallel_loop3A_612 {add = true} : memref<40000xf32, #tpu.memory_space<vmem>>[vector<16xi32>], vector<16xf32>, vector<16xi1>
      %parallel_loop3A_625 = arith.constant 30000 : i32
      %parallel_loop3A_626 = vector.broadcast %parallel_loop3A_625 : i32 to vector<16xi32>
      %parallel_loop3A_627 = arith.addi %parallel_loop3A_590, %parallel_loop3A_626 : vector<16xi32>
      %parallel_loop3A_628 = arith.index_cast %parallel_loop3A_573 : i32 to index
      %parallel_loop3A_629 = tpu.vector_load %arg22[%parallel_loop3A_628] {strides = array<i32>} : memref<2000xf32, #tpu.memory_space<vmem>>, vector<16xf32>,
      tpu.vector_store_idx %arg11[%parallel_loop3A_627], %parallel_loop3A_629 masked %parallel_loop3A_612 {add = true} : memref<40000xf32, #tpu.memory_space<vmem>>[vector<16xi32>], vector<16xf32>, vector<16xi1>
    } {sc.loop_unroll_factor = 1 : i64, sc.parallel_access}
    %mul3A_74 = arith.constant 10000 : i32
    %mul3A_75 = arith.muli %add3A, %mul3A_74 : i32
    %add3A_76 = arith.constant 0 : i32
    %add3A_77 = arith.addi %add3A_76, %mul3A_75 : i32
    %multiple_of3A_78 = tpu.assume_multiple %add3A_77, 8 : i32
    %dma_start3A_79 = arith.constant 0 : i32
    %dma_start3A_80 = tpu.memref_slice %arg11[%dma_start3A_79] : memref<40000xf32, #tpu.memory_space<vmem>> -> memref<10000xf32, #tpu.memory_space<vmem>>
    %dma_start3A_81 = tpu.memref_slice %arg8[%multiple_of3A_78] : memref<1280000xf32, #tpu.memory_space<hbm>> -> memref<10000xf32, #tpu.memory_space<hbm>>
    %dma_start3A_82 = tpu.memref_slice %arg8[%multiple_of3A_78] : memref<1280000xf32, #tpu.memory_space<hbm>> -> memref<10000xf32, #tpu.memory_space<hbm>>
    %dma_start3A_83 = arith.constant 0 : i32
    %dma_start3A_84 = tpu.memref_slice %arg11[%dma_start3A_83] : memref<40000xf32, #tpu.memory_space<vmem>> -> memref<10000xf32, #tpu.memory_space<vmem>>
    tpu.enqueue_dma source(%dma_start3A_84 : memref<10000xf32, #tpu.memory_space<vmem>>) target(%dma_start3A_82 : memref<10000xf32, #tpu.memory_space<hbm>>) target_semaphore(%arg24 : memref<!tpu.dma_semaphore, #tpu.memory_space<semaphore_mem>>)
    %mul3A_85 = arith.constant 10000 : i32
    %mul3A_86 = arith.muli %add3A, %mul3A_85 : i32
    %add3A_87 = arith.constant 320000 : i32
    %add3A_88 = arith.addi %add3A_87, %mul3A_86 : i32
    %multiple_of3A_89 = tpu.assume_multiple %add3A_88, 8 : i32
    %dma_start3A_90 = arith.constant 10000 : i32
    %dma_start3A_91 = tpu.memref_slice %arg11[%dma_start3A_90] : memref<40000xf32, #tpu.memory_space<vmem>> -> memref<10000xf32, #tpu.memory_space<vmem>>
    %dma_start3A_92 = tpu.memref_slice %arg8[%multiple_of3A_89] : memref<1280000xf32, #tpu.memory_space<hbm>> -> memref<10000xf32, #tpu.memory_space<hbm>>
    %dma_start3A_93 = tpu.memref_slice %arg8[%multiple_of3A_89] : memref<1280000xf32, #tpu.memory_space<hbm>> -> memref<10000xf32, #tpu.memory_space<hbm>>
    %dma_start3A_94 = arith.constant 10000 : i32
    %dma_start3A_95 = tpu.memref_slice %arg11[%dma_start3A_94] : memref<40000xf32, #tpu.memory_space<vmem>> -> memref<10000xf32, #tpu.memory_space<vmem>>
    tpu.enqueue_dma source(%dma_start3A_95 : memref<10000xf32, #tpu.memory_space<vmem>>) target(%dma_start3A_93 : memref<10000xf32, #tpu.memory_space<hbm>>) target_semaphore(%arg24 : memref<!tpu.dma_semaphore, #tpu.memory_space<semaphore_mem>>)
    %mul3A_96 = arith.constant 10000 : i32
    %mul3A_97 = arith.muli %add3A, %mul3A_96 : i32
    %add3A_98 = arith.constant 640000 : i32
    %add3A_99 = arith.addi %add3A_98, %mul3A_97 : i32
    %multiple_of3A_100 = tpu.assume_multiple %add3A_99, 8 : i32
    %dma_start3A_101 = arith.constant 20000 : i32
    %dma_start3A_102 = tpu.memref_slice %arg11[%dma_start3A_101] : memref<40000xf32, #tpu.memory_space<vmem>> -> memref<10000xf32, #tpu.memory_space<vmem>>
    %dma_start3A_103 = tpu.memref_slice %arg8[%multiple_of3A_100] : memref<1280000xf32, #tpu.memory_space<hbm>> -> memref<10000xf32, #tpu.memory_space<hbm>>
    %dma_start3A_104 = tpu.memref_slice %arg8[%multiple_of3A_100] : memref<1280000xf32, #tpu.memory_space<hbm>> -> memref<10000xf32, #tpu.memory_space<hbm>>
    %dma_start3A_105 = arith.constant 20000 : i32
    %dma_start3A_106 = tpu.memref_slice %arg11[%dma_start3A_105] : memref<40000xf32, #tpu.memory_space<vmem>> -> memref<10000xf32, #tpu.memory_space<vmem>>
    tpu.enqueue_dma source(%dma_start3A_106 : memref<10000xf32, #tpu.memory_space<vmem>>) target(%dma_start3A_104 : memref<10000xf32, #tpu.memory_space<hbm>>) target_semaphore(%arg24 : memref<!tpu.dma_semaphore, #tpu.memory_space<semaphore_mem>>)
    %mul3A_107 = arith.constant 10000 : i32
    %mul3A_108 = arith.muli %add3A, %mul3A_107 : i32
    %add3A_109 = arith.constant 960000 : i32
    %add3A_110 = arith.addi %add3A_109, %mul3A_108 : i32
    %multiple_of3A_111 = tpu.assume_multiple %add3A_110, 8 : i32
    %dma_start3A_112 = arith.constant 30000 : i32
    %dma_start3A_113 = tpu.memref_slice %arg11[%dma_start3A_112] : memref<40000xf32, #tpu.memory_space<vmem>> -> memref<10000xf32, #tpu.memory_space<vmem>>
    %dma_start3A_114 = tpu.memref_slice %arg8[%multiple_of3A_111] : memref<1280000xf32, #tpu.memory_space<hbm>> -> memref<10000xf32, #tpu.memory_space<hbm>>
    %dma_start3A_115 = tpu.memref_slice %arg8[%multiple_of3A_111] : memref<1280000xf32, #tpu.memory_space<hbm>> -> memref<10000xf32, #tpu.memory_space<hbm>>
    %dma_start3A_116 = arith.constant 30000 : i32
    %dma_start3A_117 = tpu.memref_slice %arg11[%dma_start3A_116] : memref<40000xf32, #tpu.memory_space<vmem>> -> memref<10000xf32, #tpu.memory_space<vmem>>
    tpu.enqueue_dma source(%dma_start3A_117 : memref<10000xf32, #tpu.memory_space<vmem>>) target(%dma_start3A_115 : memref<10000xf32, #tpu.memory_space<hbm>>) target_semaphore(%arg24 : memref<!tpu.dma_semaphore, #tpu.memory_space<semaphore_mem>>)
    %parallel_loop3A_118 = arith.constant 0 : i32
    %parallel_loop3A_119 = arith.constant 250 : i32
    %parallel_loop3A_120 = arith.constant 1 : i32
    scf.for %parallel_loop3A_314 = %parallel_loop3A_118 to %parallel_loop3A_119 step %parallel_loop3A_120  : i32 {
      %parallel_loop3A_315 = arith.constant 10 : i32
      %parallel_loop3A_316 = arith.muli %parallel_loop3A_314, %parallel_loop3A_315 : i32
      %parallel_loop3A_317 = arith.constant 0 : i32
      %parallel_loop3A_318 = arith.addi %parallel_loop3A_316, %parallel_loop3A_317 : i32
      %parallel_loop3A_319 = arith.constant 16 : i32
      %parallel_loop3A_320 = arith.muli %parallel_loop3A_318, %parallel_loop3A_319 : i32
      %parallel_loop3A_321 = tpu.assume_multiple %parallel_loop3A_320, 8 : i32
      %parallel_loop3A_322 = arith.index_cast %parallel_loop3A_321 : i32 to index
      %parallel_loop3A_323 = tpu.vector_load %arg10[%parallel_loop3A_322] {strides = array<i32>} : memref<40000xf32, #tpu.memory_space<vmem>>, vector<16xf32>,
      %parallel_loop3A_324 = arith.constant 0.000000e+00 : f32
      %parallel_loop3A_325 = vector.broadcast %parallel_loop3A_324 : f32 to vector<16xf32>
      %parallel_loop3A_326 = arith.cmpf ogt, %parallel_loop3A_323, %parallel_loop3A_325 : vector<16xf32>
      %parallel_loop3A_327 = arith.constant 1.000000e+00 : f32
      %parallel_loop3A_328 = arith.constant 0.000000e+00 : f32
      %parallel_loop3A_329 = vector.broadcast %parallel_loop3A_327 : f32 to vector<16xf32>
      %parallel_loop3A_330 = vector.broadcast %parallel_loop3A_328 : f32 to vector<16xf32>
      %parallel_loop3A_331 = arith.select %parallel_loop3A_326, %parallel_loop3A_329, %parallel_loop3A_330 : vector<16xi1>, vector<16xf32>
      %parallel_loop3A_332 = arith.index_cast %parallel_loop3A_321 : i32 to index
      %parallel_loop3A_333 = tpu.vector_load %arg10[%parallel_loop3A_332] {strides = array<i32>} : memref<40000xf32, #tpu.memory_space<vmem>>, vector<16xf32>,
      tpu.vector_store %arg10[%parallel_loop3A_332], %parallel_loop3A_331 {strides = array<i32>} : memref<40000xf32, #tpu.memory_space<vmem>>, vector<16xf32>,
      %parallel_loop3A_334 = arith.constant 10 : i32
      %parallel_loop3A_335 = arith.muli %parallel_loop3A_314, %parallel_loop3A_334 : i32
      %parallel_loop3A_336 = arith.constant 1 : i32
      %parallel_loop3A_337 = arith.addi %parallel_loop3A_335, %parallel_loop3A_336 : i32
      %parallel_loop3A_338 = arith.constant 16 : i32
      %parallel_loop3A_339 = arith.muli %parallel_loop3A_337, %parallel_loop3A_338 : i32
      %parallel_loop3A_340 = tpu.assume_multiple %parallel_loop3A_339, 8 : i32
      %parallel_loop3A_341 = arith.index_cast %parallel_loop3A_340 : i32 to index
      %parallel_loop3A_342 = tpu.vector_load %arg10[%parallel_loop3A_341] {strides = array<i32>} : memref<40000xf32, #tpu.memory_space<vmem>>, vector<16xf32>,
      %parallel_loop3A_343 = arith.constant 0.000000e+00 : f32
      %parallel_loop3A_344 = vector.broadcast %parallel_loop3A_343 : f32 to vector<16xf32>
      %parallel_loop3A_345 = arith.cmpf ogt, %parallel_loop3A_342, %parallel_loop3A_344 : vector<16xf32>
      %parallel_loop3A_346 = arith.constant 1.000000e+00 : f32
      %parallel_loop3A_347 = arith.constant 0.000000e+00 : f32
      %parallel_loop3A_348 = vector.broadcast %parallel_loop3A_346 : f32 to vector<16xf32>
      %parallel_loop3A_349 = vector.broadcast %parallel_loop3A_347 : f32 to vector<16xf32>
      %parallel_loop3A_350 = arith.select %parallel_loop3A_345, %parallel_loop3A_348, %parallel_loop3A_349 : vector<16xi1>, vector<16xf32>
      %parallel_loop3A_351 = arith.index_cast %parallel_loop3A_340 : i32 to index
      %parallel_loop3A_352 = tpu.vector_load %arg10[%parallel_loop3A_351] {strides = array<i32>} : memref<40000xf32, #tpu.memory_space<vmem>>, vector<16xf32>,
      tpu.vector_store %arg10[%parallel_loop3A_351], %parallel_loop3A_350 {strides = array<i32>} : memref<40000xf32, #tpu.memory_space<vmem>>, vector<16xf32>,
      %parallel_loop3A_353 = arith.constant 10 : i32
      %parallel_loop3A_354 = arith.muli %parallel_loop3A_314, %parallel_loop3A_353 : i32
      %parallel_loop3A_355 = arith.constant 2 : i32
      %parallel_loop3A_356 = arith.addi %parallel_loop3A_354, %parallel_loop3A_355 : i32
      %parallel_loop3A_357 = arith.constant 16 : i32
      %parallel_loop3A_358 = arith.muli %parallel_loop3A_356, %parallel_loop3A_357 : i32
      %parallel_loop3A_359 = tpu.assume_multiple %parallel_loop3A_358, 8 : i32
      %parallel_loop3A_360 = arith.index_cast %parallel_loop3A_359 : i32 to index
      %parallel_loop3A_361 = tpu.vector_load %arg10[%parallel_loop3A_360] {strides = array<i32>} : memref<40000xf32, #tpu.memory_space<vmem>>, vector<16xf32>,
      %parallel_loop3A_362 = arith.constant 0.000000e+00 : f32
      %parallel_loop3A_363 = vector.broadcast %parallel_loop3A_362 : f32 to vector<16xf32>
      %parallel_loop3A_364 = arith.cmpf ogt, %parallel_loop3A_361, %parallel_loop3A_363 : vector<16xf32>
      %parallel_loop3A_365 = arith.constant 1.000000e+00 : f32
      %parallel_loop3A_366 = arith.constant 0.000000e+00 : f32
      %parallel_loop3A_367 = vector.broadcast %parallel_loop3A_365 : f32 to vector<16xf32>
      %parallel_loop3A_368 = vector.broadcast %parallel_loop3A_366 : f32 to vector<16xf32>
      %parallel_loop3A_369 = arith.select %parallel_loop3A_364, %parallel_loop3A_367, %parallel_loop3A_368 : vector<16xi1>, vector<16xf32>
      %parallel_loop3A_370 = arith.index_cast %parallel_loop3A_359 : i32 to index
      %parallel_loop3A_371 = tpu.vector_load %arg10[%parallel_loop3A_370] {strides = array<i32>} : memref<40000xf32, #tpu.memory_space<vmem>>, vector<16xf32>,
      tpu.vector_store %arg10[%parallel_loop3A_370], %parallel_loop3A_369 {strides = array<i32>} : memref<40000xf32, #tpu.memory_space<vmem>>, vector<16xf32>,
      %parallel_loop3A_372 = arith.constant 10 : i32
      %parallel_loop3A_373 = arith.muli %parallel_loop3A_314, %parallel_loop3A_372 : i32
      %parallel_loop3A_374 = arith.constant 3 : i32
      %parallel_loop3A_375 = arith.addi %parallel_loop3A_373, %parallel_loop3A_374 : i32
      %parallel_loop3A_376 = arith.constant 16 : i32
      %parallel_loop3A_377 = arith.muli %parallel_loop3A_375, %parallel_loop3A_376 : i32
      %parallel_loop3A_378 = tpu.assume_multiple %parallel_loop3A_377, 8 : i32
      %parallel_loop3A_379 = arith.index_cast %parallel_loop3A_378 : i32 to index
      %parallel_loop3A_380 = tpu.vector_load %arg10[%parallel_loop3A_379] {strides = array<i32>} : memref<40000xf32, #tpu.memory_space<vmem>>, vector<16xf32>,
      %parallel_loop3A_381 = arith.constant 0.000000e+00 : f32
      %parallel_loop3A_382 = vector.broadcast %parallel_loop3A_381 : f32 to vector<16xf32>
      %parallel_loop3A_383 = arith.cmpf ogt, %parallel_loop3A_380, %parallel_loop3A_382 : vector<16xf32>
      %parallel_loop3A_384 = arith.constant 1.000000e+00 : f32
      %parallel_loop3A_385 = arith.constant 0.000000e+00 : f32
      %parallel_loop3A_386 = vector.broadcast %parallel_loop3A_384 : f32 to vector<16xf32>
      %parallel_loop3A_387 = vector.broadcast %parallel_loop3A_385 : f32 to vector<16xf32>
      %parallel_loop3A_388 = arith.select %parallel_loop3A_383, %parallel_loop3A_386, %parallel_loop3A_387 : vector<16xi1>, vector<16xf32>
      %parallel_loop3A_389 = arith.index_cast %parallel_loop3A_378 : i32 to index
      %parallel_loop3A_390 = tpu.vector_load %arg10[%parallel_loop3A_389] {strides = array<i32>} : memref<40000xf32, #tpu.memory_space<vmem>>, vector<16xf32>,
      tpu.vector_store %arg10[%parallel_loop3A_389], %parallel_loop3A_388 {strides = array<i32>} : memref<40000xf32, #tpu.memory_space<vmem>>, vector<16xf32>,
      %parallel_loop3A_391 = arith.constant 10 : i32
      %parallel_loop3A_392 = arith.muli %parallel_loop3A_314, %parallel_loop3A_391 : i32
      %parallel_loop3A_393 = arith.constant 4 : i32
      %parallel_loop3A_394 = arith.addi %parallel_loop3A_392, %parallel_loop3A_393 : i32
      %parallel_loop3A_395 = arith.constant 16 : i32
      %parallel_loop3A_396 = arith.muli %parallel_loop3A_394, %parallel_loop3A_395 : i32
      %parallel_loop3A_397 = tpu.assume_multiple %parallel_loop3A_396, 8 : i32
      %parallel_loop3A_398 = arith.index_cast %parallel_loop3A_397 : i32 to index
      %parallel_loop3A_399 = tpu.vector_load %arg10[%parallel_loop3A_398] {strides = array<i32>} : memref<40000xf32, #tpu.memory_space<vmem>>, vector<16xf32>,
      %parallel_loop3A_400 = arith.constant 0.000000e+00 : f32
      %parallel_loop3A_401 = vector.broadcast %parallel_loop3A_400 : f32 to vector<16xf32>
      %parallel_loop3A_402 = arith.cmpf ogt, %parallel_loop3A_399, %parallel_loop3A_401 : vector<16xf32>
      %parallel_loop3A_403 = arith.constant 1.000000e+00 : f32
      %parallel_loop3A_404 = arith.constant 0.000000e+00 : f32
      %parallel_loop3A_405 = vector.broadcast %parallel_loop3A_403 : f32 to vector<16xf32>
      %parallel_loop3A_406 = vector.broadcast %parallel_loop3A_404 : f32 to vector<16xf32>
      %parallel_loop3A_407 = arith.select %parallel_loop3A_402, %parallel_loop3A_405, %parallel_loop3A_406 : vector<16xi1>, vector<16xf32>
      %parallel_loop3A_408 = arith.index_cast %parallel_loop3A_397 : i32 to index
      %parallel_loop3A_409 = tpu.vector_load %arg10[%parallel_loop3A_408] {strides = array<i32>} : memref<40000xf32, #tpu.memory_space<vmem>>, vector<16xf32>,
      tpu.vector_store %arg10[%parallel_loop3A_408], %parallel_loop3A_407 {strides = array<i32>} : memref<40000xf32, #tpu.memory_space<vmem>>, vector<16xf32>,
      %parallel_loop3A_410 = arith.constant 10 : i32
      %parallel_loop3A_411 = arith.muli %parallel_loop3A_314, %parallel_loop3A_410 : i32
      %parallel_loop3A_412 = arith.constant 5 : i32
      %parallel_loop3A_413 = arith.addi %parallel_loop3A_411, %parallel_loop3A_412 : i32
      %parallel_loop3A_414 = arith.constant 16 : i32
      %parallel_loop3A_415 = arith.muli %parallel_loop3A_413, %parallel_loop3A_414 : i32
      %parallel_loop3A_416 = tpu.assume_multiple %parallel_loop3A_415, 8 : i32
      %parallel_loop3A_417 = arith.index_cast %parallel_loop3A_416 : i32 to index
      %parallel_loop3A_418 = tpu.vector_load %arg10[%parallel_loop3A_417] {strides = array<i32>} : memref<40000xf32, #tpu.memory_space<vmem>>, vector<16xf32>,
      %parallel_loop3A_419 = arith.constant 0.000000e+00 : f32
      %parallel_loop3A_420 = vector.broadcast %parallel_loop3A_419 : f32 to vector<16xf32>
      %parallel_loop3A_421 = arith.cmpf ogt, %parallel_loop3A_418, %parallel_loop3A_420 : vector<16xf32>
      %parallel_loop3A_422 = arith.constant 1.000000e+00 : f32
      %parallel_loop3A_423 = arith.constant 0.000000e+00 : f32
      %parallel_loop3A_424 = vector.broadcast %parallel_loop3A_422 : f32 to vector<16xf32>
      %parallel_loop3A_425 = vector.broadcast %parallel_loop3A_423 : f32 to vector<16xf32>
      %parallel_loop3A_426 = arith.select %parallel_loop3A_421, %parallel_loop3A_424, %parallel_loop3A_425 : vector<16xi1>, vector<16xf32>
      %parallel_loop3A_427 = arith.index_cast %parallel_loop3A_416 : i32 to index
      %parallel_loop3A_428 = tpu.vector_load %arg10[%parallel_loop3A_427] {strides = array<i32>} : memref<40000xf32, #tpu.memory_space<vmem>>, vector<16xf32>,
      tpu.vector_store %arg10[%parallel_loop3A_427], %parallel_loop3A_426 {strides = array<i32>} : memref<40000xf32, #tpu.memory_space<vmem>>, vector<16xf32>,
      %parallel_loop3A_429 = arith.constant 10 : i32
      %parallel_loop3A_430 = arith.muli %parallel_loop3A_314, %parallel_loop3A_429 : i32
      %parallel_loop3A_431 = arith.constant 6 : i32
      %parallel_loop3A_432 = arith.addi %parallel_loop3A_430, %parallel_loop3A_431 : i32
      %parallel_loop3A_433 = arith.constant 16 : i32
      %parallel_loop3A_434 = arith.muli %parallel_loop3A_432, %parallel_loop3A_433 : i32
      %parallel_loop3A_435 = tpu.assume_multiple %parallel_loop3A_434, 8 : i32
      %parallel_loop3A_436 = arith.index_cast %parallel_loop3A_435 : i32 to index
      %parallel_loop3A_437 = tpu.vector_load %arg10[%parallel_loop3A_436] {strides = array<i32>} : memref<40000xf32, #tpu.memory_space<vmem>>, vector<16xf32>,
      %parallel_loop3A_438 = arith.constant 0.000000e+00 : f32
      %parallel_loop3A_439 = vector.broadcast %parallel_loop3A_438 : f32 to vector<16xf32>
      %parallel_loop3A_440 = arith.cmpf ogt, %parallel_loop3A_437, %parallel_loop3A_439 : vector<16xf32>
      %parallel_loop3A_441 = arith.constant 1.000000e+00 : f32
      %parallel_loop3A_442 = arith.constant 0.000000e+00 : f32
      %parallel_loop3A_443 = vector.broadcast %parallel_loop3A_441 : f32 to vector<16xf32>
      %parallel_loop3A_444 = vector.broadcast %parallel_loop3A_442 : f32 to vector<16xf32>
      %parallel_loop3A_445 = arith.select %parallel_loop3A_440, %parallel_loop3A_443, %parallel_loop3A_444 : vector<16xi1>, vector<16xf32>
      %parallel_loop3A_446 = arith.index_cast %parallel_loop3A_435 : i32 to index
      %parallel_loop3A_447 = tpu.vector_load %arg10[%parallel_loop3A_446] {strides = array<i32>} : memref<40000xf32, #tpu.memory_space<vmem>>, vector<16xf32>,
      tpu.vector_store %arg10[%parallel_loop3A_446], %parallel_loop3A_445 {strides = array<i32>} : memref<40000xf32, #tpu.memory_space<vmem>>, vector<16xf32>,
      %parallel_loop3A_448 = arith.constant 10 : i32
      %parallel_loop3A_449 = arith.muli %parallel_loop3A_314, %parallel_loop3A_448 : i32
      %parallel_loop3A_450 = arith.constant 7 : i32
      %parallel_loop3A_451 = arith.addi %parallel_loop3A_449, %parallel_loop3A_450 : i32
      %parallel_loop3A_452 = arith.constant 16 : i32
      %parallel_loop3A_453 = arith.muli %parallel_loop3A_451, %parallel_loop3A_452 : i32
      %parallel_loop3A_454 = tpu.assume_multiple %parallel_loop3A_453, 8 : i32
      %parallel_loop3A_455 = arith.index_cast %parallel_loop3A_454 : i32 to index
      %parallel_loop3A_456 = tpu.vector_load %arg10[%parallel_loop3A_455] {strides = array<i32>} : memref<40000xf32, #tpu.memory_space<vmem>>, vector<16xf32>,
      %parallel_loop3A_457 = arith.constant 0.000000e+00 : f32
      %parallel_loop3A_458 = vector.broadcast %parallel_loop3A_457 : f32 to vector<16xf32>
      %parallel_loop3A_459 = arith.cmpf ogt, %parallel_loop3A_456, %parallel_loop3A_458 : vector<16xf32>
      %parallel_loop3A_460 = arith.constant 1.000000e+00 : f32
      %parallel_loop3A_461 = arith.constant 0.000000e+00 : f32
      %parallel_loop3A_462 = vector.broadcast %parallel_loop3A_460 : f32 to vector<16xf32>
      %parallel_loop3A_463 = vector.broadcast %parallel_loop3A_461 : f32 to vector<16xf32>
      %parallel_loop3A_464 = arith.select %parallel_loop3A_459, %parallel_loop3A_462, %parallel_loop3A_463 : vector<16xi1>, vector<16xf32>
      %parallel_loop3A_465 = arith.index_cast %parallel_loop3A_454 : i32 to index
      %parallel_loop3A_466 = tpu.vector_load %arg10[%parallel_loop3A_465] {strides = array<i32>} : memref<40000xf32, #tpu.memory_space<vmem>>, vector<16xf32>,
      tpu.vector_store %arg10[%parallel_loop3A_465], %parallel_loop3A_464 {strides = array<i32>} : memref<40000xf32, #tpu.memory_space<vmem>>, vector<16xf32>,
      %parallel_loop3A_467 = arith.constant 10 : i32
      %parallel_loop3A_468 = arith.muli %parallel_loop3A_314, %parallel_loop3A_467 : i32
      %parallel_loop3A_469 = arith.constant 8 : i32
      %parallel_loop3A_470 = arith.addi %parallel_loop3A_468, %parallel_loop3A_469 : i32
      %parallel_loop3A_471 = arith.constant 16 : i32
      %parallel_loop3A_472 = arith.muli %parallel_loop3A_470, %parallel_loop3A_471 : i32
      %parallel_loop3A_473 = tpu.assume_multiple %parallel_loop3A_472, 8 : i32
      %parallel_loop3A_474 = arith.index_cast %parallel_loop3A_473 : i32 to index
      %parallel_loop3A_475 = tpu.vector_load %arg10[%parallel_loop3A_474] {strides = array<i32>} : memref<40000xf32, #tpu.memory_space<vmem>>, vector<16xf32>,
      %parallel_loop3A_476 = arith.constant 0.000000e+00 : f32
      %parallel_loop3A_477 = vector.broadcast %parallel_loop3A_476 : f32 to vector<16xf32>
      %parallel_loop3A_478 = arith.cmpf ogt, %parallel_loop3A_475, %parallel_loop3A_477 : vector<16xf32>
      %parallel_loop3A_479 = arith.constant 1.000000e+00 : f32
      %parallel_loop3A_480 = arith.constant 0.000000e+00 : f32
      %parallel_loop3A_481 = vector.broadcast %parallel_loop3A_479 : f32 to vector<16xf32>
      %parallel_loop3A_482 = vector.broadcast %parallel_loop3A_480 : f32 to vector<16xf32>
      %parallel_loop3A_483 = arith.select %parallel_loop3A_478, %parallel_loop3A_481, %parallel_loop3A_482 : vector<16xi1>, vector<16xf32>
      %parallel_loop3A_484 = arith.index_cast %parallel_loop3A_473 : i32 to index
      %parallel_loop3A_485 = tpu.vector_load %arg10[%parallel_loop3A_484] {strides = array<i32>} : memref<40000xf32, #tpu.memory_space<vmem>>, vector<16xf32>,
      tpu.vector_store %arg10[%parallel_loop3A_484], %parallel_loop3A_483 {strides = array<i32>} : memref<40000xf32, #tpu.memory_space<vmem>>, vector<16xf32>,
      %parallel_loop3A_486 = arith.constant 10 : i32
      %parallel_loop3A_487 = arith.muli %parallel_loop3A_314, %parallel_loop3A_486 : i32
      %parallel_loop3A_488 = arith.constant 9 : i32
      %parallel_loop3A_489 = arith.addi %parallel_loop3A_487, %parallel_loop3A_488 : i32
      %parallel_loop3A_490 = arith.constant 16 : i32
      %parallel_loop3A_491 = arith.muli %parallel_loop3A_489, %parallel_loop3A_490 : i32
      %parallel_loop3A_492 = tpu.assume_multiple %parallel_loop3A_491, 8 : i32
      %parallel_loop3A_493 = arith.index_cast %parallel_loop3A_492 : i32 to index
      %parallel_loop3A_494 = tpu.vector_load %arg10[%parallel_loop3A_493] {strides = array<i32>} : memref<40000xf32, #tpu.memory_space<vmem>>, vector<16xf32>,
      %parallel_loop3A_495 = arith.constant 0.000000e+00 : f32
      %parallel_loop3A_496 = vector.broadcast %parallel_loop3A_495 : f32 to vector<16xf32>
      %parallel_loop3A_497 = arith.cmpf ogt, %parallel_loop3A_494, %parallel_loop3A_496 : vector<16xf32>
      %parallel_loop3A_498 = arith.constant 1.000000e+00 : f32
      %parallel_loop3A_499 = arith.constant 0.000000e+00 : f32
      %parallel_loop3A_500 = vector.broadcast %parallel_loop3A_498 : f32 to vector<16xf32>
      %parallel_loop3A_501 = vector.broadcast %parallel_loop3A_499 : f32 to vector<16xf32>
      %parallel_loop3A_502 = arith.select %parallel_loop3A_497, %parallel_loop3A_500, %parallel_loop3A_501 : vector<16xi1>, vector<16xf32>
      %parallel_loop3A_503 = arith.index_cast %parallel_loop3A_492 : i32 to index
      %parallel_loop3A_504 = tpu.vector_load %arg10[%parallel_loop3A_503] {strides = array<i32>} : memref<40000xf32, #tpu.memory_space<vmem>>, vector<16xf32>,
      tpu.vector_store %arg10[%parallel_loop3A_503], %parallel_loop3A_502 {strides = array<i32>} : memref<40000xf32, #tpu.memory_space<vmem>>, vector<16xf32>,
    } {sc.loop_unroll_factor = 1 : i64, sc.parallel_access}
    %jit3A = arith.constant 16 : i32
    %div3A = arith.divsi %add3A, %jit3A : i32
    %sign3A = arith.constant 0 : i32
    %sign3A_121 = arith.cmpi sgt, %add3A, %sign3A : i32
    %sign3A_122 = arith.extui %sign3A_121 : i1 to i32
    %sign3A_123 = arith.constant 0 : i32
    %sign3A_124 = arith.cmpi slt, %add3A, %sign3A_123 : i32
    %sign3A_125 = arith.extui %sign3A_124 : i1 to i32
    %sign3A_126 = arith.subi %sign3A_122, %sign3A_125 : i32
    %sign3A_127 = arith.constant 0 : i32
    %sign3A_128 = arith.cmpi sgt, %jit3A, %sign3A_127 : i32
    %sign3A_129 = arith.extui %sign3A_128 : i1 to i32
    %sign3A_130 = arith.constant 0 : i32
    %sign3A_131 = arith.cmpi slt, %jit3A, %sign3A_130 : i32
    %sign3A_132 = arith.extui %sign3A_131 : i1 to i32
    %sign3A_133 = arith.subi %sign3A_129, %sign3A_132 : i32
    %ne3A = arith.cmpi ne, %sign3A_126, %sign3A_133 : i32
    %rem3A = arith.remsi %add3A, %jit3A : i32
    %ne3A_134 = arith.constant 0 : i32
    %ne3A_135 = arith.cmpi ne, %rem3A, %ne3A_134 : i32
    %and3A = arith.andi %ne3A, %ne3A_135 : i1
    %sub3A = arith.constant 1 : i32
    %sub3A_136 = arith.subi %div3A, %sub3A : i32
    %select_n3A = arith.select %and3A, %sub3A_136, %div3A : i32
    %mul3A_137 = arith.constant 25 : i32
    %mul3A_138 = arith.muli %add3A, %mul3A_137 : i32
    %mul3A_139 = arith.constant 400 : i32
    %mul3A_140 = arith.muli %select_n3A, %mul3A_139 : i32
    %sub3A_141 = arith.subi %mul3A_138, %mul3A_140 : i32
    %mul3A_142 = arith.constant 4 : i32
    %mul3A_143 = arith.muli %select_n3A, %mul3A_142 : i32
    %add3A_144 = arith.constant 0 : i32
    %add3A_145 = arith.addi %mul3A_143, %add3A_144 : i32
    %mul3A_146 = arith.constant 400 : i32
    %mul3A_147 = arith.muli %add3A_145, %mul3A_146 : i32
    %add3A_148 = arith.addi %mul3A_147, %sub3A_141 : i32
    %mul3A_149 = arith.constant 400 : i32
    %mul3A_150 = arith.muli %add3A_148, %mul3A_149 : i32
    %multiple_of3A_151 = tpu.assume_multiple %mul3A_150, 8 : i32
    %dma_start3A_152 = arith.constant 0 : i32
    %dma_start3A_153 = tpu.memref_slice %arg10[%dma_start3A_152] : memref<40000xf32, #tpu.memory_space<vmem>> -> memref<10000xf32, #tpu.memory_space<vmem>>
    %dma_start3A_154 = tpu.memref_slice %arg9[%multiple_of3A_151] : memref<1280000xf32, #tpu.memory_space<hbm>> -> memref<10000xf32, #tpu.memory_space<hbm>>
    %dma_start3A_155 = tpu.memref_slice %arg9[%multiple_of3A_151] : memref<1280000xf32, #tpu.memory_space<hbm>> -> memref<10000xf32, #tpu.memory_space<hbm>>
    %dma_start3A_156 = arith.constant 0 : i32
    %dma_start3A_157 = tpu.memref_slice %arg10[%dma_start3A_156] : memref<40000xf32, #tpu.memory_space<vmem>> -> memref<10000xf32, #tpu.memory_space<vmem>>
    tpu.enqueue_dma source(%dma_start3A_157 : memref<10000xf32, #tpu.memory_space<vmem>>) target(%dma_start3A_155 : memref<10000xf32, #tpu.memory_space<hbm>>) target_semaphore(%arg25 : memref<!tpu.dma_semaphore, #tpu.memory_space<semaphore_mem>>)
    %mul3A_158 = arith.constant 4 : i32
    %mul3A_159 = arith.muli %select_n3A, %mul3A_158 : i32
    %add3A_160 = arith.constant 1 : i32
    %add3A_161 = arith.addi %mul3A_159, %add3A_160 : i32
    %mul3A_162 = arith.constant 400 : i32
    %mul3A_163 = arith.muli %add3A_161, %mul3A_162 : i32
    %add3A_164 = arith.addi %mul3A_163, %sub3A_141 : i32
    %mul3A_165 = arith.constant 400 : i32
    %mul3A_166 = arith.muli %add3A_164, %mul3A_165 : i32
    %multiple_of3A_167 = tpu.assume_multiple %mul3A_166, 8 : i32
    %dma_start3A_168 = arith.constant 10000 : i32
    %dma_start3A_169 = tpu.memref_slice %arg10[%dma_start3A_168] : memref<40000xf32, #tpu.memory_space<vmem>> -> memref<10000xf32, #tpu.memory_space<vmem>>
    %dma_start3A_170 = tpu.memref_slice %arg9[%multiple_of3A_167] : memref<1280000xf32, #tpu.memory_space<hbm>> -> memref<10000xf32, #tpu.memory_space<hbm>>
    %dma_start3A_171 = tpu.memref_slice %arg9[%multiple_of3A_167] : memref<1280000xf32, #tpu.memory_space<hbm>> -> memref<10000xf32, #tpu.memory_space<hbm>>
    %dma_start3A_172 = arith.constant 10000 : i32
    %dma_start3A_173 = tpu.memref_slice %arg10[%dma_start3A_172] : memref<40000xf32, #tpu.memory_space<vmem>> -> memref<10000xf32, #tpu.memory_space<vmem>>
    tpu.enqueue_dma source(%dma_start3A_173 : memref<10000xf32, #tpu.memory_space<vmem>>) target(%dma_start3A_171 : memref<10000xf32, #tpu.memory_space<hbm>>) target_semaphore(%arg25 : memref<!tpu.dma_semaphore, #tpu.memory_space<semaphore_mem>>)
    %mul3A_174 = arith.constant 4 : i32
    %mul3A_175 = arith.muli %select_n3A, %mul3A_174 : i32
    %add3A_176 = arith.constant 2 : i32
    %add3A_177 = arith.addi %mul3A_175, %add3A_176 : i32
    %mul3A_178 = arith.constant 400 : i32
    %mul3A_179 = arith.muli %add3A_177, %mul3A_178 : i32
    %add3A_180 = arith.addi %mul3A_179, %sub3A_141 : i32
    %mul3A_181 = arith.constant 400 : i32
    %mul3A_182 = arith.muli %add3A_180, %mul3A_181 : i32
    %multiple_of3A_183 = tpu.assume_multiple %mul3A_182, 8 : i32
    %dma_start3A_184 = arith.constant 20000 : i32
    %dma_start3A_185 = tpu.memref_slice %arg10[%dma_start3A_184] : memref<40000xf32, #tpu.memory_space<vmem>> -> memref<10000xf32, #tpu.memory_space<vmem>>
    %dma_start3A_186 = tpu.memref_slice %arg9[%multiple_of3A_183] : memref<1280000xf32, #tpu.memory_space<hbm>> -> memref<10000xf32, #tpu.memory_space<hbm>>
    %dma_start3A_187 = tpu.memref_slice %arg9[%multiple_of3A_183] : memref<1280000xf32, #tpu.memory_space<hbm>> -> memref<10000xf32, #tpu.memory_space<hbm>>
    %dma_start3A_188 = arith.constant 20000 : i32
    %dma_start3A_189 = tpu.memref_slice %arg10[%dma_start3A_188] : memref<40000xf32, #tpu.memory_space<vmem>> -> memref<10000xf32, #tpu.memory_space<vmem>>
    tpu.enqueue_dma source(%dma_start3A_189 : memref<10000xf32, #tpu.memory_space<vmem>>) target(%dma_start3A_187 : memref<10000xf32, #tpu.memory_space<hbm>>) target_semaphore(%arg25 : memref<!tpu.dma_semaphore, #tpu.memory_space<semaphore_mem>>)
    %mul3A_190 = arith.constant 4 : i32
    %mul3A_191 = arith.muli %select_n3A, %mul3A_190 : i32
    %add3A_192 = arith.constant 3 : i32
    %add3A_193 = arith.addi %mul3A_191, %add3A_192 : i32
    %mul3A_194 = arith.constant 400 : i32
    %mul3A_195 = arith.muli %add3A_193, %mul3A_194 : i32
    %add3A_196 = arith.addi %mul3A_195, %sub3A_141 : i32
    %mul3A_197 = arith.constant 400 : i32
    %mul3A_198 = arith.muli %add3A_196, %mul3A_197 : i32
    %multiple_of3A_199 = tpu.assume_multiple %mul3A_198, 8 : i32
    %dma_start3A_200 = arith.constant 30000 : i32
    %dma_start3A_201 = tpu.memref_slice %arg10[%dma_start3A_200] : memref<40000xf32, #tpu.memory_space<vmem>> -> memref<10000xf32, #tpu.memory_space<vmem>>
    %dma_start3A_202 = tpu.memref_slice %arg9[%multiple_of3A_199] : memref<1280000xf32, #tpu.memory_space<hbm>> -> memref<10000xf32, #tpu.memory_space<hbm>>
    %dma_start3A_203 = tpu.memref_slice %arg9[%multiple_of3A_199] : memref<1280000xf32, #tpu.memory_space<hbm>> -> memref<10000xf32, #tpu.memory_space<hbm>>
    %dma_start3A_204 = arith.constant 30000 : i32
    %dma_start3A_205 = tpu.memref_slice %arg10[%dma_start3A_204] : memref<40000xf32, #tpu.memory_space<vmem>> -> memref<10000xf32, #tpu.memory_space<vmem>>
    tpu.enqueue_dma source(%dma_start3A_205 : memref<10000xf32, #tpu.memory_space<vmem>>) target(%dma_start3A_203 : memref<10000xf32, #tpu.memory_space<hbm>>) target_semaphore(%arg25 : memref<!tpu.dma_semaphore, #tpu.memory_space<semaphore_mem>>)
    %mul3A_206 = arith.constant 10000 : i32
    %mul3A_207 = arith.muli %add3A, %mul3A_206 : i32
    %add3A_208 = arith.constant 0 : i32
    %add3A_209 = arith.addi %add3A_208, %mul3A_207 : i32
    %multiple_of3A_210 = tpu.assume_multiple %add3A_209, 8 : i32
    %dma_wait3A_211 = arith.constant 0 : i32
    %dma_wait3A_212 = tpu.memref_slice %arg11[%dma_wait3A_211] : memref<40000xf32, #tpu.memory_space<vmem>> -> memref<10000xf32, #tpu.memory_space<vmem>>
    %dma_wait3A_213 = tpu.memref_slice %arg8[%multiple_of3A_210] : memref<1280000xf32, #tpu.memory_space<hbm>> -> memref<10000xf32, #tpu.memory_space<hbm>>
    %dma_wait3A_214 = tpu.memref_slice %arg8[%multiple_of3A_210] : memref<1280000xf32, #tpu.memory_space<hbm>> -> memref<10000xf32, #tpu.memory_space<hbm>>
    %dma_wait3A_215 = arith.constant 0 : i32
    %dma_wait3A_216 = tpu.memref_slice %arg11[%dma_wait3A_215] : memref<40000xf32, #tpu.memory_space<vmem>> -> memref<10000xf32, #tpu.memory_space<vmem>>
    tpu.wait_dma2 semaphore(%arg24 : memref<!tpu.dma_semaphore, #tpu.memory_space<semaphore_mem>>) src(%dma_wait3A_216 : memref<10000xf32, #tpu.memory_space<vmem>>) dst(%dma_wait3A_214 : memref<10000xf32, #tpu.memory_space<hbm>>)
    %mul3A_217 = arith.constant 10000 : i32
    %mul3A_218 = arith.muli %add3A, %mul3A_217 : i32
    %add3A_219 = arith.constant 320000 : i32
    %add3A_220 = arith.addi %add3A_219, %mul3A_218 : i32
    %multiple_of3A_221 = tpu.assume_multiple %add3A_220, 8 : i32
    %dma_wait3A_222 = arith.constant 10000 : i32
    %dma_wait3A_223 = tpu.memref_slice %arg11[%dma_wait3A_222] : memref<40000xf32, #tpu.memory_space<vmem>> -> memref<10000xf32, #tpu.memory_space<vmem>>
    %dma_wait3A_224 = tpu.memref_slice %arg8[%multiple_of3A_221] : memref<1280000xf32, #tpu.memory_space<hbm>> -> memref<10000xf32, #tpu.memory_space<hbm>>
    %dma_wait3A_225 = tpu.memref_slice %arg8[%multiple_of3A_221] : memref<1280000xf32, #tpu.memory_space<hbm>> -> memref<10000xf32, #tpu.memory_space<hbm>>
    %dma_wait3A_226 = arith.constant 10000 : i32
    %dma_wait3A_227 = tpu.memref_slice %arg11[%dma_wait3A_226] : memref<40000xf32, #tpu.memory_space<vmem>> -> memref<10000xf32, #tpu.memory_space<vmem>>
    tpu.wait_dma2 semaphore(%arg24 : memref<!tpu.dma_semaphore, #tpu.memory_space<semaphore_mem>>) src(%dma_wait3A_227 : memref<10000xf32, #tpu.memory_space<vmem>>) dst(%dma_wait3A_225 : memref<10000xf32, #tpu.memory_space<hbm>>)
    %mul3A_228 = arith.constant 10000 : i32
    %mul3A_229 = arith.muli %add3A, %mul3A_228 : i32
    %add3A_230 = arith.constant 640000 : i32
    %add3A_231 = arith.addi %add3A_230, %mul3A_229 : i32
    %multiple_of3A_232 = tpu.assume_multiple %add3A_231, 8 : i32
    %dma_wait3A_233 = arith.constant 20000 : i32
    %dma_wait3A_234 = tpu.memref_slice %arg11[%dma_wait3A_233] : memref<40000xf32, #tpu.memory_space<vmem>> -> memref<10000xf32, #tpu.memory_space<vmem>>
    %dma_wait3A_235 = tpu.memref_slice %arg8[%multiple_of3A_232] : memref<1280000xf32, #tpu.memory_space<hbm>> -> memref<10000xf32, #tpu.memory_space<hbm>>
    %dma_wait3A_236 = tpu.memref_slice %arg8[%multiple_of3A_232] : memref<1280000xf32, #tpu.memory_space<hbm>> -> memref<10000xf32, #tpu.memory_space<hbm>>
    %dma_wait3A_237 = arith.constant 20000 : i32
    %dma_wait3A_238 = tpu.memref_slice %arg11[%dma_wait3A_237] : memref<40000xf32, #tpu.memory_space<vmem>> -> memref<10000xf32, #tpu.memory_space<vmem>>
    tpu.wait_dma2 semaphore(%arg24 : memref<!tpu.dma_semaphore, #tpu.memory_space<semaphore_mem>>) src(%dma_wait3A_238 : memref<10000xf32, #tpu.memory_space<vmem>>) dst(%dma_wait3A_236 : memref<10000xf32, #tpu.memory_space<hbm>>)
    %mul3A_239 = arith.constant 10000 : i32
    %mul3A_240 = arith.muli %add3A, %mul3A_239 : i32
    %add3A_241 = arith.constant 960000 : i32
    %add3A_242 = arith.addi %add3A_241, %mul3A_240 : i32
    %multiple_of3A_243 = tpu.assume_multiple %add3A_242, 8 : i32
    %dma_wait3A_244 = arith.constant 30000 : i32
    %dma_wait3A_245 = tpu.memref_slice %arg11[%dma_wait3A_244] : memref<40000xf32, #tpu.memory_space<vmem>> -> memref<10000xf32, #tpu.memory_space<vmem>>
    %dma_wait3A_246 = tpu.memref_slice %arg8[%multiple_of3A_243] : memref<1280000xf32, #tpu.memory_space<hbm>> -> memref<10000xf32, #tpu.memory_space<hbm>>
    %dma_wait3A_247 = tpu.memref_slice %arg8[%multiple_of3A_243] : memref<1280000xf32, #tpu.memory_space<hbm>> -> memref<10000xf32, #tpu.memory_space<hbm>>
    %dma_wait3A_248 = arith.constant 30000 : i32
    %dma_wait3A_249 = tpu.memref_slice %arg11[%dma_wait3A_248] : memref<40000xf32, #tpu.memory_space<vmem>> -> memref<10000xf32, #tpu.memory_space<vmem>>
    tpu.wait_dma2 semaphore(%arg24 : memref<!tpu.dma_semaphore, #tpu.memory_space<semaphore_mem>>) src(%dma_wait3A_249 : memref<10000xf32, #tpu.memory_space<vmem>>) dst(%dma_wait3A_247 : memref<10000xf32, #tpu.memory_space<hbm>>)
    %mul3A_250 = arith.constant 4 : i32
    %mul3A_251 = arith.muli %select_n3A, %mul3A_250 : i32
    %add3A_252 = arith.constant 0 : i32
    %add3A_253 = arith.addi %mul3A_251, %add3A_252 : i32
    %mul3A_254 = arith.constant 400 : i32
    %mul3A_255 = arith.muli %add3A_253, %mul3A_254 : i32
    %add3A_256 = arith.addi %mul3A_255, %sub3A_141 : i32
    %mul3A_257 = arith.constant 400 : i32
    %mul3A_258 = arith.muli %add3A_256, %mul3A_257 : i32
    %multiple_of3A_259 = tpu.assume_multiple %mul3A_258, 8 : i32
    %dma_wait3A_260 = arith.constant 0 : i32
    %dma_wait3A_261 = tpu.memref_slice %arg10[%dma_wait3A_260] : memref<40000xf32, #tpu.memory_space<vmem>> -> memref<10000xf32, #tpu.memory_space<vmem>>
    %dma_wait3A_262 = tpu.memref_slice %arg9[%multiple_of3A_259] : memref<1280000xf32, #tpu.memory_space<hbm>> -> memref<10000xf32, #tpu.memory_space<hbm>>
    %dma_wait3A_263 = tpu.memref_slice %arg9[%multiple_of3A_259] : memref<1280000xf32, #tpu.memory_space<hbm>> -> memref<10000xf32, #tpu.memory_space<hbm>>
    %dma_wait3A_264 = arith.constant 0 : i32
    %dma_wait3A_265 = tpu.memref_slice %arg10[%dma_wait3A_264] : memref<40000xf32, #tpu.memory_space<vmem>> -> memref<10000xf32, #tpu.memory_space<vmem>>
    tpu.wait_dma2 semaphore(%arg25 : memref<!tpu.dma_semaphore, #tpu.memory_space<semaphore_mem>>) src(%dma_wait3A_265 : memref<10000xf32, #tpu.memory_space<vmem>>) dst(%dma_wait3A_263 : memref<10000xf32, #tpu.memory_space<hbm>>)
    %mul3A_266 = arith.constant 4 : i32
    %mul3A_267 = arith.muli %select_n3A, %mul3A_266 : i32
    %add3A_268 = arith.constant 1 : i32
    %add3A_269 = arith.addi %mul3A_267, %add3A_268 : i32
    %mul3A_270 = arith.constant 400 : i32
    %mul3A_271 = arith.muli %add3A_269, %mul3A_270 : i32
    %add3A_272 = arith.addi %mul3A_271, %sub3A_141 : i32
    %mul3A_273 = arith.constant 400 : i32
    %mul3A_274 = arith.muli %add3A_272, %mul3A_273 : i32
    %multiple_of3A_275 = tpu.assume_multiple %mul3A_274, 8 : i32
    %dma_wait3A_276 = arith.constant 10000 : i32
    %dma_wait3A_277 = tpu.memref_slice %arg10[%dma_wait3A_276] : memref<40000xf32, #tpu.memory_space<vmem>> -> memref<10000xf32, #tpu.memory_space<vmem>>
    %dma_wait3A_278 = tpu.memref_slice %arg9[%multiple_of3A_275] : memref<1280000xf32, #tpu.memory_space<hbm>> -> memref<10000xf32, #tpu.memory_space<hbm>>
    %dma_wait3A_279 = tpu.memref_slice %arg9[%multiple_of3A_275] : memref<1280000xf32, #tpu.memory_space<hbm>> -> memref<10000xf32, #tpu.memory_space<hbm>>
    %dma_wait3A_280 = arith.constant 10000 : i32
    %dma_wait3A_281 = tpu.memref_slice %arg10[%dma_wait3A_280] : memref<40000xf32, #tpu.memory_space<vmem>> -> memref<10000xf32, #tpu.memory_space<vmem>>
    tpu.wait_dma2 semaphore(%arg25 : memref<!tpu.dma_semaphore, #tpu.memory_space<semaphore_mem>>) src(%dma_wait3A_281 : memref<10000xf32, #tpu.memory_space<vmem>>) dst(%dma_wait3A_279 : memref<10000xf32, #tpu.memory_space<hbm>>)
    %mul3A_282 = arith.constant 4 : i32
    %mul3A_283 = arith.muli %select_n3A, %mul3A_282 : i32
    %add3A_284 = arith.constant 2 : i32
    %add3A_285 = arith.addi %mul3A_283, %add3A_284 : i32
    %mul3A_286 = arith.constant 400 : i32
    %mul3A_287 = arith.muli %add3A_285, %mul3A_286 : i32
    %add3A_288 = arith.addi %mul3A_287, %sub3A_141 : i32
    %mul3A_289 = arith.constant 400 : i32
    %mul3A_290 = arith.muli %add3A_288, %mul3A_289 : i32
    %multiple_of3A_291 = tpu.assume_multiple %mul3A_290, 8 : i32
    %dma_wait3A_292 = arith.constant 20000 : i32
    %dma_wait3A_293 = tpu.memref_slice %arg10[%dma_wait3A_292] : memref<40000xf32, #tpu.memory_space<vmem>> -> memref<10000xf32, #tpu.memory_space<vmem>>
    %dma_wait3A_294 = tpu.memref_slice %arg9[%multiple_of3A_291] : memref<1280000xf32, #tpu.memory_space<hbm>> -> memref<10000xf32, #tpu.memory_space<hbm>>
    %dma_wait3A_295 = tpu.memref_slice %arg9[%multiple_of3A_291] : memref<1280000xf32, #tpu.memory_space<hbm>> -> memref<10000xf32, #tpu.memory_space<hbm>>
    %dma_wait3A_296 = arith.constant 20000 : i32
    %dma_wait3A_297 = tpu.memref_slice %arg10[%dma_wait3A_296] : memref<40000xf32, #tpu.memory_space<vmem>> -> memref<10000xf32, #tpu.memory_space<vmem>>
    tpu.wait_dma2 semaphore(%arg25 : memref<!tpu.dma_semaphore, #tpu.memory_space<semaphore_mem>>) src(%dma_wait3A_297 : memref<10000xf32, #tpu.memory_space<vmem>>) dst(%dma_wait3A_295 : memref<10000xf32, #tpu.memory_space<hbm>>)
    %mul3A_298 = arith.constant 4 : i32
    %mul3A_299 = arith.muli %select_n3A, %mul3A_298 : i32
    %add3A_300 = arith.constant 3 : i32
    %add3A_301 = arith.addi %mul3A_299, %add3A_300 : i32
    %mul3A_302 = arith.constant 400 : i32
    %mul3A_303 = arith.muli %add3A_301, %mul3A_302 : i32
    %add3A_304 = arith.addi %mul3A_303, %sub3A_141 : i32
    %mul3A_305 = arith.constant 400 : i32
    %mul3A_306 = arith.muli %add3A_304, %mul3A_305 : i32
    %multiple_of3A_307 = tpu.assume_multiple %mul3A_306, 8 : i32
    %dma_wait3A_308 = arith.constant 30000 : i32
    %dma_wait3A_309 = tpu.memref_slice %arg10[%dma_wait3A_308] : memref<40000xf32, #tpu.memory_space<vmem>> -> memref<10000xf32, #tpu.memory_space<vmem>>
    %dma_wait3A_310 = tpu.memref_slice %arg9[%multiple_of3A_307] : memref<1280000xf32, #tpu.memory_space<hbm>> -> memref<10000xf32, #tpu.memory_space<hbm>>
    %dma_wait3A_311 = tpu.memref_slice %arg9[%multiple_of3A_307] : memref<1280000xf32, #tpu.memory_space<hbm>> -> memref<10000xf32, #tpu.memory_space<hbm>>
    %dma_wait3A_312 = arith.constant 30000 : i32
    %dma_wait3A_313 = tpu.memref_slice %arg10[%dma_wait3A_312] : memref<40000xf32, #tpu.memory_space<vmem>> -> memref<10000xf32, #tpu.memory_space<vmem>>
    tpu.wait_dma2 semaphore(%arg25 : memref<!tpu.dma_semaphore, #tpu.memory_space<semaphore_mem>>) src(%dma_wait3A_313 : memref<10000xf32, #tpu.memory_space<vmem>>) dst(%dma_wait3A_311 : memref<10000xf32, #tpu.memory_space<hbm>>)
    return
  }
}

module attributes {stable_mosaic.version = 14 : i64} {
  func.func @_proj_body(%arg0: memref<64x4xf32, #tpu.memory_space<vmem>>, %arg1: memref<30000x64xf32, #tpu.memory_space<vmem>>, %arg2: memref<4x30000xi32, #tpu.memory_space<vmem>>, %arg3: memref<1x4xf32, #tpu.memory_space<vmem>>, %arg4: memref<4xf32, #tpu.memory_space<vmem>>, %arg5: memref<4xf32, #tpu.memory_space<vmem>>, %arg6: memref<4xf32, #tpu.memory_space<vmem>>, %arg7: memref<4x4xf32, #tpu.memory_space<vmem>>, %arg8: memref<4xf32, #tpu.memory_space<vmem>>, %arg9: memref<4xf32, #tpu.memory_space<vmem>>, %arg10: memref<4xf32, #tpu.memory_space<vmem>>, %arg11: memref<30000xf32, #tpu.memory_space<vmem>>, %arg12: memref<30000xf32, #tpu.memory_space<vmem>>, %arg13: memref<30000xf32, #tpu.memory_space<vmem>>, %arg14: memref<30000xf32, #tpu.memory_space<vmem>>, %arg15: memref<30000xi32, #tpu.memory_space<vmem>>, %arg16: memref<30000xi32, #tpu.memory_space<vmem>>, %arg17: memref<10x4xf32, #tpu.memory_space<vmem>>) attributes {dimension_semantics = [], scalar_prefetch = 0 : i64, scratch_operands = 0 : i64, tpu.core_type = #tpu.core_type<tc>} {
    %get3A = arith.constant 0 : index
    %get3A_0 = arith.constant 0 : index
    %get3A_1 = vector.load %arg0[%get3A, %get3A_0] : memref<64x4xf32, #tpu.memory_space<vmem>>, vector<64x4xf32>
    %get3A_2 = arith.constant 0 : index
    %get3A_3 = arith.constant 0 : index
    %get3A_4 = vector.load %arg1[%get3A_2, %get3A_3] : memref<30000x64xf32, #tpu.memory_space<vmem>>, vector<30000x64xf32>
    %dot_general3A = arith.constant dense<0.000000e+00> : vector<4x30000xf32>
    %dot_general3A_5 = tpu.matmul %get3A_1, %get3A_4, %dot_general3A {dimension_numbers = #tpu.dot_dimension_numbers<[0], [1], [1], [0], [0, 1, 1, 0], [], []>, transpose_lhs_hint = false} : vector<64x4xf32>, vector<30000x64xf32>, vector<4x30000xf32> -> vector<4x30000xf32>
    %slice3A = vector.extract_strided_slice %dot_general3A_5 {offsets = [0, 0], sizes = [1, 30000], strides = [1, 1]} : vector<4x30000xf32> to vector<1x30000xf32>
    %squeeze3A = vector.shape_cast %slice3A : vector<1x30000xf32> to vector<30000xf32>
    %swap3A = arith.constant 0 : index
    %swap3A_6 = vector.load %arg11[%swap3A] : memref<30000xf32, #tpu.memory_space<vmem>>, vector<30000xf32>
    tpu.vector_store %arg11[%swap3A], %squeeze3A {strides = array<i32>} : memref<30000xf32, #tpu.memory_space<vmem>>, vector<30000xf32>,
    %slice3A_7 = vector.extract_strided_slice %dot_general3A_5 {offsets = [1, 0], sizes = [1, 30000], strides = [1, 1]} : vector<4x30000xf32> to vector<1x30000xf32>
    %squeeze3A_8 = vector.shape_cast %slice3A_7 : vector<1x30000xf32> to vector<30000xf32>
    %swap3A_9 = arith.constant 0 : index
    %swap3A_10 = vector.load %arg12[%swap3A_9] : memref<30000xf32, #tpu.memory_space<vmem>>, vector<30000xf32>
    tpu.vector_store %arg12[%swap3A_9], %squeeze3A_8 {strides = array<i32>} : memref<30000xf32, #tpu.memory_space<vmem>>, vector<30000xf32>,
    %slice3A_11 = vector.extract_strided_slice %dot_general3A_5 {offsets = [2, 0], sizes = [1, 30000], strides = [1, 1]} : vector<4x30000xf32> to vector<1x30000xf32>
    %squeeze3A_12 = vector.shape_cast %slice3A_11 : vector<1x30000xf32> to vector<30000xf32>
    %swap3A_13 = arith.constant 0 : index
    %swap3A_14 = vector.load %arg13[%swap3A_13] : memref<30000xf32, #tpu.memory_space<vmem>>, vector<30000xf32>
    tpu.vector_store %arg13[%swap3A_13], %squeeze3A_12 {strides = array<i32>} : memref<30000xf32, #tpu.memory_space<vmem>>, vector<30000xf32>,
    %slice3A_15 = vector.extract_strided_slice %dot_general3A_5 {offsets = [3, 0], sizes = [1, 30000], strides = [1, 1]} : vector<4x30000xf32> to vector<1x30000xf32>
    %squeeze3A_16 = vector.shape_cast %slice3A_15 : vector<1x30000xf32> to vector<30000xf32>
    %swap3A_17 = arith.constant 0 : index
    %swap3A_18 = vector.load %arg14[%swap3A_17] : memref<30000xf32, #tpu.memory_space<vmem>>, vector<30000xf32>
    tpu.vector_store %arg14[%swap3A_17], %squeeze3A_16 {strides = array<i32>} : memref<30000xf32, #tpu.memory_space<vmem>>, vector<30000xf32>,
    %get3A_19 = arith.constant 0 : index
    %get3A_20 = arith.constant 0 : index
    %get3A_21 = vector.load %arg2[%get3A_19, %get3A_20] : memref<4x30000xi32, #tpu.memory_space<vmem>>, vector<1x30000xi32>
    %min3A = arith.constant 1 : i32
    %min3A_22 = vector.broadcast %min3A : i32 to vector<1x30000xi32>
    %min3A_23 = arith.minsi %get3A_21, %min3A_22 : vector<1x30000xi32>
    %get3A_24 = arith.constant 1 : index
    %get3A_25 = arith.constant 0 : index
    %get3A_26 = vector.load %arg2[%get3A_24, %get3A_25] : memref<4x30000xi32, #tpu.memory_space<vmem>>, vector<1x30000xi32>
    %min3A_27 = arith.constant 3 : i32
    %min3A_28 = vector.broadcast %min3A_27 : i32 to vector<1x30000xi32>
    %min3A_29 = arith.minsi %get3A_26, %min3A_28 : vector<1x30000xi32>
    %get3A_30 = arith.constant 2 : index
    %get3A_31 = arith.constant 0 : index
    %get3A_32 = vector.load %arg2[%get3A_30, %get3A_31] : memref<4x30000xi32, #tpu.memory_space<vmem>>, vector<1x30000xi32>
    %min3A_33 = arith.constant 399 : i32
    %min3A_34 = vector.broadcast %min3A_33 : i32 to vector<1x30000xi32>
    %min3A_35 = arith.minsi %get3A_32, %min3A_34 : vector<1x30000xi32>
    %get3A_36 = arith.constant 3 : index
    %get3A_37 = arith.constant 0 : index
    %get3A_38 = vector.load %arg2[%get3A_36, %get3A_37] : memref<4x30000xi32, #tpu.memory_space<vmem>>, vector<1x30000xi32>
    %min3A_39 = arith.constant 399 : i32
    %min3A_40 = vector.broadcast %min3A_39 : i32 to vector<1x30000xi32>
    %min3A_41 = arith.minsi %get3A_38, %min3A_40 : vector<1x30000xi32>
    %mul3A = arith.constant 400 : i32
    %mul3A_42 = vector.broadcast %mul3A : i32 to vector<1x30000xi32>
    %mul3A_43 = arith.muli %min3A_23, %mul3A_42 : vector<1x30000xi32>
    %mul3A_44 = arith.constant 400 : i32
    %mul3A_45 = vector.broadcast %mul3A_44 : i32 to vector<1x30000xi32>
    %mul3A_46 = arith.muli %mul3A_43, %mul3A_45 : vector<1x30000xi32>
    %mul3A_47 = arith.constant 400 : i32
    %mul3A_48 = vector.broadcast %mul3A_47 : i32 to vector<1x30000xi32>
    %mul3A_49 = arith.muli %min3A_35, %mul3A_48 : vector<1x30000xi32>
    %add3A = arith.addi %mul3A_46, %mul3A_49 : vector<1x30000xi32>
    %add3A_50 = arith.addi %add3A, %min3A_41 : vector<1x30000xi32>
    %squeeze3A_51 = vector.shape_cast %add3A_50 : vector<1x30000xi32> to vector<30000xi32>
    %swap3A_52 = arith.constant 0 : index
    %swap3A_53 = vector.load %arg16[%swap3A_52] : memref<30000xi32, #tpu.memory_space<vmem>>, vector<30000xi32>
    tpu.vector_store %arg16[%swap3A_52], %squeeze3A_51 {strides = array<i32>} : memref<30000xi32, #tpu.memory_space<vmem>>, vector<30000xi32>,
    %mul3A_54 = arith.constant 10000 : i32
    %mul3A_55 = vector.broadcast %mul3A_54 : i32 to vector<1x30000xi32>
    %mul3A_56 = arith.muli %min3A_29, %mul3A_55 : vector<1x30000xi32>
    %add3A_57 = arith.addi %mul3A_56, %add3A_50 : vector<1x30000xi32>
    %squeeze3A_58 = vector.shape_cast %add3A_57 : vector<1x30000xi32> to vector<30000xi32>
    %swap3A_59 = arith.constant 0 : index
    %swap3A_60 = vector.load %arg15[%swap3A_59] : memref<30000xi32, #tpu.memory_space<vmem>>, vector<30000xi32>
    tpu.vector_store %arg15[%swap3A_59], %squeeze3A_58 {strides = array<i32>} : memref<30000xi32, #tpu.memory_space<vmem>>, vector<30000xi32>,
    %get3A_61 = arith.constant 0 : index
    %get3A_62 = arith.constant 0 : index
    %get3A_63 = vector.load %arg3[%get3A_61, %get3A_62] : memref<1x4xf32, #tpu.memory_space<vmem>>, vector<1x4xf32>
    %reduce_sum3A = vector.shape_cast %get3A_63 : vector<1x4xf32> to vector<1x1x4xf32>
    %reduce_sum3A_64 = arith.constant dense<0.000000e+00> : vector<1xf32>
    %reduce_sum3A_65 = vector.multi_reduction <add>, %reduce_sum3A, %reduce_sum3A_64 [1, 2] : vector<1x1x4xf32> to vector<1xf32>
    %reduce_sum3A_66 = vector.shape_cast %reduce_sum3A_65 : vector<1xf32> to vector<1x1x1xf32>
    %reduce_sum3A_67 = vector.extract %reduce_sum3A_66[0, 0, 0] : f32 from vector<1x1x1xf32>
    %get3A_68 = arith.constant 0 : index
    %get3A_69 = arith.constant 0 : index
    %get3A_70 = vector.load %arg0[%get3A_68, %get3A_69] : memref<64x4xf32, #tpu.memory_space<vmem>>, vector<64x4xf32>
    %reduce_sum3A_71 = arith.constant dense<0.000000e+00> : vector<4xf32>
    %reduce_sum3A_72 = vector.multi_reduction <add>, %get3A_70, %reduce_sum3A_71 [0] : vector<64x4xf32> to vector<4xf32>
    %mul3A_73 = vector.broadcast %reduce_sum3A_67 : f32 to vector<4xf32>
    %mul3A_74 = arith.mulf %mul3A_73, %reduce_sum3A_72 : vector<4xf32>
    %get3A_75 = arith.constant 0 : index
    %get3A_76 = vector.load %arg4[%get3A_75] : memref<4xf32, #tpu.memory_space<vmem>>, vector<4xf32>
    %add3A_77 = arith.addf %mul3A_74, %get3A_76 : vector<4xf32>
    %reshape3A = vector.shape_cast %add3A_77 : vector<4xf32> to vector<1x4xf32>
    %swap3A_78 = arith.constant 0 : index
    %swap3A_79 = arith.constant 0 : index
    %swap3A_80 = vector.load %arg17[%swap3A_78, %swap3A_79] : memref<10x4xf32, #tpu.memory_space<vmem>>, vector<1x4xf32>
    tpu.vector_store %arg17[%swap3A_78, %swap3A_79], %reshape3A {strides = array<i32>} : memref<10x4xf32, #tpu.memory_space<vmem>>, vector<1x4xf32>,
    %get3A_81 = arith.constant 0 : index
    %get3A_82 = vector.load %arg5[%get3A_81] : memref<4xf32, #tpu.memory_space<vmem>>, vector<4xf32>
    %reshape3A_83 = vector.shape_cast %get3A_82 : vector<4xf32> to vector<1x4xf32>
    %swap3A_84 = arith.constant 1 : index
    %swap3A_85 = arith.constant 0 : index
    %swap3A_86 = vector.load %arg17[%swap3A_84, %swap3A_85] : memref<10x4xf32, #tpu.memory_space<vmem>>, vector<1x4xf32>
    tpu.vector_store %arg17[%swap3A_84, %swap3A_85], %reshape3A_83 {strides = array<i32>} : memref<10x4xf32, #tpu.memory_space<vmem>>, vector<1x4xf32>,
    %get3A_87 = arith.constant 0 : index
    %get3A_88 = vector.load %arg6[%get3A_87] : memref<4xf32, #tpu.memory_space<vmem>>, vector<4xf32>
    %reshape3A_89 = vector.shape_cast %get3A_88 : vector<4xf32> to vector<1x4xf32>
    %swap3A_90 = arith.constant 2 : index
    %swap3A_91 = arith.constant 0 : index
    %swap3A_92 = vector.load %arg17[%swap3A_90, %swap3A_91] : memref<10x4xf32, #tpu.memory_space<vmem>>, vector<1x4xf32>
    tpu.vector_store %arg17[%swap3A_90, %swap3A_91], %reshape3A_89 {strides = array<i32>} : memref<10x4xf32, #tpu.memory_space<vmem>>, vector<1x4xf32>,
    %get3A_93 = arith.constant 0 : index
    %get3A_94 = vector.load %arg8[%get3A_93] : memref<4xf32, #tpu.memory_space<vmem>>, vector<4xf32>
    %reshape3A_95 = vector.shape_cast %get3A_94 : vector<4xf32> to vector<1x4xf32>
    %swap3A_96 = arith.constant 3 : index
    %swap3A_97 = arith.constant 0 : index
    %swap3A_98 = vector.load %arg17[%swap3A_96, %swap3A_97] : memref<10x4xf32, #tpu.memory_space<vmem>>, vector<1x4xf32>
    tpu.vector_store %arg17[%swap3A_96, %swap3A_97], %reshape3A_95 {strides = array<i32>} : memref<10x4xf32, #tpu.memory_space<vmem>>, vector<1x4xf32>,
    %get3A_99 = arith.constant 0 : index
    %get3A_100 = vector.load %arg9[%get3A_99] : memref<4xf32, #tpu.memory_space<vmem>>, vector<4xf32>
    %reshape3A_101 = vector.shape_cast %get3A_100 : vector<4xf32> to vector<1x4xf32>
    %swap3A_102 = arith.constant 4 : index
    %swap3A_103 = arith.constant 0 : index
    %swap3A_104 = vector.load %arg17[%swap3A_102, %swap3A_103] : memref<10x4xf32, #tpu.memory_space<vmem>>, vector<1x4xf32>
    tpu.vector_store %arg17[%swap3A_102, %swap3A_103], %reshape3A_101 {strides = array<i32>} : memref<10x4xf32, #tpu.memory_space<vmem>>, vector<1x4xf32>,
    %get3A_105 = arith.constant 0 : index
    %get3A_106 = vector.load %arg10[%get3A_105] : memref<4xf32, #tpu.memory_space<vmem>>, vector<4xf32>
    %reshape3A_107 = vector.shape_cast %get3A_106 : vector<4xf32> to vector<1x4xf32>
    %swap3A_108 = arith.constant 5 : index
    %swap3A_109 = arith.constant 0 : index
    %swap3A_110 = vector.load %arg17[%swap3A_108, %swap3A_109] : memref<10x4xf32, #tpu.memory_space<vmem>>, vector<1x4xf32>
    tpu.vector_store %arg17[%swap3A_108, %swap3A_109], %reshape3A_107 {strides = array<i32>} : memref<10x4xf32, #tpu.memory_space<vmem>>, vector<1x4xf32>,
    %get3A_111 = arith.constant 0 : index
    %get3A_112 = arith.constant 0 : index
    %get3A_113 = vector.load %arg7[%get3A_111, %get3A_112] : memref<4x4xf32, #tpu.memory_space<vmem>>, vector<4x4xf32>
    %swap3A_114 = arith.constant 6 : index
    %swap3A_115 = arith.constant 0 : index
    %swap3A_116 = vector.load %arg17[%swap3A_114, %swap3A_115] : memref<10x4xf32, #tpu.memory_space<vmem>>, vector<4x4xf32>
    tpu.vector_store %arg17[%swap3A_114, %swap3A_115], %get3A_113 {strides = array<i32>} : memref<10x4xf32, #tpu.memory_space<vmem>>, vector<4x4xf32>,
    return
  }
}

module attributes {stable_mosaic.version = 14 : i64} {
  func.func @_head_body(%arg0: i32, %arg1: i32, %arg2: memref<10x4xf32, #tpu.memory_space<smem>>, %arg3: memref<4x1x40x400xf32, #tpu.memory_space<vmem>>, %arg4: memref<1x4x40x400xf32, #tpu.memory_space<vmem>>) attributes {dimension_semantics = [#tpu.dimension_semantics<arbitrary>, #tpu.dimension_semantics<arbitrary>], iteration_bounds = array<i64: 2, 10>, scalar_prefetch = 0 : i64, scratch_operands = 0 : i64, tpu.core_type = #tpu.core_type<tc>, window_params = [{transform_indices = @transform_0, window_bounds = array<i64: 10, 4>}, {transform_indices = @transform_1, window_bounds = array<i64: 4, 1, 40, 400>}, {transform_indices = @transform_2, window_bounds = array<i64: 1, 4, 40, 400>}]} {
    %get3A = arith.constant 0 : index
    %get3A_0 = arith.constant 0 : index
    %get3A_1 = arith.constant 0 : index
    %get3A_2 = arith.constant 0 : index
    %get3A_3 = vector.load %arg3[%get3A, %get3A_0, %get3A_1, %get3A_2] : memref<4x1x40x400xf32, #tpu.memory_space<vmem>>, vector<1x1x40x400xf32>
    %get3A_4 = vector.shape_cast %get3A_3 : vector<1x1x40x400xf32> to vector<40x400xf32>
    %get3A_5 = arith.constant 0 : index
    %get3A_6 = arith.constant 0 : index
    %get3A_7 = memref.load %arg2[%get3A_5, %get3A_6] : memref<10x4xf32, #tpu.memory_space<smem>>
    %add3A = vector.broadcast %get3A_7 : f32 to vector<40x400xf32>
    %add3A_8 = arith.addf %get3A_4, %add3A : vector<40x400xf32>
    %get3A_9 = arith.constant 1 : index
    %get3A_10 = arith.constant 0 : index
    %get3A_11 = arith.constant 0 : index
    %get3A_12 = arith.constant 0 : index
    %get3A_13 = vector.load %arg3[%get3A_9, %get3A_10, %get3A_11, %get3A_12] : memref<4x1x40x400xf32, #tpu.memory_space<vmem>>, vector<1x1x40x400xf32>
    %get3A_14 = vector.shape_cast %get3A_13 : vector<1x1x40x400xf32> to vector<40x400xf32>
    %get3A_15 = arith.constant 0 : index
    %get3A_16 = arith.constant 1 : index
    %get3A_17 = memref.load %arg2[%get3A_15, %get3A_16] : memref<10x4xf32, #tpu.memory_space<smem>>
    %add3A_18 = vector.broadcast %get3A_17 : f32 to vector<40x400xf32>
    %add3A_19 = arith.addf %get3A_14, %add3A_18 : vector<40x400xf32>
    %get3A_20 = arith.constant 2 : index
    %get3A_21 = arith.constant 0 : index
    %get3A_22 = arith.constant 0 : index
    %get3A_23 = arith.constant 0 : index
    %get3A_24 = vector.load %arg3[%get3A_20, %get3A_21, %get3A_22, %get3A_23] : memref<4x1x40x400xf32, #tpu.memory_space<vmem>>, vector<1x1x40x400xf32>
    %get3A_25 = vector.shape_cast %get3A_24 : vector<1x1x40x400xf32> to vector<40x400xf32>
    %get3A_26 = arith.constant 0 : index
    %get3A_27 = arith.constant 2 : index
    %get3A_28 = memref.load %arg2[%get3A_26, %get3A_27] : memref<10x4xf32, #tpu.memory_space<smem>>
    %add3A_29 = vector.broadcast %get3A_28 : f32 to vector<40x400xf32>
    %add3A_30 = arith.addf %get3A_25, %add3A_29 : vector<40x400xf32>
    %get3A_31 = arith.constant 3 : index
    %get3A_32 = arith.constant 0 : index
    %get3A_33 = arith.constant 0 : index
    %get3A_34 = arith.constant 0 : index
    %get3A_35 = vector.load %arg3[%get3A_31, %get3A_32, %get3A_33, %get3A_34] : memref<4x1x40x400xf32, #tpu.memory_space<vmem>>, vector<1x1x40x400xf32>
    %get3A_36 = vector.shape_cast %get3A_35 : vector<1x1x40x400xf32> to vector<40x400xf32>
    %get3A_37 = arith.constant 0 : index
    %get3A_38 = arith.constant 3 : index
    %get3A_39 = memref.load %arg2[%get3A_37, %get3A_38] : memref<10x4xf32, #tpu.memory_space<smem>>
    %add3A_40 = vector.broadcast %get3A_39 : f32 to vector<40x400xf32>
    %add3A_41 = arith.addf %get3A_36, %add3A_40 : vector<40x400xf32>
    %add3A_42 = arith.addf %add3A_8, %add3A_19 : vector<40x400xf32>
    %add3A_43 = arith.addf %add3A_42, %add3A_30 : vector<40x400xf32>
    %add3A_44 = arith.addf %add3A_43, %add3A_41 : vector<40x400xf32>
    %mul3A = arith.constant 2.500000e-01 : f32
    %mul3A_45 = vector.broadcast %mul3A : f32 to vector<40x400xf32>
    %mul3A_46 = arith.mulf %add3A_44, %mul3A_45 : vector<40x400xf32>
    %sub3A = arith.subf %add3A_8, %mul3A_46 : vector<40x400xf32>
    %sub3A_47 = arith.subf %add3A_19, %mul3A_46 : vector<40x400xf32>
    %sub3A_48 = arith.subf %add3A_30, %mul3A_46 : vector<40x400xf32>
    %sub3A_49 = arith.subf %add3A_41, %mul3A_46 : vector<40x400xf32>
    %mul3A_50 = arith.mulf %sub3A, %sub3A : vector<40x400xf32>
    %mul3A_51 = arith.mulf %sub3A_47, %sub3A_47 : vector<40x400xf32>
    %add3A_52 = arith.addf %mul3A_50, %mul3A_51 : vector<40x400xf32>
    %mul3A_53 = arith.mulf %sub3A_48, %sub3A_48 : vector<40x400xf32>
    %add3A_54 = arith.addf %add3A_52, %mul3A_53 : vector<40x400xf32>
    %mul3A_55 = arith.mulf %sub3A_49, %sub3A_49 : vector<40x400xf32>
    %add3A_56 = arith.addf %add3A_54, %mul3A_55 : vector<40x400xf32>
    %mul3A_57 = arith.constant 2.500000e-01 : f32
    %mul3A_58 = vector.broadcast %mul3A_57 : f32 to vector<40x400xf32>
    %mul3A_59 = arith.mulf %add3A_56, %mul3A_58 : vector<40x400xf32>
    %add3A_60 = arith.constant 9.99999974E-6 : f32
    %add3A_61 = vector.broadcast %add3A_60 : f32 to vector<40x400xf32>
    %add3A_62 = arith.addf %mul3A_59, %add3A_61 : vector<40x400xf32>
    %rsqrt3A = math.rsqrt %add3A_62 : vector<40x400xf32>
    %mul3A_63 = arith.mulf %sub3A, %rsqrt3A : vector<40x400xf32>
    %get3A_64 = arith.constant 1 : index
    %get3A_65 = arith.constant 0 : index
    %get3A_66 = memref.load %arg2[%get3A_64, %get3A_65] : memref<10x4xf32, #tpu.memory_space<smem>>
    %mul3A_67 = vector.broadcast %get3A_66 : f32 to vector<40x400xf32>
    %mul3A_68 = arith.mulf %mul3A_63, %mul3A_67 : vector<40x400xf32>
    %get3A_69 = arith.constant 2 : index
    %get3A_70 = arith.constant 0 : index
    %get3A_71 = memref.load %arg2[%get3A_69, %get3A_70] : memref<10x4xf32, #tpu.memory_space<smem>>
    %add3A_72 = vector.broadcast %get3A_71 : f32 to vector<40x400xf32>
    %add3A_73 = arith.addf %mul3A_68, %add3A_72 : vector<40x400xf32>
    %max3A = arith.constant 0.000000e+00 : f32
    %max3A_74 = vector.broadcast %max3A : f32 to vector<40x400xf32>
    %max3A_75 = arith.maximumf %add3A_73, %max3A_74 : vector<40x400xf32>
    %mul3A_76 = arith.mulf %sub3A_47, %rsqrt3A : vector<40x400xf32>
    %get3A_77 = arith.constant 1 : index
    %get3A_78 = arith.constant 1 : index
    %get3A_79 = memref.load %arg2[%get3A_77, %get3A_78] : memref<10x4xf32, #tpu.memory_space<smem>>
    %mul3A_80 = vector.broadcast %get3A_79 : f32 to vector<40x400xf32>
    %mul3A_81 = arith.mulf %mul3A_76, %mul3A_80 : vector<40x400xf32>
    %get3A_82 = arith.constant 2 : index
    %get3A_83 = arith.constant 1 : index
    %get3A_84 = memref.load %arg2[%get3A_82, %get3A_83] : memref<10x4xf32, #tpu.memory_space<smem>>
    %add3A_85 = vector.broadcast %get3A_84 : f32 to vector<40x400xf32>
    %add3A_86 = arith.addf %mul3A_81, %add3A_85 : vector<40x400xf32>
    %max3A_87 = arith.constant 0.000000e+00 : f32
    %max3A_88 = vector.broadcast %max3A_87 : f32 to vector<40x400xf32>
    %max3A_89 = arith.maximumf %add3A_86, %max3A_88 : vector<40x400xf32>
    %mul3A_90 = arith.mulf %sub3A_48, %rsqrt3A : vector<40x400xf32>
    %get3A_91 = arith.constant 1 : index
    %get3A_92 = arith.constant 2 : index
    %get3A_93 = memref.load %arg2[%get3A_91, %get3A_92] : memref<10x4xf32, #tpu.memory_space<smem>>
    %mul3A_94 = vector.broadcast %get3A_93 : f32 to vector<40x400xf32>
    %mul3A_95 = arith.mulf %mul3A_90, %mul3A_94 : vector<40x400xf32>
    %get3A_96 = arith.constant 2 : index
    %get3A_97 = arith.constant 2 : index
    %get3A_98 = memref.load %arg2[%get3A_96, %get3A_97] : memref<10x4xf32, #tpu.memory_space<smem>>
    %add3A_99 = vector.broadcast %get3A_98 : f32 to vector<40x400xf32>
    %add3A_100 = arith.addf %mul3A_95, %add3A_99 : vector<40x400xf32>
    %max3A_101 = arith.constant 0.000000e+00 : f32
    %max3A_102 = vector.broadcast %max3A_101 : f32 to vector<40x400xf32>
    %max3A_103 = arith.maximumf %add3A_100, %max3A_102 : vector<40x400xf32>
    %mul3A_104 = arith.mulf %sub3A_49, %rsqrt3A : vector<40x400xf32>
    %get3A_105 = arith.constant 1 : index
    %get3A_106 = arith.constant 3 : index
    %get3A_107 = memref.load %arg2[%get3A_105, %get3A_106] : memref<10x4xf32, #tpu.memory_space<smem>>
    %mul3A_108 = vector.broadcast %get3A_107 : f32 to vector<40x400xf32>
    %mul3A_109 = arith.mulf %mul3A_104, %mul3A_108 : vector<40x400xf32>
    %get3A_110 = arith.constant 2 : index
    %get3A_111 = arith.constant 3 : index
    %get3A_112 = memref.load %arg2[%get3A_110, %get3A_111] : memref<10x4xf32, #tpu.memory_space<smem>>
    %add3A_113 = vector.broadcast %get3A_112 : f32 to vector<40x400xf32>
    %add3A_114 = arith.addf %mul3A_109, %add3A_113 : vector<40x400xf32>
    %max3A_115 = arith.constant 0.000000e+00 : f32
    %max3A_116 = vector.broadcast %max3A_115 : f32 to vector<40x400xf32>
    %max3A_117 = arith.maximumf %add3A_114, %max3A_116 : vector<40x400xf32>
    %get3A_118 = arith.constant 6 : index
    %get3A_119 = arith.constant 0 : index
    %get3A_120 = memref.load %arg2[%get3A_118, %get3A_119] : memref<10x4xf32, #tpu.memory_space<smem>>
    %mul3A_121 = vector.broadcast %get3A_120 : f32 to vector<40x400xf32>
    %mul3A_122 = arith.mulf %max3A_75, %mul3A_121 : vector<40x400xf32>
    %get3A_123 = arith.constant 7 : index
    %get3A_124 = arith.constant 0 : index
    %get3A_125 = memref.load %arg2[%get3A_123, %get3A_124] : memref<10x4xf32, #tpu.memory_space<smem>>
    %mul3A_126 = vector.broadcast %get3A_125 : f32 to vector<40x400xf32>
    %mul3A_127 = arith.mulf %max3A_89, %mul3A_126 : vector<40x400xf32>
    %add3A_128 = arith.addf %mul3A_122, %mul3A_127 : vector<40x400xf32>
    %get3A_129 = arith.constant 8 : index
    %get3A_130 = arith.constant 0 : index
    %get3A_131 = memref.load %arg2[%get3A_129, %get3A_130] : memref<10x4xf32, #tpu.memory_space<smem>>
    %mul3A_132 = vector.broadcast %get3A_131 : f32 to vector<40x400xf32>
    %mul3A_133 = arith.mulf %max3A_103, %mul3A_132 : vector<40x400xf32>
    %add3A_134 = arith.addf %add3A_128, %mul3A_133 : vector<40x400xf32>
    %get3A_135 = arith.constant 9 : index
    %get3A_136 = arith.constant 0 : index
    %get3A_137 = memref.load %arg2[%get3A_135, %get3A_136] : memref<10x4xf32, #tpu.memory_space<smem>>
    %mul3A_138 = vector.broadcast %get3A_137 : f32 to vector<40x400xf32>
    %mul3A_139 = arith.mulf %max3A_117, %mul3A_138 : vector<40x400xf32>
    %add3A_140 = arith.addf %add3A_134, %mul3A_139 : vector<40x400xf32>
    %get3A_141 = arith.constant 3 : index
    %get3A_142 = arith.constant 0 : index
    %get3A_143 = memref.load %arg2[%get3A_141, %get3A_142] : memref<10x4xf32, #tpu.memory_space<smem>>
    %add3A_144 = vector.broadcast %get3A_143 : f32 to vector<40x400xf32>
    %add3A_145 = arith.addf %add3A_140, %add3A_144 : vector<40x400xf32>
    %get3A_146 = arith.constant 6 : index
    %get3A_147 = arith.constant 1 : index
    %get3A_148 = memref.load %arg2[%get3A_146, %get3A_147] : memref<10x4xf32, #tpu.memory_space<smem>>
    %mul3A_149 = vector.broadcast %get3A_148 : f32 to vector<40x400xf32>
    %mul3A_150 = arith.mulf %max3A_75, %mul3A_149 : vector<40x400xf32>
    %get3A_151 = arith.constant 7 : index
    %get3A_152 = arith.constant 1 : index
    %get3A_153 = memref.load %arg2[%get3A_151, %get3A_152] : memref<10x4xf32, #tpu.memory_space<smem>>
    %mul3A_154 = vector.broadcast %get3A_153 : f32 to vector<40x400xf32>
    %mul3A_155 = arith.mulf %max3A_89, %mul3A_154 : vector<40x400xf32>
    %add3A_156 = arith.addf %mul3A_150, %mul3A_155 : vector<40x400xf32>
    %get3A_157 = arith.constant 8 : index
    %get3A_158 = arith.constant 1 : index
    %get3A_159 = memref.load %arg2[%get3A_157, %get3A_158] : memref<10x4xf32, #tpu.memory_space<smem>>
    %mul3A_160 = vector.broadcast %get3A_159 : f32 to vector<40x400xf32>
    %mul3A_161 = arith.mulf %max3A_103, %mul3A_160 : vector<40x400xf32>
    %add3A_162 = arith.addf %add3A_156, %mul3A_161 : vector<40x400xf32>
    %get3A_163 = arith.constant 9 : index
    %get3A_164 = arith.constant 1 : index
    %get3A_165 = memref.load %arg2[%get3A_163, %get3A_164] : memref<10x4xf32, #tpu.memory_space<smem>>
    %mul3A_166 = vector.broadcast %get3A_165 : f32 to vector<40x400xf32>
    %mul3A_167 = arith.mulf %max3A_117, %mul3A_166 : vector<40x400xf32>
    %add3A_168 = arith.addf %add3A_162, %mul3A_167 : vector<40x400xf32>
    %get3A_169 = arith.constant 3 : index
    %get3A_170 = arith.constant 1 : index
    %get3A_171 = memref.load %arg2[%get3A_169, %get3A_170] : memref<10x4xf32, #tpu.memory_space<smem>>
    %add3A_172 = vector.broadcast %get3A_171 : f32 to vector<40x400xf32>
    %add3A_173 = arith.addf %add3A_168, %add3A_172 : vector<40x400xf32>
    %get3A_174 = arith.constant 6 : index
    %get3A_175 = arith.constant 2 : index
    %get3A_176 = memref.load %arg2[%get3A_174, %get3A_175] : memref<10x4xf32, #tpu.memory_space<smem>>
    %mul3A_177 = vector.broadcast %get3A_176 : f32 to vector<40x400xf32>
    %mul3A_178 = arith.mulf %max3A_75, %mul3A_177 : vector<40x400xf32>
    %get3A_179 = arith.constant 7 : index
    %get3A_180 = arith.constant 2 : index
    %get3A_181 = memref.load %arg2[%get3A_179, %get3A_180] : memref<10x4xf32, #tpu.memory_space<smem>>
    %mul3A_182 = vector.broadcast %get3A_181 : f32 to vector<40x400xf32>
    %mul3A_183 = arith.mulf %max3A_89, %mul3A_182 : vector<40x400xf32>
    %add3A_184 = arith.addf %mul3A_178, %mul3A_183 : vector<40x400xf32>
    %get3A_185 = arith.constant 8 : index
    %get3A_186 = arith.constant 2 : index
    %get3A_187 = memref.load %arg2[%get3A_185, %get3A_186] : memref<10x4xf32, #tpu.memory_space<smem>>
    %mul3A_188 = vector.broadcast %get3A_187 : f32 to vector<40x400xf32>
    %mul3A_189 = arith.mulf %max3A_103, %mul3A_188 : vector<40x400xf32>
    %add3A_190 = arith.addf %add3A_184, %mul3A_189 : vector<40x400xf32>
    %get3A_191 = arith.constant 9 : index
    %get3A_192 = arith.constant 2 : index
    %get3A_193 = memref.load %arg2[%get3A_191, %get3A_192] : memref<10x4xf32, #tpu.memory_space<smem>>
    %mul3A_194 = vector.broadcast %get3A_193 : f32 to vector<40x400xf32>
    %mul3A_195 = arith.mulf %max3A_117, %mul3A_194 : vector<40x400xf32>
    %add3A_196 = arith.addf %add3A_190, %mul3A_195 : vector<40x400xf32>
    %get3A_197 = arith.constant 3 : index
    %get3A_198 = arith.constant 2 : index
    %get3A_199 = memref.load %arg2[%get3A_197, %get3A_198] : memref<10x4xf32, #tpu.memory_space<smem>>
    %add3A_200 = vector.broadcast %get3A_199 : f32 to vector<40x400xf32>
    %add3A_201 = arith.addf %add3A_196, %add3A_200 : vector<40x400xf32>
    %get3A_202 = arith.constant 6 : index
    %get3A_203 = arith.constant 3 : index
    %get3A_204 = memref.load %arg2[%get3A_202, %get3A_203] : memref<10x4xf32, #tpu.memory_space<smem>>
    %mul3A_205 = vector.broadcast %get3A_204 : f32 to vector<40x400xf32>
    %mul3A_206 = arith.mulf %max3A_75, %mul3A_205 : vector<40x400xf32>
    %get3A_207 = arith.constant 7 : index
    %get3A_208 = arith.constant 3 : index
    %get3A_209 = memref.load %arg2[%get3A_207, %get3A_208] : memref<10x4xf32, #tpu.memory_space<smem>>
    %mul3A_210 = vector.broadcast %get3A_209 : f32 to vector<40x400xf32>
    %mul3A_211 = arith.mulf %max3A_89, %mul3A_210 : vector<40x400xf32>
    %add3A_212 = arith.addf %mul3A_206, %mul3A_211 : vector<40x400xf32>
    %get3A_213 = arith.constant 8 : index
    %get3A_214 = arith.constant 3 : index
    %get3A_215 = memref.load %arg2[%get3A_213, %get3A_214] : memref<10x4xf32, #tpu.memory_space<smem>>
    %mul3A_216 = vector.broadcast %get3A_215 : f32 to vector<40x400xf32>
    %mul3A_217 = arith.mulf %max3A_103, %mul3A_216 : vector<40x400xf32>
    %add3A_218 = arith.addf %add3A_212, %mul3A_217 : vector<40x400xf32>
    %get3A_219 = arith.constant 9 : index
    %get3A_220 = arith.constant 3 : index
    %get3A_221 = memref.load %arg2[%get3A_219, %get3A_220] : memref<10x4xf32, #tpu.memory_space<smem>>
    %mul3A_222 = vector.broadcast %get3A_221 : f32 to vector<40x400xf32>
    %mul3A_223 = arith.mulf %max3A_117, %mul3A_222 : vector<40x400xf32>
    %add3A_224 = arith.addf %add3A_218, %mul3A_223 : vector<40x400xf32>
    %get3A_225 = arith.constant 3 : index
    %get3A_226 = arith.constant 3 : index
    %get3A_227 = memref.load %arg2[%get3A_225, %get3A_226] : memref<10x4xf32, #tpu.memory_space<smem>>
    %add3A_228 = vector.broadcast %get3A_227 : f32 to vector<40x400xf32>
    %add3A_229 = arith.addf %add3A_224, %add3A_228 : vector<40x400xf32>
    %add3A_230 = arith.addf %add3A_145, %add3A_173 : vector<40x400xf32>
    %add3A_231 = arith.addf %add3A_230, %add3A_201 : vector<40x400xf32>
    %add3A_232 = arith.addf %add3A_231, %add3A_229 : vector<40x400xf32>
    %mul3A_233 = arith.constant 2.500000e-01 : f32
    %mul3A_234 = vector.broadcast %mul3A_233 : f32 to vector<40x400xf32>
    %mul3A_235 = arith.mulf %add3A_232, %mul3A_234 : vector<40x400xf32>
    %sub3A_236 = arith.subf %add3A_145, %mul3A_235 : vector<40x400xf32>
    %sub3A_237 = arith.subf %add3A_173, %mul3A_235 : vector<40x400xf32>
    %sub3A_238 = arith.subf %add3A_201, %mul3A_235 : vector<40x400xf32>
    %sub3A_239 = arith.subf %add3A_229, %mul3A_235 : vector<40x400xf32>
    %mul3A_240 = arith.mulf %sub3A_236, %sub3A_236 : vector<40x400xf32>
    %mul3A_241 = arith.mulf %sub3A_237, %sub3A_237 : vector<40x400xf32>
    %add3A_242 = arith.addf %mul3A_240, %mul3A_241 : vector<40x400xf32>
    %mul3A_243 = arith.mulf %sub3A_238, %sub3A_238 : vector<40x400xf32>
    %add3A_244 = arith.addf %add3A_242, %mul3A_243 : vector<40x400xf32>
    %mul3A_245 = arith.mulf %sub3A_239, %sub3A_239 : vector<40x400xf32>
    %add3A_246 = arith.addf %add3A_244, %mul3A_245 : vector<40x400xf32>
    %mul3A_247 = arith.constant 2.500000e-01 : f32
    %mul3A_248 = vector.broadcast %mul3A_247 : f32 to vector<40x400xf32>
    %mul3A_249 = arith.mulf %add3A_246, %mul3A_248 : vector<40x400xf32>
    %add3A_250 = arith.constant 9.99999974E-6 : f32
    %add3A_251 = vector.broadcast %add3A_250 : f32 to vector<40x400xf32>
    %add3A_252 = arith.addf %mul3A_249, %add3A_251 : vector<40x400xf32>
    %rsqrt3A_253 = math.rsqrt %add3A_252 : vector<40x400xf32>
    %mul3A_254 = arith.mulf %sub3A_236, %rsqrt3A_253 : vector<40x400xf32>
    %get3A_255 = arith.constant 4 : index
    %get3A_256 = arith.constant 0 : index
    %get3A_257 = memref.load %arg2[%get3A_255, %get3A_256] : memref<10x4xf32, #tpu.memory_space<smem>>
    %mul3A_258 = vector.broadcast %get3A_257 : f32 to vector<40x400xf32>
    %mul3A_259 = arith.mulf %mul3A_254, %mul3A_258 : vector<40x400xf32>
    %get3A_260 = arith.constant 5 : index
    %get3A_261 = arith.constant 0 : index
    %get3A_262 = memref.load %arg2[%get3A_260, %get3A_261] : memref<10x4xf32, #tpu.memory_space<smem>>
    %add3A_263 = vector.broadcast %get3A_262 : f32 to vector<40x400xf32>
    %add3A_264 = arith.addf %mul3A_259, %add3A_263 : vector<40x400xf32>
    %swap3A = arith.constant 0 : index
    %swap3A_265 = arith.constant 0 : index
    %swap3A_266 = arith.constant 0 : index
    %swap3A_267 = arith.constant 0 : index
    %swap3A_268 = vector.load %arg4[%swap3A, %swap3A_265, %swap3A_266, %swap3A_267] : memref<1x4x40x400xf32, #tpu.memory_space<vmem>>, vector<1x1x40x400xf32>
    %swap3A_269 = vector.shape_cast %swap3A_268 : vector<1x1x40x400xf32> to vector<40x400xf32>
    %swap3A_270 = vector.shape_cast %add3A_264 : vector<40x400xf32> to vector<1x1x40x400xf32>
    tpu.vector_store %arg4[%swap3A, %swap3A_265, %swap3A_266, %swap3A_267], %swap3A_270 {strides = array<i32>} : memref<1x4x40x400xf32, #tpu.memory_space<vmem>>, vector<1x1x40x400xf32>,
    %mul3A_271 = arith.mulf %sub3A_237, %rsqrt3A_253 : vector<40x400xf32>
    %get3A_272 = arith.constant 4 : index
    %get3A_273 = arith.constant 1 : index
    %get3A_274 = memref.load %arg2[%get3A_272, %get3A_273] : memref<10x4xf32, #tpu.memory_space<smem>>
    %mul3A_275 = vector.broadcast %get3A_274 : f32 to vector<40x400xf32>
    %mul3A_276 = arith.mulf %mul3A_271, %mul3A_275 : vector<40x400xf32>
    %get3A_277 = arith.constant 5 : index
    %get3A_278 = arith.constant 1 : index
    %get3A_279 = memref.load %arg2[%get3A_277, %get3A_278] : memref<10x4xf32, #tpu.memory_space<smem>>
    %add3A_280 = vector.broadcast %get3A_279 : f32 to vector<40x400xf32>
    %add3A_281 = arith.addf %mul3A_276, %add3A_280 : vector<40x400xf32>
    %swap3A_282 = arith.constant 0 : index
    %swap3A_283 = arith.constant 1 : index
    %swap3A_284 = arith.constant 0 : index
    %swap3A_285 = arith.constant 0 : index
    %swap3A_286 = vector.load %arg4[%swap3A_282, %swap3A_283, %swap3A_284, %swap3A_285] : memref<1x4x40x400xf32, #tpu.memory_space<vmem>>, vector<1x1x40x400xf32>
    %swap3A_287 = vector.shape_cast %swap3A_286 : vector<1x1x40x400xf32> to vector<40x400xf32>
    %swap3A_288 = vector.shape_cast %add3A_281 : vector<40x400xf32> to vector<1x1x40x400xf32>
    tpu.vector_store %arg4[%swap3A_282, %swap3A_283, %swap3A_284, %swap3A_285], %swap3A_288 {strides = array<i32>} : memref<1x4x40x400xf32, #tpu.memory_space<vmem>>, vector<1x1x40x400xf32>,
    %mul3A_289 = arith.mulf %sub3A_238, %rsqrt3A_253 : vector<40x400xf32>
    %get3A_290 = arith.constant 4 : index
    %get3A_291 = arith.constant 2 : index
    %get3A_292 = memref.load %arg2[%get3A_290, %get3A_291] : memref<10x4xf32, #tpu.memory_space<smem>>
    %mul3A_293 = vector.broadcast %get3A_292 : f32 to vector<40x400xf32>
    %mul3A_294 = arith.mulf %mul3A_289, %mul3A_293 : vector<40x400xf32>
    %get3A_295 = arith.constant 5 : index
    %get3A_296 = arith.constant 2 : index
    %get3A_297 = memref.load %arg2[%get3A_295, %get3A_296] : memref<10x4xf32, #tpu.memory_space<smem>>
    %add3A_298 = vector.broadcast %get3A_297 : f32 to vector<40x400xf32>
    %add3A_299 = arith.addf %mul3A_294, %add3A_298 : vector<40x400xf32>
    %swap3A_300 = arith.constant 0 : index
    %swap3A_301 = arith.constant 2 : index
    %swap3A_302 = arith.constant 0 : index
    %swap3A_303 = arith.constant 0 : index
    %swap3A_304 = vector.load %arg4[%swap3A_300, %swap3A_301, %swap3A_302, %swap3A_303] : memref<1x4x40x400xf32, #tpu.memory_space<vmem>>, vector<1x1x40x400xf32>
    %swap3A_305 = vector.shape_cast %swap3A_304 : vector<1x1x40x400xf32> to vector<40x400xf32>
    %swap3A_306 = vector.shape_cast %add3A_299 : vector<40x400xf32> to vector<1x1x40x400xf32>
    tpu.vector_store %arg4[%swap3A_300, %swap3A_301, %swap3A_302, %swap3A_303], %swap3A_306 {strides = array<i32>} : memref<1x4x40x400xf32, #tpu.memory_space<vmem>>, vector<1x1x40x400xf32>,
    %mul3A_307 = arith.mulf %sub3A_239, %rsqrt3A_253 : vector<40x400xf32>
    %get3A_308 = arith.constant 4 : index
    %get3A_309 = arith.constant 3 : index
    %get3A_310 = memref.load %arg2[%get3A_308, %get3A_309] : memref<10x4xf32, #tpu.memory_space<smem>>
    %mul3A_311 = vector.broadcast %get3A_310 : f32 to vector<40x400xf32>
    %mul3A_312 = arith.mulf %mul3A_307, %mul3A_311 : vector<40x400xf32>
    %get3A_313 = arith.constant 5 : index
    %get3A_314 = arith.constant 3 : index
    %get3A_315 = memref.load %arg2[%get3A_313, %get3A_314] : memref<10x4xf32, #tpu.memory_space<smem>>
    %add3A_316 = vector.broadcast %get3A_315 : f32 to vector<40x400xf32>
    %add3A_317 = arith.addf %mul3A_312, %add3A_316 : vector<40x400xf32>
    %swap3A_318 = arith.constant 0 : index
    %swap3A_319 = arith.constant 3 : index
    %swap3A_320 = arith.constant 0 : index
    %swap3A_321 = arith.constant 0 : index
    %swap3A_322 = vector.load %arg4[%swap3A_318, %swap3A_319, %swap3A_320, %swap3A_321] : memref<1x4x40x400xf32, #tpu.memory_space<vmem>>, vector<1x1x40x400xf32>
    %swap3A_323 = vector.shape_cast %swap3A_322 : vector<1x1x40x400xf32> to vector<40x400xf32>
    %swap3A_324 = vector.shape_cast %add3A_317 : vector<40x400xf32> to vector<1x1x40x400xf32>
    tpu.vector_store %arg4[%swap3A_318, %swap3A_319, %swap3A_320, %swap3A_321], %swap3A_324 {strides = array<i32>} : memref<1x4x40x400xf32, #tpu.memory_space<vmem>>, vector<1x1x40x400xf32>,
    return
  }
  func.func @transform_0(%arg0: i32, %arg1: i32) -> (i32, i32) {
    %c0_i32 = arith.constant 0 : i32
    %c0_i32_0 = arith.constant 0 : i32
    %c0_i32_1 = arith.constant 0 : i32
    return %c0_i32, %c0_i32_0 : i32, i32
  }
  func.func @transform_1(%arg0: i32, %arg1: i32) -> (i32, i32, i32, i32) {
    %c0_i32 = arith.constant 0 : i32
    %c0_i32_0 = arith.constant 0 : i32
    %c0_i32_1 = arith.constant 0 : i32
    return %c0_i32, %arg0, %arg1, %c0_i32_0 : i32, i32, i32, i32
  }
  func.func @transform_2(%arg0: i32, %arg1: i32) -> (i32, i32, i32, i32) {
    %c0_i32 = arith.constant 0 : i32
    %c0_i32_0 = arith.constant 0 : i32
    %c0_i32_1 = arith.constant 0 : i32
    return %arg0, %c0_i32, %arg1, %c0_i32_0 : i32, i32, i32, i32
  }
}

</mosaic_0001>

<sc_bundles>
// kernel: kernel.5.cloned.1.call-start
scs
__scs_entry_jumppad:
0x0: {  	(pc) =	sbr.rel $0x88, $3  }
0x1: {  	(tag) =	ssettag $0x0;
	lr =	simm.s32 $0x1  }
0x2: {  	[smem:$0x3F96] =	sst lr;
	_ =	strace $0xD0000000  }
0x3: {  	_ = 	snop  }
0x4: {  	_ = 	snop  }
0x5: {  	_ = 	snop  }
0x6: {  	_ = 	snop  }
0x7: {  	_ = 	snop  }
__scs_overlays_trampoline_lowered:
0x8: {  	[smem:$0x3FA5] =	sst s0  }
0x9: {  	[smem:$0x3FA6] =	sst s1  }
0xa: {  	[smem:$0x3FA7] =	sst s2  }
0xb: {  	[smem:$0x3FA8] =	sst s3  }
0xc: {  	[smem:$0x3FA9] =	sst s4  }
0xd: {  	[smem:$0x3FAA] =	sst s5  }
0xe: {  	[smem:$0x3FAB] =	sst s6  }
0xf: {  	[smem:$0x3FAC] =	sst s7  }
0x10: {  	[smem:$0x3FAD] =	sst s8  }
0x11: {  	[smem:$0x3FAE] =	sst s9;
	s0 =	simm.s32 @!p0 $0x0  }
0x12: {  	s1 =	sld [smem:$0x3F94];
	s0 =	simm.s32 @p0 $0x1  }
0x13: {  	[smem:$0x3FAF] =	sst s0;
	s0 =	simm.s32 @!p1 $0x0  }
0x14: {  	s2 =	sld [smem:$0x3F93];
	s0 =	simm.s32 @p1 $0x1  }
0x15: {  	[smem:$0x3FB0] =	sst s0;
	s0 =	simm.s32 @!p2 $0x0  }
0x16: {  	s3 =	sld [smem:$0x3FDB];
	s0 =	simm.s32 @p2 $0x1  }
0x17: {  	s4 =	simm.s32 $0x1BF5;
	[smem:$0x3FB2] =	sst s0  }
0x18: {  	s0 =	sld [smem:$0x3F95];
	_ =	swait.ge [sflag:s4], $0x0  }
0x19: {  	s7 =	sld [smem:$0x3F96]  }
0x1a: {  	s8 =	sadd.s32 $0xFFFFE003, lr  }
0x1b: {  	s9 =	sadd.s32 $0xFFFFFEF7, lr;
	s5 =	simm.s32 $0xFFFFFFFF;
	p2 =	slt.u32 s8, $0xFFFFF086  }
0x1c: {  	p1 =	slt.u32 s9, $0xF7A;
	s5 =	simm.s32 @!p2 $0x0  }
0x1d: {  	s5 =	simm.s32 @p1 $0x1;
	p0 =	seq.s32 s7, s2  }
0x1e: {  	s7 =	smul.u32 @!p0 $0xF7A, s2;
	p2 =	seq.s32 @!p0 s5, $0x0  }
0x1f: {  	s9 =	smul.u32 $0xF7A, s1;
	s8 =	simm.s32 @!p0 $0x1BF5;
	p2 =	por !p2, p0  }
0x20: {  	[sflag:s8] =	ssyncset.s32 @!p0 $0xFFFFF086;
	s6 =	sadd.s32 @!p0 s3, s7;
	s7 =	simm.s32 @!p0 $0x108  }
0x21: {  	s3 =	sadd.s32 s3, s9;
	s6 =	sadd.s32 @!p0 $0x88, s6;
	s7 =	simm.s32 @p2 $0x1082  }
0x22: {  	[simem:s7], [sflag:s8] =	dma.local @!p0 [hbm:s6], $0xF7A  }
0x23: {  	s9 =	sor.u32 $0xD0000000, s2;
	s6 =	simm.s32 $0x108;
	_ =	swait.ge @!p0 [sflag:s8], $0x0  }
0x24: {  	s3 =	sadd.s32 $0x88, s3;
	s6 =	simm.s32 @!p1 $0x1082;
	[sflag:s4] =	ssyncset.s32 $0xFFFFF086  }
0x25: {  	[simem:s6], [sflag:s4] =	dma.local [hbm:s3], $0xF7A  }
0x26: {  	[smem:$0x3F96] =	sst s1;
	(tag) =	ssettag s2;
	_ =	strace s9  }
0x27: {  	s1 =	sld [smem:$0x3FA6]  }
0x28: {  	s2 =	sld [smem:$0x3FA7]  }
0x29: {  	s4 =	sld [smem:$0x3FA9]  }
0x2a: {  	p0 =	seq.s32 s5, $0x0;
	s5 =	sld [smem:$0x3FAA]  }
0x2b: {  	s6 =	sld [smem:$0x3FAB]  }
0x2c: {  	s7 =	sld [smem:$0x3FAC]  }
0x2d: {  	s3 =	simm.s32 $0x108;
	s8 =	sld [smem:$0x3FAD]  }
0x2e: {  	s3 =	simm.s32 @!p0 $0x1082;
	s9 =	sld [smem:$0x3FAE]  }
0x2f: {  	lr =	sadd.s32 s0, s3;
	s0 =	sld [smem:$0x3FA5]  }
0x30: {  	s3 =	sld [smem:$0x3FA8]  }
0x31: {  	[smem:$0x3FB1] =	sst s10  }
0x32: {  	s10 =	sld [smem:$0x3FAF];
	_ =	sdelay $0x3  }
0x33: {  	p0 =	seq.s32 s10, $0x1;
	s10 =	sld [smem:$0x3FB1];
	_ =	sdelay $0x3  }
0x34: {  	[smem:$0x3FB1] =	sst s10  }
0x35: {  	s10 =	sld [smem:$0x3FB0];
	_ =	sdelay $0x3  }
0x36: {  	p1 =	seq.s32 s10, $0x1;
	s10 =	sld [smem:$0x3FB1];
	_ =	sdelay $0x3  }
0x37: {  	[smem:$0x3FB1] =	sst s10  }
0x38: {  	s10 =	sld [smem:$0x3FB2]  }
0x39: {  	_ = 	snop;
	(pc) =	sbr.ind lr, $3  }
0x3a: {  	_ = 	snop  }
0x3b: {  	_ = 	snop  }
0x3c: {  	p2 =	seq.s32 s10, $0x1;
	s10 =	sld [smem:$0x3FB1]  }
0x3d: {  	_ =	shalt  }
0x3e: {  	_ =	shalt  }
0x3f: {  	_ =	shalt  }
0x40: {  	_ =	shalt  }
0x41: {  	_ =	shalt  }
0x42: {  	_ =	shalt  }
0x43: {  	_ =	shalt  }
0x44: {  	_ =	shalt  }
0x45: {  	_ =	shalt  }
0x46: {  	_ =	shalt  }
0x47: {  	_ =	shalt  }
0x48: {  	_ =	shalt  }
0x49: {  	_ =	shalt  }
0x4a: {  	_ =	shalt  }
0x4b: {  	_ =	shalt  }
0x4c: {  	_ =	shalt  }
0x4d: {  	_ =	shalt  }
0x4e: {  	_ =	shalt  }
0x4f: {  	_ =	shalt  }
0x50: {  	_ =	shalt  }
0x51: {  	_ =	shalt  }
0x52: {  	_ =	shalt  }
0x53: {  	_ =	shalt  }
0x54: {  	_ =	shalt  }
0x55: {  	_ =	shalt  }
0x56: {  	_ =	shalt  }
0x57: {  	_ =	shalt  }
0x58: {  	_ =	shalt  }
0x59: {  	_ =	shalt  }
0x5a: {  	_ =	shalt  }
0x5b: {  	_ =	shalt  }
0x5c: {  	_ =	shalt  }
0x5d: {  	_ =	shalt  }
0x5e: {  	_ =	shalt  }
0x5f: {  	_ =	shalt  }
0x60: {  	_ =	shalt  }
0x61: {  	_ =	shalt  }
0x62: {  	_ =	shalt  }
0x63: {  	_ =	shalt  }
0x64: {  	_ =	shalt  }
0x65: {  	_ =	shalt  }
0x66: {  	_ =	shalt  }
0x67: {  	_ =	shalt  }
0x68: {  	_ =	shalt  }
0x69: {  	_ =	shalt  }
0x6a: {  	_ =	shalt  }
0x6b: {  	_ =	shalt  }
0x6c: {  	_ =	shalt  }
0x6d: {  	_ =	shalt  }
0x6e: {  	_ =	shalt  }
0x6f: {  	_ =	shalt  }
0x70: {  	_ =	shalt  }
0x71: {  	_ =	shalt  }
0x72: {  	_ =	shalt  }
0x73: {  	_ =	shalt  }
0x74: {  	_ =	shalt  }
0x75: {  	_ =	shalt  }
0x76: {  	_ =	shalt  }
0x77: {  	_ =	shalt  }
0x78: {  	_ =	shalt  }
0x79: {  	_ =	shalt  }
0x7a: {  	_ =	shalt  }
0x7b: {  	_ =	shalt  }
0x7c: {  	_ =	shalt  }
0x7d: {  	_ =	shalt  }
0x7e: {  	_ =	shalt  }
0x7f: {  	_ =	shalt  }
0x80: {  	_ =	shalt  }
0x81: {  	_ =	shalt  }
0x82: {  	_ =	shalt  }
0x83: {  	_ =	shalt  }
0x84: {  	_ =	shalt  }
0x85: {  	_ =	shalt  }
0x86: {  	_ =	shalt  }
0x87: {  	_ =	shalt  }
.Lfunc_end0:
.L_simem_size_0:
called_computation_lowered:
.L_overlay_start_0:
0x88: {  	s2 =	sld [smem:$0x3FD9]  }
0x89: {  	s3 =	sld [smem:$0x3FFE];
	_ =	sdelay $0x1  }
0x8a: {  	s1 =	srdreg.scid  }
0x8b: {  	s0 =	sand.u32 $0x1, s1  }
0x8c: {  	s14 =	sshll.u32 s0, $0xA;
	s2 =	sadd.s32 s3, s2  }
0x8d: {  	s2 =	sadd.s32 s2, s14  }
0x8e: {  	[smem:$0x3FBD] =	sst s2  }
0x8f: {  	_ = 	snop  }
0x90: {  	s2 =	sld [smem:$0x3FD0];
	_ =	sdelay $0x2  }
0x91: {  	s15 =	simm.s32 $0xA;
	s4 =	simm.s32 $0x10  }
0x92: {  	[smem:s4], [sflag:s15] =	dma.local [hbm:s2], $0x1  }
0x93: {  	_ =	swait.eq [sflag:s15], $0x1  }
0x94: {  	[sflag:s15] =	ssyncset.done $0x0  }
0x95: {  	s16 =	sld [smem:$0x10];
	[sflag:s15] =	ssyncadd.s32 $0xFFFFFFFF  }
0x96: {  	s17 =	sld [smem:$0x11];
	(tm) =	ssettm $0x1  }
0x97: {  	s18 =	sld [smem:$0x3FFB];
	_ =	sdelay $0x3  }
0x98: {  	_ =	strace s18  }
0x99: {  	s4 =	sld [smem:$0x3FFC];
	_ =	sdelay $0x3  }
0x9a: {  	_ =	strace s4  }
0x9b: {  	s4 =	sld [smem:$0x3FFD];
	_ =	sdelay $0x3  }
0x9c: {  	_ =	strace s4  }
0x9d: {  	_ =	strace $0x8FFFFFFF  }
0x9e: {  	s19 =	sld [smem:$0x3FDB];
	_ =	sdelay $0x1  }
0x9f: {  	s5 =	simm.s32 $_scs_section_size  }
0xa0: {  	s6 =	simm.s32 $_size__tile_overlayer_lowered;
	s7 =	simm.s32 $_tile_overlayer_lowered  }
0xa1: {  	s22 =	simm.s32 $0x1BFF;
	s21 =	sshll.u32 s7, $0x1;
	s4 =	sadd.s32 s5, s19  }
0xa2: {  	s8 =	simm.s32 $0x0;
	s20 =	sshll.u32 s6, $0x1;
	s6 =	sadd.s32 s21, s4  }
0xa3: {  	[timem:s8], [sflag:s22] =	dma.local [hbm:s6], s20  }
0xa4: {  	_ =	swait.ge [sflag:s22], s20  }
0xa5: {  	s5 =	ssub.s32 $0x0, s20;
	[sflag:s22] =	ssyncset.done $0x0  }
0xa6: {  	[sflag:s22] =	ssyncadd.s32 s5;
	_ =	sdelay $0x1  }
0xa7: {  	s23 =	simm.s32 $0x1B8B  }
0xa8: {  	_ =	swait.ge [sflag:s23], $0x1  }
0xa9: {  	[sflag:s23] =	ssyncset.done $0x0  }
0xaa: {  	s25 =	simm.s32 $0x1B8E;
	s24 =	sld [smem:$0x3FFE];
	[sflag:s23] =	ssyncadd.s32 $0xFFFFFFFF  }
0xab: {  	s26 =	simm.s32 $execute0_lowered;
	[smem:$0x3FD2] =	sst s25  }
0xac: {  	s6 =	sshll.u32 s26, $0x1;
	_ =	strace $0x80000046;
	[dreg:$0x1] =	wrdreg $0xFFFFFFFF  }
0xad: {  	s28 =	simm.s32 $_size_execute0_lowered;
	s4 =	sadd.s32 s4, s6;
	[dreg:$0x0] =	wrdreg $0x0  }
0xae: {  	s6 =	sshll.u32 s28, $0x1;
	[dreg:$0x2] =	wrdreg s4  }
0xaf: {  	[dreg:$0x3] =	wrdreg s6  }
0xb0: {  	[dreg:$0x4] =	wrdreg $0xC0  }
0xb1: {  	_ =	task [dreg:s8], $0x5FFFF  }
0xb2: {  	[dreg:$0x1] =	wrdreg $0xFFFFFFFF  }
0xb3: {  	[dreg:$0x0] =	wrdreg $0x60  }
0xb4: {  	[dreg:$0x2] =	wrdreg s24  }
0xb5: {  	[dreg:$0x3] =	wrdreg s17  }
0xb6: {  	[dreg:$0x4] =	wrdreg s16  }
0xb7: {  	[dreg:$0x5] =	wrdreg $0x9  }
0xb8: {  	_ =	task.clear_ibuf [dreg:s8], $0x6FFFF;
	_ =	strace $0x90000046  }
0xb9: {  	s29 =	simm.s32 $0x9;
	_ =	strace $0x80000048  }
0xba: {  	_ =	swait.ge [sflag:s29], $0x1  }
0xbb: {  	[sflag:s29] =	ssyncadd.s32 $0xFFFFFFFF  }
0xbc: {  	_ =	strace $0x90000048  }
0xbd: {  	_ =	sfence  }
0xbe: {  	s30 =	sld [smem:$0x0];
	_ =	sdelay $0x2  }
0xbf: {  	s31 =	sshll.u32 s1, $0xD;
	s1 =	sshrl.u32 s1, $0x2  }
0xc0: {  	s3 =	sand.u32 $0x4000, s31;
	s1 =	sadd.s32 s1, s30  }
0xc1: {  	s0 =	sor.u32 s3, s0;
	s1 =	sshll.u32 s1, $0x11  }
0xc2: {  	s0 =	sor.u32 s1, s0  }
0xc3: {  	s0 =	sadd.s32 $0x8F2B, s0  }
0xc4: {  	[sflag:s0] =	ssyncadd.remote.s32 $0x1  }
0xc5: {  	_ =	sfence.sel $0xFFFF  }
0xc6: {  	[dreg:$0x0] =	wrdreg $0xFFFFFFFF;
	(pc) =	sbr.abs _section_cstart, $3  }
0xc7: {  	[dreg:$0x1] =	wrdreg $0xFFFFFFFF  }
0xc8: {  	_ =	task.clear_ibuf [dreg:s8], $0x2FFFF;
	_ =	strace $0x9FFFFFFF  }
0xc9: {  	(tm) =	ssettm $0x7FFFFFFF  }
tec
execute0_lowered:
.L_overlay_start_1:
0x0: {  	(tag) =	ssettag $0x1  }
0x1: {  	s0 =	rddreg [dreg:$0x0]  }
0x2: {  	s5 =	rddreg [dreg:$0x1];
	s1 =	srdreg.scid  }
0x3: {  	s4 =	stileid.u32;
	s9 =	rddreg [dreg:$0x2]  }
0x4: {  	s2 =	simm.s32 $0x0;
	s28 =	simm.s32 $0x14100;
	s29 =	simm.s32 $0x15100  }
0x5: {  	s10 =	sand.u32 $0x1, s1;
	s7 =	sshll.u32 s4, $0x1;
	[smem:$0x7FF] =	sst s2  }
0x6: {  	s31 =	sadd.s32 $0x4000, s0;
	s6 =	sadd.s32 $0x5000, s0;
	s8 =	sadd.s32 $0x6000, s0  }
0x7: {  	s3 =	sor.u32 s10, s7;
	_ =	strace $0x80000047;
	s7 =	sshrl.u32 s4, $0x3  }
0x8: {  	v0 =	vimm.f32 $1.500000000e+01;
	vm0 =	vcmask $0x300;
	s4 =	sadd.s32 $0x8000, s0;
	[dreg:$0x4] =	wrdreg s6;
	s1 =	smul.u32 $0x2710, s3  }
0x9: {  	vm14 =	vcmask $0x704;
	v0 =	vsel vm0, $0x0, v0;
	[dreg:$0x5] =	wrdreg s8;
	s10 =	ssub.s32 $0x2, s10;
	s11 =	smul.u32 $0x19, s3  }
0xa: {  	vm15 =	vcmask $0xB08;
	s8 =	sadd.s32 $0x7000, s0;
	v0 =	vsel vm14, $0x3F800000, v0;
	s12 =	smul.u32 $0xFFFFFE70, s7;
	s15 =	sshrl.u32 s10, $0x1  }
0xb: {  	vm4 =	vcmask $0xF0C;
	s3 =	sadd.s32 $0x3000, s0;
	s13 =	smul.u32 $0x640, s7;
	v0 =	vsel vm15, $0x40000000, v0;
	s17 =	ssub.s32 s10, s15  }
0xc: {  	vm5 =	vcmask $0x1310;
	s7 =	simm.s32 $0x13900;
	v0 =	vsel vm4, $0x40400000, v0;
	s14 =	sshrl.u32 s1, $0x3;
	s30 =	smax.u32 s17, $0x1  }
0xd: {  	vm6 =	vcmask $0x1714;
	s12 =	sadd.s32 s12, s11;
	v0 =	vsel vm5, $0x40800000, v0;
	s16 =	sadd.s32 s5, s14;
	[dreg:$0xe] =	wrdreg s30  }
0xe: {  	vm7 =	vcmask $0x1B18;
	s18 =	sadd.s32 $0x2710, s1;
	v0 =	vsel vm6, $0x40A00000, v0;
	s19 =	sadd.s32 $0x9C40, s16;
	[dreg:$0x6] =	wrdreg s16  }
0xf: {  	vm8 =	vcmask $0x1F1C;
	s0 =	sadd.s32 s13, s12;
	s20 =	sadd.s32 $0x13880, s16;
	v0 =	vsel vm7, $0x40C00000, v0;
	[dreg:$0x7] =	wrdreg s19  }
0x10: {  	vm9 =	vcmask $0x2320;
	s0 =	smul.u32 $0x190, s0;
	s6 =	sadd.s32 $0x1D4C0, s16;
	[dreg:$0x8] =	wrdreg s20;
	v0 =	vsel vm8, $0x40E00000, v0  }
0x11: {  	vm10 =	vcmask $0x2724;
	s5 =	simm.s32 $0x0;
	[dreg:$0x9] =	wrdreg s6;
	s6 =	simm.s32 $0x14900;
	v0 =	vsel vm9, $0x41000000, v0  }
0x12: {  	vm11 =	vcmask $0x2B28;
	s21 =	sshrl.u32 s0, $0x3;
	s23 =	sadd.s32 $0x27100, s0;
	s24 =	sadd.s32 $0x4E200, s0;
	v0 =	vsel vm10, $0x41100000, v0  }
0x13: {  	vm12 =	vcmask $0x2F2C;
	s0 =	sadd.s32 $0x75300, s0;
	s22 =	sadd.s32 s9, s21;
	s11 =	sshrl.u32 s23, $0x3;
	v0 =	vsel vm11, $0x41200000, v0  }
0x14: {  	vm13 =	vcmask $0x3330;
	s12 =	sshrl.u32 s24, $0x3;
	[dreg:$0xa] =	wrdreg s22;
	s25 =	sadd.s32 s9, s11;
	v0 =	vsel vm12, $0x41300000, v0  }
0x15: {  	vm14 =	vcmask $0x3734;
	s0 =	sshrl.u32 s0, $0x3;
	s26 =	sadd.s32 s9, s12;
	[dreg:$0xb] =	wrdreg s25;
	v1 =	vsel vm13, $0x41400000, v0  }
0x16: {  	v2 =	vimm.f32 $0.0e+00;
	vm15 =	vcmask $0x3B38;
	s20 =	simm.s32 $0x1;
	s0 =	sadd.s32 s9, s0;
	[dreg:$0xc] =	wrdreg s26;
	v3 =	vsel vm14, $0x41500000, v1  }
0x17: {  	s23 =	simm.s32 $0x2;
	[dreg:$0xd] =	wrdreg s0;
	s0 =	simm.s32 $0x9C80;
	v0 =	vmov s1;
	v1 =	vmov s18;
	v3 =	vsel vm15, $0x41600000, v3  }
.LBB2_1:
0x18: {  	[dreg:$0xf] =	wrdreg s5;
	s5 =	simm.s32 $0x50  }
0x19: {  	s1 =	simm.s32 $0x9CD0;
	[tilespmem:s5+$0xFFFFFFB0] =	vst v2  }
0x1a: {  	[tilespmem:s1+$0xFFFFFFB0] =	vst v2  }
0x1b: {  	[tilespmem:s5+$0xFFFFFFC0] =	vst v2  }
0x1c: {  	[tilespmem:s1+$0xFFFFFFC0] =	vst v2  }
0x1d: {  	[tilespmem:s5+$0xFFFFFFD0] =	vst v2  }
0x1e: {  	[tilespmem:s1+$0xFFFFFFD0] =	vst v2  }
0x1f: {  	[tilespmem:s5+$0xFFFFFFE0] =	vst v2  }
0x20: {  	[tilespmem:s1+$0xFFFFFFE0] =	vst v2  }
0x21: {  	[tilespmem:s5+$0xFFFFFFF0] =	vst v2  }
0x22: {  	[tilespmem:s1+$0xFFFFFFF0] =	vst v2  }
0x23: {  	[tilespmem:s5+$0x0] =	vst v2  }
0x24: {  	[tilespmem:s1+$0x0] =	vst v2  }
0x25: {  	[tilespmem:s5+$0x10] =	vst v2  }
0x26: {  	[tilespmem:s1+$0x10] =	vst v2  }
0x27: {  	[tilespmem:s5+$0x20] =	vst v2  }
0x28: {  	s9 =	sand.u32 $0xFFE0, s2;
	[tilespmem:s1+$0x20] =	vst v2  }
0x29: {  	[tilespmem:s9+$0x80] =	vst v2  }
0x2a: {  	[tilespmem:s9+$0x9D00] =	vst v2  }
0x2b: {  	s9 =	simm.s32 $0xA0;
	[tilespmem:s5+$0x40] =	vst v2  }
.LBB2_2:
0x2c: {  	p0 =	sne.s32 s9, $0x9BA0;
	[tilespmem:s1+$0x40] =	vst v2;
	s5 =	sadd.s32 $0xA0, s5  }
0x2d: {  	s1 =	sadd.s32 $0xA0, s1;
	[tilespmem:s5+$0xFFFFFFB0] =	vst v2  }
0x2e: {  	[tilespmem:s1+$0xFFFFFFB0] =	vst v2  }
0x2f: {  	[tilespmem:s5+$0xFFFFFFC0] =	vst v2  }
0x30: {  	[tilespmem:s1+$0xFFFFFFC0] =	vst v2  }
0x31: {  	[tilespmem:s5+$0xFFFFFFD0] =	vst v2  }
0x32: {  	[tilespmem:s1+$0xFFFFFFD0] =	vst v2  }
0x33: {  	[tilespmem:s5+$0xFFFFFFE0] =	vst v2  }
0x34: {  	[tilespmem:s1+$0xFFFFFFE0] =	vst v2  }
0x35: {  	[tilespmem:s5+$0xFFFFFFF0] =	vst v2  }
0x36: {  	[tilespmem:s1+$0xFFFFFFF0] =	vst v2  }
0x37: {  	[tilespmem:s5+$0x0] =	vst v2  }
0x38: {  	[tilespmem:s1+$0x0] =	vst v2  }
0x39: {  	[tilespmem:s5+$0x10] =	vst v2  }
0x3a: {  	[tilespmem:s1+$0x10] =	vst v2  }
.Ltmp0:
0x3b: {  	[tilespmem:s5+$0x20] =	vst v2;
	(pc) =	sbr.rel @p0 .LBB2_2-.Ltmp0, $4  }
0x3c: {  	s10 =	sand.u32 $0xFFE0, s9;
	[tilespmem:s1+$0x20] =	vst v2  }
0x3d: {  	[tilespmem:s10+$0x80] =	vst v2  }
0x3e: {  	[tilespmem:s10+$0x9D00] =	vst v2  }
0x3f: {  	s9 =	sadd.s32 $0xA0, s9;
	[tilespmem:s5+$0x40] =	vst v2  }
0x40: {  	[tilespmem:s1+$0x40] =	vst v2;
	s1 =	simm.s32 $0x0  }
0x41: {  	[tilespmem:s7], [sflag:$0x1] =	stream.linear.gather [hbm4b:s3+s1], $0x7D0, $0x38;
	[tilespmem:$0x19900] =	vst v63  }
0x42: {  	s9 =	simm.s32 $0x0;
	s10 =	simm.s32 $0x0  }
0x43: {  	[tilespmem:s6], [sflag:$0x1] =	stream.linear.gather [hbm4b:s4+s1], $0x7D0, $0x38;
	[tilespmem:$0x19900] =	vst v63  }
.LBB2_4:
0x44: {  	_ =	swait.ge [sflag:s20], $0x7D0  }
0x45: {  	s5 =	smul.u32 $0xFA0, s10;
	[sflag:s20] =	ssyncset.done $0x0  }
0x46: {  	[sflag:s20] =	ssyncadd.s32 $0xFFFFF830  }
0x47: {  	s5 =	sshrl.u32 s5, $0x3;
	_ =	swait.ge [sflag:s20], $0x7D0  }
0x48: {  	s11 =	sadd.s32 $0xFA, s5;
	[sflag:s20] =	ssyncset.done $0x0  }
0x49: {  	s12 =	sadd.s32 s3, s11;
	[sflag:s20] =	ssyncadd.s32 $0xFFFFF830  }
0x4a: {  	[tilespmem:s28], [sflag:$0x2] =	stream.linear.gather [hbm4b:s12+s1], $0x7D0, $0x38;
	[tilespmem:$0x19900] =	vst v63  }
0x4b: {  	s11 =	sadd.s32 s4, s11  }
0x4c: {  	[tilespmem:s29], [sflag:$0x2] =	stream.linear.gather [hbm4b:s11+s1], $0x7D0, $0x38;
	[tilespmem:$0x19900] =	vst v63  }
0x4d: {  	s13 =	simm.s32 $0x0;
	s12 =	simm.s32 $0x14920;
	s11 =	simm.s32 $0x13920  }
.LBB2_5:
0x4e: {  	v4 =	vld [tilespmem:s11+$0xFFFFFFE0]  }
0x4f: {  	v5 =	vld [tilespmem:s12+$0xFFFFFFE0];
	_ =	sdelay $0x3  }
0x50: {  	v4 =	vsub.s32 v4, v0  }
0x51: {  	vm0 =	vge.s32 v5, v0;
	vm1 =	vlt.s32 v5, v1;
	vm2 =	vgt.s32 v4, $0x0  }
0x52: {  	s14 =	sadd.s32 s13, s9;
	vm0 =	vmand vm0, vm1;
	v4 =	vnsel vm2, $0x0, v4  }
0x53: {  	s15 =	sadd.s32 $0x1, s14;
	v4 =	vmin.u32 v4, $0x9C3F  }
0x54: {  	s15 =	scvt.s32.f32 s15;
	_ =	sdelay $0x1  }
0x55: {  	v5 =	vadd.f32 s15, v3;
	_ =	sdelay $0x1  }
0x56: {  	[tilespmem:v4+s2+$0x0] =	vst.idx.msk vm0, v5  }
0x57: {  	v4 =	vld [tilespmem:s11+$0xFFFFFFF0]  }
0x58: {  	v5 =	vld [tilespmem:s12+$0xFFFFFFF0];
	_ =	sdelay $0x3  }
0x59: {  	v4 =	vsub.s32 v4, v0  }
0x5a: {  	vm4 =	vge.s32 v5, v0;
	vm5 =	vlt.s32 v5, v1;
	vm6 =	vgt.s32 v4, $0x0  }
0x5b: {  	vm0 =	vmand vm4, vm5;
	v4 =	vnsel vm6, $0x0, v4  }
0x5c: {  	s25 =	sadd.s32 $0x11, s14;
	v4 =	vmin.u32 v4, $0x9C3F  }
0x5d: {  	s15 =	scvt.s32.f32 s25;
	_ =	sdelay $0x1  }
0x5e: {  	v5 =	vadd.f32 s15, v3;
	_ =	sdelay $0x1  }
0x5f: {  	[tilespmem:v4+s2+$0x0] =	vst.idx.msk vm0, v5  }
0x60: {  	v4 =	vld [tilespmem:s11+$0x0]  }
0x61: {  	v5 =	vld [tilespmem:s12+$0x0];
	_ =	sdelay $0x3  }
0x62: {  	v4 =	vsub.s32 v4, v0  }
0x63: {  	vm7 =	vge.s32 v5, v0;
	vm8 =	vlt.s32 v5, v1;
	vm9 =	vgt.s32 v4, $0x0  }
0x64: {  	vm0 =	vmand vm7, vm8;
	v4 =	vnsel vm9, $0x0, v4  }
0x65: {  	s26 =	sadd.s32 $0x21, s14;
	v4 =	vmin.u32 v4, $0x9C3F  }
0x66: {  	s15 =	scvt.s32.f32 s26;
	_ =	sdelay $0x1  }
0x67: {  	v5 =	vadd.f32 s15, v3;
	_ =	sdelay $0x1  }
0x68: {  	[tilespmem:v4+s2+$0x0] =	vst.idx.msk vm0, v5  }
0x69: {  	v4 =	vld [tilespmem:s11+$0x10]  }
0x6a: {  	v5 =	vld [tilespmem:s12+$0x10];
	_ =	sdelay $0x3  }
0x6b: {  	v4 =	vsub.s32 v4, v0  }
0x6c: {  	vm10 =	vge.s32 v5, v0;
	vm11 =	vlt.s32 v5, v1;
	vm12 =	vgt.s32 v4, $0x0  }
0x6d: {  	vm0 =	vmand vm10, vm11;
	v4 =	vnsel vm12, $0x0, v4  }
0x6e: {  	s30 =	sadd.s32 $0x31, s14;
	v4 =	vmin.u32 v4, $0x9C3F  }
0x6f: {  	s15 =	scvt.s32.f32 s30;
	_ =	sdelay $0x1  }
0x70: {  	v5 =	vadd.f32 s15, v3;
	_ =	sdelay $0x1  }
0x71: {  	[tilespmem:v4+s2+$0x0] =	vst.idx.msk vm0, v5  }
0x72: {  	v4 =	vld [tilespmem:s11+$0x20]  }
0x73: {  	v5 =	vld [tilespmem:s12+$0x20];
	_ =	sdelay $0x3  }
0x74: {  	v4 =	vsub.s32 v4, v0  }
0x75: {  	vm13 =	vge.s32 v5, v0;
	vm14 =	vlt.s32 v5, v1;
	vm15 =	vgt.s32 v4, $0x0  }
0x76: {  	vm0 =	vmand vm13, vm14;
	v4 =	vnsel vm15, $0x0, v4  }
0x77: {  	p0 =	sne.s32 s13, $0x780;
	s14 =	sadd.s32 $0x41, s14;
	v4 =	vmin.u32 v4, $0x9C3F  }
.Ltmp1:
0x78: {  	s14 =	scvt.s32.f32 s14;
	(pc) =	sbr.rel @p0 .LBB2_5-.Ltmp1, $3  }
0x79: {  	_ = 	snop  }
0x7a: {  	v5 =	vadd.f32 s14, v3;
	_ =	sdelay $0x1  }
0x7b: {  	s13 =	sadd.s32 $0x50, s13;
	s11 =	sadd.s32 $0x50, s11;
	s12 =	sadd.s32 $0x50, s12;
	[tilespmem:v4+s2+$0x0] =	vst.idx.msk vm0, v5  }
0x7c: {  	_ =	swait.ge [sflag:s23], $0x7D0  }
0x7d: {  	[sflag:s23] =	ssyncset.done $0x0  }
0x7e: {  	[sflag:s23] =	ssyncadd.s32 $0xFFFFF830  }
0x7f: {  	_ =	swait.ge [sflag:s23], $0x7D0  }
0x80: {  	s11 =	sadd.s32 $0x1F4, s5;
	[sflag:s23] =	ssyncset.done $0x0  }
0x81: {  	s5 =	simm.s32 $0x0;
	s12 =	sadd.s32 s3, s11;
	[sflag:s23] =	ssyncadd.s32 $0xFFFFF830  }
0x82: {  	[tilespmem:s7], [sflag:$0x1] =	stream.linear.gather [hbm4b:s12+s5], $0x7D0, $0x38;
	[tilespmem:$0x19900] =	vst v63  }
0x83: {  	s11 =	sadd.s32 s4, s11  }
0x84: {  	[tilespmem:s6], [sflag:$0x1] =	stream.linear.gather [hbm4b:s11+s5], $0x7D0, $0x38;
	[tilespmem:$0x19900] =	vst v63  }
0x85: {  	s12 =	simm.s32 $0x15120;
	s11 =	simm.s32 $0x14120  }
.LBB2_7:
0x86: {  	v4 =	vld [tilespmem:s11+$0xFFFFFFE0]  }
0x87: {  	v5 =	vld [tilespmem:s12+$0xFFFFFFE0];
	_ =	sdelay $0x3  }
0x88: {  	v4 =	vsub.s32 v4, v0  }
0x89: {  	vm0 =	vge.s32 v5, v0;
	vm1 =	vlt.s32 v5, v1;
	vm2 =	vgt.s32 v4, $0x0  }
0x8a: {  	s13 =	sadd.s32 s5, s9;
	vm0 =	vmand vm0, vm1;
	v4 =	vnsel vm2, $0x0, v4  }
0x8b: {  	s14 =	sadd.s32 $0x7D1, s13;
	v4 =	vmin.u32 v4, $0x9C3F  }
0x8c: {  	s14 =	scvt.s32.f32 s14;
	_ =	sdelay $0x1  }
0x8d: {  	v5 =	vadd.f32 s14, v3;
	_ =	sdelay $0x1  }
0x8e: {  	[tilespmem:v4+s2+$0x0] =	vst.idx.msk vm0, v5  }
0x8f: {  	v4 =	vld [tilespmem:s11+$0xFFFFFFF0]  }
0x90: {  	v5 =	vld [tilespmem:s12+$0xFFFFFFF0];
	_ =	sdelay $0x3  }
0x91: {  	v4 =	vsub.s32 v4, v0  }
0x92: {  	vm4 =	vge.s32 v5, v0;
	vm5 =	vlt.s32 v5, v1;
	vm6 =	vgt.s32 v4, $0x0  }
0x93: {  	vm0 =	vmand vm4, vm5;
	v4 =	vnsel vm6, $0x0, v4  }
0x94: {  	s25 =	sadd.s32 $0x7E1, s13;
	v4 =	vmin.u32 v4, $0x9C3F  }
0x95: {  	s14 =	scvt.s32.f32 s25;
	_ =	sdelay $0x1  }
0x96: {  	v5 =	vadd.f32 s14, v3;
	_ =	sdelay $0x1  }
0x97: {  	[tilespmem:v4+s2+$0x0] =	vst.idx.msk vm0, v5  }
0x98: {  	v4 =	vld [tilespmem:s11+$0x0]  }
0x99: {  	v5 =	vld [tilespmem:s12+$0x0];
	_ =	sdelay $0x3  }
0x9a: {  	v4 =	vsub.s32 v4, v0  }
0x9b: {  	vm7 =	vge.s32 v5, v0;
	vm8 =	vlt.s32 v5, v1;
	vm9 =	vgt.s32 v4, $0x0  }
0x9c: {  	vm0 =	vmand vm7, vm8;
	v4 =	vnsel vm9, $0x0, v4  }
0x9d: {  	s26 =	sadd.s32 $0x7F1, s13;
	v4 =	vmin.u32 v4, $0x9C3F  }
0x9e: {  	s14 =	scvt.s32.f32 s26;
	_ =	sdelay $0x1  }
0x9f: {  	v5 =	vadd.f32 s14, v3;
	_ =	sdelay $0x1  }
0xa0: {  	[tilespmem:v4+s2+$0x0] =	vst.idx.msk vm0, v5  }
0xa1: {  	v4 =	vld [tilespmem:s11+$0x10]  }
0xa2: {  	v5 =	vld [tilespmem:s12+$0x10];
	_ =	sdelay $0x3  }
0xa3: {  	v4 =	vsub.s32 v4, v0  }
0xa4: {  	vm10 =	vge.s32 v5, v0;
	vm11 =	vlt.s32 v5, v1;
	vm12 =	vgt.s32 v4, $0x0  }
0xa5: {  	vm0 =	vmand vm10, vm11;
	v4 =	vnsel vm12, $0x0, v4  }
0xa6: {  	s30 =	sadd.s32 $0x801, s13;
	v4 =	vmin.u32 v4, $0x9C3F  }
0xa7: {  	s14 =	scvt.s32.f32 s30;
	_ =	sdelay $0x1  }
0xa8: {  	v5 =	vadd.f32 s14, v3;
	_ =	sdelay $0x1  }
0xa9: {  	[tilespmem:v4+s2+$0x0] =	vst.idx.msk vm0, v5  }
0xaa: {  	v4 =	vld [tilespmem:s11+$0x20]  }
0xab: {  	v5 =	vld [tilespmem:s12+$0x20];
	_ =	sdelay $0x3  }
0xac: {  	v4 =	vsub.s32 v4, v0  }
0xad: {  	vm13 =	vge.s32 v5, v0;
	vm14 =	vlt.s32 v5, v1;
	vm15 =	vgt.s32 v4, $0x0  }
0xae: {  	vm0 =	vmand vm13, vm14;
	v4 =	vnsel vm15, $0x0, v4  }
0xaf: {  	p0 =	sne.s32 s5, $0x780;
	s13 =	sadd.s32 $0x811, s13;
	v4 =	vmin.u32 v4, $0x9C3F  }
.Ltmp2:
0xb0: {  	s13 =	scvt.s32.f32 s13;
	(pc) =	sbr.rel @p0 .LBB2_7-.Ltmp2, $3  }
0xb1: {  	_ = 	snop  }
0xb2: {  	v5 =	vadd.f32 s13, v3;
	_ =	sdelay $0x1  }
0xb3: {  	s5 =	sadd.s32 $0x50, s5;
	s11 =	sadd.s32 $0x50, s11;
	s12 =	sadd.s32 $0x50, s12;
	[tilespmem:v4+s2+$0x0] =	vst.idx.msk vm0, v5  }
0xb4: {  	s10 =	sadd.s32 $0x1, s10  }
0xb5: {  	p0 =	sne.s32 s10, $0x7  }
.Ltmp3:
0xb6: {  	_ = 	snop;
	(pc) =	sbr.rel @p0 .LBB2_4-.Ltmp3, $2  }
0xb7: {  	_ =	sdelay $0x2  }
0xb8: {  	s9 =	sadd.s32 $0xFA0, s9  }
0xb9: {  	_ =	swait.ge [sflag:s20], $0x7D0  }
0xba: {  	[sflag:s20] =	ssyncset.done $0x0  }
0xbb: {  	[sflag:s20] =	ssyncadd.s32 $0xFFFFF830  }
0xbc: {  	_ =	swait.ge [sflag:s20], $0x7D0  }
0xbd: {  	s1 =	simm.s32 $0x6DA1;
	[sflag:s20] =	ssyncset.done $0x0  }
0xbe: {  	s5 =	simm.s32 $0x13920;
	s9 =	simm.s32 $0x14920;
	[sflag:s20] =	ssyncadd.s32 $0xFFFFF830  }
.LBB2_10:
0xbf: {  	v4 =	vld [tilespmem:s5+$0xFFFFFFE0]  }
0xc0: {  	v5 =	vld [tilespmem:s9+$0xFFFFFFE0];
	_ =	sdelay $0x3  }
0xc1: {  	v4 =	vsub.s32 v4, v0  }
0xc2: {  	vm0 =	vge.s32 v5, v0;
	vm1 =	vlt.s32 v5, v1;
	vm2 =	vgt.s32 v4, $0x0  }
0xc3: {  	vm0 =	vmand vm0, vm1;
	v4 =	vnsel vm2, $0x0, v4  }
0xc4: {  	s10 =	sadd.s32 $0xFFFFFFC0, s1;
	v4 =	vmin.u32 v4, $0x9C3F  }
0xc5: {  	s10 =	scvt.s32.f32 s10;
	_ =	sdelay $0x1  }
0xc6: {  	v5 =	vadd.f32 s10, v3;
	_ =	sdelay $0x1  }
0xc7: {  	[tilespmem:v4+s2+$0x0] =	vst.idx.msk vm0, v5  }
0xc8: {  	v4 =	vld [tilespmem:s5+$0xFFFFFFF0]  }
0xc9: {  	v5 =	vld [tilespmem:s9+$0xFFFFFFF0];
	_ =	sdelay $0x3  }
0xca: {  	v4 =	vsub.s32 v4, v0  }
0xcb: {  	vm4 =	vge.s32 v5, v0;
	vm5 =	vlt.s32 v5, v1;
	vm6 =	vgt.s32 v4, $0x0  }
0xcc: {  	vm0 =	vmand vm4, vm5;
	v4 =	vnsel vm6, $0x0, v4  }
0xcd: {  	s24 =	sadd.s32 $0xFFFFFFD0, s1;
	v4 =	vmin.u32 v4, $0x9C3F  }
0xce: {  	s10 =	scvt.s32.f32 s24;
	_ =	sdelay $0x1  }
0xcf: {  	v5 =	vadd.f32 s10, v3;
	_ =	sdelay $0x1  }
0xd0: {  	[tilespmem:v4+s2+$0x0] =	vst.idx.msk vm0, v5  }
0xd1: {  	v4 =	vld [tilespmem:s5+$0x0]  }
0xd2: {  	v5 =	vld [tilespmem:s9+$0x0];
	_ =	sdelay $0x3  }
0xd3: {  	v4 =	vsub.s32 v4, v0  }
0xd4: {  	vm7 =	vge.s32 v5, v0;
	vm8 =	vlt.s32 v5, v1;
	vm9 =	vgt.s32 v4, $0x0  }
0xd5: {  	vm0 =	vmand vm7, vm8;
	v4 =	vnsel vm9, $0x0, v4  }
0xd6: {  	s25 =	sadd.s32 $0xFFFFFFE0, s1;
	v4 =	vmin.u32 v4, $0x9C3F  }
0xd7: {  	s10 =	scvt.s32.f32 s25;
	_ =	sdelay $0x1  }
0xd8: {  	v5 =	vadd.f32 s10, v3;
	_ =	sdelay $0x1  }
0xd9: {  	[tilespmem:v4+s2+$0x0] =	vst.idx.msk vm0, v5  }
0xda: {  	v4 =	vld [tilespmem:s5+$0x10]  }
0xdb: {  	v5 =	vld [tilespmem:s9+$0x10];
	_ =	sdelay $0x3  }
0xdc: {  	v4 =	vsub.s32 v4, v0  }
0xdd: {  	vm10 =	vge.s32 v5, v0;
	vm11 =	vlt.s32 v5, v1;
	vm12 =	vgt.s32 v4, $0x0  }
0xde: {  	vm0 =	vmand vm10, vm11;
	v4 =	vnsel vm12, $0x0, v4  }
0xdf: {  	s26 =	sadd.s32 $0xFFFFFFF0, s1;
	v4 =	vmin.u32 v4, $0x9C3F  }
0xe0: {  	s10 =	scvt.s32.f32 s26;
	_ =	sdelay $0x1  }
0xe1: {  	v5 =	vadd.f32 s10, v3;
	_ =	sdelay $0x1  }
0xe2: {  	[tilespmem:v4+s2+$0x0] =	vst.idx.msk vm0, v5  }
0xe3: {  	v4 =	vld [tilespmem:s5+$0x20]  }
0xe4: {  	v5 =	vld [tilespmem:s9+$0x20];
	_ =	sdelay $0x3  }
0xe5: {  	v4 =	vsub.s32 v4, v0  }
0xe6: {  	vm13 =	vge.s32 v5, v0;
	vm14 =	vlt.s32 v5, v1;
	vm15 =	vgt.s32 v4, $0x0  }
0xe7: {  	vm0 =	vmand vm13, vm14;
	v4 =	vnsel vm15, $0x0, v4  }
0xe8: {  	p0 =	sne.s32 s1, $0x7521;
	v4 =	vmin.u32 v4, $0x9C3F  }
.Ltmp4:
0xe9: {  	s30 =	scvt.s32.f32 s1;
	(pc) =	sbr.rel @p0 .LBB2_10-.Ltmp4, $3  }
0xea: {  	_ = 	snop  }
0xeb: {  	v5 =	vadd.f32 s30, v3;
	_ =	sdelay $0x1  }
0xec: {  	s1 =	sadd.s32 $0x50, s1;
	s5 =	sadd.s32 $0x50, s5;
	s9 =	sadd.s32 $0x50, s9;
	[tilespmem:v4+s2+$0x0] =	vst.idx.msk vm0, v5  }
0xed: {  	s11 =	simm.s32 $0x0  }
0xee: {  	[tilespmem:s7], [sflag:$0x1] =	stream.linear.gather [hbm4b:s3+s11], $0x7D0, $0x38;
	[tilespmem:$0x19900] =	vst v63  }
0xef: {  	_ = 	snop  }
0xf0: {  	[tilespmem:s6], [sflag:$0x1] =	stream.linear.gather [hbm4b:s4+s11], $0x7D0, $0x38;
	[tilespmem:$0x19900] =	vst v63  }
0xf1: {  	s1 =	simm.s32 $0x15900  }
0xf2: {  	[tilespmem:s1], [sflag:$0x1] =	stream.linear.gather [hbm4b:s31+s11], $0x7D0, $0x38;
	[tilespmem:$0x19900] =	vst v63  }
0xf3: {  	s24 =	rddreg [dreg:$0x4];
	s5 =	simm.s32 $0x16900  }
0xf4: {  	[tilespmem:s5], [sflag:$0x1] =	stream.linear.gather [hbm4b:s24+s11], $0x7D0, $0x38;
	[tilespmem:$0x19900] =	vst v63  }
0xf5: {  	s25 =	rddreg [dreg:$0x5];
	s26 =	simm.s32 $0x17900;
	s30 =	simm.s32 $0x18900  }
0xf6: {  	[tilespmem:s26], [sflag:$0x1] =	stream.linear.gather [hbm4b:s25+s11], $0x7D0, $0x38;
	[tilespmem:$0x19900] =	vst v63  }
0xf7: {  	s12 =	simm.s32 $0x41;
	s13 =	simm.s32 $0x7D1;
	s14 =	simm.s32 $0x0  }
0xf8: {  	[tilespmem:s30], [sflag:$0x1] =	stream.linear.gather [hbm4b:s8+s11], $0x7D0, $0x38;
	[tilespmem:$0x19900] =	vst v63  }
.LBB2_12:
0xf9: {  	_ =	swait.ge [sflag:s20], $0x7D0  }
0xfa: {  	[sflag:s20] =	ssyncset.done $0x0  }
0xfb: {  	[sflag:s20] =	ssyncadd.s32 $0xFFFFF830  }
0xfc: {  	_ =	swait.ge [sflag:s20], $0x7D0  }
0xfd: {  	[sflag:s20] =	ssyncset.done $0x0  }
0xfe: {  	[sflag:s20] =	ssyncadd.s32 $0xFFFFF830  }
0xff: {  	_ =	swait.ge [sflag:s20], $0x7D0  }
0x100: {  	[sflag:s20] =	ssyncset.done $0x0  }
0x101: {  	[sflag:s20] =	ssyncadd.s32 $0xFFFFF830  }
0x102: {  	_ =	swait.ge [sflag:s20], $0x7D0  }
0x103: {  	[sflag:s20] =	ssyncset.done $0x0  }
0x104: {  	[sflag:s20] =	ssyncadd.s32 $0xFFFFF830  }
0x105: {  	_ =	swait.ge [sflag:s20], $0x7D0  }
0x106: {  	s1 =	smul.u32 $0xFA0, s14;
	[sflag:s20] =	ssyncset.done $0x0  }
0x107: {  	[sflag:s20] =	ssyncadd.s32 $0xFFFFF830  }
0x108: {  	s15 =	sshrl.u32 s1, $0x3;
	_ =	swait.ge [sflag:s20], $0x7D0  }
0x109: {  	s1 =	sadd.s32 $0xFA, s15;
	[sflag:s20] =	ssyncset.done $0x0  }
0x10a: {  	s5 =	sadd.s32 s3, s1;
	[sflag:s20] =	ssyncadd.s32 $0xFFFFF830  }
0x10b: {  	[tilespmem:s28], [sflag:$0x2] =	stream.linear.gather [hbm4b:s5+s11], $0x7D0, $0x38;
	[tilespmem:$0x19900] =	vst v63  }
0x10c: {  	s6 =	sadd.s32 s4, s1  }
0x10d: {  	[tilespmem:s29], [sflag:$0x2] =	stream.linear.gather [hbm4b:s6+s11], $0x7D0, $0x38;
	[tilespmem:$0x19900] =	vst v63  }
0x10e: {  	s9 =	sadd.s32 s31, s1;
	s10 =	rddreg [dreg:$0x4];
	s6 =	simm.s32 $0x16100  }
0x10f: {  	[tilespmem:s6], [sflag:$0x2] =	stream.linear.gather [hbm4b:s9+s11], $0x7D0, $0x38;
	[tilespmem:$0x19900] =	vst v63  }
0x110: {  	s16 =	simm.s32 $0x17100;
	s17 =	rddreg [dreg:$0x5];
	s5 =	sadd.s32 s10, s1  }
0x111: {  	[tilespmem:s16], [sflag:$0x2] =	stream.linear.gather [hbm4b:s5+s11], $0x7D0, $0x38;
	[tilespmem:$0x19900] =	vst v63  }
0x112: {  	s18 =	simm.s32 $0x18100;
	s5 =	sadd.s32 s17, s1  }
0x113: {  	[tilespmem:s18], [sflag:$0x2] =	stream.linear.gather [hbm4b:s5+s11], $0x7D0, $0x38;
	[tilespmem:$0x19900] =	vst v63  }
0x114: {  	s19 =	simm.s32 $0x19100;
	s1 =	sadd.s32 s8, s1;
	s16 =	simm.s32 $0x0  }
0x115: {  	[tilespmem:s19], [sflag:$0x2] =	stream.linear.gather [hbm4b:s1+s11], $0x7D0, $0x38;
	[tilespmem:$0x19900] =	vst v63  }
0x116: {  	v4 =	vld [tilespmem:s16+$0x13900]  }
0x117: {  	v5 =	vld [tilespmem:s16+$0x14900];
	_ =	sdelay $0x3  }
0x118: {  	v4 =	vsub.s32 v4, v0  }
0x119: {  	vm0 =	vge.s32 v5, v0;
	vm1 =	vlt.s32 v5, v1;
	vm2 =	vgt.s32 v4, $0x0  }
0x11a: {  	vm0 =	vmand vm0, vm1;
	v4 =	vnsel vm2, $0x0, v4  }
0x11b: {  	v4 =	vmin.u32 v4, $0x9C3F;
	_ =	sdelay $0x4  }
0x11c: {  	s21 =	sadd.s32 $0xFFFFFFC0, s12;
	v4 =	vld.idx.msk [tilespmem:v4+s2+$0x0], vm0  }
0x11d: {  	s1 =	scvt.s32.f32 s21;
	_ =	sdelay $0x1  }
0x11e: {  	v6 =	vadd.f32 s1, v3  }
0x11f: {  	v5 =	vsub.s32 v5, v0  }
0x120: {  	vm1 =	vgt.s32 v5, $0x0;
	vm2 =	veq.f32 v4, v6  }
0x121: {  	v4 =	vnsel vm1, $0x0, v5;
	vm0 =	vmand vm0, vm2  }
0x122: {  	v5 =	vld [tilespmem:s16+$0x15900];
	v4 =	vmin.u32 v4, $0x270F;
	_ =	sdelay $0x4  }
0x123: {  	[tilespmem:v4+s0+$0x0] =	vst.idx.add.f32.msk vm0, v5  }
0x124: {  	v5 =	vadd.s32 $0x2710, v4;
	v6 =	vld [tilespmem:s16+$0x16900];
	_ =	sdelay $0x4  }
0x125: {  	[tilespmem:v5+s0+$0x0] =	vst.idx.add.f32.msk vm0, v6  }
0x126: {  	v5 =	vadd.s32 $0x4E20, v4;
	v6 =	vld [tilespmem:s16+$0x17900];
	_ =	sdelay $0x4  }
0x127: {  	[tilespmem:v5+s0+$0x0] =	vst.idx.add.f32.msk vm0, v6  }
0x128: {  	v4 =	vadd.s32 $0x7530, v4;
	v5 =	vld [tilespmem:s16+$0x18900];
	_ =	sdelay $0x4  }
0x129: {  	[tilespmem:v4+s0+$0x0] =	vst.idx.add.f32.msk vm0, v5  }
0x12a: {  	v4 =	vld [tilespmem:s16+$0x13910]  }
0x12b: {  	v5 =	vld [tilespmem:s16+$0x14910];
	_ =	sdelay $0x3  }
0x12c: {  	v4 =	vsub.s32 v4, v0  }
0x12d: {  	vm1 =	vge.s32 v5, v0;
	vm2 =	vlt.s32 v5, v1;
	vm0 =	vgt.s32 v4, $0x0  }
0x12e: {  	v4 =	vnsel vm0, $0x0, v4;
	vm0 =	vmand vm1, vm2  }
0x12f: {  	v4 =	vmin.u32 v4, $0x9C3F  }
0x130: {  	s17 =	simm.s32 $0x50  }
0x131: {  	v6 =	vld [tilespmem:s17+$0x13900]  }
0x132: {  	v7 =	vld [tilespmem:s17+$0x14900]  }
0x133: {  	s22 =	sadd.s32 $0xFFFFFFD0, s12  }
0x134: {  	s1 =	scvt.s32.f32 s22;
	v4 =	vld.idx.msk [tilespmem:v4+s2+$0x0], vm0;
	_ =	sdelay $0x1  }
0x135: {  	v8 =	vadd.f32 s1, v3;
	v6 =	vsub.s32 v6, v0  }
0x136: {  	vm3 =	vgt.s32 v6, $0x0;
	vm1 =	vge.s32 v7, v0;
	vm2 =	vlt.s32 v7, v1  }
0x137: {  	v6 =	vnsel vm3, $0x0, v6;
	v5 =	vsub.s32 v5, v0;
	vm1 =	vmand vm1, vm2  }
0x138: {  	v6 =	vmin.u32 v6, $0x9C3F;
	vm2 =	vgt.s32 v5, $0x0;
	vm3 =	veq.f32 v4, v8  }
0x139: {  	v4 =	vnsel vm2, $0x0, v5;
	vm0 =	vmand vm0, vm3  }
0x13a: {  	v5 =	vld [tilespmem:s16+$0x15910];
	v4 =	vmin.u32 v4, $0x270F;
	_ =	sdelay $0x1  }
0x13b: {  	s1 =	sadd.s32 $0x50, s12  }
0x13c: {  	s24 =	sadd.s32 $0xFFFFFFC0, s1;
	v6 =	vld.idx.msk [tilespmem:v6+s2+$0x0], vm1  }
0x13d: {  	s5 =	scvt.s32.f32 s24  }
0x13e: {  	[tilespmem:v4+s0+$0x0] =	vst.idx.add.f32.msk vm0, v5  }
0x13f: {  	v8 =	vadd.s32 $0x2710, v4;
	v5 =	vadd.f32 s5, v3;
	v9 =	vld [tilespmem:s16+$0x16910]  }
0x140: {  	v7 =	vsub.s32 v7, v0  }
0x141: {  	vm2 =	vgt.s32 v7, $0x0;
	vm3 =	veq.f32 v6, v5  }
0x142: {  	v5 =	vnsel vm2, $0x0, v7;
	vm1 =	vmand vm1, vm3  }
0x143: {  	v6 =	vld [tilespmem:s17+$0x15900];
	v5 =	vmin.u32 v5, $0x270F  }
0x144: {  	[tilespmem:v8+s0+$0x0] =	vst.idx.add.f32.msk vm0, v9  }
0x145: {  	v8 =	vadd.s32 $0x4E20, v4;
	v7 =	vld [tilespmem:s16+$0x17910];
	_ =	sdelay $0x2  }
0x146: {  	[tilespmem:v5+s0+$0x0] =	vst.idx.add.f32.msk vm1, v6  }
0x147: {  	v6 =	vadd.s32 $0x2710, v5;
	v9 =	vld [tilespmem:s17+$0x16900]  }
0x148: {  	[tilespmem:v8+s0+$0x0] =	vst.idx.add.f32.msk vm0, v7  }
0x149: {  	v4 =	vadd.s32 $0x7530, v4;
	v7 =	vld [tilespmem:s16+$0x18910];
	_ =	sdelay $0x2  }
0x14a: {  	[tilespmem:v6+s0+$0x0] =	vst.idx.add.f32.msk vm1, v9  }
0x14b: {  	v6 =	vadd.s32 $0x4E20, v5;
	v8 =	vld [tilespmem:s17+$0x17900]  }
0x14c: {  	[tilespmem:v4+s0+$0x0] =	vst.idx.add.f32.msk vm0, v7  }
0x14d: {  	v4 =	vld [tilespmem:s16+$0x13920]  }
0x14e: {  	v7 =	vld [tilespmem:s16+$0x14920];
	_ =	sdelay $0x1  }
0x14f: {  	[tilespmem:v6+s0+$0x0] =	vst.idx.add.f32.msk vm1, v8  }
0x150: {  	v5 =	vadd.s32 $0x7530, v5;
	v6 =	vld [tilespmem:s17+$0x18900]  }
0x151: {  	v4 =	vsub.s32 v4, v0  }
0x152: {  	vm0 =	vge.s32 v7, v0;
	vm2 =	vlt.s32 v7, v1;
	vm3 =	vgt.s32 v4, $0x0  }
0x153: {  	vm0 =	vmand vm0, vm2;
	v4 =	vnsel vm3, $0x0, v4  }
0x154: {  	v4 =	vmin.u32 v4, $0x9C3F  }
0x155: {  	[tilespmem:v5+s0+$0x0] =	vst.idx.add.f32.msk vm1, v6  }
0x156: {  	v5 =	vld [tilespmem:s17+$0x13910]  }
0x157: {  	v6 =	vld [tilespmem:s17+$0x14910]  }
0x158: {  	s25 =	sadd.s32 $0xFFFFFFE0, s12  }
0x159: {  	s5 =	scvt.s32.f32 s25;
	v4 =	vld.idx.msk [tilespmem:v4+s2+$0x0], vm0;
	_ =	sdelay $0x1  }
0x15a: {  	v8 =	vadd.f32 s5, v3;
	v5 =	vsub.s32 v5, v0  }
0x15b: {  	vm2 =	vge.s32 v6, v0;
	vm3 =	vlt.s32 v6, v1;
	vm1 =	vgt.s32 v5, $0x0  }
0x15c: {  	v7 =	vsub.s32 v7, v0;
	v5 =	vnsel vm1, $0x0, v5;
	vm1 =	vmand vm2, vm3  }
0x15d: {  	s9 =	simm.s32 $0xA0;
	vm2 =	vgt.s32 v7, $0x0;
	v5 =	vmin.u32 v5, $0x9C3F;
	vm3 =	veq.f32 v4, v8  }
0x15e: {  	v9 =	vld [tilespmem:s9+$0x14900];
	v7 =	vnsel vm2, $0x0, v7;
	vm0 =	vmand vm0, vm3  }
0x15f: {  	v4 =	vld [tilespmem:s16+$0x15920];
	v7 =	vmin.u32 v7, $0x270F  }
0x160: {  	v8 =	vld [tilespmem:s9+$0x13900]  }
0x161: {  	s26 =	sadd.s32 $0xFFFFFFD0, s1  }
0x162: {  	s5 =	scvt.s32.f32 s26;
	v5 =	vld.idx.msk [tilespmem:v5+s2+$0x0], vm1;
	_ =	sdelay $0x1  }
0x163: {  	v11 =	vadd.f32 s5, v3;
	vm2 =	vge.s32 v9, v0;
	[tilespmem:v7+s0+$0x0] =	vst.idx.add.f32.msk vm0, v4  }
0x164: {  	v10 =	vadd.s32 $0x2710, v7;
	vm3 =	vlt.s32 v9, v1;
	v8 =	vsub.s32 v8, v0;
	v4 =	vld [tilespmem:s16+$0x16920]  }
0x165: {  	v6 =	vsub.s32 v6, v0;
	vm2 =	vmand vm2, vm3;
	vm4 =	vgt.s32 v8, $0x0  }
0x166: {  	vm3 =	vgt.s32 v6, $0x0;
	v8 =	vnsel vm4, $0x0, v8;
	vm4 =	veq.f32 v5, v11  }
0x167: {  	v6 =	vnsel vm3, $0x0, v6;
	v5 =	vmin.u32 v8, $0x9C3F;
	vm1 =	vmand vm1, vm4  }
0x168: {  	v6 =	vmin.u32 v6, $0x270F;
	v8 =	vld [tilespmem:s17+$0x15910]  }
0x169: {  	[tilespmem:v10+s0+$0x0] =	vst.idx.add.f32.msk vm0, v4  }
0x16a: {  	v4 =	vadd.s32 $0x4E20, v7;
	v10 =	vld [tilespmem:s16+$0x17920]  }
0x16b: {  	s18 =	sadd.s32 $0x50, s1  }
0x16c: {  	s28 =	sadd.s32 $0xFFFFFFC0, s18;
	v5 =	vld.idx.msk [tilespmem:v5+s2+$0x0], vm2  }
0x16d: {  	s5 =	scvt.s32.f32 s28;
	[tilespmem:v6+s0+$0x0] =	vst.idx.add.f32.msk vm1, v8  }
0x16e: {  	v8 =	vadd.s32 $0x2710, v6;
	v11 =	vld [tilespmem:s17+$0x16910]  }
0x16f: {  	v12 =	vadd.f32 s5, v3;
	[tilespmem:v4+s0+$0x0] =	vst.idx.add.f32.msk vm0, v10  }
0x170: {  	v7 =	vadd.s32 $0x7530, v7;
	v4 =	vsub.s32 v9, v0;
	v9 =	vld [tilespmem:s16+$0x18920]  }
0x171: {  	vm4 =	veq.f32 v5, v12;
	vm3 =	vgt.s32 v4, $0x0  }
0x172: {  	v5 =	vld [tilespmem:s9+$0x15900];
	vm2 =	vmand vm2, vm4;
	v4 =	vnsel vm3, $0x0, v4  }
0x173: {  	v4 =	vmin.u32 v4, $0x270F;
	[tilespmem:v8+s0+$0x0] =	vst.idx.add.f32.msk vm1, v11  }
0x174: {  	v8 =	vld [tilespmem:s17+$0x17910]  }
0x175: {  	[tilespmem:v7+s0+$0x0] =	vst.idx.add.f32.msk vm0, v9;
	v7 =	vadd.s32 $0x4E20, v6  }
0x176: {  	v9 =	vld [tilespmem:s16+$0x13930]  }
0x177: {  	v10 =	vld [tilespmem:s16+$0x14930]  }
0x178: {  	[tilespmem:v4+s0+$0x0] =	vst.idx.add.f32.msk vm2, v5  }
0x179: {  	v5 =	vadd.s32 $0x2710, v4;
	v11 =	vld [tilespmem:s9+$0x16900]  }
0x17a: {  	[tilespmem:v7+s0+$0x0] =	vst.idx.add.f32.msk vm1, v8  }
0x17b: {  	v6 =	vadd.s32 $0x7530, v6;
	v7 =	vld [tilespmem:s17+$0x18910]  }
0x17c: {  	v8 =	vsub.s32 v9, v0  }
0x17d: {  	vm0 =	vge.s32 v10, v0;
	vm3 =	vlt.s32 v10, v1;
	vm4 =	vgt.s32 v8, $0x0  }
0x17e: {  	vm0 =	vmand vm0, vm3;
	v8 =	vnsel vm4, $0x0, v8;
	[tilespmem:v5+s0+$0x0] =	vst.idx.add.f32.msk vm2, v11  }
0x17f: {  	v5 =	vmin.u32 v8, $0x9C3F;
	v8 =	vld [tilespmem:s9+$0x17900]  }
0x180: {  	v9 =	vadd.s32 $0x4E20, v4;
	[tilespmem:v6+s0+$0x0] =	vst.idx.add.f32.msk vm1, v7  }
0x181: {  	v6 =	vld [tilespmem:s17+$0x13920]  }
0x182: {  	v7 =	vld [tilespmem:s17+$0x14920];
	_ =	sdelay $0x1  }
0x183: {  	v5 =	vld.idx.msk [tilespmem:v5+s2+$0x0], vm0  }
0x184: {  	s6 =	sadd.s32 $0xFFFFFFF0, s12;
	[tilespmem:v9+s0+$0x0] =	vst.idx.add.f32.msk vm2, v8  }
0x185: {  	s5 =	scvt.s32.f32 s6;
	v4 =	vadd.s32 $0x7530, v4;
	v8 =	vld [tilespmem:s9+$0x18900];
	v6 =	vsub.s32 v6, v0  }
0x186: {  	vm1 =	vge.s32 v7, v0;
	vm3 =	vlt.s32 v7, v1;
	vm4 =	vgt.s32 v6, $0x0  }
0x187: {  	v9 =	vadd.f32 s5, v3;
	vm1 =	vmand vm1, vm3;
	v6 =	vnsel vm4, $0x0, v6  }
0x188: {  	v10 =	vsub.s32 v10, v0;
	v6 =	vmin.u32 v6, $0x9C3F  }
0x189: {  	v11 =	vld [tilespmem:s16+$0x15930];
	vm3 =	vgt.s32 v10, $0x0;
	vm4 =	veq.f32 v5, v9  }
0x18a: {  	v5 =	vnsel vm3, $0x0, v10;
	[tilespmem:v4+s0+$0x0] =	vst.idx.add.f32.msk vm2, v8;
	vm0 =	vmand vm0, vm4  }
0x18b: {  	v5 =	vmin.u32 v5, $0x270F;
	v4 =	vld [tilespmem:s9+$0x13910]  }
0x18c: {  	s10 =	sadd.s32 $0xFFFFFFE0, s1;
	v8 =	vld [tilespmem:s9+$0x14910]  }
0x18d: {  	s5 =	scvt.s32.f32 s10;
	v6 =	vld.idx.msk [tilespmem:v6+s2+$0x0], vm1;
	_ =	sdelay $0x1  }
0x18e: {  	v7 =	vsub.s32 v7, v0;
	v9 =	vadd.f32 s5, v3  }
0x18f: {  	vm2 =	vgt.s32 v7, $0x0;
	v10 =	vadd.s32 $0x2710, v5;
	v4 =	vsub.s32 v4, v0;
	[tilespmem:v5+s0+$0x0] =	vst.idx.add.f32.msk vm0, v11  }
0x190: {  	vm4 =	vge.s32 v8, v0;
	vm5 =	vlt.s32 v8, v1;
	vm3 =	vgt.s32 v4, $0x0;
	v11 =	vld [tilespmem:s16+$0x16930]  }
0x191: {  	v12 =	vld [tilespmem:s17+$0x15920];
	s10 =	simm.s32 $0xF0;
	v4 =	vnsel vm3, $0x0, v4;
	vm3 =	vmand vm4, vm5;
	vm4 =	veq.f32 v6, v9  }
0x192: {  	v4 =	vmin.u32 v4, $0x9C3F;
	v6 =	vnsel vm2, $0x0, v7;
	v7 =	vld [tilespmem:s10+$0x13900];
	vm2 =	vmand vm1, vm4  }
0x193: {  	v9 =	vld [tilespmem:s10+$0x14900];
	v6 =	vmin.u32 v6, $0x270F;
	_ =	sdelay $0x1  }
0x194: {  	[tilespmem:v10+s0+$0x0] =	vst.idx.add.f32.msk vm0, v11  }
0x195: {  	v10 =	vadd.s32 $0x4E20, v5;
	v11 =	vld [tilespmem:s16+$0x17930]  }
0x196: {  	s19 =	sadd.s32 $0xFFFFFFD0, s18;
	v4 =	vld.idx.msk [tilespmem:v4+s2+$0x0], vm3;
	v7 =	vsub.s32 v7, v0  }
0x197: {  	s5 =	scvt.s32.f32 s19;
	vm1 =	vge.s32 v9, v0;
	vm4 =	vlt.s32 v9, v1;
	vm5 =	vgt.s32 v7, $0x0;
	[tilespmem:v6+s0+$0x0] =	vst.idx.add.f32.msk vm2, v12  }
0x198: {  	vm1 =	vmand vm1, vm4;
	v12 =	vadd.s32 $0x2710, v6;
	v7 =	vnsel vm5, $0x0, v7;
	v13 =	vld [tilespmem:s17+$0x16920]  }
0x199: {  	v14 =	vadd.f32 s5, v3;
	v7 =	vmin.u32 v7, $0x9C3F  }
0x19a: {  	v8 =	vsub.s32 v8, v0;
	[tilespmem:v10+s0+$0x0] =	vst.idx.add.f32.msk vm0, v11  }
0x19b: {  	vm4 =	vgt.s32 v8, $0x0;
	v10 =	vld [tilespmem:s16+$0x18930];
	vm5 =	veq.f32 v4, v14;
	v4 =	vadd.s32 $0x7530, v5  }
0x19c: {  	v8 =	vnsel vm4, $0x0, v8;
	v5 =	vld [tilespmem:s9+$0x15910];
	vm3 =	vmand vm3, vm5  }
0x19d: {  	v8 =	vmin.u32 v8, $0x270F;
	[tilespmem:v12+s0+$0x0] =	vst.idx.add.f32.msk vm2, v13  }
0x19e: {  	s24 =	sadd.s32 $0x50, s18;
	v7 =	vld.idx.msk [tilespmem:v7+s2+$0x0], vm1  }
0x19f: {  	s21 =	sadd.s32 $0xFFFFFFC0, s24;
	v11 =	vadd.s32 $0x4E20, v6;
	v12 =	vld [tilespmem:s17+$0x17920]  }
0x1a0: {  	s5 =	scvt.s32.f32 s21;
	[tilespmem:v4+s0+$0x0] =	vst.idx.add.f32.msk vm0, v10  }
0x1a1: {  	v4 =	vld [tilespmem:s16+$0x13940]  }
0x1a2: {  	v13 =	vadd.f32 s5, v3;
	[tilespmem:v8+s0+$0x0] =	vst.idx.add.f32.msk vm3, v5  }
0x1a3: {  	v9 =	vsub.s32 v9, v0;
	v5 =	vadd.s32 $0x2710, v8;
	v10 =	vld [tilespmem:s9+$0x16910]  }
0x1a4: {  	vm0 =	vgt.s32 v9, $0x0;
	vm4 =	veq.f32 v7, v13;
	[tilespmem:v11+s0+$0x0] =	vst.idx.add.f32.msk vm2, v12  }
0x1a5: {  	v6 =	vadd.s32 $0x7530, v6;
	v9 =	vnsel vm0, $0x0, v9;
	vm1 =	vmand vm1, vm4;
	v11 =	vld [tilespmem:s17+$0x18920]  }
0x1a6: {  	v9 =	vmin.u32 v9, $0x270F;
	v12 =	vld [tilespmem:s10+$0x15900]  }
0x1a7: {  	v7 =	vld [tilespmem:s16+$0x14940]  }
0x1a8: {  	[tilespmem:v5+s0+$0x0] =	vst.idx.add.f32.msk vm3, v10  }
0x1a9: {  	v5 =	vld [tilespmem:s9+$0x17910]  }
0x1aa: {  	[tilespmem:v6+s0+$0x0] =	vst.idx.add.f32.msk vm2, v11  }
0x1ab: {  	v6 =	vadd.s32 $0x4E20, v8;
	[tilespmem:v9+s0+$0x0] =	vst.idx.add.f32.msk vm1, v12  }
0x1ac: {  	v4 =	vsub.s32 v4, v0;
	v10 =	vld [tilespmem:s17+$0x13930]  }
0x1ad: {  	vm0 =	vgt.s32 v4, $0x0;
	v11 =	vld [tilespmem:s17+$0x14930]  }
0x1ae: {  	vm4 =	vlt.s32 v7, v1;
	vm2 =	vge.s32 v7, v0;
	v12 =	vadd.s32 $0x2710, v9;
	v13 =	vld [tilespmem:s10+$0x16900]  }
0x1af: {  	v4 =	vnsel vm0, $0x0, v4;
	vm0 =	vmand vm2, vm4  }
0x1b0: {  	v4 =	vmin.u32 v4, $0x9C3F;
	[tilespmem:v6+s0+$0x0] =	vst.idx.add.f32.msk vm3, v5  }
0x1b1: {  	v5 =	vadd.s32 $0x7530, v8;
	v8 =	vld [tilespmem:s9+$0x18910];
	_ =	sdelay $0x1  }
0x1b2: {  	v6 =	vsub.s32 v10, v0;
	vm2 =	vge.s32 v11, v0;
	[tilespmem:v12+s0+$0x0] =	vst.idx.add.f32.msk vm1, v13  }
0x1b3: {  	vm4 =	vlt.s32 v11, v1;
	v10 =	vadd.s32 $0x4E20, v9;
	vm5 =	vgt.s32 v6, $0x0;
	v12 =	vld [tilespmem:s10+$0x17900]  }
0x1b4: {  	vm4 =	vmand vm2, vm4;
	v4 =	vld.idx.msk [tilespmem:v4+s2+$0x0], vm0;
	v6 =	vnsel vm5, $0x0, v6  }
0x1b5: {  	v6 =	vmin.u32 v6, $0x9C3F;
	[tilespmem:v5+s0+$0x0] =	vst.idx.add.f32.msk vm3, v8  }
0x1b6: {  	v5 =	vld [tilespmem:s9+$0x13920]  }
0x1b7: {  	s22 =	scvt.s32.f32 s12;
	v8 =	vld [tilespmem:s9+$0x14920]  }
0x1b8: {  	[tilespmem:v10+s0+$0x0] =	vst.idx.add.f32.msk vm1, v12  }
0x1b9: {  	s19 =	sadd.s32 $0xFFFFFFF0, s1;
	v7 =	vsub.s32 v7, v0;
	v13 =	vadd.f32 s22, v3;
	v12 =	vld [tilespmem:s10+$0x18900]  }
0x1ba: {  	s19 =	scvt.s32.f32 s19;
	v9 =	vadd.s32 $0x7530, v9;
	vm2 =	vgt.s32 v7, $0x0;
	v6 =	vld.idx.msk [tilespmem:v6+s2+$0x0], vm4  }
0x1bb: {  	v7 =	vnsel vm2, $0x0, v7;
	vm2 =	veq.f32 v4, v13  }
0x1bc: {  	v13 =	vadd.f32 s19, v3;
	v4 =	vmin.u32 v7, $0x270F;
	vm0 =	vmand vm0, vm2  }
0x1bd: {  	v7 =	vld [tilespmem:s16+$0x15940];
	v5 =	vsub.s32 v5, v0;
	vm2 =	vge.s32 v8, v0;
	vm3 =	vlt.s32 v8, v1  }
0x1be: {  	v17 =	vld [tilespmem:s17+$0x15930];
	v11 =	vsub.s32 v11, v0;
	vm5 =	vgt.s32 v5, $0x0;
	vm2 =	vmand vm2, vm3  }
0x1bf: {  	vm3 =	vgt.s32 v11, $0x0;
	[tilespmem:v9+s0+$0x0] =	vst.idx.add.f32.msk vm1, v12;
	v5 =	vnsel vm5, $0x0, v5;
	vm5 =	veq.f32 v6, v13  }
0x1c0: {  	v6 =	vnsel vm3, $0x0, v11;
	v9 =	vld [tilespmem:s10+$0x13910];
	v5 =	vmin.u32 v5, $0x9C3F;
	vm1 =	vmand vm4, vm5  }
0x1c1: {  	v10 =	vld [tilespmem:s9+$0x15920];
	v6 =	vmin.u32 v6, $0x270F  }
0x1c2: {  	[tilespmem:v4+s0+$0x0] =	vst.idx.add.f32.msk vm0, v7  }
0x1c3: {  	s26 =	sadd.s32 $0xFFFFFFE0, s24;
	v13 =	vld [tilespmem:s10+$0x14910]  }
0x1c4: {  	s29 =	scvt.s32.f32 s18;
	s25 =	sadd.s32 $0xFFFFFFE0, s18;
	s19 =	scvt.s32.f32 s26;
	v11 =	vsub.s32 v8, v0;
	v8 =	vld [tilespmem:s16+$0x16940]  }
0x1c5: {  	s30 =	scvt.s32.f32 s24;
	s28 =	sadd.s32 $0xFFFFFFF0, s24;
	s5 =	scvt.s32.f32 s25;
	vm3 =	vgt.s32 v11, $0x0;
	v16 =	vsub.s32 v9, v0;
	v9 =	vadd.s32 $0x2710, v4;
	v15 =	vld.idx.msk [tilespmem:v5+s2+$0x0], vm2  }
0x1c6: {  	s6 =	simm.s32 $0x14900;
	s1 =	scvt.s32.f32 s1;
	s21 =	sadd.s32 $0xFFFFFFF0, s18;
	v7 =	vadd.f32 s19, v3;
	v14 =	vnsel vm3, $0x0, v11;
	[tilespmem:v6+s0+$0x0] =	vst.idx.add.f32.msk vm1, v17  }
0x1c7: {  	s25 =	scvt.s32.f32 s21;
	s21 =	simm.s32 $0x500;
	s26 =	scvt.s32.f32 s28;
	v11 =	vadd.s32 $0x2710, v6;
	v5 =	vadd.f32 s5, v3;
	vm3 =	vgt.s32 v16, $0x0;
	v12 =	vld [tilespmem:s17+$0x16930]  }
.LBB2_13:
0x1c8: {  	s19 =	sshra.s32 s21, $0x2;
	p0 =	sne.s32 s21, $0x1E00;
	s21 =	sadd.s32 $0x140, s21;
	vm4 =	vge.s32 v13, v0;
	vm5 =	vlt.s32 v13, v1;
	v16 =	vnsel vm3, $0x0, v16;
	v17 =	vld [tilespmem:s10+$0x15910]  }
0x1c9: {  	v18 =	vld [tilespmem:s19+$0x15900];
	vm5 =	vmand vm4, vm5  }
0x1ca: {  	v16 =	vmin.u32 v16, $0x9C3F;
	vm3 =	veq.f32 v15, v5;
	v5 =	vmov v7;
	[tilespmem:v9+s0+$0x0] =	vst.idx.add.f32.msk vm0, v8  }
0x1cb: {  	vm3 =	vmand vm2, vm3;
	v7 =	vld [tilespmem:s19+$0x13900]  }
0x1cc: {  	v9 =	vmin.u32 v14, $0x270F;
	v8 =	vld [tilespmem:s19+$0x14900]  }
0x1cd: {  	[tilespmem:v11+s0+$0x0] =	vst.idx.add.f32.msk vm1, v12  }
0x1ce: {  	v11 =	vadd.s32 $0x4E20, v6;
	v12 =	vld [tilespmem:s17+$0x17930]  }
0x1cf: {  	v14 =	vld.idx.msk [tilespmem:v16+s2+$0x0], vm5  }
0x1d0: {  	s5 =	sadd.s32 $0xFFFFFFD0, s24;
	v15 =	vadd.s32 $0x2710, v9;
	v16 =	vadd.s32 $0x4E20, v4;
	v7 =	vsub.s32 v7, v0;
	v19 =	vld [tilespmem:s16+$0x17940]  }
0x1d1: {  	s5 =	scvt.s32.f32 s5;
	vm2 =	vge.s32 v8, v0;
	vm4 =	vlt.s32 v8, v1;
	vm6 =	vgt.s32 v7, $0x0;
	[tilespmem:v9+s0+$0x0] =	vst.idx.add.f32.msk vm3, v10  }
0x1d2: {  	v8 =	vsub.s32 v8, v0;
	vm4 =	vmand vm2, vm4;
	v7 =	vnsel vm6, $0x0, v7;
	v10 =	vld [tilespmem:s9+$0x16920]  }
0x1d3: {  	v20 =	vadd.f32 s5, v3;
	vm2 =	vgt.s32 v8, $0x0;
	v7 =	vmin.u32 v7, $0x9C3F;
	[tilespmem:v11+s0+$0x0] =	vst.idx.add.f32.msk vm1, v12  }
0x1d4: {  	v8 =	vnsel vm2, $0x0, v8;
	v11 =	vsub.s32 v13, v0;
	v12 =	vld [tilespmem:s17+$0x18930]  }
0x1d5: {  	v6 =	vadd.s32 $0x7530, v6;
	vm2 =	vgt.s32 v11, $0x0;
	vm6 =	veq.f32 v14, v20;
	[tilespmem:v16+s0+$0x0] =	vst.idx.add.f32.msk vm0, v19  }
0x1d6: {  	s24 =	sadd.s32 $0x50, s24;
	v11 =	vnsel vm2, $0x0, v11;
	vm2 =	vmand vm5, vm6;
	v13 =	vld [tilespmem:s16+$0x18940];
	s16 =	smov.u32 s17;
	s17 =	smov.u32 s9  }
0x1d7: {  	s18 =	scvt.s32.f32 s24;
	s5 =	sadd.s32 $0xFFFFFFE0, s24;
	s9 =	sadd.s32 $0xFFFFFFF0, s24;
	v11 =	vmin.u32 v11, $0x270F;
	[tilespmem:v15+s0+$0x0] =	vst.idx.add.f32.msk vm3, v10  }
0x1d8: {  	s22 =	scvt.s32.f32 s5;
	s5 =	scvt.s32.f32 s9;
	s9 =	smov.u32 s10;
	v10 =	vld.idx.msk [tilespmem:v7+s2+$0x0], vm4  }
0x1d9: {  	s28 =	sadd.s32 $0xFFFFFFC0, s24;
	v14 =	vadd.s32 $0x4E20, v9;
	s10 =	smov.u32 s19;
	v15 =	vld [tilespmem:s17+$0x17920]  }
0x1da: {  	v4 =	vadd.s32 $0x7530, v4;
	s19 =	scvt.s32.f32 s28;
	v7 =	vadd.f32 s22, v3;
	[tilespmem:v6+s0+$0x0] =	vst.idx.add.f32.msk vm1, v12  }
0x1db: {  	v6 =	vld [tilespmem:s16+$0x13940]  }
0x1dc: {  	v12 =	vadd.f32 s19, v3;
	[tilespmem:v11+s0+$0x0] =	vst.idx.add.f32.msk vm2, v17  }
0x1dd: {  	v16 =	vadd.s32 $0x2710, v11;
	v17 =	vld [tilespmem:s9+$0x16910]  }
0x1de: {  	vm1 =	veq.f32 v10, v12;
	[tilespmem:v14+s0+$0x0] =	vst.idx.add.f32.msk vm3, v15  }
0x1df: {  	v9 =	vadd.s32 $0x7530, v9;
	vm1 =	vmand vm4, vm1;
	v10 =	vld [tilespmem:s17+$0x18920]  }
0x1e0: {  	v8 =	vmin.u32 v8, $0x270F;
	v6 =	vsub.s32 v6, v0;
	[tilespmem:v4+s0+$0x0] =	vst.idx.add.f32.msk vm0, v13  }
0x1e1: {  	v4 =	vld [tilespmem:s16+$0x14940];
	vm0 =	vgt.s32 v6, $0x0  }
0x1e2: {  	[tilespmem:v16+s0+$0x0] =	vst.idx.add.f32.msk vm2, v17;
	v6 =	vnsel vm0, $0x0, v6  }
0x1e3: {  	v12 =	vld [tilespmem:s9+$0x17910]  }
0x1e4: {  	[tilespmem:v9+s0+$0x0] =	vst.idx.add.f32.msk vm3, v10  }
0x1e5: {  	v9 =	vadd.s32 $0x4E20, v11;
	v10 =	vld [tilespmem:s17+$0x13930]  }
0x1e6: {  	v13 =	vadd.s32 $0x2710, v8;
	v14 =	vld [tilespmem:s17+$0x14930];
	vm0 =	vge.s32 v4, v0;
	vm3 =	vlt.s32 v4, v1  }
0x1e7: {  	v4 =	vsub.s32 v4, v0;
	v17 =	vld [tilespmem:s17+$0x15930];
	vm0 =	vmand vm0, vm3  }
0x1e8: {  	v6 =	vmin.u32 v6, $0x9C3F;
	vm3 =	vgt.s32 v4, $0x0;
	[tilespmem:v8+s0+$0x0] =	vst.idx.add.f32.msk vm1, v18  }
0x1e9: {  	v4 =	vnsel vm3, $0x0, v4;
	v15 =	vld [tilespmem:s10+$0x16900]  }
0x1ea: {  	[tilespmem:v9+s0+$0x0] =	vst.idx.add.f32.msk vm2, v12;
	v9 =	vadd.s32 $0x7530, v11;
	v10 =	vsub.s32 v10, v0  }
0x1eb: {  	v11 =	vld [tilespmem:s9+$0x18910];
	vm3 =	vge.s32 v14, v0;
	vm4 =	vlt.s32 v14, v1;
	vm5 =	vgt.s32 v10, $0x0  }
0x1ec: {  	v12 =	vsub.s32 v14, v0;
	v10 =	vnsel vm5, $0x0, v10;
	v16 =	vld [tilespmem:s16+$0x15940]  }
0x1ed: {  	vm3 =	vmand vm3, vm4;
	vm4 =	vgt.s32 v12, $0x0;
	v6 =	vld.idx.msk [tilespmem:v6+s2+$0x0], vm0  }
0x1ee: {  	v12 =	vnsel vm4, $0x0, v12;
	v10 =	vmin.u32 v10, $0x9C3F;
	[tilespmem:v13+s0+$0x0] =	vst.idx.add.f32.msk vm1, v15  }
0x1ef: {  	v13 =	vadd.s32 $0x4E20, v8;
	v14 =	vld [tilespmem:s10+$0x17900]  }
0x1f0: {  	[tilespmem:v9+s0+$0x0] =	vst.idx.add.f32.msk vm2, v11  }
0x1f1: {  	v11 =	vadd.f32 s1, v3;
	s1 =	smov.u32 s29;
	s29 =	smov.u32 s30;
	s30 =	smov.u32 s18;
	v9 =	vld [tilespmem:s9+$0x13920]  }
0x1f2: {  	v15 =	vld [tilespmem:s9+$0x14920]  }
0x1f3: {  	vm2 =	veq.f32 v6, v11;
	v18 =	vld.idx.msk [tilespmem:v10+s2+$0x0], vm3  }
0x1f4: {  	[tilespmem:v13+s0+$0x0] =	vst.idx.add.f32.msk vm1, v14  }
0x1f5: {  	v6 =	vadd.s32 $0x7530, v8;
	v11 =	vadd.f32 s25, v3;
	s25 =	smov.u32 s26;
	s26 =	smov.u32 s5;
	v8 =	vld [tilespmem:s10+$0x18900]  }
0x1f6: {  	v4 =	vmin.u32 v4, $0x270F;
	vm0 =	vmand vm0, vm2;
	v9 =	vsub.s32 v9, v0  }
0x1f7: {  	vm2 =	vge.s32 v15, v0;
	vm4 =	vlt.s32 v15, v1;
	vm5 =	vgt.s32 v9, $0x0  }
0x1f8: {  	v13 =	vsub.s32 v15, v0;
	vm2 =	vmand vm2, vm4;
	v9 =	vnsel vm5, $0x0, v9  }
0x1f9: {  	vm4 =	vgt.s32 v13, $0x0;
	vm5 =	veq.f32 v18, v11;
	v9 =	vmin.u32 v9, $0x9C3F;
	v10 =	vld [tilespmem:s9+$0x15920]  }
0x1fa: {  	v14 =	vnsel vm4, $0x0, v13;
	[tilespmem:v6+s0+$0x0] =	vst.idx.add.f32.msk vm1, v8;
	vm1 =	vmand vm3, vm5  }
0x1fb: {  	v6 =	vmin.u32 v12, $0x270F;
	v18 =	vld [tilespmem:s10+$0x13910]  }
0x1fc: {  	v11 =	vadd.s32 $0x2710, v6;
	[tilespmem:v4+s0+$0x0] =	vst.idx.add.f32.msk vm0, v16  }
.Ltmp5:
0x1fd: {  	v13 =	vld [tilespmem:s10+$0x14910];
	(pc) =	sbr.rel @p0 .LBB2_13-.Ltmp5, $4  }
0x1fe: {  	v15 =	vld.idx.msk [tilespmem:v9+s2+$0x0], vm2  }
0x1ff: {  	v9 =	vadd.s32 $0x2710, v4;
	v8 =	vld [tilespmem:s16+$0x16940]  }
0x200: {  	v16 =	vsub.s32 v18, v0;
	[tilespmem:v6+s0+$0x0] =	vst.idx.add.f32.msk vm1, v17  }
0x201: {  	vm3 =	vgt.s32 v16, $0x0;
	v12 =	vld [tilespmem:s17+$0x16930]  }
0x202: {  	vm4 =	vge.s32 v13, v0;
	vm5 =	vlt.s32 v13, v1  }
0x203: {  	v16 =	vnsel vm3, $0x0, v16;
	vm3 =	vmand vm4, vm5  }
0x204: {  	v16 =	vmin.u32 v16, $0x9C3F;
	_ =	sdelay $0x4  }
0x205: {  	s5 =	sadd.s32 $0xFFFFFFD0, s24;
	v16 =	vld.idx.msk [tilespmem:v16+s2+$0x0], vm3  }
0x206: {  	s5 =	scvt.s32.f32 s5;
	_ =	sdelay $0x1  }
0x207: {  	v17 =	vadd.f32 s5, v3  }
0x208: {  	v13 =	vsub.s32 v13, v0  }
0x209: {  	vm11 =	vgt.s32 v13, $0x0;
	vm12 =	veq.f32 v16, v17  }
0x20a: {  	v13 =	vnsel vm11, $0x0, v13;
	vm3 =	vmand vm3, vm12  }
0x20b: {  	v13 =	vmin.u32 v13, $0x270F;
	v16 =	vld [tilespmem:s10+$0x15910];
	_ =	sdelay $0x4  }
0x20c: {  	[tilespmem:v13+s0+$0x0] =	vst.idx.add.f32.msk vm3, v16  }
0x20d: {  	v16 =	vadd.s32 $0x2710, v13;
	v17 =	vld [tilespmem:s10+$0x16910];
	_ =	sdelay $0x4  }
0x20e: {  	[tilespmem:v16+s0+$0x0] =	vst.idx.add.f32.msk vm3, v17  }
0x20f: {  	v17 =	vadd.s32 $0x4E20, v13;
	v16 =	vld [tilespmem:s10+$0x17910];
	_ =	sdelay $0x4  }
0x210: {  	[tilespmem:v17+s0+$0x0] =	vst.idx.add.f32.msk vm3, v16  }
0x211: {  	v13 =	vadd.s32 $0x7530, v13;
	v16 =	vld [tilespmem:s10+$0x18910];
	_ =	sdelay $0x4  }
0x212: {  	[tilespmem:v13+s0+$0x0] =	vst.idx.add.f32.msk vm3, v16  }
0x213: {  	v13 =	vld [tilespmem:s10+$0x13920]  }
0x214: {  	v16 =	vld [tilespmem:s10+$0x14920];
	_ =	sdelay $0x3  }
0x215: {  	v13 =	vsub.s32 v13, v0  }
0x216: {  	vm3 =	vge.s32 v16, v0;
	vm13 =	vlt.s32 v16, v1;
	vm14 =	vgt.s32 v13, $0x0  }
0x217: {  	vm3 =	vmand vm3, vm13;
	v13 =	vnsel vm14, $0x0, v13  }
0x218: {  	v13 =	vmin.u32 v13, $0x9C3F;
	_ =	sdelay $0x4  }
0x219: {  	v13 =	vld.idx.msk [tilespmem:v13+s2+$0x0], vm3;
	_ =	sdelay $0x1  }
0x21a: {  	vm15 =	veq.f32 v15, v5  }
0x21b: {  	vm2 =	vmand vm2, vm15  }
0x21c: {  	v5 =	vmin.u32 v14, $0x270F;
	v14 =	vsub.s32 v16, v0  }
0x21d: {  	vm8 =	vgt.s32 v14, $0x0;
	vm9 =	veq.f32 v13, v7  }
0x21e: {  	v7 =	vnsel vm8, $0x0, v14;
	vm3 =	vmand vm3, vm9  }
0x21f: {  	v13 =	vld [tilespmem:s10+$0x15920];
	v7 =	vmin.u32 v7, $0x270F;
	_ =	sdelay $0x1  }
0x220: {  	[tilespmem:v5+s0+$0x0] =	vst.idx.add.f32.msk vm2, v10  }
0x221: {  	v10 =	vadd.s32 $0x2710, v5;
	v14 =	vld [tilespmem:s9+$0x16920];
	_ =	sdelay $0x1  }
0x222: {  	[tilespmem:v7+s0+$0x0] =	vst.idx.add.f32.msk vm3, v13  }
0x223: {  	v13 =	vadd.s32 $0x2710, v7;
	v15 =	vld [tilespmem:s10+$0x16920];
	_ =	sdelay $0x1  }
0x224: {  	[tilespmem:v10+s0+$0x0] =	vst.idx.add.f32.msk vm2, v14  }
0x225: {  	v10 =	vadd.s32 $0x4E20, v5;
	v14 =	vld [tilespmem:s9+$0x17920];
	_ =	sdelay $0x1  }
0x226: {  	[tilespmem:v13+s0+$0x0] =	vst.idx.add.f32.msk vm3, v15  }
0x227: {  	v13 =	vadd.s32 $0x4E20, v7;
	v15 =	vld [tilespmem:s10+$0x17920];
	_ =	sdelay $0x1  }
0x228: {  	[tilespmem:v10+s0+$0x0] =	vst.idx.add.f32.msk vm2, v14  }
0x229: {  	v5 =	vadd.s32 $0x7530, v5;
	v10 =	vld [tilespmem:s9+$0x18920];
	_ =	sdelay $0x1  }
0x22a: {  	[tilespmem:v13+s0+$0x0] =	vst.idx.add.f32.msk vm3, v15  }
0x22b: {  	v7 =	vadd.s32 $0x7530, v7;
	v13 =	vld [tilespmem:s10+$0x18920];
	_ =	sdelay $0x1  }
0x22c: {  	[tilespmem:v5+s0+$0x0] =	vst.idx.add.f32.msk vm2, v10  }
0x22d: {  	v5 =	vld [tilespmem:s9+$0x13930]  }
0x22e: {  	v10 =	vld [tilespmem:s9+$0x14930]  }
0x22f: {  	[tilespmem:v7+s0+$0x0] =	vst.idx.add.f32.msk vm3, v13  }
0x230: {  	v7 =	vld [tilespmem:s10+$0x13930]  }
0x231: {  	v13 =	vld [tilespmem:s10+$0x14930]  }
0x232: {  	v5 =	vsub.s32 v5, v0  }
0x233: {  	vm2 =	vge.s32 v10, v0;
	vm10 =	vgt.s32 v5, $0x0;
	vm3 =	vlt.s32 v10, v1  }
0x234: {  	v5 =	vnsel vm10, $0x0, v5;
	vm2 =	vmand vm2, vm3  }
0x235: {  	v5 =	vmin.u32 v5, $0x9C3F;
	v7 =	vsub.s32 v7, v0  }
0x236: {  	vm3 =	vge.s32 v13, v0;
	vm11 =	vlt.s32 v13, v1;
	vm12 =	vgt.s32 v7, $0x0  }
0x237: {  	vm3 =	vmand vm3, vm11;
	v7 =	vnsel vm12, $0x0, v7  }
0x238: {  	v7 =	vmin.u32 v7, $0x9C3F;
	_ =	sdelay $0x1  }
0x239: {  	v5 =	vld.idx.msk [tilespmem:v5+s2+$0x0], vm2;
	_ =	sdelay $0x2  }
0x23a: {  	v14 =	vadd.f32 s25, v3;
	v7 =	vld.idx.msk [tilespmem:v7+s2+$0x0], vm3  }
0x23b: {  	v10 =	vsub.s32 v10, v0  }
0x23c: {  	vm13 =	vgt.s32 v10, $0x0;
	vm14 =	veq.f32 v5, v14  }
0x23d: {  	v5 =	vnsel vm13, $0x0, v10;
	v10 =	vadd.f32 s26, v3;
	vm2 =	vmand vm2, vm14  }
0x23e: {  	v13 =	vsub.s32 v13, v0;
	v14 =	vld [tilespmem:s9+$0x15930];
	v5 =	vmin.u32 v5, $0x270F  }
0x23f: {  	[tilespmem:v11+s0+$0x0] =	vst.idx.add.f32.msk vm1, v12;
	vm15 =	vgt.s32 v13, $0x0;
	vm8 =	veq.f32 v7, v10  }
0x240: {  	v11 =	vnsel vm15, $0x0, v13;
	v7 =	vadd.s32 $0x4E20, v6;
	v10 =	vld [tilespmem:s17+$0x17930];
	vm3 =	vmand vm3, vm8  }
0x241: {  	v12 =	vld [tilespmem:s10+$0x15930];
	v11 =	vmin.u32 v11, $0x270F;
	_ =	sdelay $0x1  }
0x242: {  	[tilespmem:v5+s0+$0x0] =	vst.idx.add.f32.msk vm2, v14  }
0x243: {  	v13 =	vadd.s32 $0x2710, v5;
	v14 =	vld [tilespmem:s9+$0x16930]  }
0x244: {  	[tilespmem:v7+s0+$0x0] =	vst.idx.add.f32.msk vm1, v10  }
0x245: {  	[tilespmem:v11+s0+$0x0] =	vst.idx.add.f32.msk vm3, v12  }
0x246: {  	v6 =	vadd.s32 $0x7530, v6;
	v12 =	vld [tilespmem:s17+$0x18930]  }
0x247: {  	v7 =	vadd.s32 $0x2710, v11;
	v10 =	vld [tilespmem:s10+$0x16930]  }
0x248: {  	[tilespmem:v13+s0+$0x0] =	vst.idx.add.f32.msk vm2, v14  }
0x249: {  	v13 =	vadd.s32 $0x4E20, v5;
	v14 =	vld [tilespmem:s9+$0x17930];
	_ =	sdelay $0x1  }
0x24a: {  	[tilespmem:v6+s0+$0x0] =	vst.idx.add.f32.msk vm1, v12  }
0x24b: {  	[tilespmem:v7+s0+$0x0] =	vst.idx.add.f32.msk vm3, v10  }
0x24c: {  	v7 =	vadd.s32 $0x4E20, v11;
	v10 =	vld [tilespmem:s10+$0x17930]  }
0x24d: {  	[tilespmem:v13+s0+$0x0] =	vst.idx.add.f32.msk vm2, v14  }
0x24e: {  	v5 =	vadd.s32 $0x7530, v5;
	v6 =	vld [tilespmem:s9+$0x18930];
	_ =	sdelay $0x1  }
0x24f: {  	v12 =	vld [tilespmem:s17+$0x13940]  }
0x250: {  	[tilespmem:v7+s0+$0x0] =	vst.idx.add.f32.msk vm3, v10  }
0x251: {  	v10 =	vadd.s32 $0x7530, v11;
	v7 =	vld [tilespmem:s10+$0x18930]  }
0x252: {  	[tilespmem:v5+s0+$0x0] =	vst.idx.add.f32.msk vm2, v6  }
0x253: {  	v11 =	vld [tilespmem:s17+$0x14940]  }
0x254: {  	v5 =	vld [tilespmem:s9+$0x13940]  }
0x255: {  	v6 =	vld [tilespmem:s9+$0x14940]  }
0x256: {  	v12 =	vsub.s32 v12, v0;
	[tilespmem:v10+s0+$0x0] =	vst.idx.add.f32.msk vm3, v7  }
0x257: {  	vm1 =	vgt.s32 v12, $0x0;
	v7 =	vld [tilespmem:s10+$0x13940]  }
0x258: {  	v10 =	vnsel vm1, $0x0, v12;
	v12 =	vld [tilespmem:s10+$0x14940]  }
0x259: {  	vm2 =	vlt.s32 v11, v1;
	v5 =	vsub.s32 v5, v0;
	vm1 =	vge.s32 v11, v0  }
0x25a: {  	vm3 =	vlt.s32 v6, v1;
	vm1 =	vmand vm1, vm2;
	vm2 =	vgt.s32 v5, $0x0  }
0x25b: {  	v10 =	vmin.u32 v10, $0x9C3F;
	v5 =	vnsel vm2, $0x0, v5;
	vm2 =	vge.s32 v6, v0  }
0x25c: {  	vm2 =	vmand vm2, vm3;
	v5 =	vmin.u32 v5, $0x9C3F;
	v7 =	vsub.s32 v7, v0  }
0x25d: {  	vm9 =	vge.s32 v12, v0;
	vm10 =	vlt.s32 v12, v1;
	vm3 =	vgt.s32 v7, $0x0  }
0x25e: {  	v7 =	vnsel vm3, $0x0, v7;
	vm3 =	vmand vm9, vm10  }
0x25f: {  	v7 =	vmin.u32 v7, $0x9C3F  }
0x260: {  	v10 =	vld.idx.msk [tilespmem:v10+s2+$0x0], vm1  }
0x261: {  	[tilespmem:v9+s0+$0x0] =	vst.idx.add.f32.msk vm0, v8  }
0x262: {  	v5 =	vld.idx.msk [tilespmem:v5+s2+$0x0], vm2  }
0x263: {  	v8 =	vadd.s32 $0x4E20, v4;
	v9 =	vld [tilespmem:s16+$0x17940];
	v13 =	vadd.f32 s1, v3;
	v11 =	vsub.s32 v11, v0  }
0x264: {  	vm11 =	vgt.s32 v11, $0x0;
	v7 =	vld.idx.msk [tilespmem:v7+s2+$0x0], vm3  }
0x265: {  	v11 =	vnsel vm11, $0x0, v11;
	vm12 =	veq.f32 v10, v13;
	v10 =	vadd.f32 s29, v3  }
0x266: {  	v6 =	vsub.s32 v6, v0;
	v11 =	vmin.u32 v11, $0x270F;
	vm1 =	vmand vm1, vm12  }
0x267: {  	vm13 =	vgt.s32 v6, $0x0;
	v13 =	vld [tilespmem:s17+$0x15940];
	vm14 =	veq.f32 v5, v10;
	v5 =	vadd.f32 s30, v3  }
0x268: {  	[tilespmem:v8+s0+$0x0] =	vst.idx.add.f32.msk vm0, v9;
	v6 =	vnsel vm13, $0x0, v6;
	v8 =	vsub.s32 v12, v0;
	vm2 =	vmand vm2, vm14  }
0x269: {  	v9 =	vld [tilespmem:s9+$0x15940];
	v6 =	vmin.u32 v6, $0x270F;
	vm15 =	vgt.s32 v8, $0x0;
	vm8 =	veq.f32 v7, v5  }
0x26a: {  	v5 =	vld [tilespmem:s16+$0x18940];
	v7 =	vnsel vm15, $0x0, v8;
	vm3 =	vmand vm3, vm8  }
0x26b: {  	v8 =	vld [tilespmem:s10+$0x15940];
	v7 =	vmin.u32 v7, $0x270F  }
0x26c: {  	[tilespmem:v11+s0+$0x0] =	vst.idx.add.f32.msk vm1, v13  }
0x26d: {  	v10 =	vadd.s32 $0x2710, v11;
	v12 =	vld [tilespmem:s17+$0x16940]  }
0x26e: {  	[tilespmem:v6+s0+$0x0] =	vst.idx.add.f32.msk vm2, v9  }
0x26f: {  	v9 =	vadd.s32 $0x2710, v6;
	v13 =	vld [tilespmem:s9+$0x16940]  }
0x270: {  	[tilespmem:v7+s0+$0x0] =	vst.idx.add.f32.msk vm3, v8  }
0x271: {  	v8 =	vadd.s32 $0x2710, v7;
	v14 =	vld [tilespmem:s10+$0x16940]  }
0x272: {  	[tilespmem:v10+s0+$0x0] =	vst.idx.add.f32.msk vm1, v12  }
0x273: {  	v10 =	vadd.s32 $0x4E20, v11;
	v12 =	vld [tilespmem:s17+$0x17940]  }
0x274: {  	[tilespmem:v9+s0+$0x0] =	vst.idx.add.f32.msk vm2, v13  }
0x275: {  	v9 =	vadd.s32 $0x4E20, v6;
	v13 =	vld [tilespmem:s9+$0x17940]  }
0x276: {  	[tilespmem:v8+s0+$0x0] =	vst.idx.add.f32.msk vm3, v14  }
0x277: {  	v8 =	vadd.s32 $0x4E20, v7;
	v14 =	vld [tilespmem:s10+$0x17940]  }
0x278: {  	[tilespmem:v10+s0+$0x0] =	vst.idx.add.f32.msk vm1, v12  }
0x279: {  	v10 =	vld [tilespmem:s17+$0x18940]  }
0x27a: {  	v4 =	vadd.s32 $0x7530, v4;
	[tilespmem:v9+s0+$0x0] =	vst.idx.add.f32.msk vm2, v13  }
0x27b: {  	v9 =	vadd.s32 $0x7530, v11;
	v11 =	vld [tilespmem:s9+$0x18940]  }
0x27c: {  	v6 =	vadd.s32 $0x7530, v6;
	[tilespmem:v8+s0+$0x0] =	vst.idx.add.f32.msk vm3, v14  }
0x27d: {  	v7 =	vadd.s32 $0x7530, v7;
	v8 =	vld [tilespmem:s10+$0x18940];
	_ =	sdelay $0x1  }
0x27e: {  	[tilespmem:v4+s0+$0x0] =	vst.idx.add.f32.msk vm0, v5  }
0x27f: {  	[tilespmem:v9+s0+$0x0] =	vst.idx.add.f32.msk vm1, v10  }
0x280: {  	[tilespmem:v6+s0+$0x0] =	vst.idx.add.f32.msk vm2, v11  }
0x281: {  	[tilespmem:v7+s0+$0x0] =	vst.idx.add.f32.msk vm3, v8  }
0x282: {  	_ =	swait.ge [sflag:s23], $0x7D0  }
0x283: {  	[sflag:s23] =	ssyncset.done $0x0  }
0x284: {  	[sflag:s23] =	ssyncadd.s32 $0xFFFFF830  }
0x285: {  	_ =	swait.ge [sflag:s23], $0x7D0  }
0x286: {  	[sflag:s23] =	ssyncset.done $0x0  }
0x287: {  	[sflag:s23] =	ssyncadd.s32 $0xFFFFF830  }
0x288: {  	_ =	swait.ge [sflag:s23], $0x7D0  }
0x289: {  	[sflag:s23] =	ssyncset.done $0x0  }
0x28a: {  	[sflag:s23] =	ssyncadd.s32 $0xFFFFF830  }
0x28b: {  	_ =	swait.ge [sflag:s23], $0x7D0  }
0x28c: {  	[sflag:s23] =	ssyncset.done $0x0  }
0x28d: {  	[sflag:s23] =	ssyncadd.s32 $0xFFFFF830  }
0x28e: {  	_ =	swait.ge [sflag:s23], $0x7D0  }
0x28f: {  	[sflag:s23] =	ssyncset.done $0x0  }
0x290: {  	[sflag:s23] =	ssyncadd.s32 $0xFFFFF830  }
0x291: {  	_ =	swait.ge [sflag:s23], $0x7D0  }
0x292: {  	s17 =	sadd.s32 $0x1F4, s15;
	[sflag:s23] =	ssyncset.done $0x0  }
0x293: {  	s19 =	simm.s32 $0x0;
	s18 =	sadd.s32 s3, s17;
	[sflag:s23] =	ssyncadd.s32 $0xFFFFF830  }
0x294: {  	[tilespmem:s7], [sflag:$0x1] =	stream.linear.gather [hbm4b:s18+s19], $0x7D0, $0x38;
	[tilespmem:$0x19900] =	vst v63  }
0x295: {  	s21 =	sadd.s32 s4, s17  }
0x296: {  	[tilespmem:s6], [sflag:$0x1] =	stream.linear.gather [hbm4b:s21+s19], $0x7D0, $0x38;
	[tilespmem:$0x19900] =	vst v63  }
0x297: {  	s24 =	simm.s32 $0x15900;
	s22 =	sadd.s32 s31, s17;
	s25 =	rddreg [dreg:$0x4]  }
0x298: {  	[tilespmem:s24], [sflag:$0x1] =	stream.linear.gather [hbm4b:s22+s19], $0x7D0, $0x38;
	[tilespmem:$0x19900] =	vst v63  }
0x299: {  	s26 =	simm.s32 $0x16900;
	s10 =	rddreg [dreg:$0x5];
	s5 =	sadd.s32 s25, s17  }
0x29a: {  	[tilespmem:s26], [sflag:$0x1] =	stream.linear.gather [hbm4b:s5+s19], $0x7D0, $0x38;
	[tilespmem:$0x19900] =	vst v63  }
0x29b: {  	s15 =	simm.s32 $0x17900;
	s5 =	sadd.s32 s10, s17  }
0x29c: {  	[tilespmem:s15], [sflag:$0x1] =	stream.linear.gather [hbm4b:s5+s19], $0x7D0, $0x38;
	[tilespmem:$0x19900] =	vst v63  }
0x29d: {  	s16 =	simm.s32 $0x18900;
	s1 =	sadd.s32 s8, s17;
	s15 =	simm.s32 $0x0  }
0x29e: {  	[tilespmem:s16], [sflag:$0x1] =	stream.linear.gather [hbm4b:s1+s19], $0x7D0, $0x38;
	[tilespmem:$0x19900] =	vst v63  }
0x29f: {  	v4 =	vld [tilespmem:s15+$0x14100]  }
0x2a0: {  	v5 =	vld [tilespmem:s15+$0x15100];
	_ =	sdelay $0x3  }
0x2a1: {  	v4 =	vsub.s32 v4, v0  }
0x2a2: {  	vm0 =	vge.s32 v5, v0;
	vm1 =	vlt.s32 v5, v1;
	vm2 =	vgt.s32 v4, $0x0  }
0x2a3: {  	vm0 =	vmand vm0, vm1;
	v4 =	vnsel vm2, $0x0, v4  }
0x2a4: {  	v4 =	vmin.u32 v4, $0x9C3F;
	_ =	sdelay $0x4  }
0x2a5: {  	v4 =	vld.idx.msk [tilespmem:v4+s2+$0x0], vm0  }
0x2a6: {  	s17 =	scvt.s32.f32 s13;
	_ =	sdelay $0x1  }
0x2a7: {  	v6 =	vadd.f32 s17, v3  }
0x2a8: {  	v5 =	vsub.s32 v5, v0  }
0x2a9: {  	vm1 =	vgt.s32 v5, $0x0;
	vm2 =	veq.f32 v4, v6  }
0x2aa: {  	v4 =	vnsel vm1, $0x0, v5;
	vm0 =	vmand vm0, vm2  }
0x2ab: {  	v5 =	vld [tilespmem:s15+$0x16100];
	v4 =	vmin.u32 v4, $0x270F;
	_ =	sdelay $0x4  }
0x2ac: {  	[tilespmem:v4+s0+$0x0] =	vst.idx.add.f32.msk vm0, v5  }
0x2ad: {  	v5 =	vadd.s32 $0x2710, v4;
	v6 =	vld [tilespmem:s15+$0x17100];
	_ =	sdelay $0x4  }
0x2ae: {  	[tilespmem:v5+s0+$0x0] =	vst.idx.add.f32.msk vm0, v6  }
0x2af: {  	v5 =	vadd.s32 $0x4E20, v4;
	v6 =	vld [tilespmem:s15+$0x18100];
	_ =	sdelay $0x4  }
0x2b0: {  	[tilespmem:v5+s0+$0x0] =	vst.idx.add.f32.msk vm0, v6  }
0x2b1: {  	v4 =	vadd.s32 $0x7530, v4;
	v5 =	vld [tilespmem:s15+$0x19100];
	_ =	sdelay $0x4  }
0x2b2: {  	[tilespmem:v4+s0+$0x0] =	vst.idx.add.f32.msk vm0, v5  }
0x2b3: {  	v4 =	vld [tilespmem:s15+$0x14110]  }
0x2b4: {  	v5 =	vld [tilespmem:s15+$0x15110]  }
0x2b5: {  	s16 =	simm.s32 $0x50  }
0x2b6: {  	v6 =	vld [tilespmem:s16+$0x14100]  }
0x2b7: {  	v7 =	vld [tilespmem:s16+$0x15100]  }
0x2b8: {  	v4 =	vsub.s32 v4, v0  }
0x2b9: {  	vm1 =	vge.s32 v5, v0;
	vm2 =	vlt.s32 v5, v1;
	vm0 =	vgt.s32 v4, $0x0  }
0x2ba: {  	v4 =	vnsel vm0, $0x0, v4;
	vm0 =	vmand vm1, vm2  }
0x2bb: {  	v6 =	vsub.s32 v6, v0;
	v4 =	vmin.u32 v4, $0x9C3F  }
0x2bc: {  	vm3 =	vgt.s32 v6, $0x0;
	vm1 =	vge.s32 v7, v0;
	vm2 =	vlt.s32 v7, v1  }
0x2bd: {  	v6 =	vnsel vm3, $0x0, v6;
	vm1 =	vmand vm1, vm2  }
0x2be: {  	v6 =	vmin.u32 v6, $0x9C3F;
	_ =	sdelay $0x1  }
0x2bf: {  	s18 =	sadd.s32 $0x10, s13;
	v4 =	vld.idx.msk [tilespmem:v4+s2+$0x0], vm0  }
0x2c0: {  	s19 =	scvt.s32.f32 s18;
	_ =	sdelay $0x1  }
0x2c1: {  	s1 =	sadd.s32 $0x50, s13;
	v8 =	vadd.f32 s19, v3;
	v6 =	vld.idx.msk [tilespmem:v6+s2+$0x0], vm1  }
0x2c2: {  	s21 =	scvt.s32.f32 s1;
	v5 =	vsub.s32 v5, v0  }
0x2c3: {  	vm2 =	vgt.s32 v5, $0x0;
	vm3 =	veq.f32 v4, v8  }
0x2c4: {  	v5 =	vnsel vm2, $0x0, v5;
	v4 =	vadd.f32 s21, v3;
	vm0 =	vmand vm0, vm3  }
0x2c5: {  	v7 =	vsub.s32 v7, v0;
	v5 =	vmin.u32 v5, $0x270F;
	v8 =	vld [tilespmem:s15+$0x16110]  }
0x2c6: {  	vm2 =	vgt.s32 v7, $0x0;
	vm3 =	veq.f32 v6, v4  }
0x2c7: {  	v4 =	vnsel vm2, $0x0, v7;
	vm1 =	vmand vm1, vm3  }
0x2c8: {  	v6 =	vld [tilespmem:s16+$0x16100];
	v4 =	vmin.u32 v4, $0x270F;
	_ =	sdelay $0x1  }
0x2c9: {  	[tilespmem:v5+s0+$0x0] =	vst.idx.add.f32.msk vm0, v8  }
0x2ca: {  	v7 =	vadd.s32 $0x2710, v5;
	v8 =	vld [tilespmem:s15+$0x17110];
	_ =	sdelay $0x1  }
0x2cb: {  	[tilespmem:v4+s0+$0x0] =	vst.idx.add.f32.msk vm1, v6  }
0x2cc: {  	v6 =	vadd.s32 $0x2710, v4;
	v9 =	vld [tilespmem:s16+$0x17100];
	_ =	sdelay $0x1  }
0x2cd: {  	[tilespmem:v7+s0+$0x0] =	vst.idx.add.f32.msk vm0, v8  }
0x2ce: {  	v7 =	vadd.s32 $0x4E20, v5;
	v8 =	vld [tilespmem:s15+$0x18110];
	_ =	sdelay $0x1  }
0x2cf: {  	[tilespmem:v6+s0+$0x0] =	vst.idx.add.f32.msk vm1, v9  }
0x2d0: {  	v6 =	vadd.s32 $0x4E20, v4;
	v9 =	vld [tilespmem:s16+$0x18100];
	_ =	sdelay $0x1  }
0x2d1: {  	[tilespmem:v7+s0+$0x0] =	vst.idx.add.f32.msk vm0, v8  }
0x2d2: {  	v5 =	vadd.s32 $0x7530, v5;
	v7 =	vld [tilespmem:s15+$0x19110];
	_ =	sdelay $0x1  }
0x2d3: {  	[tilespmem:v6+s0+$0x0] =	vst.idx.add.f32.msk vm1, v9  }
0x2d4: {  	v4 =	vadd.s32 $0x7530, v4;
	v6 =	vld [tilespmem:s16+$0x19100];
	_ =	sdelay $0x1  }
0x2d5: {  	s17 =	simm.s32 $0xA0;
	[tilespmem:v5+s0+$0x0] =	vst.idx.add.f32.msk vm0, v7  }
0x2d6: {  	v7 =	vld [tilespmem:s17+$0x15100]  }
0x2d7: {  	v5 =	vld [tilespmem:s15+$0x15120]  }
0x2d8: {  	[tilespmem:v4+s0+$0x0] =	vst.idx.add.f32.msk vm1, v6  }
0x2d9: {  	v6 =	vld [tilespmem:s17+$0x14100]  }
0x2da: {  	v4 =	vld [tilespmem:s16+$0x14110]  }
0x2db: {  	v8 =	vld [tilespmem:s16+$0x15110];
	_ =	sdelay $0x1  }
0x2dc: {  	v9 =	vld [tilespmem:s15+$0x14120]  }
0x2dd: {  	vm1 =	vge.s32 v7, v0;
	vm2 =	vlt.s32 v7, v1;
	v6 =	vsub.s32 v6, v0  }
0x2de: {  	vm0 =	vge.s32 v5, v0;
	vm1 =	vmand vm1, vm2;
	vm3 =	vgt.s32 v6, $0x0  }
0x2df: {  	v4 =	vsub.s32 v4, v0;
	vm9 =	vge.s32 v8, v0;
	v6 =	vnsel vm3, $0x0, v6  }
0x2e0: {  	vm2 =	vlt.s32 v8, v1;
	vm3 =	vgt.s32 v4, $0x0;
	v6 =	vmin.u32 v6, $0x9C3F  }
0x2e1: {  	v9 =	vsub.s32 v9, v0;
	vm2 =	vmand vm9, vm2;
	v4 =	vnsel vm3, $0x0, v4  }
0x2e2: {  	vm10 =	vlt.s32 v5, v1;
	vm3 =	vgt.s32 v9, $0x0;
	v4 =	vmin.u32 v4, $0x9C3F  }
0x2e3: {  	v9 =	vnsel vm3, $0x0, v9;
	vm3 =	vmand vm0, vm10  }
0x2e4: {  	v9 =	vmin.u32 v9, $0x9C3F  }
0x2e5: {  	s24 =	sadd.s32 $0x50, s1;
	v6 =	vld.idx.msk [tilespmem:v6+s2+$0x0], vm1  }
0x2e6: {  	s25 =	scvt.s32.f32 s24  }
0x2e7: {  	s22 =	sadd.s32 $0x10, s1;
	v4 =	vld.idx.msk [tilespmem:v4+s2+$0x0], vm2  }
0x2e8: {  	s5 =	scvt.s32.f32 s22;
	v10 =	vadd.f32 s25, v3;
	v7 =	vsub.s32 v7, v0  }
0x2e9: {  	s26 =	sadd.s32 $0x20, s13;
	vm0 =	vgt.s32 v7, $0x0;
	v9 =	vld.idx.msk [tilespmem:v9+s2+$0x0], vm3  }
0x2ea: {  	s6 =	scvt.s32.f32 s26;
	v11 =	vadd.f32 s5, v3;
	v7 =	vnsel vm0, $0x0, v7;
	vm11 =	veq.f32 v6, v10  }
0x2eb: {  	v8 =	vsub.s32 v8, v0;
	v7 =	vmin.u32 v7, $0x270F;
	vm0 =	vmand vm1, vm11  }
0x2ec: {  	v6 =	vadd.f32 s6, v3;
	vm1 =	vgt.s32 v8, $0x0;
	vm12 =	veq.f32 v4, v11;
	v4 =	vld [tilespmem:s17+$0x16100]  }
0x2ed: {  	v5 =	vsub.s32 v5, v0;
	v8 =	vnsel vm1, $0x0, v8;
	vm1 =	vmand vm2, vm12  }
0x2ee: {  	v10 =	vld [tilespmem:s16+$0x16110];
	vm2 =	vgt.s32 v5, $0x0;
	vm13 =	veq.f32 v9, v6;
	v8 =	vmin.u32 v8, $0x270F  }
0x2ef: {  	v5 =	vnsel vm2, $0x0, v5;
	vm2 =	vmand vm3, vm13  }
0x2f0: {  	v6 =	vld [tilespmem:s15+$0x16120];
	v5 =	vmin.u32 v5, $0x270F  }
0x2f1: {  	[tilespmem:v7+s0+$0x0] =	vst.idx.add.f32.msk vm0, v4  }
0x2f2: {  	v4 =	vadd.s32 $0x2710, v7;
	v9 =	vld [tilespmem:s17+$0x17100]  }
0x2f3: {  	[tilespmem:v8+s0+$0x0] =	vst.idx.add.f32.msk vm1, v10  }
0x2f4: {  	v10 =	vadd.s32 $0x2710, v8;
	v11 =	vld [tilespmem:s16+$0x17110]  }
0x2f5: {  	[tilespmem:v5+s0+$0x0] =	vst.idx.add.f32.msk vm2, v6  }
0x2f6: {  	v6 =	vadd.s32 $0x2710, v5;
	v12 =	vld [tilespmem:s15+$0x17120]  }
0x2f7: {  	[tilespmem:v4+s0+$0x0] =	vst.idx.add.f32.msk vm0, v9  }
0x2f8: {  	v4 =	vadd.s32 $0x4E20, v7;
	v9 =	vld [tilespmem:s17+$0x18100]  }
0x2f9: {  	[tilespmem:v10+s0+$0x0] =	vst.idx.add.f32.msk vm1, v11  }
0x2fa: {  	v10 =	vadd.s32 $0x4E20, v8;
	v11 =	vld [tilespmem:s16+$0x18110]  }
0x2fb: {  	[tilespmem:v6+s0+$0x0] =	vst.idx.add.f32.msk vm2, v12  }
0x2fc: {  	v6 =	vadd.s32 $0x4E20, v5;
	v12 =	vld [tilespmem:s15+$0x18120]  }
0x2fd: {  	[tilespmem:v4+s0+$0x0] =	vst.idx.add.f32.msk vm0, v9  }
0x2fe: {  	v4 =	vadd.s32 $0x7530, v7;
	v7 =	vld [tilespmem:s17+$0x19100]  }
0x2ff: {  	s9 =	simm.s32 $0xF0;
	[tilespmem:v10+s0+$0x0] =	vst.idx.add.f32.msk vm1, v11  }
0x300: {  	v10 =	vld [tilespmem:s9+$0x14100]  }
0x301: {  	[tilespmem:v6+s0+$0x0] =	vst.idx.add.f32.msk vm2, v12  }
0x302: {  	v5 =	vadd.s32 $0x7530, v5;
	v6 =	vld [tilespmem:s15+$0x19120]  }
0x303: {  	v9 =	vld [tilespmem:s16+$0x19110]  }
0x304: {  	[tilespmem:v4+s0+$0x0] =	vst.idx.add.f32.msk vm0, v7  }
0x305: {  	v4 =	vld [tilespmem:s17+$0x14110]  }
0x306: {  	v8 =	vadd.s32 $0x7530, v8;
	v7 =	vld [tilespmem:s17+$0x15110]  }
0x307: {  	[tilespmem:v5+s0+$0x0] =	vst.idx.add.f32.msk vm2, v6  }
0x308: {  	v5 =	vld [tilespmem:s15+$0x14130]  }
0x309: {  	v6 =	vld [tilespmem:s15+$0x15130];
	_ =	sdelay $0x1  }
0x30a: {  	v10 =	vsub.s32 v10, v0;
	[tilespmem:v8+s0+$0x0] =	vst.idx.add.f32.msk vm1, v9  }
0x30b: {  	v11 =	vld [tilespmem:s9+$0x15100];
	v4 =	vsub.s32 v4, v0;
	vm0 =	vge.s32 v7, v0;
	vm1 =	vlt.s32 v7, v1  }
0x30c: {  	vm15 =	vgt.s32 v10, $0x0;
	v9 =	vld [tilespmem:s16+$0x14120];
	vm2 =	vgt.s32 v4, $0x0;
	vm1 =	vmand vm0, vm1  }
0x30d: {  	v8 =	vld [tilespmem:s16+$0x15120];
	v4 =	vnsel vm2, $0x0, v4;
	v5 =	vsub.s32 v5, v0;
	vm0 =	vge.s32 v6, v0  }
0x30e: {  	vm2 =	vlt.s32 v6, v1;
	v4 =	vmin.u32 v4, $0x9C3F;
	vm3 =	vgt.s32 v5, $0x0  }
0x30f: {  	v10 =	vnsel vm15, $0x0, v10;
	vm0 =	vmand vm0, vm2;
	v5 =	vnsel vm3, $0x0, v5  }
0x310: {  	vm2 =	vge.s32 v11, v0;
	vm3 =	vlt.s32 v11, v1;
	v5 =	vmin.u32 v5, $0x9C3F  }
0x311: {  	v10 =	vmin.u32 v10, $0x9C3F;
	v9 =	vsub.s32 v9, v0;
	vm3 =	vmand vm2, vm3  }
0x312: {  	vm14 =	vge.s32 v8, v0;
	vm6 =	vgt.s32 v9, $0x0;
	vm2 =	vlt.s32 v8, v1  }
0x313: {  	s10 =	sadd.s32 $0x10, s24;
	v9 =	vnsel vm6, $0x0, v9;
	vm2 =	vmand vm14, vm2;
	v4 =	vld.idx.msk [tilespmem:v4+s2+$0x0], vm1  }
0x314: {  	s5 =	scvt.s32.f32 s10;
	v9 =	vmin.u32 v9, $0x9C3F  }
0x315: {  	s18 =	sadd.s32 $0x30, s13;
	v5 =	vld.idx.msk [tilespmem:v5+s2+$0x0], vm0  }
0x316: {  	v12 =	vadd.f32 s5, v3;
	s5 =	scvt.s32.f32 s18;
	v7 =	vsub.s32 v7, v0  }
0x317: {  	s18 =	sadd.s32 $0x50, s24;
	vm9 =	vgt.s32 v7, $0x0;
	v6 =	vsub.s32 v6, v0;
	v10 =	vld.idx.msk [tilespmem:v10+s2+$0x0], vm3  }
0x318: {  	s21 =	scvt.s32.f32 s18;
	vm11 =	vgt.s32 v6, $0x0;
	vm10 =	veq.f32 v4, v12;
	v12 =	vadd.f32 s5, v3  }
0x319: {  	s19 =	sadd.s32 $0x20, s1;
	v6 =	vnsel vm11, $0x0, v6;
	v11 =	vsub.s32 v11, v0;
	v9 =	vld.idx.msk [tilespmem:v9+s2+$0x0], vm2;
	v4 =	vnsel vm9, $0x0, v7  }
0x31a: {  	s5 =	scvt.s32.f32 s19;
	vm1 =	vmand vm1, vm10;
	vm12 =	veq.f32 v5, v12;
	v12 =	vadd.f32 s21, v3  }
0x31b: {  	v6 =	vmin.u32 v6, $0x270F;
	vm13 =	vgt.s32 v11, $0x0;
	v7 =	vld [tilespmem:s17+$0x16110];
	v4 =	vmin.u32 v4, $0x270F  }
0x31c: {  	v13 =	vadd.f32 s5, v3;
	vm0 =	vmand vm0, vm12;
	vm14 =	veq.f32 v10, v12  }
0x31d: {  	v8 =	vsub.s32 v8, v0;
	v5 =	vld [tilespmem:s15+$0x16130];
	v10 =	vnsel vm13, $0x0, v11;
	vm3 =	vmand vm3, vm14  }
0x31e: {  	vm15 =	vgt.s32 v8, $0x0;
	v11 =	vld [tilespmem:s9+$0x16100];
	vm8 =	veq.f32 v9, v13;
	v9 =	vmin.u32 v10, $0x270F  }
0x31f: {  	v8 =	vnsel vm15, $0x0, v8;
	v10 =	vld [tilespmem:s16+$0x16120];
	vm2 =	vmand vm2, vm8  }
0x320: {  	v8 =	vmin.u32 v8, $0x270F;
	[tilespmem:v4+s0+$0x0] =	vst.idx.add.f32.msk vm1, v7  }
0x321: {  	v14 =	vld [tilespmem:s17+$0x17110]  }
0x322: {  	v7 =	vadd.s32 $0x2710, v4;
	[tilespmem:v6+s0+$0x0] =	vst.idx.add.f32.msk vm0, v5  }
0x323: {  	[tilespmem:v9+s0+$0x0] =	vst.idx.add.f32.msk vm3, v11  }
0x324: {  	v11 =	vadd.s32 $0x2710, v9;
	v12 =	vld [tilespmem:s9+$0x17100]  }
0x325: {  	[tilespmem:v8+s0+$0x0] =	vst.idx.add.f32.msk vm2, v10  }
0x326: {  	v13 =	vadd.s32 $0x2710, v8;
	v10 =	vld [tilespmem:s16+$0x17120]  }
0x327: {  	[tilespmem:v7+s0+$0x0] =	vst.idx.add.f32.msk vm1, v14  }
0x328: {  	v7 =	vld [tilespmem:s17+$0x18110]  }
0x329: {  	v5 =	vadd.s32 $0x4E20, v4;
	[tilespmem:v11+s0+$0x0] =	vst.idx.add.f32.msk vm3, v12  }
0x32a: {  	v12 =	vld [tilespmem:s15+$0x17130]  }
0x32b: {  	[tilespmem:v13+s0+$0x0] =	vst.idx.add.f32.msk vm2, v10;
	v10 =	vadd.s32 $0x2710, v6  }
0x32c: {  	v14 =	vadd.s32 $0x4E20, v8;
	v13 =	vld [tilespmem:s16+$0x18120]  }
0x32d: {  	v11 =	vld [tilespmem:s9+$0x18100]  }
0x32e: {  	[tilespmem:v5+s0+$0x0] =	vst.idx.add.f32.msk vm1, v7;
	v7 =	vadd.s32 $0x4E20, v9  }
0x32f: {  	v4 =	vadd.s32 $0x7530, v4;
	v5 =	vld [tilespmem:s17+$0x19110]  }
0x330: {  	[tilespmem:v10+s0+$0x0] =	vst.idx.add.f32.msk vm0, v12  }
0x331: {  	[tilespmem:v14+s0+$0x0] =	vst.idx.add.f32.msk vm2, v13  }
0x332: {  	v10 =	vld [tilespmem:s15+$0x18130]  }
0x333: {  	[tilespmem:v7+s0+$0x0] =	vst.idx.add.f32.msk vm3, v11  }
0x334: {  	v11 =	vadd.s32 $0x4E20, v6;
	[tilespmem:v4+s0+$0x0] =	vst.idx.add.f32.msk vm1, v5  }
0x335: {  	v4 =	vadd.s32 $0x7530, v9;
	v5 =	vld [tilespmem:s9+$0x19100]  }
0x336: {  	v9 =	vld [tilespmem:s16+$0x19120]  }
0x337: {  	v7 =	vld [tilespmem:s17+$0x15120]  }
0x338: {  	v8 =	vadd.s32 $0x7530, v8;
	v12 =	vld [tilespmem:s17+$0x14120]  }
0x339: {  	[tilespmem:v11+s0+$0x0] =	vst.idx.add.f32.msk vm0, v10  }
0x33a: {  	[tilespmem:v4+s0+$0x0] =	vst.idx.add.f32.msk vm3, v5  }
0x33b: {  	v4 =	vld [tilespmem:s9+$0x14110]  }
0x33c: {  	v5 =	vld [tilespmem:s9+$0x15110]  }
0x33d: {  	[tilespmem:v8+s0+$0x0] =	vst.idx.add.f32.msk vm2, v9  }
0x33e: {  	v8 =	vld [tilespmem:s16+$0x14130]  }
0x33f: {  	v9 =	vld [tilespmem:s16+$0x15130]  }
0x340: {  	v6 =	vadd.s32 $0x7530, v6;
	v10 =	vld [tilespmem:s15+$0x19130];
	v4 =	vsub.s32 v4, v0  }
0x341: {  	s10 =	simm.s32 $0x140;
	vm1 =	vge.s32 v5, v0;
	vm2 =	vlt.s32 v5, v1;
	vm3 =	vgt.s32 v4, $0x0  }
0x342: {  	v13 =	vld [tilespmem:s10+$0x14100];
	vm2 =	vmand vm1, vm2;
	v4 =	vnsel vm3, $0x0, v4  }
0x343: {  	v12 =	vsub.s32 v12, v0;
	v8 =	vsub.s32 v8, v0;
	v4 =	vmin.u32 v4, $0x9C3F  }
0x344: {  	v11 =	vld [tilespmem:s10+$0x15100];
	vm1 =	vge.s32 v9, v0;
	vm9 =	vgt.s32 v8, $0x0;
	vm3 =	vlt.s32 v9, v1  }
0x345: {  	vm11 =	vlt.s32 v7, v1;
	[tilespmem:v6+s0+$0x0] =	vst.idx.add.f32.msk vm0, v10;
	v8 =	vnsel vm9, $0x0, v8;
	vm1 =	vmand vm1, vm3  }
0x346: {  	vm10 =	vgt.s32 v12, $0x0;
	v10 =	vld [tilespmem:s15+$0x14140];
	v8 =	vmin.u32 v8, $0x9C3F;
	vm3 =	vge.s32 v7, v0  }
0x347: {  	v12 =	vnsel vm10, $0x0, v12;
	v6 =	vsub.s32 v13, v0;
	v13 =	vld [tilespmem:s15+$0x15140];
	vm3 =	vmand vm3, vm11  }
0x348: {  	s22 =	sadd.s32 $0x10, s18;
	v12 =	vmin.u32 v12, $0x9C3F;
	v4 =	vld.idx.msk [tilespmem:v4+s2+$0x0], vm2  }
0x349: {  	s5 =	scvt.s32.f32 s22;
	vm12 =	vlt.s32 v11, v1;
	vm0 =	vge.s32 v11, v0;
	v5 =	vsub.s32 v5, v0  }
0x34a: {  	vm13 =	vgt.s32 v6, $0x0;
	vm4 =	vmand vm0, vm12;
	vm0 =	vgt.s32 v5, $0x0  }
0x34b: {  	s25 =	sadd.s32 $0x30, s1;
	v14 =	vadd.f32 s5, v3;
	v6 =	vnsel vm13, $0x0, v6;
	v5 =	vnsel vm0, $0x0, v5;
	v8 =	vld.idx.msk [tilespmem:v8+s2+$0x0], vm1  }
0x34c: {  	s5 =	scvt.s32.f32 s25;
	v9 =	vsub.s32 v9, v0;
	v6 =	vmin.u32 v6, $0x9C3F;
	v15 =	vmin.u32 v5, $0x270F  }
0x34d: {  	s26 =	sadd.s32 $0x20, s24;
	v10 =	vsub.s32 v10, v0;
	vm0 =	vge.s32 v13, v0;
	v12 =	vld.idx.msk [tilespmem:v12+s2+$0x0], vm3;
	vm14 =	veq.f32 v4, v14  }
0x34e: {  	vm9 =	vlt.s32 v13, v1;
	v14 =	vadd.f32 s5, v3;
	s5 =	scvt.s32.f32 s26;
	vm2 =	vmand vm2, vm14  }
0x34f: {  	v16 =	vld [tilespmem:s9+$0x16110];
	v7 =	vsub.s32 v7, v0;
	vm7 =	vgt.s32 v10, $0x0;
	vm0 =	vmand vm0, vm9  }
0x350: {  	v5 =	vnsel vm7, $0x0, v10;
	vm10 =	veq.f32 v8, v14;
	v14 =	vadd.f32 s5, v3  }
0x351: {  	v17 =	vld [tilespmem:s16+$0x16130];
	vm15 =	vgt.s32 v9, $0x0;
	vm11 =	vgt.s32 v7, $0x0;
	v10 =	vmin.u32 v5, $0x9C3F  }
0x352: {  	s26 =	sadd.s32 $0x50, s18;
	v8 =	vnsel vm15, $0x0, v9;
	v9 =	vld.idx.msk [tilespmem:v6+s2+$0x0], vm4;
	vm1 =	vmand vm1, vm10;
	vm12 =	veq.f32 v12, v14  }
0x353: {  	v7 =	vnsel vm11, $0x0, v7;
	v4 =	vld [tilespmem:s17+$0x16120];
	s6 =	scvt.s32.f32 s26;
	v6 =	vmin.u32 v8, $0x270F;
	vm3 =	vmand vm3, vm12  }
0x354: {  	v7 =	vmin.u32 v7, $0x270F;
	[tilespmem:v15+s0+$0x0] =	vst.idx.add.f32.msk vm2, v16  }
0x355: {  	v8 =	vadd.f32 s6, v3;
	v12 =	vadd.s32 $0x2710, v15;
	v14 =	vld [tilespmem:s9+$0x17110]  }
0x356: {  	v11 =	vsub.s32 v11, v0;
	v18 =	vld.idx.msk [tilespmem:v10+s2+$0x0], vm0  }
0x357: {  	vm13 =	vgt.s32 v11, $0x0;
	v16 =	vld [tilespmem:s10+$0x16100];
	vm14 =	veq.f32 v9, v8  }
0x358: {  	v8 =	vnsel vm13, $0x0, v11;
	vm4 =	vmand vm4, vm14;
	[tilespmem:v6+s0+$0x0] =	vst.idx.add.f32.msk vm1, v17  }
0x359: {  	v8 =	vmin.u32 v8, $0x270F;
	[tilespmem:v7+s0+$0x0] =	vst.idx.add.f32.msk vm3, v4  }
0x35a: {  	[tilespmem:v12+s0+$0x0] =	vst.idx.add.f32.msk vm2, v14  }
0x35b: {  	v4 =	vadd.s32 $0x2710, v7;
	v12 =	vld [tilespmem:s17+$0x17120]  }
0x35c: {  	v10 =	vadd.s32 $0x4E20, v15;
	v11 =	vld [tilespmem:s9+$0x18110]  }
0x35d: {  	v9 =	vld [tilespmem:s16+$0x17130]  }
0x35e: {  	[tilespmem:v8+s0+$0x0] =	vst.idx.add.f32.msk vm4, v16  }
0x35f: {  	v14 =	vadd.s32 $0x2710, v8;
	v16 =	vld [tilespmem:s10+$0x17100]  }
0x360: {  	[tilespmem:v4+s0+$0x0] =	vst.idx.add.f32.msk vm3, v12  }
0x361: {  	v4 =	vadd.s32 $0x2710, v6;
	[tilespmem:v10+s0+$0x0] =	vst.idx.add.f32.msk vm2, v11  }
0x362: {  	v10 =	vadd.s32 $0x7530, v15;
	v12 =	vld [tilespmem:s17+$0x18120];
	v15 =	vadd.s32 $0x4E20, v7  }
0x363: {  	v11 =	vld [tilespmem:s9+$0x19110]  }
0x364: {  	[tilespmem:v14+s0+$0x0] =	vst.idx.add.f32.msk vm4, v16  }
0x365: {  	v14 =	vadd.s32 $0x4E20, v8;
	v16 =	vld [tilespmem:s10+$0x18100]  }
0x366: {  	[tilespmem:v4+s0+$0x0] =	vst.idx.add.f32.msk vm1, v9  }
0x367: {  	[tilespmem:v15+s0+$0x0] =	vst.idx.add.f32.msk vm3, v12  }
0x368: {  	[tilespmem:v10+s0+$0x0] =	vst.idx.add.f32.msk vm2, v11  }
0x369: {  	v9 =	vld [tilespmem:s9+$0x15120]  }
0x36a: {  	[tilespmem:v14+s0+$0x0] =	vst.idx.add.f32.msk vm4, v16  }
0x36b: {  	v4 =	vadd.s32 $0x7530, v8;
	v10 =	vld [tilespmem:s10+$0x19100]  }
0x36c: {  	v12 =	vadd.s32 $0x7530, v7;
	v11 =	vld [tilespmem:s17+$0x19120]  }
0x36d: {  	v5 =	vld [tilespmem:s15+$0x16140]  }
0x36e: {  	v8 =	vld [tilespmem:s16+$0x18130]  }
0x36f: {  	s19 =	sadd.s32 $0x40, s13;
	v15 =	vld [tilespmem:s9+$0x14120]  }
0x370: {  	s7 =	smov.u32 s31;
	s1 =	sadd.s32 $0x40, s1;
	s5 =	scvt.s32.f32 s19;
	[tilespmem:v4+s0+$0x0] =	vst.idx.add.f32.msk vm4, v10;
	v10 =	vsub.s32 v9, v0  }
0x371: {  	s1 =	scvt.s32.f32 s1;
	s21 =	sadd.s32 $0x40, s24;
	s22 =	sadd.s32 $0x30, s18;
	[tilespmem:v12+s0+$0x0] =	vst.idx.add.f32.msk vm3, v11;
	vm15 =	vgt.s32 v10, $0x0  }
0x372: {  	s29 =	scvt.s32.f32 s21;
	s21 =	sadd.s32 $0x20, s18;
	s18 =	sadd.s32 $0x40, s18;
	v14 =	vadd.f32 s5, v3;
	v16 =	vld [tilespmem:s10+$0x14110];
	v12 =	vnsel vm15, $0x0, v10;
	v10 =	vadd.s32 $0x4E20, v6  }
0x373: {  	s21 =	scvt.s32.f32 s21;
	s30 =	scvt.s32.f32 s18;
	s19 =	sadd.s32 $0x30, s24;
	v4 =	vsub.s32 v13, v0;
	v13 =	vld [tilespmem:s10+$0x15110]  }
0x374: {  	s24 =	scvt.s32.f32 s22;
	s22 =	sadd.s32 $0x20, s26;
	s25 =	scvt.s32.f32 s19;
	v7 =	vld [tilespmem:s9+$0x16120];
	vm3 =	veq.f32 v18, v14;
	vm2 =	vgt.s32 v4, $0x0  }
0x375: {  	s19 =	sadd.s32 $0x30, s26;
	s22 =	scvt.s32.f32 s22;
	s6 =	sadd.s32 $0x40, s26;
	v14 =	vld [tilespmem:s17+$0x14130];
	vm0 =	vmand vm0, vm3;
	v4 =	vnsel vm2, $0x0, v4  }
0x376: {  	s18 =	simm.s32 $0x640;
	s28 =	scvt.s32.f32 s19;
	s31 =	scvt.s32.f32 s6;
	v15 =	vsub.s32 v15, v0;
	v11 =	vld [tilespmem:s17+$0x15130];
	vm2 =	vge.s32 v9, v0;
	v4 =	vmin.u32 v4, $0x270F  }
.LBB2_15:
0x377: {  	s19 =	sshra.s32 s18, $0x2;
	p0 =	sne.s32 s18, $0x1E00;
	s18 =	sadd.s32 $0x140, s18;
	v16 =	vsub.s32 v16, v0;
	[tilespmem:v10+s0+$0x0] =	vst.idx.add.f32.msk vm1, v8;
	v6 =	vadd.s32 $0x7530, v6  }
0x378: {  	v10 =	vld [tilespmem:s19+$0x14100];
	vm3 =	vge.s32 v13, v0;
	vm4 =	vlt.s32 v13, v1;
	vm5 =	vgt.s32 v16, $0x0  }
0x379: {  	v17 =	vadd.s32 $0x2710, v4;
	vm3 =	vmand vm3, vm4;
	v8 =	vnsel vm5, $0x0, v16;
	v16 =	vld [tilespmem:s16+$0x19130]  }
0x37a: {  	vm4 =	vgt.s32 v15, $0x0;
	v18 =	vld [tilespmem:s19+$0x15100];
	v19 =	vmin.u32 v8, $0x9C3F;
	v8 =	vsub.s32 v14, v0  }
0x37b: {  	vm5 =	vge.s32 v11, v0;
	vm6 =	vlt.s32 v11, v1;
	vm7 =	vgt.s32 v8, $0x0;
	[tilespmem:v4+s0+$0x0] =	vst.idx.add.f32.msk vm0, v5  }
0x37c: {  	v5 =	vsub.s32 v11, v0;
	vm6 =	vmand vm5, vm6;
	v11 =	vnsel vm7, $0x0, v8;
	v14 =	vld [tilespmem:s15+$0x17140]  }
0x37d: {  	v8 =	vmin.u32 v12, $0x270F;
	vm5 =	vgt.s32 v5, $0x0;
	v11 =	vmin.u32 v11, $0x9C3F;
	v12 =	vld [tilespmem:s17+$0x16130]  }
0x37e: {  	vm7 =	vlt.s32 v9, v1;
	v9 =	vnsel vm4, $0x0, v15;
	v15 =	vnsel vm5, $0x0, v5;
	[tilespmem:v6+s0+$0x0] =	vst.idx.add.f32.msk vm1, v16  }
0x37f: {  	v5 =	vsub.s32 v10, v0;
	vm4 =	vmand vm2, vm7;
	vm1 =	vge.s32 v18, v0;
	v6 =	vld.idx.msk [tilespmem:v19+s2+$0x0], vm3  }
0x380: {  	s5 =	sadd.s32 $0x10, s26;
	v9 =	vmin.u32 v9, $0x9C3F;
	vm5 =	vgt.s32 v5, $0x0;
	vm2 =	vlt.s32 v18, v1;
	v10 =	vld [tilespmem:s16+$0x14140]  }
0x381: {  	s5 =	scvt.s32.f32 s5;
	v16 =	vsub.s32 v18, v0;
	v5 =	vnsel vm5, $0x0, v5;
	v18 =	vld [tilespmem:s16+$0x15140]  }
0x382: {  	vm5 =	vmand vm1, vm2;
	v19 =	vmin.u32 v5, $0x9C3F;
	v11 =	vld.idx.msk [tilespmem:v11+s2+$0x0], vm6  }
0x383: {  	v20 =	vadd.f32 s25, v3;
	s25 =	smov.u32 s24;
	s24 =	smov.u32 s28;
	v5 =	vadd.f32 s5, v3;
	[tilespmem:v17+s0+$0x0] =	vst.idx.add.f32.msk vm0, v14  }
0x384: {  	v13 =	vsub.s32 v13, v0;
	v14 =	vadd.f32 s21, v3;
	v17 =	vadd.s32 $0x4E20, v4;
	s21 =	smov.u32 s22;
	v21 =	vld [tilespmem:s15+$0x18140]  }
0x385: {  	vm1 =	vgt.s32 v13, $0x0;
	vm2 =	veq.f32 v6, v5;
	v9 =	vld.idx.msk [tilespmem:v9+s2+$0x0], vm4;
	v6 =	vsub.s32 v10, v0  }
0x386: {  	s26 =	sadd.s32 $0x50, s26;
	v10 =	vnsel vm1, $0x0, v13;
	vm2 =	vmand vm3, vm2;
	vm1 =	vge.s32 v18, v0;
	v5 =	vld [tilespmem:s16+$0x16140]  }
0x387: {  	s28 =	sadd.s32 $0x30, s26;
	s5 =	scvt.s32.f32 s26;
	s22 =	sadd.s32 $0x20, s26;
	v10 =	vmin.u32 v10, $0x270F;
	vm3 =	vlt.s32 v18, v1;
	vm7 =	vgt.s32 v6, $0x0;
	v13 =	vld [tilespmem:s10+$0x16110]  }
0x388: {  	s6 =	sadd.s32 $0x40, s26;
	s28 =	scvt.s32.f32 s28;
	s22 =	scvt.s32.f32 s22;
	vm8 =	veq.f32 v11, v20;
	vm3 =	vmand vm1, vm3;
	v6 =	vnsel vm7, $0x0, v6;
	v22 =	vld [tilespmem:s19+$0x16100]  }
0x389: {  	v11 =	vadd.f32 s5, v3;
	s5 =	scvt.s32.f32 s6;
	vm1 =	vmand vm6, vm8;
	v20 =	vmin.u32 v6, $0x9C3F;
	v19 =	vld.idx.msk [tilespmem:v19+s2+$0x0], vm5  }
0x38a: {  	v6 =	vmin.u32 v15, $0x270F;
	v15 =	vsub.s32 v18, v0;
	[tilespmem:v17+s0+$0x0] =	vst.idx.add.f32.msk vm0, v21  }
0x38b: {  	vm7 =	vgt.s32 v15, $0x0;
	vm6 =	veq.f32 v9, v14;
	v14 =	vadd.s32 $0x4E20, v8;
	v9 =	vld [tilespmem:s15+$0x19140];
	s15 =	smov.u32 s16;
	s16 =	smov.u32 s17;
	s17 =	smov.u32 s9  }
0x38c: {  	v4 =	vadd.s32 $0x7530, v4;
	v17 =	vnsel vm7, $0x0, v15;
	s9 =	smov.u32 s10;
	s10 =	smov.u32 s19;
	[tilespmem:v10+s0+$0x0] =	vst.idx.add.f32.msk vm2, v13  }
0x38d: {  	vm7 =	vgt.s32 v16, $0x0;
	v13 =	vadd.s32 $0x2710, v10;
	v15 =	vld [tilespmem:s9+$0x17110]  }
0x38e: {  	v16 =	vnsel vm7, $0x0, v16;
	vm4 =	vmand vm4, vm6;
	v18 =	vld.idx.msk [tilespmem:v20+s2+$0x0], vm3  }
0x38f: {  	v16 =	vmin.u32 v16, $0x270F;
	vm6 =	veq.f32 v19, v11;
	[tilespmem:v6+s0+$0x0] =	vst.idx.add.f32.msk vm1, v12  }
0x390: {  	vm5 =	vmand vm5, vm6;
	v11 =	vld [tilespmem:s16+$0x17130]  }
0x391: {  	[tilespmem:v4+s0+$0x0] =	vst.idx.add.f32.msk vm0, v9  }
0x392: {  	[tilespmem:v13+s0+$0x0] =	vst.idx.add.f32.msk vm2, v15  }
0x393: {  	v4 =	vadd.s32 $0x4E20, v10;
	v9 =	vld [tilespmem:s9+$0x18110]  }
0x394: {  	[tilespmem:v8+s0+$0x0] =	vst.idx.add.f32.msk vm4, v7  }
0x395: {  	v12 =	vadd.s32 $0x2710, v8;
	v7 =	vadd.s32 $0x2710, v16;
	v13 =	vld [tilespmem:s17+$0x17120]  }
0x396: {  	[tilespmem:v16+s0+$0x0] =	vst.idx.add.f32.msk vm5, v22  }
0x397: {  	v15 =	vld [tilespmem:s10+$0x17100]  }
0x398: {  	[tilespmem:v4+s0+$0x0] =	vst.idx.add.f32.msk vm2, v9  }
0x399: {  	v4 =	vadd.s32 $0x7530, v10;
	v9 =	vld [tilespmem:s9+$0x19110]  }
0x39a: {  	v10 =	vadd.s32 $0x2710, v6;
	[tilespmem:v12+s0+$0x0] =	vst.idx.add.f32.msk vm4, v13  }
0x39b: {  	v12 =	vadd.s32 $0x4E20, v16;
	v13 =	vld [tilespmem:s17+$0x18120]  }
0x39c: {  	[tilespmem:v7+s0+$0x0] =	vst.idx.add.f32.msk vm5, v15  }
0x39d: {  	v7 =	vld [tilespmem:s10+$0x18100]  }
0x39e: {  	[tilespmem:v4+s0+$0x0] =	vst.idx.add.f32.msk vm2, v9  }
0x39f: {  	[tilespmem:v10+s0+$0x0] =	vst.idx.add.f32.msk vm1, v11  }
0x3a0: {  	v9 =	vld [tilespmem:s9+$0x15120]  }
0x3a1: {  	v4 =	vadd.s32 $0x7530, v16;
	[tilespmem:v14+s0+$0x0] =	vst.idx.add.f32.msk vm4, v13  }
0x3a2: {  	[tilespmem:v12+s0+$0x0] =	vst.idx.add.f32.msk vm5, v7  }
0x3a3: {  	v10 =	vld [tilespmem:s10+$0x19100]  }
0x3a4: {  	v11 =	vld [tilespmem:s17+$0x19120]  }
0x3a5: {  	vm2 =	vge.s32 v9, v0;
	v7 =	vsub.s32 v9, v0;
	v14 =	vld [tilespmem:s9+$0x14120]  }
0x3a6: {  	v19 =	vadd.s32 $0x7530, v8;
	vm0 =	vgt.s32 v7, $0x0;
	v8 =	vld [tilespmem:s16+$0x18130]  }
0x3a7: {  	v12 =	vnsel vm0, $0x0, v7;
	v7 =	vld [tilespmem:s9+$0x16120]  }
0x3a8: {  	[tilespmem:v4+s0+$0x0] =	vst.idx.add.f32.msk vm5, v10  }
.Ltmp6:
0x3a9: {  	v10 =	vadd.s32 $0x4E20, v6;
	v4 =	vadd.f32 s1, v3;
	s1 =	smov.u32 s29;
	s29 =	smov.u32 s30;
	v16 =	vld [tilespmem:s10+$0x14110];
	(pc) =	sbr.rel @p0 .LBB2_15-.Ltmp6, $4  }
0x3aa: {  	s30 =	smov.u32 s31;
	s31 =	smov.u32 s5;
	v13 =	vld [tilespmem:s10+$0x15110];
	v15 =	vsub.s32 v14, v0  }
0x3ab: {  	vm0 =	veq.f32 v18, v4;
	[tilespmem:v19+s0+$0x0] =	vst.idx.add.f32.msk vm4, v11  }
0x3ac: {  	vm0 =	vmand vm3, vm0;
	v14 =	vld [tilespmem:s17+$0x14130]  }
0x3ad: {  	v4 =	vmin.u32 v17, $0x270F;
	v11 =	vld [tilespmem:s17+$0x15130]  }
0x3ae: {  	v16 =	vsub.s32 v16, v0  }
0x3af: {  	vm3 =	vge.s32 v13, v0;
	vm4 =	vlt.s32 v13, v1;
	vm5 =	vgt.s32 v16, $0x0  }
0x3b0: {  	vm3 =	vmand vm3, vm4;
	v16 =	vnsel vm5, $0x0, v16  }
0x3b1: {  	v16 =	vmin.u32 v16, $0x9C3F;
	_ =	sdelay $0x4  }
0x3b2: {  	s5 =	sadd.s32 $0x10, s26;
	v16 =	vld.idx.msk [tilespmem:v16+s2+$0x0], vm3  }
0x3b3: {  	s5 =	scvt.s32.f32 s5;
	_ =	sdelay $0x1  }
0x3b4: {  	v17 =	vadd.f32 s5, v3  }
0x3b5: {  	v38 =	vsub.s32 v13, v0  }
0x3b6: {  	vm10 =	vgt.s32 v38, $0x0;
	vm11 =	veq.f32 v16, v17  }
0x3b7: {  	v13 =	vnsel vm10, $0x0, v38;
	vm3 =	vmand vm3, vm11  }
0x3b8: {  	v39 =	vld [tilespmem:s10+$0x16110];
	v13 =	vmin.u32 v13, $0x270F;
	_ =	sdelay $0x4  }
0x3b9: {  	[tilespmem:v13+s0+$0x0] =	vst.idx.add.f32.msk vm3, v39  }
0x3ba: {  	v40 =	vadd.s32 $0x2710, v13;
	v41 =	vld [tilespmem:s10+$0x17110];
	_ =	sdelay $0x4  }
0x3bb: {  	[tilespmem:v40+s0+$0x0] =	vst.idx.add.f32.msk vm3, v41  }
0x3bc: {  	v42 =	vadd.s32 $0x4E20, v13;
	v17 =	vld [tilespmem:s10+$0x18110];
	_ =	sdelay $0x4  }
0x3bd: {  	[tilespmem:v42+s0+$0x0] =	vst.idx.add.f32.msk vm3, v17  }
0x3be: {  	v13 =	vadd.s32 $0x7530, v13;
	v16 =	vld [tilespmem:s10+$0x19110];
	_ =	sdelay $0x3  }
0x3bf: {  	vm12 =	vgt.s32 v15, $0x0;
	vm13 =	vlt.s32 v9, v1  }
0x3c0: {  	v43 =	vnsel vm12, $0x0, v15;
	vm2 =	vmand vm2, vm13;
	[tilespmem:v13+s0+$0x0] =	vst.idx.add.f32.msk vm3, v16  }
0x3c1: {  	v9 =	vmin.u32 v43, $0x9C3F;
	v13 =	vld [tilespmem:s10+$0x14120]  }
0x3c2: {  	v16 =	vld [tilespmem:s10+$0x15120];
	_ =	sdelay $0x3  }
0x3c3: {  	v9 =	vld.idx.msk [tilespmem:v9+s2+$0x0], vm2;
	v13 =	vsub.s32 v13, v0  }
0x3c4: {  	vm14 =	vge.s32 v16, v0;
	vm8 =	vlt.s32 v16, v1;
	vm15 =	vgt.s32 v13, $0x0  }
0x3c5: {  	vm3 =	vmand vm14, vm8;
	v13 =	vnsel vm15, $0x0, v13  }
0x3c6: {  	v44 =	vadd.f32 s21, v3;
	v13 =	vmin.u32 v13, $0x9C3F;
	_ =	sdelay $0x1  }
0x3c7: {  	vm9 =	veq.f32 v9, v44  }
0x3c8: {  	vm2 =	vmand vm2, vm9  }
0x3c9: {  	v12 =	vmin.u32 v12, $0x270F  }
0x3ca: {  	v13 =	vld.idx.msk [tilespmem:v13+s2+$0x0], vm3;
	_ =	sdelay $0x2  }
0x3cb: {  	v45 =	vadd.f32 s22, v3  }
0x3cc: {  	[tilespmem:v12+s0+$0x0] =	vst.idx.add.f32.msk vm2, v7;
	v46 =	vsub.s32 v16, v0  }
0x3cd: {  	v49 =	vadd.s32 $0x2710, v12;
	v50 =	vld [tilespmem:s9+$0x17120];
	vm10 =	vgt.s32 v46, $0x0;
	vm11 =	veq.f32 v13, v45  }
0x3ce: {  	v47 =	vnsel vm10, $0x0, v46;
	vm3 =	vmand vm3, vm11  }
0x3cf: {  	v48 =	vld [tilespmem:s10+$0x16120];
	v9 =	vmin.u32 v47, $0x270F;
	_ =	sdelay $0x2  }
0x3d0: {  	[tilespmem:v49+s0+$0x0] =	vst.idx.add.f32.msk vm2, v50  }
0x3d1: {  	v53 =	vadd.s32 $0x4E20, v12;
	v15 =	vld [tilespmem:s9+$0x18120]  }
0x3d2: {  	[tilespmem:v9+s0+$0x0] =	vst.idx.add.f32.msk vm3, v48  }
0x3d3: {  	v51 =	vadd.s32 $0x2710, v9;
	v52 =	vld [tilespmem:s10+$0x17120];
	_ =	sdelay $0x2  }
0x3d4: {  	[tilespmem:v53+s0+$0x0] =	vst.idx.add.f32.msk vm2, v15  }
0x3d5: {  	v7 =	vld [tilespmem:s9+$0x19120]  }
0x3d6: {  	v12 =	vadd.s32 $0x7530, v12;
	[tilespmem:v51+s0+$0x0] =	vst.idx.add.f32.msk vm3, v52  }
0x3d7: {  	v54 =	vadd.s32 $0x4E20, v9;
	v16 =	vld [tilespmem:s10+$0x18120];
	_ =	sdelay $0x1  }
0x3d8: {  	v14 =	vsub.s32 v14, v0  }
0x3d9: {  	vm12 =	vge.s32 v11, v0;
	vm13 =	vlt.s32 v11, v1;
	vm6 =	vgt.s32 v14, $0x0  }
0x3da: {  	vm4 =	vmand vm12, vm13;
	v14 =	vnsel vm6, $0x0, v14;
	[tilespmem:v12+s0+$0x0] =	vst.idx.add.f32.msk vm2, v7  }
0x3db: {  	v14 =	vmin.u32 v14, $0x9C3F;
	[tilespmem:v54+s0+$0x0] =	vst.idx.add.f32.msk vm3, v16  }
0x3dc: {  	v9 =	vadd.s32 $0x7530, v9;
	v13 =	vld [tilespmem:s10+$0x19120]  }
0x3dd: {  	v7 =	vld [tilespmem:s9+$0x14130]  }
0x3de: {  	v12 =	vld [tilespmem:s9+$0x15130];
	_ =	sdelay $0x1  }
0x3df: {  	v14 =	vld.idx.msk [tilespmem:v14+s2+$0x0], vm4  }
0x3e0: {  	[tilespmem:v9+s0+$0x0] =	vst.idx.add.f32.msk vm3, v13  }
0x3e1: {  	v56 =	vadd.f32 s25, v3;
	v13 =	vld [tilespmem:s10+$0x14130]  }
0x3e2: {  	v55 =	vsub.s32 v11, v0;
	v7 =	vsub.s32 v7, v0;
	vm9 =	vge.s32 v12, v0;
	v57 =	vld [tilespmem:s10+$0x15130]  }
0x3e3: {  	vm14 =	vgt.s32 v55, $0x0;
	vm10 =	vlt.s32 v12, v1;
	vm11 =	vgt.s32 v7, $0x0  }
0x3e4: {  	vm15 =	veq.f32 v14, v56;
	v7 =	vnsel vm11, $0x0, v7;
	vm3 =	vmand vm9, vm10  }
0x3e5: {  	vm2 =	vmand vm4, vm15;
	v7 =	vmin.u32 v7, $0x9C3F;
	v9 =	vnsel vm14, $0x0, v55  }
0x3e6: {  	v59 =	vld [tilespmem:s17+$0x16130];
	v9 =	vmin.u32 v9, $0x270F;
	v58 =	vsub.s32 v13, v0  }
0x3e7: {  	[tilespmem:v10+s0+$0x0] =	vst.idx.add.f32.msk vm1, v8;
	vm12 =	vge.s32 v57, v0;
	vm13 =	vlt.s32 v57, v1;
	vm14 =	vgt.s32 v58, $0x0  }
0x3e8: {  	v6 =	vadd.s32 $0x7530, v6;
	v10 =	vld [tilespmem:s16+$0x19130];
	vm4 =	vmand vm12, vm13;
	v60 =	vnsel vm14, $0x0, v58  }
0x3e9: {  	[tilespmem:v4+s0+$0x0] =	vst.idx.add.f32.msk vm0, v5;
	v8 =	vmin.u32 v60, $0x9C3F  }
0x3ea: {  	v5 =	vld.idx.msk [tilespmem:v7+s2+$0x0], vm3  }
0x3eb: {  	[tilespmem:v9+s0+$0x0] =	vst.idx.add.f32.msk vm2, v59  }
0x3ec: {  	v62 =	vadd.s32 $0x2710, v9;
	v61 =	vld [tilespmem:s17+$0x17130]  }
0x3ed: {  	v63 =	vadd.f32 s24, v3;
	[tilespmem:v6+s0+$0x0] =	vst.idx.add.f32.msk vm1, v10  }
0x3ee: {  	v14 =	vsub.s32 v12, v0;
	v8 =	vld.idx.msk [tilespmem:v8+s2+$0x0], vm4  }
0x3ef: {  	v10 =	vld [tilespmem:s16+$0x14140];
	vm15 =	vgt.s32 v14, $0x0;
	vm8 =	veq.f32 v5, v63  }
0x3f0: {  	v17 =	vld [tilespmem:s9+$0x16130];
	v6 =	vnsel vm15, $0x0, v14;
	vm9 =	vmand vm3, vm8  }
0x3f1: {  	v6 =	vmin.u32 v6, $0x270F;
	v16 =	vadd.f32 s28, v3;
	[tilespmem:v62+s0+$0x0] =	vst.idx.add.f32.msk vm2, v61  }
0x3f2: {  	v19 =	vadd.s32 $0x4E20, v9;
	v18 =	vsub.s32 v57, v0;
	v7 =	vld [tilespmem:s17+$0x18130]  }
0x3f3: {  	v22 =	vld [tilespmem:s16+$0x16140];
	vm10 =	vgt.s32 v18, $0x0;
	vm11 =	veq.f32 v8, v16  }
0x3f4: {  	v21 =	vld [tilespmem:s10+$0x16130];
	v20 =	vnsel vm10, $0x0, v18;
	vm12 =	vmand vm4, vm11  }
0x3f5: {  	v11 =	vmin.u32 v20, $0x270F;
	v5 =	vld [tilespmem:s16+$0x15140]  }
0x3f6: {  	[tilespmem:v6+s0+$0x0] =	vst.idx.add.f32.msk vm9, v17  }
0x3f7: {  	[tilespmem:v19+s0+$0x0] =	vst.idx.add.f32.msk vm2, v7  }
0x3f8: {  	v23 =	vadd.s32 $0x2710, v6;
	v13 =	vld [tilespmem:s9+$0x17130]  }
0x3f9: {  	v27 =	vld [tilespmem:s17+$0x19130]  }
0x3fa: {  	v9 =	vadd.s32 $0x7530, v9;
	[tilespmem:v11+s0+$0x0] =	vst.idx.add.f32.msk vm12, v21  }
0x3fb: {  	v26 =	vadd.s32 $0x2710, v11;
	v25 =	vld [tilespmem:s10+$0x17130]  }
0x3fc: {  	v10 =	vsub.s32 v10, v0;
	v39 =	vld [tilespmem:s15+$0x17140]  }
0x3fd: {  	vm15 =	vgt.s32 v10, $0x0;
	[tilespmem:v23+s0+$0x0] =	vst.idx.add.f32.msk vm9, v13  }
0x3fe: {  	v28 =	vadd.s32 $0x4E20, v6;
	vm13 =	vge.s32 v5, v0;
	vm14 =	vlt.s32 v5, v1;
	v13 =	vld [tilespmem:s9+$0x18130]  }
0x3ff: {  	v10 =	vnsel vm15, $0x0, v10;
	vm4 =	vmand vm13, vm14;
	[tilespmem:v9+s0+$0x0] =	vst.idx.add.f32.msk vm2, v27  }
0x400: {  	v24 =	vmin.u32 v10, $0x9C3F;
	[tilespmem:v26+s0+$0x0] =	vst.idx.add.f32.msk vm12, v25  }
0x401: {  	v29 =	vadd.s32 $0x4E20, v11;
	v8 =	vld [tilespmem:s10+$0x18130]  }
0x402: {  	v12 =	vld [tilespmem:s17+$0x14140]  }
0x403: {  	[tilespmem:v28+s0+$0x0] =	vst.idx.add.f32.msk vm9, v13  }
0x404: {  	v6 =	vadd.s32 $0x7530, v6;
	v30 =	vld [tilespmem:s9+$0x19130]  }
0x405: {  	v7 =	vld.idx.msk [tilespmem:v24+s2+$0x0], vm4  }
0x406: {  	[tilespmem:v29+s0+$0x0] =	vst.idx.add.f32.msk vm12, v8  }
0x407: {  	v31 =	vadd.s32 $0x7530, v11;
	v10 =	vld [tilespmem:s10+$0x19130]  }
0x408: {  	v33 =	vld [tilespmem:s17+$0x15140]  }
0x409: {  	[tilespmem:v6+s0+$0x0] =	vst.idx.add.f32.msk vm9, v30  }
0x40a: {  	v32 =	vadd.f32 s1, v3;
	v6 =	vld [tilespmem:s9+$0x14140]  }
0x40b: {  	v35 =	vadd.s32 $0x2710, v4;
	v5 =	vsub.s32 v5, v0;
	v34 =	vld [tilespmem:s9+$0x15140]  }
0x40c: {  	v42 =	vadd.s32 $0x4E20, v4;
	vm6 =	vgt.s32 v5, $0x0;
	vm7 =	veq.f32 v7, v32;
	[tilespmem:v31+s0+$0x0] =	vst.idx.add.f32.msk vm12, v10  }
0x40d: {  	v5 =	vnsel vm6, $0x0, v5;
	v36 =	vsub.s32 v12, v0;
	vm1 =	vmand vm4, vm7;
	v10 =	vld [tilespmem:s10+$0x14140]  }
0x40e: {  	v5 =	vmin.u32 v5, $0x270F;
	vm8 =	vge.s32 v33, v0;
	vm9 =	vgt.s32 v36, $0x0;
	v38 =	vld [tilespmem:s10+$0x15140]  }
0x40f: {  	vm10 =	vlt.s32 v33, v1;
	v9 =	vnsel vm9, $0x0, v36;
	v6 =	vsub.s32 v6, v0  }
0x410: {  	vm2 =	vmand vm8, vm10;
	v9 =	vmin.u32 v9, $0x9C3F;
	vm11 =	vgt.s32 v6, $0x0  }
0x411: {  	[tilespmem:v35+s0+$0x0] =	vst.idx.add.f32.msk vm0, v39;
	vm13 =	vlt.s32 v34, v1;
	vm12 =	vge.s32 v34, v0;
	v6 =	vnsel vm11, $0x0, v6  }
0x412: {  	v41 =	vld [tilespmem:s15+$0x18140];
	vm3 =	vmand vm12, vm13;
	v6 =	vmin.u32 v6, $0x9C3F;
	v10 =	vsub.s32 v10, v0  }
0x413: {  	[tilespmem:v5+s0+$0x0] =	vst.idx.add.f32.msk vm1, v22;
	vm14 =	vge.s32 v38, v0;
	vm15 =	vlt.s32 v38, v1;
	vm9 =	vgt.s32 v10, $0x0  }
0x414: {  	v37 =	vadd.s32 $0x2710, v5;
	v14 =	vld [tilespmem:s16+$0x17140];
	vm4 =	vmand vm14, vm15;
	v40 =	vnsel vm9, $0x0, v10  }
0x415: {  	v8 =	vmin.u32 v40, $0x9C3F  }
0x416: {  	v9 =	vld.idx.msk [tilespmem:v9+s2+$0x0], vm2  }
0x417: {  	[tilespmem:v42+s0+$0x0] =	vst.idx.add.f32.msk vm0, v41  }
0x418: {  	v6 =	vld.idx.msk [tilespmem:v6+s2+$0x0], vm3  }
0x419: {  	v44 =	vadd.f32 s29, v3;
	[tilespmem:v37+s0+$0x0] =	vst.idx.add.f32.msk vm1, v14  }
0x41a: {  	v49 =	vadd.f32 s31, v3;
	v46 =	vadd.f32 s30, v3;
	v13 =	vsub.s32 v33, v0;
	v8 =	vld.idx.msk [tilespmem:v8+s2+$0x0], vm4  }
0x41b: {  	v43 =	vadd.s32 $0x4E20, v5;
	vm10 =	vgt.s32 v13, $0x0;
	v14 =	vld [tilespmem:s16+$0x18140];
	vm11 =	veq.f32 v9, v44  }
0x41c: {  	v47 =	vld [tilespmem:s15+$0x19140];
	v45 =	vnsel vm10, $0x0, v13;
	v7 =	vsub.s32 v34, v0;
	vm2 =	vmand vm2, vm11  }
0x41d: {  	v48 =	vld [tilespmem:s17+$0x16140];
	vm12 =	vgt.s32 v7, $0x0;
	v10 =	vmin.u32 v45, $0x270F;
	vm13 =	veq.f32 v6, v46  }
0x41e: {  	v51 =	vld [tilespmem:s9+$0x16140];
	v7 =	vnsel vm12, $0x0, v7;
	v50 =	vsub.s32 v38, v0;
	vm3 =	vmand vm3, vm13  }
0x41f: {  	v54 =	vld [tilespmem:s10+$0x16140];
	v7 =	vmin.u32 v7, $0x270F;
	vm14 =	vgt.s32 v50, $0x0;
	vm15 =	veq.f32 v8, v49  }
0x420: {  	[tilespmem:v43+s0+$0x0] =	vst.idx.add.f32.msk vm1, v14;
	v53 =	vnsel vm14, $0x0, v50;
	vm4 =	vmand vm4, vm15  }
0x421: {  	v52 =	vld [tilespmem:s16+$0x19140];
	v8 =	vmin.u32 v53, $0x270F  }
0x422: {  	[tilespmem:v10+s0+$0x0] =	vst.idx.add.f32.msk vm2, v48  }
0x423: {  	v55 =	vadd.s32 $0x2710, v10;
	v56 =	vld [tilespmem:s17+$0x17140]  }
0x424: {  	[tilespmem:v7+s0+$0x0] =	vst.idx.add.f32.msk vm3, v51  }
0x425: {  	v57 =	vadd.s32 $0x2710, v7;
	v58 =	vld [tilespmem:s9+$0x17140]  }
0x426: {  	[tilespmem:v8+s0+$0x0] =	vst.idx.add.f32.msk vm4, v54  }
0x427: {  	v59 =	vadd.s32 $0x2710, v8;
	v60 =	vld [tilespmem:s10+$0x17140]  }
0x428: {  	[tilespmem:v55+s0+$0x0] =	vst.idx.add.f32.msk vm2, v56  }
0x429: {  	v61 =	vadd.s32 $0x4E20, v10;
	v14 =	vld [tilespmem:s17+$0x18140]  }
0x42a: {  	[tilespmem:v57+s0+$0x0] =	vst.idx.add.f32.msk vm3, v58  }
0x42b: {  	v62 =	vadd.s32 $0x4E20, v7;
	v15 =	vld [tilespmem:s9+$0x18140]  }
0x42c: {  	[tilespmem:v59+s0+$0x0] =	vst.idx.add.f32.msk vm4, v60  }
0x42d: {  	v63 =	vadd.s32 $0x4E20, v8;
	v16 =	vld [tilespmem:s10+$0x18140]  }
0x42e: {  	[tilespmem:v61+s0+$0x0] =	vst.idx.add.f32.msk vm2, v14  }
0x42f: {  	v4 =	vadd.s32 $0x7530, v4;
	v12 =	vld [tilespmem:s17+$0x19140]  }
0x430: {  	v5 =	vadd.s32 $0x7530, v5;
	[tilespmem:v62+s0+$0x0] =	vst.idx.add.f32.msk vm3, v15  }
0x431: {  	v10 =	vadd.s32 $0x7530, v10;
	v11 =	vld [tilespmem:s9+$0x19140]  }
0x432: {  	s14 =	sadd.s32 $0x1, s14;
	v7 =	vadd.s32 $0x7530, v7;
	[tilespmem:v63+s0+$0x0] =	vst.idx.add.f32.msk vm4, v16  }
0x433: {  	p0 =	sne.s32 s14, $0x7;
	v8 =	vadd.s32 $0x7530, v8;
	v9 =	vld [tilespmem:s10+$0x19140]  }
.Ltmp7:
0x434: {  	[tilespmem:v4+s0+$0x0] =	vst.idx.add.f32.msk vm0, v47;
	(pc) =	sbr.rel @p0 .LBB2_12-.Ltmp7, $4  }
0x435: {  	[tilespmem:v5+s0+$0x0] =	vst.idx.add.f32.msk vm1, v52  }
0x436: {  	[tilespmem:v10+s0+$0x0] =	vst.idx.add.f32.msk vm2, v12  }
0x437: {  	s12 =	sadd.s32 $0xFA0, s12;
	s13 =	sadd.s32 $0xFA0, s13;
	s29 =	simm.s32 $0x15100;
	[tilespmem:v7+s0+$0x0] =	vst.idx.add.f32.msk vm3, v11  }
0x438: {  	s31 =	smov.u32 s7;
	s7 =	simm.s32 $0x13900;
	s28 =	simm.s32 $0x14100;
	[tilespmem:v8+s0+$0x0] =	vst.idx.add.f32.msk vm4, v9  }
0x439: {  	_ =	swait.ge [sflag:s20], $0x7D0  }
0x43a: {  	[sflag:s20] =	ssyncset.done $0x0  }
0x43b: {  	[sflag:s20] =	ssyncadd.s32 $0xFFFFF830  }
0x43c: {  	_ =	swait.ge [sflag:s20], $0x7D0  }
0x43d: {  	[sflag:s20] =	ssyncset.done $0x0  }
0x43e: {  	[sflag:s20] =	ssyncadd.s32 $0xFFFFF830  }
0x43f: {  	_ =	swait.ge [sflag:s20], $0x7D0  }
0x440: {  	[sflag:s20] =	ssyncset.done $0x0  }
0x441: {  	[sflag:s20] =	ssyncadd.s32 $0xFFFFF830  }
0x442: {  	_ =	swait.ge [sflag:s20], $0x7D0  }
0x443: {  	[sflag:s20] =	ssyncset.done $0x0  }
0x444: {  	[sflag:s20] =	ssyncadd.s32 $0xFFFFF830  }
0x445: {  	_ =	swait.ge [sflag:s20], $0x7D0  }
0x446: {  	[sflag:s20] =	ssyncset.done $0x0  }
0x447: {  	[sflag:s20] =	ssyncadd.s32 $0xFFFFF830  }
0x448: {  	_ =	swait.ge [sflag:s20], $0x7D0  }
0x449: {  	[sflag:s20] =	ssyncset.done $0x0  }
0x44a: {  	s11 =	simm.s32 $0x0;
	[sflag:s20] =	ssyncadd.s32 $0xFFFFF830  }
0x44b: {  	v4 =	vld [tilespmem:s11+$0x13900]  }
0x44c: {  	v5 =	vld [tilespmem:s11+$0x14900];
	_ =	sdelay $0x3  }
0x44d: {  	v4 =	vsub.s32 v4, v0  }
0x44e: {  	vm0 =	vge.s32 v5, v0;
	vm1 =	vlt.s32 v5, v1;
	vm2 =	vgt.s32 v4, $0x0  }
0x44f: {  	vm0 =	vmand vm0, vm1;
	v4 =	vnsel vm2, $0x0, v4  }
0x450: {  	v4 =	vmin.u32 v4, $0x9C3F;
	_ =	sdelay $0x4  }
0x451: {  	s1 =	simm.s32 $0x6D61;
	v4 =	vld.idx.msk [tilespmem:v4+s2+$0x0], vm0  }
0x452: {  	s1 =	scvt.s32.f32 s1;
	_ =	sdelay $0x1  }
0x453: {  	v6 =	vadd.f32 s1, v3  }
0x454: {  	v5 =	vsub.s32 v5, v0  }
0x455: {  	vm1 =	vgt.s32 v5, $0x0;
	vm2 =	veq.f32 v4, v6  }
0x456: {  	v4 =	vnsel vm1, $0x0, v5;
	vm0 =	vmand vm0, vm2  }
0x457: {  	v5 =	vld [tilespmem:s11+$0x15900];
	v4 =	vmin.u32 v4, $0x270F;
	_ =	sdelay $0x4  }
0x458: {  	[tilespmem:v4+s0+$0x0] =	vst.idx.add.f32.msk vm0, v5  }
0x459: {  	v5 =	vadd.s32 $0x2710, v4;
	v6 =	vld [tilespmem:s11+$0x16900];
	_ =	sdelay $0x4  }
0x45a: {  	[tilespmem:v5+s0+$0x0] =	vst.idx.add.f32.msk vm0, v6  }
0x45b: {  	v5 =	vadd.s32 $0x4E20, v4;
	v6 =	vld [tilespmem:s11+$0x17900];
	_ =	sdelay $0x4  }
0x45c: {  	[tilespmem:v5+s0+$0x0] =	vst.idx.add.f32.msk vm0, v6  }
0x45d: {  	v4 =	vadd.s32 $0x7530, v4;
	v5 =	vld [tilespmem:s11+$0x18900];
	_ =	sdelay $0x4  }
0x45e: {  	[tilespmem:v4+s0+$0x0] =	vst.idx.add.f32.msk vm0, v5  }
0x45f: {  	v4 =	vld [tilespmem:s11+$0x13910]  }
0x460: {  	v5 =	vld [tilespmem:s11+$0x14910]  }
0x461: {  	s12 =	simm.s32 $0x50  }
0x462: {  	v6 =	vld [tilespmem:s12+$0x13900]  }
0x463: {  	v7 =	vld [tilespmem:s12+$0x14900]  }
0x464: {  	v4 =	vsub.s32 v4, v0  }
0x465: {  	vm1 =	vge.s32 v5, v0;
	vm2 =	vlt.s32 v5, v1;
	vm0 =	vgt.s32 v4, $0x0  }
0x466: {  	v4 =	vnsel vm0, $0x0, v4;
	vm0 =	vmand vm1, vm2  }
0x467: {  	v6 =	vsub.s32 v6, v0;
	v4 =	vmin.u32 v4, $0x9C3F  }
0x468: {  	vm3 =	vgt.s32 v6, $0x0;
	vm1 =	vge.s32 v7, v0;
	vm2 =	vlt.s32 v7, v1  }
0x469: {  	v6 =	vnsel vm3, $0x0, v6;
	vm1 =	vmand vm1, vm2  }
0x46a: {  	v6 =	vmin.u32 v6, $0x9C3F;
	_ =	sdelay $0x1  }
0x46b: {  	s5 =	simm.s32 $0x6D71;
	v4 =	vld.idx.msk [tilespmem:v4+s2+$0x0], vm0  }
0x46c: {  	s1 =	scvt.s32.f32 s5;
	_ =	sdelay $0x1  }
0x46d: {  	s5 =	simm.s32 $0x6DB1;
	v8 =	vadd.f32 s1, v3;
	v6 =	vld.idx.msk [tilespmem:v6+s2+$0x0], vm1  }
0x46e: {  	s6 =	scvt.s32.f32 s5;
	v5 =	vsub.s32 v5, v0  }
0x46f: {  	vm2 =	vgt.s32 v5, $0x0;
	vm3 =	veq.f32 v4, v8  }
0x470: {  	v5 =	vnsel vm2, $0x0, v5;
	v4 =	vadd.f32 s6, v3;
	vm0 =	vmand vm0, vm3  }
0x471: {  	v7 =	vsub.s32 v7, v0;
	v5 =	vmin.u32 v5, $0x270F;
	v8 =	vld [tilespmem:s11+$0x15910]  }
0x472: {  	vm2 =	vgt.s32 v7, $0x0;
	vm3 =	veq.f32 v6, v4  }
0x473: {  	v4 =	vnsel vm2, $0x0, v7;
	vm1 =	vmand vm1, vm3  }
0x474: {  	v6 =	vld [tilespmem:s12+$0x15900];
	v4 =	vmin.u32 v4, $0x270F;
	_ =	sdelay $0x1  }
0x475: {  	[tilespmem:v5+s0+$0x0] =	vst.idx.add.f32.msk vm0, v8  }
0x476: {  	v7 =	vadd.s32 $0x2710, v5;
	v8 =	vld [tilespmem:s11+$0x16910];
	_ =	sdelay $0x1  }
0x477: {  	[tilespmem:v4+s0+$0x0] =	vst.idx.add.f32.msk vm1, v6  }
0x478: {  	v6 =	vadd.s32 $0x2710, v4;
	v9 =	vld [tilespmem:s12+$0x16900];
	_ =	sdelay $0x1  }
0x479: {  	[tilespmem:v7+s0+$0x0] =	vst.idx.add.f32.msk vm0, v8  }
0x47a: {  	v7 =	vadd.s32 $0x4E20, v5;
	v8 =	vld [tilespmem:s11+$0x17910];
	_ =	sdelay $0x1  }
0x47b: {  	[tilespmem:v6+s0+$0x0] =	vst.idx.add.f32.msk vm1, v9  }
0x47c: {  	v6 =	vadd.s32 $0x4E20, v4;
	v9 =	vld [tilespmem:s12+$0x17900];
	_ =	sdelay $0x1  }
0x47d: {  	[tilespmem:v7+s0+$0x0] =	vst.idx.add.f32.msk vm0, v8  }
0x47e: {  	v5 =	vadd.s32 $0x7530, v5;
	v7 =	vld [tilespmem:s11+$0x18910];
	_ =	sdelay $0x1  }
0x47f: {  	[tilespmem:v6+s0+$0x0] =	vst.idx.add.f32.msk vm1, v9  }
0x480: {  	v4 =	vadd.s32 $0x7530, v4;
	v6 =	vld [tilespmem:s12+$0x18900];
	_ =	sdelay $0x1  }
0x481: {  	s13 =	simm.s32 $0xA0;
	[tilespmem:v5+s0+$0x0] =	vst.idx.add.f32.msk vm0, v7  }
0x482: {  	v7 =	vld [tilespmem:s13+$0x14900]  }
0x483: {  	v5 =	vld [tilespmem:s11+$0x14920]  }
0x484: {  	[tilespmem:v4+s0+$0x0] =	vst.idx.add.f32.msk vm1, v6  }
0x485: {  	v6 =	vld [tilespmem:s13+$0x13900]  }
0x486: {  	v4 =	vld [tilespmem:s12+$0x13910]  }
0x487: {  	v8 =	vld [tilespmem:s12+$0x14910];
	_ =	sdelay $0x1  }
0x488: {  	v9 =	vld [tilespmem:s11+$0x13920]  }
0x489: {  	vm1 =	vge.s32 v7, v0;
	vm2 =	vlt.s32 v7, v1;
	v6 =	vsub.s32 v6, v0  }
0x48a: {  	vm0 =	vge.s32 v5, v0;
	vm1 =	vmand vm1, vm2;
	vm3 =	vgt.s32 v6, $0x0  }
0x48b: {  	v4 =	vsub.s32 v4, v0;
	vm4 =	vge.s32 v8, v0;
	v6 =	vnsel vm3, $0x0, v6  }
0x48c: {  	vm2 =	vlt.s32 v8, v1;
	vm3 =	vgt.s32 v4, $0x0;
	v6 =	vmin.u32 v6, $0x9C3F  }
0x48d: {  	v9 =	vsub.s32 v9, v0;
	vm2 =	vmand vm4, vm2;
	v4 =	vnsel vm3, $0x0, v4  }
0x48e: {  	vm11 =	vlt.s32 v5, v1;
	vm3 =	vgt.s32 v9, $0x0;
	v4 =	vmin.u32 v4, $0x9C3F  }
0x48f: {  	v9 =	vnsel vm3, $0x0, v9;
	vm3 =	vmand vm0, vm11  }
0x490: {  	v9 =	vmin.u32 v9, $0x9C3F  }
0x491: {  	s9 =	simm.s32 $0x6E01;
	v6 =	vld.idx.msk [tilespmem:v6+s2+$0x0], vm1  }
0x492: {  	s1 =	scvt.s32.f32 s9  }
0x493: {  	s10 =	simm.s32 $0x6DC1;
	v4 =	vld.idx.msk [tilespmem:v4+s2+$0x0], vm2  }
0x494: {  	s5 =	scvt.s32.f32 s10;
	v10 =	vadd.f32 s1, v3;
	v7 =	vsub.s32 v7, v0  }
0x495: {  	s6 =	simm.s32 $0x6D81;
	vm0 =	vgt.s32 v7, $0x0;
	v9 =	vld.idx.msk [tilespmem:v9+s2+$0x0], vm3  }
0x496: {  	v11 =	vadd.f32 s5, v3;
	s14 =	scvt.s32.f32 s6;
	v7 =	vnsel vm0, $0x0, v7;
	vm12 =	veq.f32 v6, v10  }
0x497: {  	v8 =	vsub.s32 v8, v0;
	v7 =	vmin.u32 v7, $0x270F;
	vm0 =	vmand vm1, vm12  }
0x498: {  	v6 =	vadd.f32 s14, v3;
	vm1 =	vgt.s32 v8, $0x0;
	vm13 =	veq.f32 v4, v11;
	v4 =	vld [tilespmem:s13+$0x15900]  }
0x499: {  	v5 =	vsub.s32 v5, v0;
	v8 =	vnsel vm1, $0x0, v8;
	vm1 =	vmand vm2, vm13  }
0x49a: {  	v10 =	vld [tilespmem:s12+$0x15910];
	vm2 =	vgt.s32 v5, $0x0;
	vm14 =	veq.f32 v9, v6;
	v8 =	vmin.u32 v8, $0x270F  }
0x49b: {  	v5 =	vnsel vm2, $0x0, v5;
	vm2 =	vmand vm3, vm14  }
0x49c: {  	v6 =	vld [tilespmem:s11+$0x15920];
	v5 =	vmin.u32 v5, $0x270F  }
0x49d: {  	[tilespmem:v7+s0+$0x0] =	vst.idx.add.f32.msk vm0, v4  }
0x49e: {  	v4 =	vadd.s32 $0x2710, v7;
	v9 =	vld [tilespmem:s13+$0x16900]  }
0x49f: {  	[tilespmem:v8+s0+$0x0] =	vst.idx.add.f32.msk vm1, v10  }
0x4a0: {  	v10 =	vadd.s32 $0x2710, v8;
	v11 =	vld [tilespmem:s12+$0x16910]  }
0x4a1: {  	[tilespmem:v5+s0+$0x0] =	vst.idx.add.f32.msk vm2, v6  }
0x4a2: {  	v6 =	vadd.s32 $0x2710, v5;
	v12 =	vld [tilespmem:s11+$0x16920]  }
0x4a3: {  	[tilespmem:v4+s0+$0x0] =	vst.idx.add.f32.msk vm0, v9  }
0x4a4: {  	v4 =	vadd.s32 $0x4E20, v7;
	v9 =	vld [tilespmem:s13+$0x17900]  }
0x4a5: {  	[tilespmem:v10+s0+$0x0] =	vst.idx.add.f32.msk vm1, v11  }
0x4a6: {  	v10 =	vadd.s32 $0x4E20, v8;
	v11 =	vld [tilespmem:s12+$0x17910]  }
0x4a7: {  	[tilespmem:v6+s0+$0x0] =	vst.idx.add.f32.msk vm2, v12  }
0x4a8: {  	v6 =	vadd.s32 $0x4E20, v5;
	v12 =	vld [tilespmem:s11+$0x17920]  }
0x4a9: {  	[tilespmem:v4+s0+$0x0] =	vst.idx.add.f32.msk vm0, v9  }
0x4aa: {  	v4 =	vadd.s32 $0x7530, v7;
	v7 =	vld [tilespmem:s13+$0x18900]  }
0x4ab: {  	s9 =	simm.s32 $0xF0;
	[tilespmem:v10+s0+$0x0] =	vst.idx.add.f32.msk vm1, v11  }
0x4ac: {  	v10 =	vld [tilespmem:s9+$0x13900]  }
0x4ad: {  	[tilespmem:v6+s0+$0x0] =	vst.idx.add.f32.msk vm2, v12  }
0x4ae: {  	v5 =	vadd.s32 $0x7530, v5;
	v6 =	vld [tilespmem:s11+$0x18920]  }
0x4af: {  	v9 =	vld [tilespmem:s12+$0x18910]  }
0x4b0: {  	[tilespmem:v4+s0+$0x0] =	vst.idx.add.f32.msk vm0, v7  }
0x4b1: {  	v4 =	vld [tilespmem:s13+$0x13910]  }
0x4b2: {  	v8 =	vadd.s32 $0x7530, v8;
	v7 =	vld [tilespmem:s13+$0x14910]  }
0x4b3: {  	[tilespmem:v5+s0+$0x0] =	vst.idx.add.f32.msk vm2, v6  }
0x4b4: {  	v5 =	vld [tilespmem:s11+$0x13930]  }
0x4b5: {  	v6 =	vld [tilespmem:s11+$0x14930];
	_ =	sdelay $0x1  }
0x4b6: {  	v10 =	vsub.s32 v10, v0;
	[tilespmem:v8+s0+$0x0] =	vst.idx.add.f32.msk vm1, v9  }
0x4b7: {  	v11 =	vld [tilespmem:s9+$0x14900];
	v4 =	vsub.s32 v4, v0;
	vm0 =	vge.s32 v7, v0;
	vm1 =	vlt.s32 v7, v1  }
0x4b8: {  	vm5 =	vgt.s32 v10, $0x0;
	v9 =	vld [tilespmem:s12+$0x13920];
	vm2 =	vgt.s32 v4, $0x0;
	vm1 =	vmand vm0, vm1  }
0x4b9: {  	v8 =	vld [tilespmem:s12+$0x14920];
	v4 =	vnsel vm2, $0x0, v4;
	v5 =	vsub.s32 v5, v0;
	vm0 =	vge.s32 v6, v0  }
0x4ba: {  	vm2 =	vlt.s32 v6, v1;
	v4 =	vmin.u32 v4, $0x9C3F;
	vm3 =	vgt.s32 v5, $0x0  }
0x4bb: {  	v10 =	vnsel vm5, $0x0, v10;
	vm0 =	vmand vm0, vm2;
	v5 =	vnsel vm3, $0x0, v5  }
0x4bc: {  	vm2 =	vge.s32 v11, v0;
	vm3 =	vlt.s32 v11, v1;
	v5 =	vmin.u32 v5, $0x9C3F  }
0x4bd: {  	v10 =	vmin.u32 v10, $0x9C3F;
	v9 =	vsub.s32 v9, v0;
	vm3 =	vmand vm2, vm3  }
0x4be: {  	vm15 =	vge.s32 v8, v0;
	vm6 =	vgt.s32 v9, $0x0;
	vm2 =	vlt.s32 v8, v1  }
0x4bf: {  	s15 =	simm.s32 $0x6E11;
	v9 =	vnsel vm6, $0x0, v9;
	vm2 =	vmand vm15, vm2;
	v4 =	vld.idx.msk [tilespmem:v4+s2+$0x0], vm1  }
0x4c0: {  	s1 =	scvt.s32.f32 s15;
	v9 =	vmin.u32 v9, $0x9C3F  }
0x4c1: {  	s16 =	simm.s32 $0x6D91;
	v5 =	vld.idx.msk [tilespmem:v5+s2+$0x0], vm0  }
0x4c2: {  	s18 =	simm.s32 $0x6DD1;
	v12 =	vadd.f32 s1, v3;
	s1 =	scvt.s32.f32 s16;
	v7 =	vsub.s32 v7, v0  }
0x4c3: {  	s17 =	simm.s32 $0x6E51;
	s5 =	scvt.s32.f32 s18;
	vm9 =	vgt.s32 v7, $0x0;
	v6 =	vsub.s32 v6, v0;
	v10 =	vld.idx.msk [tilespmem:v10+s2+$0x0], vm3  }
0x4c4: {  	vm11 =	vgt.s32 v6, $0x0;
	vm10 =	veq.f32 v4, v12;
	v12 =	vadd.f32 s1, v3;
	s1 =	scvt.s32.f32 s17  }
0x4c5: {  	v13 =	vadd.f32 s5, v3;
	v6 =	vnsel vm11, $0x0, v6;
	v9 =	vld.idx.msk [tilespmem:v9+s2+$0x0], vm2;
	v4 =	vnsel vm9, $0x0, v7  }
0x4c6: {  	vm1 =	vmand vm1, vm10;
	vm12 =	veq.f32 v5, v12;
	v12 =	vadd.f32 s1, v3  }
0x4c7: {  	v11 =	vsub.s32 v11, v0;
	v6 =	vmin.u32 v6, $0x270F;
	v7 =	vld [tilespmem:s13+$0x15910];
	v4 =	vmin.u32 v4, $0x270F  }
0x4c8: {  	vm13 =	vgt.s32 v11, $0x0;
	vm0 =	vmand vm0, vm12;
	vm14 =	veq.f32 v10, v12  }
0x4c9: {  	v8 =	vsub.s32 v8, v0;
	v5 =	vld [tilespmem:s11+$0x15930];
	v10 =	vnsel vm13, $0x0, v11;
	vm3 =	vmand vm3, vm14  }
0x4ca: {  	vm15 =	vgt.s32 v8, $0x0;
	v11 =	vld [tilespmem:s9+$0x15900];
	vm8 =	veq.f32 v9, v13;
	v9 =	vmin.u32 v10, $0x270F  }
0x4cb: {  	v8 =	vnsel vm15, $0x0, v8;
	v10 =	vld [tilespmem:s12+$0x15920];
	vm2 =	vmand vm2, vm8  }
0x4cc: {  	v8 =	vmin.u32 v8, $0x270F;
	[tilespmem:v4+s0+$0x0] =	vst.idx.add.f32.msk vm1, v7  }
0x4cd: {  	v14 =	vld [tilespmem:s13+$0x16910]  }
0x4ce: {  	v7 =	vadd.s32 $0x2710, v4;
	[tilespmem:v6+s0+$0x0] =	vst.idx.add.f32.msk vm0, v5  }
0x4cf: {  	[tilespmem:v9+s0+$0x0] =	vst.idx.add.f32.msk vm3, v11  }
0x4d0: {  	v11 =	vadd.s32 $0x2710, v9;
	v12 =	vld [tilespmem:s9+$0x16900]  }
0x4d1: {  	[tilespmem:v8+s0+$0x0] =	vst.idx.add.f32.msk vm2, v10  }
0x4d2: {  	v13 =	vadd.s32 $0x2710, v8;
	v10 =	vld [tilespmem:s12+$0x16920]  }
0x4d3: {  	[tilespmem:v7+s0+$0x0] =	vst.idx.add.f32.msk vm1, v14  }
0x4d4: {  	v7 =	vld [tilespmem:s13+$0x17910]  }
0x4d5: {  	v5 =	vadd.s32 $0x4E20, v4;
	[tilespmem:v11+s0+$0x0] =	vst.idx.add.f32.msk vm3, v12  }
0x4d6: {  	v12 =	vld [tilespmem:s11+$0x16930]  }
0x4d7: {  	[tilespmem:v13+s0+$0x0] =	vst.idx.add.f32.msk vm2, v10;
	v10 =	vadd.s32 $0x2710, v6  }
0x4d8: {  	v14 =	vadd.s32 $0x4E20, v8;
	v13 =	vld [tilespmem:s12+$0x17920]  }
0x4d9: {  	v11 =	vld [tilespmem:s9+$0x17900]  }
0x4da: {  	[tilespmem:v5+s0+$0x0] =	vst.idx.add.f32.msk vm1, v7;
	v7 =	vadd.s32 $0x4E20, v9  }
0x4db: {  	v4 =	vadd.s32 $0x7530, v4;
	v5 =	vld [tilespmem:s13+$0x18910]  }
0x4dc: {  	[tilespmem:v10+s0+$0x0] =	vst.idx.add.f32.msk vm0, v12  }
0x4dd: {  	[tilespmem:v14+s0+$0x0] =	vst.idx.add.f32.msk vm2, v13  }
0x4de: {  	v10 =	vld [tilespmem:s11+$0x17930]  }
0x4df: {  	[tilespmem:v7+s0+$0x0] =	vst.idx.add.f32.msk vm3, v11  }
0x4e0: {  	v11 =	vadd.s32 $0x4E20, v6;
	[tilespmem:v4+s0+$0x0] =	vst.idx.add.f32.msk vm1, v5  }
0x4e1: {  	v4 =	vadd.s32 $0x7530, v9;
	v5 =	vld [tilespmem:s9+$0x18900]  }
0x4e2: {  	v9 =	vld [tilespmem:s12+$0x18920]  }
0x4e3: {  	v7 =	vld [tilespmem:s13+$0x14920]  }
0x4e4: {  	v8 =	vadd.s32 $0x7530, v8;
	v12 =	vld [tilespmem:s13+$0x13920]  }
0x4e5: {  	[tilespmem:v11+s0+$0x0] =	vst.idx.add.f32.msk vm0, v10  }
0x4e6: {  	[tilespmem:v4+s0+$0x0] =	vst.idx.add.f32.msk vm3, v5  }
0x4e7: {  	v4 =	vld [tilespmem:s9+$0x13910]  }
0x4e8: {  	v5 =	vld [tilespmem:s9+$0x14910]  }
0x4e9: {  	[tilespmem:v8+s0+$0x0] =	vst.idx.add.f32.msk vm2, v9  }
0x4ea: {  	v8 =	vld [tilespmem:s12+$0x13930]  }
0x4eb: {  	v9 =	vld [tilespmem:s12+$0x14930]  }
0x4ec: {  	v6 =	vadd.s32 $0x7530, v6;
	v10 =	vld [tilespmem:s11+$0x18930];
	v4 =	vsub.s32 v4, v0  }
0x4ed: {  	s10 =	simm.s32 $0x140;
	vm1 =	vge.s32 v5, v0;
	vm2 =	vlt.s32 v5, v1;
	vm3 =	vgt.s32 v4, $0x0  }
0x4ee: {  	v13 =	vld [tilespmem:s10+$0x13900];
	vm2 =	vmand vm1, vm2;
	v4 =	vnsel vm3, $0x0, v4  }
0x4ef: {  	v12 =	vsub.s32 v12, v0;
	v8 =	vsub.s32 v8, v0;
	v4 =	vmin.u32 v4, $0x9C3F  }
0x4f0: {  	v11 =	vld [tilespmem:s10+$0x14900];
	vm1 =	vge.s32 v9, v0;
	vm9 =	vgt.s32 v8, $0x0;
	vm3 =	vlt.s32 v9, v1  }
0x4f1: {  	vm11 =	vlt.s32 v7, v1;
	[tilespmem:v6+s0+$0x0] =	vst.idx.add.f32.msk vm0, v10;
	v8 =	vnsel vm9, $0x0, v8;
	vm1 =	vmand vm1, vm3  }
0x4f2: {  	vm10 =	vgt.s32 v12, $0x0;
	v10 =	vld [tilespmem:s11+$0x13940];
	v8 =	vmin.u32 v8, $0x9C3F;
	vm3 =	vge.s32 v7, v0  }
0x4f3: {  	v12 =	vnsel vm10, $0x0, v12;
	v6 =	vsub.s32 v13, v0;
	v13 =	vld [tilespmem:s11+$0x14940];
	vm3 =	vmand vm3, vm11  }
0x4f4: {  	s19 =	simm.s32 $0x6E61;
	v12 =	vmin.u32 v12, $0x9C3F;
	v4 =	vld.idx.msk [tilespmem:v4+s2+$0x0], vm2  }
0x4f5: {  	s1 =	scvt.s32.f32 s19;
	vm12 =	vlt.s32 v11, v1;
	vm0 =	vge.s32 v11, v0;
	v5 =	vsub.s32 v5, v0  }
0x4f6: {  	vm13 =	vgt.s32 v6, $0x0;
	vm4 =	vmand vm0, vm12;
	vm0 =	vgt.s32 v5, $0x0  }
0x4f7: {  	s21 =	simm.s32 $0x6DE1;
	v14 =	vadd.f32 s1, v3;
	v6 =	vnsel vm13, $0x0, v6;
	v5 =	vnsel vm0, $0x0, v5;
	v8 =	vld.idx.msk [tilespmem:v8+s2+$0x0], vm1  }
0x4f8: {  	s1 =	scvt.s32.f32 s21;
	v9 =	vsub.s32 v9, v0;
	v6 =	vmin.u32 v6, $0x9C3F;
	v15 =	vmin.u32 v5, $0x270F  }
0x4f9: {  	s22 =	simm.s32 $0x6E21;
	v10 =	vsub.s32 v10, v0;
	vm0 =	vge.s32 v13, v0;
	v12 =	vld.idx.msk [tilespmem:v12+s2+$0x0], vm3;
	vm14 =	veq.f32 v4, v14  }
0x4fa: {  	vm9 =	vlt.s32 v13, v1;
	v14 =	vadd.f32 s1, v3;
	s1 =	scvt.s32.f32 s22;
	vm2 =	vmand vm2, vm14  }
0x4fb: {  	v16 =	vld [tilespmem:s9+$0x15910];
	v7 =	vsub.s32 v7, v0;
	vm7 =	vgt.s32 v10, $0x0;
	vm0 =	vmand vm0, vm9  }
0x4fc: {  	v5 =	vnsel vm7, $0x0, v10;
	vm10 =	veq.f32 v8, v14;
	v14 =	vadd.f32 s1, v3  }
0x4fd: {  	v17 =	vld [tilespmem:s12+$0x15930];
	vm15 =	vgt.s32 v9, $0x0;
	vm11 =	vgt.s32 v7, $0x0;
	v10 =	vmin.u32 v5, $0x9C3F  }
0x4fe: {  	s25 =	simm.s32 $0x6EA1;
	v8 =	vnsel vm15, $0x0, v9;
	v9 =	vld.idx.msk [tilespmem:v6+s2+$0x0], vm4;
	vm1 =	vmand vm1, vm10;
	vm12 =	veq.f32 v12, v14  }
0x4ff: {  	s24 =	scvt.s32.f32 s25;
	v7 =	vnsel vm11, $0x0, v7;
	v4 =	vld [tilespmem:s13+$0x15920];
	v6 =	vmin.u32 v8, $0x270F;
	vm3 =	vmand vm3, vm12  }
0x500: {  	v7 =	vmin.u32 v7, $0x270F;
	[tilespmem:v15+s0+$0x0] =	vst.idx.add.f32.msk vm2, v16  }
0x501: {  	v8 =	vadd.f32 s24, v3;
	v12 =	vadd.s32 $0x2710, v15;
	v14 =	vld [tilespmem:s9+$0x16910]  }
0x502: {  	v11 =	vsub.s32 v11, v0;
	v18 =	vld.idx.msk [tilespmem:v10+s2+$0x0], vm0  }
0x503: {  	vm13 =	vgt.s32 v11, $0x0;
	v16 =	vld [tilespmem:s10+$0x15900];
	vm14 =	veq.f32 v9, v8  }
0x504: {  	v8 =	vnsel vm13, $0x0, v11;
	vm4 =	vmand vm4, vm14;
	[tilespmem:v6+s0+$0x0] =	vst.idx.add.f32.msk vm1, v17  }
0x505: {  	v8 =	vmin.u32 v8, $0x270F;
	[tilespmem:v7+s0+$0x0] =	vst.idx.add.f32.msk vm3, v4  }
0x506: {  	[tilespmem:v12+s0+$0x0] =	vst.idx.add.f32.msk vm2, v14  }
0x507: {  	v4 =	vadd.s32 $0x2710, v7;
	v12 =	vld [tilespmem:s13+$0x16920]  }
0x508: {  	v10 =	vadd.s32 $0x4E20, v15;
	v11 =	vld [tilespmem:s9+$0x17910]  }
0x509: {  	v9 =	vld [tilespmem:s12+$0x16930]  }
0x50a: {  	[tilespmem:v8+s0+$0x0] =	vst.idx.add.f32.msk vm4, v16  }
0x50b: {  	v14 =	vadd.s32 $0x2710, v8;
	v16 =	vld [tilespmem:s10+$0x16900]  }
0x50c: {  	[tilespmem:v4+s0+$0x0] =	vst.idx.add.f32.msk vm3, v12  }
0x50d: {  	v4 =	vadd.s32 $0x2710, v6;
	[tilespmem:v10+s0+$0x0] =	vst.idx.add.f32.msk vm2, v11  }
0x50e: {  	v10 =	vadd.s32 $0x7530, v15;
	v12 =	vld [tilespmem:s13+$0x17920];
	v15 =	vadd.s32 $0x4E20, v7  }
0x50f: {  	v11 =	vld [tilespmem:s9+$0x18910]  }
0x510: {  	[tilespmem:v14+s0+$0x0] =	vst.idx.add.f32.msk vm4, v16  }
0x511: {  	v14 =	vadd.s32 $0x4E20, v8;
	v16 =	vld [tilespmem:s10+$0x17900]  }
0x512: {  	[tilespmem:v4+s0+$0x0] =	vst.idx.add.f32.msk vm1, v9  }
0x513: {  	[tilespmem:v15+s0+$0x0] =	vst.idx.add.f32.msk vm3, v12  }
0x514: {  	[tilespmem:v10+s0+$0x0] =	vst.idx.add.f32.msk vm2, v11  }
0x515: {  	v9 =	vld [tilespmem:s9+$0x14920]  }
0x516: {  	[tilespmem:v14+s0+$0x0] =	vst.idx.add.f32.msk vm4, v16  }
0x517: {  	v4 =	vadd.s32 $0x7530, v8;
	v10 =	vld [tilespmem:s10+$0x18900]  }
0x518: {  	v12 =	vadd.s32 $0x7530, v7;
	v11 =	vld [tilespmem:s13+$0x18920]  }
0x519: {  	v5 =	vld [tilespmem:s11+$0x15940]  }
0x51a: {  	v8 =	vld [tilespmem:s12+$0x17930]  }
0x51b: {  	s26 =	simm.s32 $0x6DA1;
	v15 =	vld [tilespmem:s9+$0x13920]  }
0x51c: {  	s30 =	scvt.s32.f32 s26;
	s26 =	simm.s32 $0x6ED1;
	[tilespmem:v4+s0+$0x0] =	vst.idx.add.f32.msk vm4, v10;
	v10 =	vsub.s32 v9, v0  }
0x51d: {  	s26 =	scvt.s32.f32 s26;
	s18 =	simm.s32 $0x6E71;
	s14 =	simm.s32 $0x6E41;
	[tilespmem:v12+s0+$0x0] =	vst.idx.add.f32.msk vm3, v11;
	vm15 =	vgt.s32 v10, $0x0  }
0x51e: {  	s15 =	simm.s32 $0x6E81;
	s14 =	scvt.s32.f32 s14;
	s16 =	simm.s32 $0x6DF1;
	v14 =	vadd.f32 s30, v3;
	v16 =	vld [tilespmem:s10+$0x13910];
	v12 =	vnsel vm15, $0x0, v10;
	v10 =	vadd.s32 $0x4E20, v6  }
0x51f: {  	s17 =	simm.s32 $0x6E31;
	s21 =	scvt.s32.f32 s18;
	s22 =	simm.s32 $0x6EC1;
	v4 =	vsub.s32 v13, v0;
	v13 =	vld [tilespmem:s10+$0x14910]  }
0x520: {  	s19 =	simm.s32 $0x6E91;
	s22 =	scvt.s32.f32 s22;
	s1 =	scvt.s32.f32 s16;
	v7 =	vld [tilespmem:s9+$0x15920];
	vm3 =	veq.f32 v18, v14;
	vm2 =	vgt.s32 v4, $0x0  }
0x521: {  	s24 =	scvt.s32.f32 s17;
	s17 =	scvt.s32.f32 s15;
	s30 =	simm.s32 $0x6EE1;
	v14 =	vld [tilespmem:s13+$0x13930];
	vm0 =	vmand vm0, vm3;
	v4 =	vnsel vm2, $0x0, v4  }
0x522: {  	s18 =	simm.s32 $0x640;
	s15 =	scvt.s32.f32 s19;
	s16 =	scvt.s32.f32 s30;
	v15 =	vsub.s32 v15, v0;
	v11 =	vld [tilespmem:s13+$0x14930];
	vm2 =	vge.s32 v9, v0;
	v4 =	vmin.u32 v4, $0x270F  }
.LBB2_18:
0x523: {  	s19 =	sshra.s32 s18, $0x2;
	p0 =	sne.s32 s18, $0x1E00;
	s18 =	sadd.s32 $0x140, s18;
	v16 =	vsub.s32 v16, v0;
	[tilespmem:v10+s0+$0x0] =	vst.idx.add.f32.msk vm1, v8;
	v6 =	vadd.s32 $0x7530, v6  }
0x524: {  	v10 =	vld [tilespmem:s19+$0x13900];
	vm3 =	vge.s32 v13, v0;
	vm4 =	vlt.s32 v13, v1;
	vm5 =	vgt.s32 v16, $0x0  }
0x525: {  	v17 =	vadd.s32 $0x2710, v4;
	vm3 =	vmand vm3, vm4;
	v8 =	vnsel vm5, $0x0, v16;
	v16 =	vld [tilespmem:s12+$0x18930]  }
0x526: {  	vm4 =	vgt.s32 v15, $0x0;
	v18 =	vld [tilespmem:s19+$0x14900];
	v19 =	vmin.u32 v8, $0x9C3F;
	v8 =	vsub.s32 v14, v0  }
0x527: {  	vm5 =	vge.s32 v11, v0;
	vm6 =	vlt.s32 v11, v1;
	vm7 =	vgt.s32 v8, $0x0;
	[tilespmem:v4+s0+$0x0] =	vst.idx.add.f32.msk vm0, v5  }
0x528: {  	v5 =	vsub.s32 v11, v0;
	vm6 =	vmand vm5, vm6;
	v11 =	vnsel vm7, $0x0, v8;
	v14 =	vld [tilespmem:s11+$0x16940]  }
0x529: {  	v8 =	vmin.u32 v12, $0x270F;
	vm5 =	vgt.s32 v5, $0x0;
	v11 =	vmin.u32 v11, $0x9C3F;
	v12 =	vld [tilespmem:s13+$0x15930]  }
0x52a: {  	vm7 =	vlt.s32 v9, v1;
	v9 =	vnsel vm4, $0x0, v15;
	v15 =	vnsel vm5, $0x0, v5;
	[tilespmem:v6+s0+$0x0] =	vst.idx.add.f32.msk vm1, v16  }
0x52b: {  	v5 =	vsub.s32 v10, v0;
	vm4 =	vmand vm2, vm7;
	vm1 =	vge.s32 v18, v0;
	v6 =	vld.idx.msk [tilespmem:v19+s2+$0x0], vm3  }
0x52c: {  	s5 =	sadd.s32 $0x10, s25;
	v9 =	vmin.u32 v9, $0x9C3F;
	vm5 =	vgt.s32 v5, $0x0;
	vm2 =	vlt.s32 v18, v1;
	v10 =	vld [tilespmem:s12+$0x13940]  }
0x52d: {  	s5 =	scvt.s32.f32 s5;
	v16 =	vsub.s32 v18, v0;
	v5 =	vnsel vm5, $0x0, v5;
	v18 =	vld [tilespmem:s12+$0x14940]  }
0x52e: {  	vm5 =	vmand vm1, vm2;
	v19 =	vmin.u32 v5, $0x9C3F;
	v11 =	vld.idx.msk [tilespmem:v11+s2+$0x0], vm6  }
0x52f: {  	v20 =	vadd.f32 s24, v3;
	s24 =	smov.u32 s17;
	s17 =	smov.u32 s26;
	v5 =	vadd.f32 s5, v3;
	[tilespmem:v17+s0+$0x0] =	vst.idx.add.f32.msk vm0, v14  }
0x530: {  	v13 =	vsub.s32 v13, v0;
	v14 =	vadd.f32 s21, v3;
	v17 =	vadd.s32 $0x4E20, v4;
	s21 =	smov.u32 s22;
	v21 =	vld [tilespmem:s11+$0x17940]  }
0x531: {  	vm1 =	vgt.s32 v13, $0x0;
	vm2 =	veq.f32 v6, v5;
	v9 =	vld.idx.msk [tilespmem:v9+s2+$0x0], vm4;
	v6 =	vsub.s32 v10, v0  }
0x532: {  	s25 =	sadd.s32 $0x50, s25;
	v10 =	vnsel vm1, $0x0, v13;
	vm2 =	vmand vm3, vm2;
	vm1 =	vge.s32 v18, v0;
	v5 =	vld [tilespmem:s12+$0x15940]  }
0x533: {  	s6 =	sadd.s32 $0x20, s25;
	s26 =	sadd.s32 $0x30, s25;
	s5 =	scvt.s32.f32 s25;
	v10 =	vmin.u32 v10, $0x270F;
	vm3 =	vlt.s32 v18, v1;
	vm7 =	vgt.s32 v6, $0x0;
	v13 =	vld [tilespmem:s10+$0x15910]  }
0x534: {  	s26 =	scvt.s32.f32 s26;
	s22 =	scvt.s32.f32 s6;
	s6 =	sadd.s32 $0x40, s25;
	vm8 =	veq.f32 v11, v20;
	vm3 =	vmand vm1, vm3;
	v6 =	vnsel vm7, $0x0, v6;
	v22 =	vld [tilespmem:s19+$0x15900]  }
0x535: {  	v11 =	vadd.f32 s5, v3;
	s5 =	scvt.s32.f32 s6;
	vm1 =	vmand vm6, vm8;
	v20 =	vmin.u32 v6, $0x9C3F;
	v19 =	vld.idx.msk [tilespmem:v19+s2+$0x0], vm5  }
0x536: {  	v6 =	vmin.u32 v15, $0x270F;
	v15 =	vsub.s32 v18, v0;
	[tilespmem:v17+s0+$0x0] =	vst.idx.add.f32.msk vm0, v21  }
0x537: {  	vm7 =	vgt.s32 v15, $0x0;
	vm6 =	veq.f32 v9, v14;
	v14 =	vadd.s32 $0x4E20, v8;
	v9 =	vld [tilespmem:s11+$0x18940];
	s11 =	smov.u32 s12;
	s12 =	smov.u32 s13;
	s13 =	smov.u32 s9  }
0x538: {  	v4 =	vadd.s32 $0x7530, v4;
	v17 =	vnsel vm7, $0x0, v15;
	s9 =	smov.u32 s10;
	s10 =	smov.u32 s19;
	[tilespmem:v10+s0+$0x0] =	vst.idx.add.f32.msk vm2, v13  }
0x539: {  	vm7 =	vgt.s32 v16, $0x0;
	v13 =	vadd.s32 $0x2710, v10;
	v15 =	vld [tilespmem:s9+$0x16910]  }
0x53a: {  	v16 =	vnsel vm7, $0x0, v16;
	vm4 =	vmand vm4, vm6;
	v18 =	vld.idx.msk [tilespmem:v20+s2+$0x0], vm3  }
0x53b: {  	v16 =	vmin.u32 v16, $0x270F;
	vm6 =	veq.f32 v19, v11;
	[tilespmem:v6+s0+$0x0] =	vst.idx.add.f32.msk vm1, v12  }
0x53c: {  	vm5 =	vmand vm5, vm6;
	v11 =	vld [tilespmem:s12+$0x16930]  }
0x53d: {  	[tilespmem:v4+s0+$0x0] =	vst.idx.add.f32.msk vm0, v9  }
0x53e: {  	[tilespmem:v13+s0+$0x0] =	vst.idx.add.f32.msk vm2, v15  }
0x53f: {  	v4 =	vadd.s32 $0x4E20, v10;
	v9 =	vld [tilespmem:s9+$0x17910]  }
0x540: {  	[tilespmem:v8+s0+$0x0] =	vst.idx.add.f32.msk vm4, v7  }
0x541: {  	v12 =	vadd.s32 $0x2710, v8;
	v7 =	vadd.s32 $0x2710, v16;
	v13 =	vld [tilespmem:s13+$0x16920]  }
0x542: {  	[tilespmem:v16+s0+$0x0] =	vst.idx.add.f32.msk vm5, v22  }
0x543: {  	v15 =	vld [tilespmem:s10+$0x16900]  }
0x544: {  	[tilespmem:v4+s0+$0x0] =	vst.idx.add.f32.msk vm2, v9  }
0x545: {  	v4 =	vadd.s32 $0x7530, v10;
	v9 =	vld [tilespmem:s9+$0x18910]  }
0x546: {  	v10 =	vadd.s32 $0x2710, v6;
	[tilespmem:v12+s0+$0x0] =	vst.idx.add.f32.msk vm4, v13  }
0x547: {  	v12 =	vadd.s32 $0x4E20, v16;
	v13 =	vld [tilespmem:s13+$0x17920]  }
0x548: {  	[tilespmem:v7+s0+$0x0] =	vst.idx.add.f32.msk vm5, v15  }
0x549: {  	v7 =	vld [tilespmem:s10+$0x17900]  }
0x54a: {  	[tilespmem:v4+s0+$0x0] =	vst.idx.add.f32.msk vm2, v9  }
0x54b: {  	[tilespmem:v10+s0+$0x0] =	vst.idx.add.f32.msk vm1, v11  }
0x54c: {  	v9 =	vld [tilespmem:s9+$0x14920]  }
0x54d: {  	v4 =	vadd.s32 $0x7530, v16;
	[tilespmem:v14+s0+$0x0] =	vst.idx.add.f32.msk vm4, v13  }
0x54e: {  	[tilespmem:v12+s0+$0x0] =	vst.idx.add.f32.msk vm5, v7  }
0x54f: {  	v10 =	vld [tilespmem:s10+$0x18900]  }
0x550: {  	v11 =	vld [tilespmem:s13+$0x18920]  }
0x551: {  	vm2 =	vge.s32 v9, v0;
	v7 =	vsub.s32 v9, v0;
	v14 =	vld [tilespmem:s9+$0x13920]  }
0x552: {  	v19 =	vadd.s32 $0x7530, v8;
	vm0 =	vgt.s32 v7, $0x0;
	v8 =	vld [tilespmem:s12+$0x17930]  }
0x553: {  	v12 =	vnsel vm0, $0x0, v7;
	v7 =	vld [tilespmem:s9+$0x15920]  }
0x554: {  	[tilespmem:v4+s0+$0x0] =	vst.idx.add.f32.msk vm5, v10  }
.Ltmp8:
0x555: {  	v10 =	vadd.s32 $0x4E20, v6;
	v4 =	vadd.f32 s1, v3;
	s1 =	smov.u32 s14;
	s14 =	smov.u32 s15;
	v16 =	vld [tilespmem:s10+$0x13910];
	(pc) =	sbr.rel @p0 .LBB2_18-.Ltmp8, $4  }
0x556: {  	s15 =	smov.u32 s16;
	s16 =	smov.u32 s5;
	v13 =	vld [tilespmem:s10+$0x14910];
	v15 =	vsub.s32 v14, v0  }
0x557: {  	vm0 =	veq.f32 v18, v4;
	[tilespmem:v19+s0+$0x0] =	vst.idx.add.f32.msk vm4, v11  }
0x558: {  	vm0 =	vmand vm3, vm0;
	v14 =	vld [tilespmem:s13+$0x13930]  }
0x559: {  	v4 =	vmin.u32 v17, $0x270F;
	v11 =	vld [tilespmem:s13+$0x14930]  }
0x55a: {  	v16 =	vsub.s32 v16, v0  }
0x55b: {  	vm3 =	vge.s32 v13, v0;
	vm4 =	vlt.s32 v13, v1;
	vm5 =	vgt.s32 v16, $0x0  }
0x55c: {  	vm3 =	vmand vm3, vm4;
	v16 =	vnsel vm5, $0x0, v16  }
0x55d: {  	v16 =	vmin.u32 v16, $0x9C3F;
	_ =	sdelay $0x4  }
0x55e: {  	s5 =	sadd.s32 $0x10, s25;
	v16 =	vld.idx.msk [tilespmem:v16+s2+$0x0], vm3  }
0x55f: {  	s5 =	scvt.s32.f32 s5;
	_ =	sdelay $0x1  }
0x560: {  	v17 =	vadd.f32 s5, v3  }
0x561: {  	v29 =	vsub.s32 v13, v0  }
0x562: {  	vm13 =	vgt.s32 v29, $0x0;
	vm14 =	veq.f32 v16, v17  }
0x563: {  	v13 =	vnsel vm13, $0x0, v29;
	vm3 =	vmand vm3, vm14  }
0x564: {  	v30 =	vld [tilespmem:s10+$0x15910];
	v13 =	vmin.u32 v13, $0x270F;
	_ =	sdelay $0x4  }
0x565: {  	[tilespmem:v13+s0+$0x0] =	vst.idx.add.f32.msk vm3, v30  }
0x566: {  	v31 =	vadd.s32 $0x2710, v13;
	v32 =	vld [tilespmem:s10+$0x16910];
	_ =	sdelay $0x4  }
0x567: {  	[tilespmem:v31+s0+$0x0] =	vst.idx.add.f32.msk vm3, v32  }
0x568: {  	v33 =	vadd.s32 $0x4E20, v13;
	v17 =	vld [tilespmem:s10+$0x17910];
	_ =	sdelay $0x4  }
0x569: {  	[tilespmem:v33+s0+$0x0] =	vst.idx.add.f32.msk vm3, v17  }
0x56a: {  	v13 =	vadd.s32 $0x7530, v13;
	v16 =	vld [tilespmem:s10+$0x18910];
	_ =	sdelay $0x4  }
0x56b: {  	vm15 =	vlt.s32 v9, v1;
	[tilespmem:v13+s0+$0x0] =	vst.idx.add.f32.msk vm3, v16;
	vm3 =	vgt.s32 v15, $0x0  }
0x56c: {  	vm2 =	vmand vm2, vm15;
	v13 =	vld [tilespmem:s10+$0x13920];
	v9 =	vnsel vm3, $0x0, v15  }
0x56d: {  	v16 =	vld [tilespmem:s10+$0x14920];
	v9 =	vmin.u32 v9, $0x9C3F;
	_ =	sdelay $0x3  }
0x56e: {  	v13 =	vsub.s32 v13, v0  }
0x56f: {  	vm3 =	vge.s32 v16, v0;
	vm9 =	vlt.s32 v16, v1;
	vm8 =	vgt.s32 v13, $0x0;
	v9 =	vld.idx.msk [tilespmem:v9+s2+$0x0], vm2  }
0x570: {  	vm3 =	vmand vm3, vm9;
	v13 =	vnsel vm8, $0x0, v13  }
0x571: {  	v13 =	vmin.u32 v13, $0x9C3F  }
0x572: {  	v34 =	vadd.f32 s21, v3;
	_ =	sdelay $0x1  }
0x573: {  	vm10 =	veq.f32 v9, v34  }
0x574: {  	vm2 =	vmand vm2, vm10  }
0x575: {  	v12 =	vmin.u32 v12, $0x270F;
	v13 =	vld.idx.msk [tilespmem:v13+s2+$0x0], vm3;
	_ =	sdelay $0x2  }
0x576: {  	v9 =	vadd.f32 s22, v3  }
0x577: {  	v35 =	vsub.s32 v16, v0  }
0x578: {  	vm11 =	vgt.s32 v35, $0x0;
	vm12 =	veq.f32 v13, v9;
	[tilespmem:v12+s0+$0x0] =	vst.idx.add.f32.msk vm2, v7  }
0x579: {  	v9 =	vnsel vm11, $0x0, v35;
	v7 =	vadd.s32 $0x2710, v12;
	vm3 =	vmand vm3, vm12;
	v37 =	vld [tilespmem:s9+$0x16920]  }
0x57a: {  	v36 =	vld [tilespmem:s10+$0x15920];
	v9 =	vmin.u32 v9, $0x270F;
	_ =	sdelay $0x3  }
0x57b: {  	[tilespmem:v7+s0+$0x0] =	vst.idx.add.f32.msk vm2, v37  }
0x57c: {  	[tilespmem:v9+s0+$0x0] =	vst.idx.add.f32.msk vm3, v36  }
0x57d: {  	v7 =	vadd.s32 $0x4E20, v12;
	v15 =	vld [tilespmem:s9+$0x17920]  }
0x57e: {  	v38 =	vadd.s32 $0x2710, v9;
	v39 =	vld [tilespmem:s10+$0x16920];
	_ =	sdelay $0x3  }
0x57f: {  	[tilespmem:v7+s0+$0x0] =	vst.idx.add.f32.msk vm2, v15  }
0x580: {  	[tilespmem:v38+s0+$0x0] =	vst.idx.add.f32.msk vm3, v39  }
0x581: {  	v12 =	vadd.s32 $0x7530, v12;
	v7 =	vld [tilespmem:s9+$0x18920]  }
0x582: {  	v40 =	vadd.s32 $0x4E20, v9;
	v16 =	vld [tilespmem:s10+$0x17920];
	_ =	sdelay $0x1  }
0x583: {  	v14 =	vsub.s32 v14, v0  }
0x584: {  	vm13 =	vge.s32 v11, v0;
	vm6 =	vgt.s32 v14, $0x0;
	vm14 =	vlt.s32 v11, v1  }
0x585: {  	v14 =	vnsel vm6, $0x0, v14;
	vm4 =	vmand vm13, vm14;
	[tilespmem:v12+s0+$0x0] =	vst.idx.add.f32.msk vm2, v7  }
0x586: {  	v14 =	vmin.u32 v14, $0x9C3F;
	[tilespmem:v40+s0+$0x0] =	vst.idx.add.f32.msk vm3, v16  }
0x587: {  	v9 =	vadd.s32 $0x7530, v9;
	v13 =	vld [tilespmem:s10+$0x18920]  }
0x588: {  	v7 =	vld [tilespmem:s9+$0x13930]  }
0x589: {  	v12 =	vld [tilespmem:s9+$0x14930];
	_ =	sdelay $0x1  }
0x58a: {  	v14 =	vld.idx.msk [tilespmem:v14+s2+$0x0], vm4  }
0x58b: {  	[tilespmem:v9+s0+$0x0] =	vst.idx.add.f32.msk vm3, v13  }
0x58c: {  	v6 =	vadd.s32 $0x7530, v6;
	v13 =	vld [tilespmem:s10+$0x13930]  }
0x58d: {  	v7 =	vsub.s32 v7, v0;
	vm15 =	vlt.s32 v12, v1;
	v9 =	vsub.s32 v11, v0;
	v41 =	vld [tilespmem:s10+$0x14930]  }
0x58e: {  	v11 =	vadd.f32 s24, v3;
	vm3 =	vge.s32 v12, v0;
	vm9 =	vgt.s32 v7, $0x0  }
0x58f: {  	vm2 =	vgt.s32 v9, $0x0;
	vm3 =	vmand vm3, vm15;
	v7 =	vnsel vm9, $0x0, v7  }
0x590: {  	[tilespmem:v10+s0+$0x0] =	vst.idx.add.f32.msk vm1, v8;
	v9 =	vnsel vm2, $0x0, v9;
	vm2 =	veq.f32 v14, v11;
	v7 =	vmin.u32 v7, $0x9C3F  }
0x591: {  	v10 =	vld [tilespmem:s12+$0x18930];
	vm2 =	vmand vm4, vm2;
	v9 =	vmin.u32 v9, $0x270F;
	v11 =	vsub.s32 v13, v0  }
0x592: {  	v42 =	vld [tilespmem:s13+$0x15930];
	vm10 =	vge.s32 v41, v0;
	vm11 =	vlt.s32 v41, v1;
	vm12 =	vgt.s32 v11, $0x0  }
0x593: {  	vm4 =	vmand vm10, vm11;
	v8 =	vnsel vm12, $0x0, v11  }
0x594: {  	[tilespmem:v4+s0+$0x0] =	vst.idx.add.f32.msk vm0, v5;
	v8 =	vmin.u32 v8, $0x9C3F  }
0x595: {  	v5 =	vld.idx.msk [tilespmem:v7+s2+$0x0], vm3  }
0x596: {  	[tilespmem:v6+s0+$0x0] =	vst.idx.add.f32.msk vm1, v10  }
0x597: {  	[tilespmem:v9+s0+$0x0] =	vst.idx.add.f32.msk vm2, v42  }
0x598: {  	v43 =	vadd.f32 s17, v3;
	v11 =	vadd.s32 $0x2710, v9;
	v7 =	vld [tilespmem:s13+$0x16930]  }
0x599: {  	v6 =	vsub.s32 v12, v0;
	v8 =	vld.idx.msk [tilespmem:v8+s2+$0x0], vm4  }
0x59a: {  	v10 =	vld [tilespmem:s12+$0x13940];
	vm1 =	vgt.s32 v6, $0x0;
	vm13 =	veq.f32 v5, v43  }
0x59b: {  	v45 =	vld [tilespmem:s9+$0x15930];
	v6 =	vnsel vm1, $0x0, v6;
	vm1 =	vmand vm3, vm13  }
0x59c: {  	v44 =	vadd.f32 s26, v3;
	v6 =	vmin.u32 v6, $0x270F;
	v5 =	vld [tilespmem:s12+$0x14940]  }
0x59d: {  	v46 =	vsub.s32 v41, v0;
	[tilespmem:v11+s0+$0x0] =	vst.idx.add.f32.msk vm2, v7  }
0x59e: {  	vm3 =	vgt.s32 v46, $0x0;
	v7 =	vld [tilespmem:s13+$0x17930];
	vm14 =	veq.f32 v8, v44;
	v8 =	vadd.s32 $0x4E20, v9  }
0x59f: {  	v11 =	vnsel vm3, $0x0, v46;
	vm3 =	vmand vm4, vm14  }
0x5a0: {  	v47 =	vld [tilespmem:s10+$0x15930];
	v11 =	vmin.u32 v11, $0x270F  }
0x5a1: {  	v10 =	vsub.s32 v10, v0;
	v49 =	vadd.s32 $0x2710, v6;
	[tilespmem:v6+s0+$0x0] =	vst.idx.add.f32.msk vm1, v45  }
0x5a2: {  	vm10 =	vgt.s32 v10, $0x0;
	vm15 =	vge.s32 v5, v0;
	vm9 =	vlt.s32 v5, v1;
	v13 =	vld [tilespmem:s9+$0x16930]  }
0x5a3: {  	v10 =	vnsel vm10, $0x0, v10;
	vm4 =	vmand vm15, vm9;
	[tilespmem:v8+s0+$0x0] =	vst.idx.add.f32.msk vm2, v7  }
0x5a4: {  	v7 =	vmin.u32 v10, $0x9C3F;
	v50 =	vld [tilespmem:s13+$0x18930]  }
0x5a5: {  	v9 =	vadd.s32 $0x7530, v9;
	[tilespmem:v11+s0+$0x0] =	vst.idx.add.f32.msk vm3, v47  }
0x5a6: {  	v10 =	vadd.s32 $0x2710, v11;
	v8 =	vld [tilespmem:s10+$0x16930]  }
0x5a7: {  	[tilespmem:v49+s0+$0x0] =	vst.idx.add.f32.msk vm1, v13  }
0x5a8: {  	v51 =	vadd.s32 $0x4E20, v6;
	v13 =	vld [tilespmem:s9+$0x17930]  }
0x5a9: {  	v7 =	vld.idx.msk [tilespmem:v7+s2+$0x0], vm4  }
0x5aa: {  	[tilespmem:v9+s0+$0x0] =	vst.idx.add.f32.msk vm2, v50  }
0x5ab: {  	[tilespmem:v10+s0+$0x0] =	vst.idx.add.f32.msk vm3, v8  }
0x5ac: {  	v10 =	vadd.s32 $0x4E20, v11;
	v8 =	vld [tilespmem:s10+$0x17930]  }
0x5ad: {  	[tilespmem:v51+s0+$0x0] =	vst.idx.add.f32.msk vm1, v13  }
0x5ae: {  	v6 =	vadd.s32 $0x7530, v6;
	v9 =	vld [tilespmem:s9+$0x18930]  }
0x5af: {  	v12 =	vld [tilespmem:s13+$0x13940]  }
0x5b0: {  	v52 =	vld [tilespmem:s13+$0x14940]  }
0x5b1: {  	[tilespmem:v10+s0+$0x0] =	vst.idx.add.f32.msk vm3, v8  }
0x5b2: {  	v8 =	vadd.s32 $0x7530, v11;
	v10 =	vld [tilespmem:s10+$0x18930]  }
0x5b3: {  	[tilespmem:v6+s0+$0x0] =	vst.idx.add.f32.msk vm1, v9  }
0x5b4: {  	v11 =	vadd.f32 s1, v3;
	v6 =	vld [tilespmem:s9+$0x13940]  }
0x5b5: {  	v48 =	vld [tilespmem:s12+$0x15940];
	v5 =	vsub.s32 v5, v0  }
0x5b6: {  	vm1 =	vgt.s32 v5, $0x0;
	vm2 =	veq.f32 v7, v11;
	v7 =	vld [tilespmem:s9+$0x14940]  }
0x5b7: {  	vm11 =	vlt.s32 v52, v1;
	v5 =	vnsel vm1, $0x0, v5;
	vm1 =	vmand vm4, vm2;
	[tilespmem:v8+s0+$0x0] =	vst.idx.add.f32.msk vm3, v10  }
0x5b8: {  	v9 =	vsub.s32 v12, v0;
	v5 =	vmin.u32 v5, $0x270F;
	vm2 =	vge.s32 v52, v0;
	v10 =	vld [tilespmem:s10+$0x13940]  }
0x5b9: {  	vm2 =	vmand vm2, vm11;
	v6 =	vsub.s32 v6, v0;
	vm3 =	vgt.s32 v9, $0x0;
	v53 =	vld [tilespmem:s10+$0x14940]  }
0x5ba: {  	v54 =	vld [tilespmem:s11+$0x16940];
	v8 =	vadd.s32 $0x2710, v4;
	v9 =	vnsel vm3, $0x0, v9;
	vm3 =	vgt.s32 v6, $0x0  }
0x5bb: {  	vm12 =	vge.s32 v7, v0;
	vm13 =	vlt.s32 v7, v1;
	v9 =	vmin.u32 v9, $0x9C3F  }
0x5bc: {  	v6 =	vnsel vm3, $0x0, v6;
	vm3 =	vmand vm12, vm13  }
0x5bd: {  	v11 =	vadd.s32 $0x2710, v5;
	[tilespmem:v5+s0+$0x0] =	vst.idx.add.f32.msk vm1, v48;
	v6 =	vmin.u32 v6, $0x9C3F;
	v10 =	vsub.s32 v10, v0  }
0x5be: {  	v14 =	vld [tilespmem:s12+$0x16940];
	vm14 =	vge.s32 v53, v0;
	vm15 =	vlt.s32 v53, v1;
	vm9 =	vgt.s32 v10, $0x0  }
0x5bf: {  	[tilespmem:v8+s0+$0x0] =	vst.idx.add.f32.msk vm0, v54;
	vm4 =	vmand vm14, vm15;
	v8 =	vnsel vm9, $0x0, v10  }
0x5c0: {  	v9 =	vld.idx.msk [tilespmem:v9+s2+$0x0], vm2;
	v8 =	vmin.u32 v8, $0x9C3F  }
0x5c1: {  	v10 =	vld [tilespmem:s11+$0x17940]  }
0x5c2: {  	v55 =	vadd.s32 $0x4E20, v4;
	v6 =	vld.idx.msk [tilespmem:v6+s2+$0x0], vm3  }
0x5c3: {  	[tilespmem:v11+s0+$0x0] =	vst.idx.add.f32.msk vm1, v14  }
0x5c4: {  	v56 =	vadd.f32 s14, v3;
	v13 =	vsub.s32 v52, v0;
	v11 =	vadd.s32 $0x4E20, v5;
	v14 =	vld [tilespmem:s12+$0x17940]  }
0x5c5: {  	vm10 =	vgt.s32 v13, $0x0;
	v8 =	vld.idx.msk [tilespmem:v8+s2+$0x0], vm4  }
0x5c6: {  	v58 =	vld [tilespmem:s13+$0x15940];
	v7 =	vsub.s32 v7, v0;
	vm11 =	veq.f32 v9, v56;
	v9 =	vadd.f32 s15, v3  }
0x5c7: {  	vm12 =	vgt.s32 v7, $0x0;
	[tilespmem:v55+s0+$0x0] =	vst.idx.add.f32.msk vm0, v10;
	v10 =	vnsel vm10, $0x0, v13;
	vm2 =	vmand vm2, vm11  }
0x5c8: {  	v57 =	vld [tilespmem:s11+$0x18940];
	v10 =	vmin.u32 v10, $0x270F;
	vm13 =	veq.f32 v6, v9;
	v6 =	vadd.f32 s16, v3  }
0x5c9: {  	v7 =	vnsel vm12, $0x0, v7;
	v9 =	vsub.s32 v53, v0;
	[tilespmem:v11+s0+$0x0] =	vst.idx.add.f32.msk vm1, v14;
	vm3 =	vmand vm3, vm13  }
0x5ca: {  	v7 =	vmin.u32 v7, $0x270F;
	v11 =	vld [tilespmem:s9+$0x15940];
	vm14 =	vgt.s32 v9, $0x0;
	vm15 =	veq.f32 v8, v6  }
0x5cb: {  	v6 =	vld [tilespmem:s12+$0x18940];
	v8 =	vnsel vm14, $0x0, v9;
	vm4 =	vmand vm4, vm15  }
0x5cc: {  	v9 =	vld [tilespmem:s10+$0x15940];
	v8 =	vmin.u32 v8, $0x270F  }
0x5cd: {  	[tilespmem:v10+s0+$0x0] =	vst.idx.add.f32.msk vm2, v58  }
0x5ce: {  	v59 =	vadd.s32 $0x2710, v10;
	v60 =	vld [tilespmem:s13+$0x16940]  }
0x5cf: {  	[tilespmem:v7+s0+$0x0] =	vst.idx.add.f32.msk vm3, v11  }
0x5d0: {  	v11 =	vadd.s32 $0x2710, v7;
	v61 =	vld [tilespmem:s9+$0x16940]  }
0x5d1: {  	[tilespmem:v8+s0+$0x0] =	vst.idx.add.f32.msk vm4, v9  }
0x5d2: {  	v9 =	vadd.s32 $0x2710, v8;
	v62 =	vld [tilespmem:s10+$0x16940]  }
0x5d3: {  	[tilespmem:v59+s0+$0x0] =	vst.idx.add.f32.msk vm2, v60  }
0x5d4: {  	v63 =	vadd.s32 $0x4E20, v10;
	v14 =	vld [tilespmem:s13+$0x17940]  }
0x5d5: {  	[tilespmem:v11+s0+$0x0] =	vst.idx.add.f32.msk vm3, v61  }
0x5d6: {  	v11 =	vadd.s32 $0x4E20, v7;
	v15 =	vld [tilespmem:s9+$0x17940]  }
0x5d7: {  	[tilespmem:v9+s0+$0x0] =	vst.idx.add.f32.msk vm4, v62  }
0x5d8: {  	v9 =	vadd.s32 $0x4E20, v8;
	v16 =	vld [tilespmem:s10+$0x17940]  }
0x5d9: {  	[tilespmem:v63+s0+$0x0] =	vst.idx.add.f32.msk vm2, v14  }
0x5da: {  	v4 =	vadd.s32 $0x7530, v4;
	v12 =	vld [tilespmem:s13+$0x18940]  }
0x5db: {  	v5 =	vadd.s32 $0x7530, v5;
	[tilespmem:v11+s0+$0x0] =	vst.idx.add.f32.msk vm3, v15  }
0x5dc: {  	v10 =	vadd.s32 $0x7530, v10;
	v11 =	vld [tilespmem:s9+$0x18940]  }
0x5dd: {  	v7 =	vadd.s32 $0x7530, v7;
	[tilespmem:v9+s0+$0x0] =	vst.idx.add.f32.msk vm4, v16  }
0x5de: {  	v8 =	vadd.s32 $0x7530, v8;
	v9 =	vld [tilespmem:s10+$0x18940]  }
0x5df: {  	[tilespmem:v4+s0+$0x0] =	vst.idx.add.f32.msk vm0, v57  }
0x5e0: {  	[tilespmem:v5+s0+$0x0] =	vst.idx.add.f32.msk vm1, v6  }
0x5e1: {  	[tilespmem:v10+s0+$0x0] =	vst.idx.add.f32.msk vm2, v12  }
0x5e2: {  	[tilespmem:v7+s0+$0x0] =	vst.idx.add.f32.msk vm3, v11  }
0x5e3: {  	[tilespmem:v8+s0+$0x0] =	vst.idx.add.f32.msk vm4, v9  }
0x5e4: {  	s18 =	simm.s32 $0x0;
	s19 =	rddreg [dreg:$0x6]  }
0x5e5: {  	[hbm4b:s19+s18] =	stream.linear.scatter [tilespmem:s0], [sflag:$0x1], $0x2710, $0x38;
	[tilespmem:$0x19900] =	vst v63  }
0x5e6: {  	s6 =	simm.s32 $0xC390;
	s21 =	rddreg [dreg:$0x7]  }
0x5e7: {  	[hbm4b:s21+s18] =	stream.linear.scatter [tilespmem:s6], [sflag:$0x1], $0x2710, $0x38;
	[tilespmem:$0x19900] =	vst v63  }
0x5e8: {  	s24 =	simm.s32 $0xEAA0;
	s22 =	rddreg [dreg:$0x8]  }
0x5e9: {  	[hbm4b:s22+s18] =	stream.linear.scatter [tilespmem:s24], [sflag:$0x1], $0x2710, $0x38;
	[tilespmem:$0x19900] =	vst v63  }
0x5ea: {  	s26 =	simm.s32 $0x111B0;
	s1 =	simm.s32 $0x50;
	s25 =	rddreg [dreg:$0x9]  }
0x5eb: {  	[hbm4b:s25+s18] =	stream.linear.scatter [tilespmem:s26], [sflag:$0x1], $0x2710, $0x38;
	[tilespmem:$0x19900] =	vst v63  }
0x5ec: {  	v4 =	vld [tilespmem:s1+$0xFFFFFFB0]  }
0x5ed: {  	v5 =	vld [tilespmem:s1+$0xFFFFFFC0]  }
0x5ee: {  	v6 =	vld [tilespmem:s1+$0xFFFFFFD0]  }
0x5ef: {  	v7 =	vld [tilespmem:s1+$0xFFFFFFE0]  }
0x5f0: {  	v8 =	vld [tilespmem:s1+$0xFFFFFFF0]  }
0x5f1: {  	vm0 =	vgt.f32 v4, $0.0e+00  }
0x5f2: {  	v4 =	vsel vm0, $0x3F800000, v2;
	vm0 =	vgt.f32 v5, $0.0e+00  }
0x5f3: {  	v5 =	vld [tilespmem:s1+$0x0];
	[tilespmem:s1+$0xFFFFFFB0] =	vst v4;
	v4 =	vsel vm0, $0x3F800000, v2;
	vm0 =	vgt.f32 v6, $0.0e+00  }
0x5f4: {  	[tilespmem:s1+$0xFFFFFFC0] =	vst v4;
	v4 =	vld [tilespmem:s1+$0x10];
	v6 =	vsel vm0, $0x3F800000, v2;
	vm0 =	vgt.f32 v7, $0.0e+00  }
0x5f5: {  	s9 =	simm.s32 $0xF0;
	v7 =	vsel vm0, $0x3F800000, v2;
	vm0 =	vgt.f32 v8, $0.0e+00;
	v8 =	vld [tilespmem:s1+$0x20]  }
0x5f6: {  	v9 =	vld [tilespmem:s9+$0xFFFFFFB0]  }
0x5f7: {  	[tilespmem:s1+$0xFFFFFFD0] =	vst v6;
	v6 =	vld [tilespmem:s9+$0xFFFFFFC0]  }
0x5f8: {  	[tilespmem:s1+$0xFFFFFFE0] =	vst v7;
	v7 =	vsel vm0, $0x3F800000, v2;
	vm0 =	vgt.f32 v5, $0.0e+00;
	v5 =	vld [tilespmem:s9+$0xFFFFFFD0]  }
0x5f9: {  	v10 =	vld [tilespmem:s9+$0xFFFFFFE0];
	[tilespmem:s1+$0xFFFFFFF0] =	vst v7;
	v7 =	vsel vm0, $0x3F800000, v2;
	vm0 =	vgt.f32 v4, $0.0e+00  }
0x5fa: {  	[tilespmem:s1+$0x0] =	vst v7;
	v4 =	vld [tilespmem:s9+$0xFFFFFFF0];
	v7 =	vsel vm0, $0x3F800000, v2;
	vm1 =	vgt.f32 v8, $0.0e+00  }
0x5fb: {  	vm0 =	vgt.f32 v9, $0.0e+00;
	v9 =	vld [tilespmem:s9+$0x20];
	[tilespmem:s1+$0x10] =	vst v7;
	v8 =	vsel vm1, $0x3F800000, v2  }
0x5fc: {  	s5 =	sand.u32 $0xFFE0, s18;
	v7 =	vsel vm0, $0x3F800000, v2;
	vm0 =	vgt.f32 v6, $0.0e+00;
	v6 =	vld [tilespmem:s9+$0x0];
	[tilespmem:s1+$0x20] =	vst v8  }
0x5fd: {  	[tilespmem:s9+$0xFFFFFFB0] =	vst v7;
	v7 =	vsel vm0, $0x3F800000, v2;
	vm0 =	vgt.f32 v5, $0.0e+00;
	v8 =	vld [tilespmem:s5+$0x80]  }
0x5fe: {  	s10 =	simm.s32 $0x190;
	[tilespmem:s9+$0xFFFFFFC0] =	vst v7;
	v5 =	vsel vm0, $0x3F800000, v2;
	v7 =	vld [tilespmem:s9+$0x10]  }
0x5ff: {  	vm0 =	vgt.f32 v10, $0.0e+00;
	[tilespmem:s9+$0xFFFFFFD0] =	vst v5;
	v5 =	vld [tilespmem:s10+$0xFFFFFFB0]  }
0x600: {  	v10 =	vsel vm0, $0x3F800000, v2;
	vm0 =	vgt.f32 v4, $0.0e+00;
	v4 =	vld [tilespmem:s10+$0xFFFFFFC0]  }
0x601: {  	[tilespmem:s9+$0xFFFFFFE0] =	vst v10;
	v10 =	vsel vm0, $0x3F800000, v2;
	vm0 =	vgt.f32 v6, $0.0e+00  }
0x602: {  	[tilespmem:s9+$0xFFFFFFF0] =	vst v10;
	v6 =	vld [tilespmem:s10+$0xFFFFFFD0];
	v10 =	vsel vm0, $0x3F800000, v2;
	vm0 =	vgt.f32 v8, $0.0e+00  }
0x603: {  	v8 =	vld [tilespmem:s10+$0xFFFFFFE0];
	[tilespmem:s9+$0x0] =	vst v10;
	vm1 =	vgt.f32 v7, $0.0e+00;
	v7 =	vsel vm0, $0x3F800000, v2  }
0x604: {  	v10 =	vld [tilespmem:s10+$0xFFFFFFF0];
	v11 =	vsel vm1, $0x3F800000, v2;
	vm0 =	vgt.f32 v5, $0.0e+00;
	vm1 =	vgt.f32 v9, $0.0e+00;
	[tilespmem:s5+$0x80] =	vst v7  }
0x605: {  	s30 =	simm.s32 $0xA0;
	[tilespmem:s9+$0x10] =	vst v11;
	v7 =	vsel vm0, $0x3F800000, v2;
	vm0 =	vgt.f32 v4, $0.0e+00;
	v9 =	vsel vm1, $0x3F800000, v2;
	v4 =	vld [tilespmem:s1+$0x40]  }
0x606: {  	v5 =	vld [tilespmem:s10+$0x0];
	s5 =	sand.u32 $0xFFE0, s30;
	[tilespmem:s9+$0x20] =	vst v9  }
0x607: {  	[tilespmem:s10+$0xFFFFFFB0] =	vst v7;
	v7 =	vsel vm0, $0x3F800000, v2;
	vm0 =	vgt.f32 v6, $0.0e+00;
	v6 =	vld [tilespmem:s5+$0x80]  }
0x608: {  	[tilespmem:s10+$0xFFFFFFC0] =	vst v7;
	v9 =	vsel vm0, $0x3F800000, v2;
	v7 =	vld [tilespmem:s10+$0x10];
	vm0 =	vgt.f32 v8, $0.0e+00  }
0x609: {  	s11 =	simm.s32 $0x140;
	s12 =	simm.s32 $0x230;
	s13 =	simm.s32 $0x1E0;
	[tilespmem:s10+$0xFFFFFFD0] =	vst v9;
	v8 =	vld [tilespmem:s10+$0x20];
	v9 =	vsel vm0, $0x3F800000, v2;
	vm0 =	vgt.f32 v10, $0.0e+00  }
.LBB2_20:
0x60a: {  	v10 =	vld [tilespmem:s12+$0xFFFFFFB0];
	p0 =	sne.s32 s13, $0x9BA0;
	[tilespmem:s10+$0xFFFFFFE0] =	vst v9;
	v9 =	vsel vm0, $0x3F800000, v2;
	vm0 =	vgt.f32 v4, $0.0e+00  }
0x60b: {  	v11 =	vld [tilespmem:s12+$0xFFFFFFC0];
	[tilespmem:s10+$0xFFFFFFF0] =	vst v9;
	vm1 =	vgt.f32 v5, $0.0e+00;
	v4 =	vsel vm0, $0x3F800000, v2  }
0x60c: {  	v9 =	vld [tilespmem:s12+$0xFFFFFFD0];
	v5 =	vsel vm1, $0x3F800000, v2;
	vm0 =	vgt.f32 v6, $0.0e+00;
	[tilespmem:s1+$0x40] =	vst v4;
	s1 =	smov.u32 s9;
	s9 =	smov.u32 s10;
	s10 =	smov.u32 s12  }
0x60d: {  	v12 =	vld [tilespmem:s12+$0xFFFFFFE0];
	[tilespmem:s9+$0x0] =	vst v5;
	vm1 =	vgt.f32 v7, $0.0e+00;
	v4 =	vsel vm0, $0x3F800000, v2  }
0x60e: {  	v13 =	vld [tilespmem:s12+$0xFFFFFFF0];
	v5 =	vsel vm1, $0x3F800000, v2;
	vm0 =	vgt.f32 v8, $0.0e+00;
	[tilespmem:s5+$0x80] =	vst v4  }
.Ltmp9:
0x60f: {  	vm1 =	vgt.f32 v10, $0.0e+00;
	[tilespmem:s9+$0x10] =	vst v5;
	v6 =	vsel vm0, $0x3F800000, v2;
	v4 =	vld [tilespmem:s1+$0x40];
	(pc) =	sbr.rel @p0 .LBB2_20-.Ltmp9, $4  }
0x610: {  	s5 =	sand.u32 $0xFFE0, s11;
	s11 =	smov.u32 s13;
	v7 =	vsel vm1, $0x3F800000, v2;
	vm0 =	vgt.f32 v11, $0.0e+00;
	v5 =	vld [tilespmem:s12+$0x0];
	[tilespmem:s9+$0x20] =	vst v6  }
0x611: {  	[tilespmem:s12+$0xFFFFFFB0] =	vst v7;
	v7 =	vsel vm0, $0x3F800000, v2;
	vm0 =	vgt.f32 v9, $0.0e+00;
	v6 =	vld [tilespmem:s5+$0x80]  }
0x612: {  	[tilespmem:s12+$0xFFFFFFC0] =	vst v7;
	v8 =	vsel vm0, $0x3F800000, v2;
	vm0 =	vgt.f32 v12, $0.0e+00;
	v7 =	vld [tilespmem:s12+$0x10]  }
0x613: {  	s13 =	sadd.s32 $0xA0, s13;
	s12 =	sadd.s32 $0xA0, s12;
	[tilespmem:s10+$0xFFFFFFD0] =	vst v8;
	v9 =	vsel vm0, $0x3F800000, v2;
	vm0 =	vgt.f32 v13, $0.0e+00;
	v8 =	vld [tilespmem:s10+$0x20]  }
0x614: {  	_ =	sdelay $0x1  }
0x615: {  	[tilespmem:s10+$0xFFFFFFE0] =	vst v9;
	v63 =	vsel vm0, $0x3F800000, v2;
	vm8 =	vgt.f32 v5, $0.0e+00  }
0x616: {  	[tilespmem:s10+$0xFFFFFFF0] =	vst v63;
	v5 =	vsel vm8, $0x3F800000, v2;
	vm9 =	vgt.f32 v7, $0.0e+00  }
0x617: {  	[tilespmem:s10+$0x0] =	vst v5;
	v5 =	vsel vm9, $0x3F800000, v2;
	vm10 =	vgt.f32 v8, $0.0e+00  }
0x618: {  	[tilespmem:s10+$0x10] =	vst v5;
	v5 =	vsel vm10, $0x3F800000, v2  }
0x619: {  	s6 =	sand.u32 $0xFFE0, s11;
	[tilespmem:s10+$0x20] =	vst v5  }
0x61a: {  	v5 =	vld [tilespmem:s6+$0x80];
	_ =	sdelay $0x3  }
0x61b: {  	vm11 =	vgt.f32 v6, $0.0e+00  }
0x61c: {  	v6 =	vsel vm11, $0x3F800000, v2;
	vm12 =	vgt.f32 v5, $0.0e+00  }
0x61d: {  	[tilespmem:s5+$0x80] =	vst v6;
	v5 =	vsel vm12, $0x3F800000, v2  }
0x61e: {  	v6 =	vld [tilespmem:s9+$0x40];
	[tilespmem:s6+$0x80] =	vst v5  }
0x61f: {  	v5 =	vld [tilespmem:s10+$0x40];
	_ =	sdelay $0x2  }
0x620: {  	vm13 =	vgt.f32 v4, $0.0e+00  }
0x621: {  	v4 =	vsel vm13, $0x3F800000, v2;
	vm14 =	vgt.f32 v6, $0.0e+00  }
0x622: {  	[tilespmem:s1+$0x40] =	vst v4;
	v4 =	vsel vm14, $0x3F800000, v2;
	vm15 =	vgt.f32 v5, $0.0e+00  }
0x623: {  	[tilespmem:s9+$0x40] =	vst v4;
	v4 =	vsel vm15, $0x3F800000, v2  }
0x624: {  	[tilespmem:s10+$0x40] =	vst v4  }
0x625: {  	s1 =	rddreg [dreg:$0xa]  }
0x626: {  	[hbm4b:s1+s2] =	stream.linear.scatter [tilespmem:s2], [sflag:$0x2], $0x2710, $0x38;
	[tilespmem:$0x19900] =	vst v63  }
0x627: {  	s19 =	simm.s32 $0x2710;
	s18 =	rddreg [dreg:$0xb]  }
0x628: {  	[hbm4b:s18+s2] =	stream.linear.scatter [tilespmem:s19], [sflag:$0x2], $0x2710, $0x38;
	[tilespmem:$0x19900] =	vst v63  }
0x629: {  	s22 =	simm.s32 $0x4E20;
	s21 =	rddreg [dreg:$0xc]  }
0x62a: {  	[hbm4b:s21+s2] =	stream.linear.scatter [tilespmem:s22], [sflag:$0x2], $0x2710, $0x38;
	[tilespmem:$0x19900] =	vst v63  }
0x62b: {  	s25 =	simm.s32 $0x7530;
	s24 =	rddreg [dreg:$0xd]  }
0x62c: {  	[hbm4b:s24+s2] =	stream.linear.scatter [tilespmem:s25], [sflag:$0x2], $0x2710, $0x38;
	[tilespmem:$0x19900] =	vst v63  }
0x62d: {  	_ =	swait.ge [sflag:s20], $0x2710  }
0x62e: {  	[sflag:s20] =	ssyncset.done $0x0  }
0x62f: {  	[sflag:s20] =	ssyncadd.s32 $0xFFFFD8F0  }
0x630: {  	_ =	swait.ge [sflag:s20], $0x2710  }
0x631: {  	[sflag:s20] =	ssyncset.done $0x0  }
0x632: {  	[sflag:s20] =	ssyncadd.s32 $0xFFFFD8F0  }
0x633: {  	_ =	swait.ge [sflag:s20], $0x2710  }
0x634: {  	[sflag:s20] =	ssyncset.done $0x0  }
0x635: {  	[sflag:s20] =	ssyncadd.s32 $0xFFFFD8F0  }
0x636: {  	_ =	swait.ge [sflag:s20], $0x2710  }
0x637: {  	[sflag:s20] =	ssyncset.done $0x0  }
0x638: {  	[sflag:s20] =	ssyncadd.s32 $0xFFFFD8F0  }
0x639: {  	_ =	swait.ge [sflag:s23], $0x2710  }
0x63a: {  	[sflag:s23] =	ssyncset.done $0x0  }
0x63b: {  	[sflag:s23] =	ssyncadd.s32 $0xFFFFD8F0  }
0x63c: {  	_ =	swait.ge [sflag:s23], $0x2710  }
0x63d: {  	[sflag:s23] =	ssyncset.done $0x0  }
0x63e: {  	[sflag:s23] =	ssyncadd.s32 $0xFFFFD8F0  }
0x63f: {  	_ =	swait.ge [sflag:s23], $0x2710  }
0x640: {  	[sflag:s23] =	ssyncset.done $0x0  }
0x641: {  	[sflag:s23] =	ssyncadd.s32 $0xFFFFD8F0  }
0x642: {  	_ =	swait.ge [sflag:s23], $0x2710  }
0x643: {  	s26 =	rddreg [dreg:$0xf]  }
0x644: {  	s30 =	rddreg [dreg:$0xe];
	s5 =	sadd.s32 $0x1, s26  }
0x645: {  	p0 =	sne.s32 s5, s30  }
.Ltmp10:
0x646: {  	_ = 	snop;
	(pc) =	sbr.rel @p0 .LBB2_1-.Ltmp10, $3  }
0x647: {  	_ =	sdelay $0x1  }
0x648: {  	[sflag:s23] =	ssyncset.done $0x0  }
0x649: {  	s6 =	simm.s32 $0x14900;
	[sflag:s23] =	ssyncadd.s32 $0xFFFFD8F0  }
0x64a: {  	_ =	sfence.sel $0x180000  }
0x64b: {  	[bflag:$0x0] =	sbarrier.arrive $0xFFFF  }
0x64c: {  	_ =	strace $0x90000047  }
0x64d: {  	s0 =	stileid.u32;
	[bflag:$0x2] =	sbarrier.arrive $0xFFFF  }
0x64e: {  	p0 =	sne.s32 s0, $0x0;
	s0 =	rddreg [dreg:$0x3]  }
0x64f: {  	s0 =	sadd.s32 @!p0 $0x100000, s0  }
0x650: {  	[sflag:s0] =	ssyncadd.tile.s32 @!p0 $0x1;
	_ =	shalt  }
.Lfunc_end2:
_tile_overlayer_lowered:
.L_overlay_start_2:
0x651: {  	(tag) =	ssettag $0x2  }
0x652: {  	s0 =	rddreg [dreg:$0x0];
	s2 =	stileid.u32  }
0x653: {  	s1 =	rddreg [dreg:$0x1];
	p0 =	sne.s32 s2, $0x0  }
0x654: {  	s3 =	rddreg [dreg:$0x2];
	[bflag:$0x3] =	sbarrier.arrive $0xFFFF;
	s2 =	simm.s32 @!p0 $0x1C03  }
0x655: {  	[timem:s3], [sflag:s2] =	dma.local @!p0 [hbm:s0], s1  }
0x656: {  	s0 =	simm.s32 @!p0 $0x3  }
0x657: {  	_ =	swait.ge @!p0 [sflag:s0], s1  }
0x658: {  	s1 =	ssub.s32 @!p0 $0x0, s1;
	[sflag:s0] =	ssyncset.done @!p0 $0x0  }
0x659: {  	[sflag:s0] =	ssyncadd.s32 @!p0 s1  }
0x65a: {  	[bflag:$0x3] =	sbarrier.arrive $0xFFFF  }
0x65b: {  	_ =	shalt  }

</sc_bundles>
